<compile_context>
chip_gen: v7x
topology: tpu7x:2x2x1
jax: 0.10.2.dev20260603
libtpu: 0.0.44.dev20260713+nightly
codegen_flags: <defaults>
</compile_context>

<pallas_src>
import functools

import jax
import jax.numpy as jnp
from jax import lax
from jax.experimental import pallas as pl
from jax.experimental.pallas import tpu as pltpu
from jax.experimental.pallas import tpu_sc as plsc

_NW = 32
_HL = 2
_D = 4


def kernel(x):
    B, Cr3, H, W, Z = x.shape
    C = Cr3 // 8
    WZ = W * Z
    SLAB = 4 * WZ
    QC = Cr3 // 4
    HG = H // _HL
    U = B * QC * HG
    T = U // _NW

    x4 = x.reshape(B, QC, 4, H, WZ)
    mesh = plsc.VectorSubcoreMesh(core_axis_name="c", subcore_axis_name="s")

    in_scratch = [pltpu.VMEM((4, _HL, WZ), jnp.float32) for _ in range(_D)]
    out_scratch = [pltpu.VMEM((_HL, SLAB), jnp.float32) for _ in range(_D)]

    @functools.partial(
        pl.kernel,
        mesh=mesh,
        compiler_params=pltpu.CompilerParams(needs_layout_passes=False),
        out_type=jax.ShapeDtypeStruct((B, C, H, 2 * SLAB), jnp.float32),
        scratch_types=in_scratch + out_scratch + [
            pltpu.SemaphoreType.DMA((_D,)),
            pltpu.SemaphoreType.DMA((_D,)),
        ],
    )
    def k(x_hbm, o_hbm, *refs):
        in_bufs = refs[:_D]
        out_bufs = refs[_D:2 * _D]
        in_sems, out_sems = refs[2 * _D], refs[2 * _D + 1]
        wid = lax.axis_index("c") * 16 + lax.axis_index("s")
        iota2 = 2 * lax.iota(jnp.int32, 16)

        def decode(t):
            u = t * _NW + wid
            b = u // (QC * HG)
            r = u % (QC * HG)
            return b, r // HG, r % HG

        def start_in(t, slot):
            b, qc, hg = decode(t)
            pltpu.make_async_copy(
                x_hbm.at[b, qc, :, pl.ds(hg * _HL, _HL), :],
                in_bufs[slot], in_sems.at[slot]).start()

        def wait_in(slot):
            pltpu.make_async_copy(
                x_hbm.at[0, 0, :, pl.ds(0, _HL), :],
                in_bufs[slot], in_sems.at[slot]).wait()

        def start_out(t, slot):
            b, qc, hg = decode(t)
            pltpu.make_async_copy(
                out_bufs[slot],
                o_hbm.at[b, qc // 2, pl.ds(hg * _HL, _HL),
                         pl.ds((qc % 2) * SLAB, SLAB)],
                out_sems.at[slot]).start()

        def wait_out(slot):
            pltpu.make_async_copy(
                out_bufs[slot],
                o_hbm.at[0, 0, pl.ds(0, _HL), pl.ds(0, SLAB)],
                out_sems.at[slot]).wait()

        for s in range(_D):
            start_in(s, s)

        def body(it, carry):
            for slot in range(_D):
                t = it * _D + slot
                wait_in(slot)

                @pl.when(t >= _D)
                def _drain():
                    wait_out(slot)

                src = in_bufs[slot]
                dst = out_bufs[slot]
                for hl in range(_HL):
                    hl_idx = jnp.full((16,), hl, jnp.int32)
                    for m in range(4):
                        c0 = 64 * (m // 2) + (m % 2)
                        base0 = iota2 + c0

                        @plsc.parallel_loop(0, 2 * W, 1, unroll=8)
                        def _scan(r):
                            data = src[m, hl, pl.ds(r * 16, 16)]
                            base = 64 * r - 32 * (r & 1)
                            plsc.store_scatter(
                                dst, [hl_idx, base0 + base], data
                            )

                start_out(t, slot)

                @pl.when(t + _D < T)
                def _prefetch():
                    start_in(t + _D, slot)
            return carry

        lax.fori_loop(0, T // _D, body, 0)
        for s in range(_D):
            wait_out(s)

    out = k(x4)
    return out.reshape(B, C, 2 * H, 2 * W, 2 * Z)

# --- scband reference (transcript-rebuilt; emitter-appended) ---
"""Pipeline reference for scband-deinterleaver-29738353558093 (READ-ONLY COPY).

The authoritative reference and input builder live on the scoring server;
editing this copy changes nothing except your own understanding.
"""

import jax, jax.numpy as jnp
import numpy as np

R = 2

def setup_inputs(seed: int = 0) -> dict:
    key = jax.random.key(seed)
    x = jax.random.normal(key, (2, 512, 32, 32, 32), dtype=jnp.float32)
    return {"x": x}

def reference(x):
    r = R
    B, Cr3, H, W, Z = x.shape
    assert Cr3 % (r ** 3) == 0
    C = Cr3 // (r ** 3)
    x = x.reshape(B, C, r, r, r, H, W, Z)
    x = jnp.transpose(x, (0, 1, 5, 2, 6, 3, 7, 4))
    x = x.reshape(B, C, H * r, W * r, Z * r)
    return x

if __name__ == "__main__":
    import jax
    _d = setup_inputs()
    print(jax.jit(kernel)(*tuple(_d.values())))

</pallas_src>

<mosaic_0001>
#map = affine_map<(d0, d1) -> (0, 0, 0, 0, 0)>
#map1 = affine_map<(d0, d1) -> (0, 0, 0, 0)>
module attributes {stable_mosaic.version = 14 : i64} {
  func.func @k(%arg0: i32, %arg1: i32, %arg2: memref<2x128x4x32x1024xf32, #tpu.memory_space<hbm>>, %arg3: memref<2x64x32x8192xf32, #tpu.memory_space<hbm>>, %arg4: memref<4x2x1024xf32, #tpu.memory_space<vmem>>, %arg5: memref<4x2x1024xf32, #tpu.memory_space<vmem>>, %arg6: memref<4x2x1024xf32, #tpu.memory_space<vmem>>, %arg7: memref<4x2x1024xf32, #tpu.memory_space<vmem>>, %arg8: memref<2x4096xf32, #tpu.memory_space<vmem>>, %arg9: memref<2x4096xf32, #tpu.memory_space<vmem>>, %arg10: memref<2x4096xf32, #tpu.memory_space<vmem>>, %arg11: memref<2x4096xf32, #tpu.memory_space<vmem>>, %arg12: memref<4x!tpu.dma_semaphore, #tpu.memory_space<semaphore_mem>>, %arg13: memref<4x!tpu.dma_semaphore, #tpu.memory_space<semaphore_mem>>) attributes {dimension_semantics = [#tpu.dimension_semantics<core_parallel>, #tpu.dimension_semantics<subcore_parallel>], iteration_bounds = array<i64: 2, 16>, scalar_prefetch = 0 : i64, scratch_operands = 10 : i64, tpu.core_type = #tpu.core_type<sc_vector_subcore>, window_params = [{transform_indices = #map}, {transform_indices = #map1}]} {
    %mul3A = arith.constant 16 : i32
    %mul3A_0 = arith.muli %arg0, %mul3A : i32
    %add3A = arith.addi %mul3A_0, %arg1 : i32
    %iota3A = tpu.iota {dimensions = array<i32: 0>} : vector<16xi32>
    %mul3A_1 = arith.constant 2 : i32
    %mul3A_2 = vector.broadcast %mul3A_1 : i32 to vector<16xi32>
    %mul3A_3 = arith.muli %mul3A_2, %iota3A : vector<16xi32>
    %add3A_4 = arith.constant 0 : i32
    %add3A_5 = arith.addi %add3A_4, %add3A : i32
    %jit3A = arith.constant 2048 : i32
    %div3A = arith.divsi %add3A_5, %jit3A : i32
    %sign3A = arith.constant 0 : i32
    %sign3A_6 = arith.cmpi sgt, %add3A_5, %sign3A : i32
    %sign3A_7 = arith.extui %sign3A_6 : i1 to i32
    %sign3A_8 = arith.constant 0 : i32
    %sign3A_9 = arith.cmpi slt, %add3A_5, %sign3A_8 : i32
    %sign3A_10 = arith.extui %sign3A_9 : i1 to i32
    %sign3A_11 = arith.subi %sign3A_7, %sign3A_10 : i32
    %sign3A_12 = arith.constant 0 : i32
    %sign3A_13 = arith.cmpi sgt, %jit3A, %sign3A_12 : i32
    %sign3A_14 = arith.extui %sign3A_13 : i1 to i32
    %sign3A_15 = arith.constant 0 : i32
    %sign3A_16 = arith.cmpi slt, %jit3A, %sign3A_15 : i32
    %sign3A_17 = arith.extui %sign3A_16 : i1 to i32
    %sign3A_18 = arith.subi %sign3A_14, %sign3A_17 : i32
    %ne3A = arith.cmpi ne, %sign3A_11, %sign3A_18 : i32
    %rem3A = arith.remsi %add3A_5, %jit3A : i32
    %ne3A_19 = arith.constant 0 : i32
    %ne3A_20 = arith.cmpi ne, %rem3A, %ne3A_19 : i32
    %and3A = arith.andi %ne3A, %ne3A_20 : i1
    %sub3A = arith.constant 1 : i32
    %sub3A_21 = arith.subi %div3A, %sub3A : i32
    %select_n3A = arith.select %and3A, %sub3A_21, %div3A : i32
    %jit3A_22 = arith.constant 2048 : i32
    %eq3A = arith.constant 0 : i32
    %eq3A_23 = arith.cmpi eq, %jit3A_22, %eq3A : i32
    %jit3A_24 = arith.constant 1 : i32
    %select_n3A_25 = arith.select %eq3A_23, %jit3A_24, %jit3A_22 : i32
    %rem3A_26 = arith.remsi %add3A_5, %select_n3A_25 : i32
    %ne3A_27 = arith.constant 0 : i32
    %ne3A_28 = arith.cmpi ne, %rem3A_26, %ne3A_27 : i32
    %lt3A = arith.constant 0 : i32
    %lt3A_29 = arith.cmpi slt, %rem3A_26, %lt3A : i32
    %lt3A_30 = arith.constant 0 : i32
    %lt3A_31 = arith.cmpi slt, %select_n3A_25, %lt3A_30 : i32
    %ne3A_32 = arith.xori %lt3A_29, %lt3A_31 : i1
    %and3A_33 = arith.andi %ne3A_32, %ne3A_28 : i1
    %add3A_34 = arith.addi %rem3A_26, %select_n3A_25 : i32
    %select_n3A_35 = arith.select %and3A_33, %add3A_34, %rem3A_26 : i32
    %jit3A_36 = arith.constant 16 : i32
    %div3A_37 = arith.divsi %select_n3A_35, %jit3A_36 : i32
    %sign3A_38 = arith.constant 0 : i32
    %sign3A_39 = arith.cmpi sgt, %select_n3A_35, %sign3A_38 : i32
    %sign3A_40 = arith.extui %sign3A_39 : i1 to i32
    %sign3A_41 = arith.constant 0 : i32
    %sign3A_42 = arith.cmpi slt, %select_n3A_35, %sign3A_41 : i32
    %sign3A_43 = arith.extui %sign3A_42 : i1 to i32
    %sign3A_44 = arith.subi %sign3A_40, %sign3A_43 : i32
    %sign3A_45 = arith.constant 0 : i32
    %sign3A_46 = arith.cmpi sgt, %jit3A_36, %sign3A_45 : i32
    %sign3A_47 = arith.extui %sign3A_46 : i1 to i32
    %sign3A_48 = arith.constant 0 : i32
    %sign3A_49 = arith.cmpi slt, %jit3A_36, %sign3A_48 : i32
    %sign3A_50 = arith.extui %sign3A_49 : i1 to i32
    %sign3A_51 = arith.subi %sign3A_47, %sign3A_50 : i32
    %ne3A_52 = arith.cmpi ne, %sign3A_44, %sign3A_51 : i32
    %rem3A_53 = arith.remsi %select_n3A_35, %jit3A_36 : i32
    %ne3A_54 = arith.constant 0 : i32
    %ne3A_55 = arith.cmpi ne, %rem3A_53, %ne3A_54 : i32
    %and3A_56 = arith.andi %ne3A_52, %ne3A_55 : i1
    %sub3A_57 = arith.constant 1 : i32
    %sub3A_58 = arith.subi %div3A_37, %sub3A_57 : i32
    %select_n3A_59 = arith.select %and3A_56, %sub3A_58, %div3A_37 : i32
    %jit3A_60 = arith.constant 16 : i32
    %eq3A_61 = arith.constant 0 : i32
    %eq3A_62 = arith.cmpi eq, %jit3A_60, %eq3A_61 : i32
    %jit3A_63 = arith.constant 1 : i32
    %select_n3A_64 = arith.select %eq3A_62, %jit3A_63, %jit3A_60 : i32
    %rem3A_65 = arith.remsi %select_n3A_35, %select_n3A_64 : i32
    %ne3A_66 = arith.constant 0 : i32
    %ne3A_67 = arith.cmpi ne, %rem3A_65, %ne3A_66 : i32
    %lt3A_68 = arith.constant 0 : i32
    %lt3A_69 = arith.cmpi slt, %rem3A_65, %lt3A_68 : i32
    %lt3A_70 = arith.constant 0 : i32
    %lt3A_71 = arith.cmpi slt, %select_n3A_64, %lt3A_70 : i32
    %ne3A_72 = arith.xori %lt3A_69, %lt3A_71 : i1
    %and3A_73 = arith.andi %ne3A_72, %ne3A_67 : i1
    %add3A_74 = arith.addi %rem3A_65, %select_n3A_64 : i32
    %select_n3A_75 = arith.select %and3A_73, %add3A_74, %rem3A_65 : i32
    %mul3A_76 = arith.constant 2 : i32
    %mul3A_77 = arith.muli %select_n3A_75, %mul3A_76 : i32
    %dma_start3A = arith.constant 0 : i32
    %dma_start3A_78 = arith.constant 0 : i32
    %dma_start3A_79 = arith.constant 0 : i32
    %dma_start3A_80 = tpu.memref_slice %arg2[%select_n3A, %select_n3A_59, %dma_start3A_78, %mul3A_77, %dma_start3A_79] : memref<2x128x4x32x1024xf32, #tpu.memory_space<hbm>> -> memref<1x1x4x2x1024xf32, #tpu.memory_space<hbm>>
    %dma_start3A_81 = tpu.memref_squeeze %dma_start3A_80 : memref<1x1x4x2x1024xf32, #tpu.memory_space<hbm>> -> memref<4x2x1024xf32, #tpu.memory_space<hbm>>
    %dma_start3A_82 = tpu.memref_slice %arg12[%dma_start3A] : memref<4x!tpu.dma_semaphore, #tpu.memory_space<semaphore_mem>> -> memref<1x!tpu.dma_semaphore, #tpu.memory_space<semaphore_mem>>
    %dma_start3A_83 = tpu.memref_squeeze %dma_start3A_82 : memref<1x!tpu.dma_semaphore, #tpu.memory_space<semaphore_mem>> -> memref<!tpu.dma_semaphore, #tpu.memory_space<semaphore_mem>>
    %dma_start3A_84 = arith.constant 0 : i32
    %dma_start3A_85 = arith.constant 0 : i32
    %dma_start3A_86 = tpu.memref_slice %arg2[%select_n3A, %select_n3A_59, %dma_start3A_84, %mul3A_77, %dma_start3A_85] : memref<2x128x4x32x1024xf32, #tpu.memory_space<hbm>> -> memref<1x1x4x2x1024xf32, #tpu.memory_space<hbm>>
    %dma_start3A_87 = tpu.memref_squeeze %dma_start3A_86 : memref<1x1x4x2x1024xf32, #tpu.memory_space<hbm>> -> memref<4x2x1024xf32, #tpu.memory_space<hbm>>
    tpu.enqueue_dma source(%dma_start3A_87 : memref<4x2x1024xf32, #tpu.memory_space<hbm>>) target(%arg4 : memref<4x2x1024xf32, #tpu.memory_space<vmem>>) target_semaphore(%dma_start3A_83 : memref<!tpu.dma_semaphore, #tpu.memory_space<semaphore_mem>>)
    %add3A_88 = arith.constant 32 : i32
    %add3A_89 = arith.addi %add3A_88, %add3A : i32
    %jit3A_90 = arith.constant 2048 : i32
    %div3A_91 = arith.divsi %add3A_89, %jit3A_90 : i32
    %sign3A_92 = arith.constant 0 : i32
    %sign3A_93 = arith.cmpi sgt, %add3A_89, %sign3A_92 : i32
    %sign3A_94 = arith.extui %sign3A_93 : i1 to i32
    %sign3A_95 = arith.constant 0 : i32
    %sign3A_96 = arith.cmpi slt, %add3A_89, %sign3A_95 : i32
    %sign3A_97 = arith.extui %sign3A_96 : i1 to i32
    %sign3A_98 = arith.subi %sign3A_94, %sign3A_97 : i32
    %sign3A_99 = arith.constant 0 : i32
    %sign3A_100 = arith.cmpi sgt, %jit3A_90, %sign3A_99 : i32
    %sign3A_101 = arith.extui %sign3A_100 : i1 to i32
    %sign3A_102 = arith.constant 0 : i32
    %sign3A_103 = arith.cmpi slt, %jit3A_90, %sign3A_102 : i32
    %sign3A_104 = arith.extui %sign3A_103 : i1 to i32
    %sign3A_105 = arith.subi %sign3A_101, %sign3A_104 : i32
    %ne3A_106 = arith.cmpi ne, %sign3A_98, %sign3A_105 : i32
    %rem3A_107 = arith.remsi %add3A_89, %jit3A_90 : i32
    %ne3A_108 = arith.constant 0 : i32
    %ne3A_109 = arith.cmpi ne, %rem3A_107, %ne3A_108 : i32
    %and3A_110 = arith.andi %ne3A_106, %ne3A_109 : i1
    %sub3A_111 = arith.constant 1 : i32
    %sub3A_112 = arith.subi %div3A_91, %sub3A_111 : i32
    %select_n3A_113 = arith.select %and3A_110, %sub3A_112, %div3A_91 : i32
    %jit3A_114 = arith.constant 2048 : i32
    %eq3A_115 = arith.constant 0 : i32
    %eq3A_116 = arith.cmpi eq, %jit3A_114, %eq3A_115 : i32
    %jit3A_117 = arith.constant 1 : i32
    %select_n3A_118 = arith.select %eq3A_116, %jit3A_117, %jit3A_114 : i32
    %rem3A_119 = arith.remsi %add3A_89, %select_n3A_118 : i32
    %ne3A_120 = arith.constant 0 : i32
    %ne3A_121 = arith.cmpi ne, %rem3A_119, %ne3A_120 : i32
    %lt3A_122 = arith.constant 0 : i32
    %lt3A_123 = arith.cmpi slt, %rem3A_119, %lt3A_122 : i32
    %lt3A_124 = arith.constant 0 : i32
    %lt3A_125 = arith.cmpi slt, %select_n3A_118, %lt3A_124 : i32
    %ne3A_126 = arith.xori %lt3A_123, %lt3A_125 : i1
    %and3A_127 = arith.andi %ne3A_126, %ne3A_121 : i1
    %add3A_128 = arith.addi %rem3A_119, %select_n3A_118 : i32
    %select_n3A_129 = arith.select %and3A_127, %add3A_128, %rem3A_119 : i32
    %jit3A_130 = arith.constant 16 : i32
    %div3A_131 = arith.divsi %select_n3A_129, %jit3A_130 : i32
    %sign3A_132 = arith.constant 0 : i32
    %sign3A_133 = arith.cmpi sgt, %select_n3A_129, %sign3A_132 : i32
    %sign3A_134 = arith.extui %sign3A_133 : i1 to i32
    %sign3A_135 = arith.constant 0 : i32
    %sign3A_136 = arith.cmpi slt, %select_n3A_129, %sign3A_135 : i32
    %sign3A_137 = arith.extui %sign3A_136 : i1 to i32
    %sign3A_138 = arith.subi %sign3A_134, %sign3A_137 : i32
    %sign3A_139 = arith.constant 0 : i32
    %sign3A_140 = arith.cmpi sgt, %jit3A_130, %sign3A_139 : i32
    %sign3A_141 = arith.extui %sign3A_140 : i1 to i32
    %sign3A_142 = arith.constant 0 : i32
    %sign3A_143 = arith.cmpi slt, %jit3A_130, %sign3A_142 : i32
    %sign3A_144 = arith.extui %sign3A_143 : i1 to i32
    %sign3A_145 = arith.subi %sign3A_141, %sign3A_144 : i32
    %ne3A_146 = arith.cmpi ne, %sign3A_138, %sign3A_145 : i32
    %rem3A_147 = arith.remsi %select_n3A_129, %jit3A_130 : i32
    %ne3A_148 = arith.constant 0 : i32
    %ne3A_149 = arith.cmpi ne, %rem3A_147, %ne3A_148 : i32
    %and3A_150 = arith.andi %ne3A_146, %ne3A_149 : i1
    %sub3A_151 = arith.constant 1 : i32
    %sub3A_152 = arith.subi %div3A_131, %sub3A_151 : i32
    %select_n3A_153 = arith.select %and3A_150, %sub3A_152, %div3A_131 : i32
    %jit3A_154 = arith.constant 16 : i32
    %eq3A_155 = arith.constant 0 : i32
    %eq3A_156 = arith.cmpi eq, %jit3A_154, %eq3A_155 : i32
    %jit3A_157 = arith.constant 1 : i32
    %select_n3A_158 = arith.select %eq3A_156, %jit3A_157, %jit3A_154 : i32
    %rem3A_159 = arith.remsi %select_n3A_129, %select_n3A_158 : i32
    %ne3A_160 = arith.constant 0 : i32
    %ne3A_161 = arith.cmpi ne, %rem3A_159, %ne3A_160 : i32
    %lt3A_162 = arith.constant 0 : i32
    %lt3A_163 = arith.cmpi slt, %rem3A_159, %lt3A_162 : i32
    %lt3A_164 = arith.constant 0 : i32
    %lt3A_165 = arith.cmpi slt, %select_n3A_158, %lt3A_164 : i32
    %ne3A_166 = arith.xori %lt3A_163, %lt3A_165 : i1
    %and3A_167 = arith.andi %ne3A_166, %ne3A_161 : i1
    %add3A_168 = arith.addi %rem3A_159, %select_n3A_158 : i32
    %select_n3A_169 = arith.select %and3A_167, %add3A_168, %rem3A_159 : i32
    %mul3A_170 = arith.constant 2 : i32
    %mul3A_171 = arith.muli %select_n3A_169, %mul3A_170 : i32
    %dma_start3A_172 = arith.constant 1 : i32
    %dma_start3A_173 = arith.constant 0 : i32
    %dma_start3A_174 = arith.constant 0 : i32
    %dma_start3A_175 = tpu.memref_slice %arg2[%select_n3A_113, %select_n3A_153, %dma_start3A_173, %mul3A_171, %dma_start3A_174] : memref<2x128x4x32x1024xf32, #tpu.memory_space<hbm>> -> memref<1x1x4x2x1024xf32, #tpu.memory_space<hbm>>
    %dma_start3A_176 = tpu.memref_squeeze %dma_start3A_175 : memref<1x1x4x2x1024xf32, #tpu.memory_space<hbm>> -> memref<4x2x1024xf32, #tpu.memory_space<hbm>>
    %dma_start3A_177 = tpu.memref_slice %arg12[%dma_start3A_172] : memref<4x!tpu.dma_semaphore, #tpu.memory_space<semaphore_mem>> -> memref<1x!tpu.dma_semaphore, #tpu.memory_space<semaphore_mem>>
    %dma_start3A_178 = tpu.memref_squeeze %dma_start3A_177 : memref<1x!tpu.dma_semaphore, #tpu.memory_space<semaphore_mem>> -> memref<!tpu.dma_semaphore, #tpu.memory_space<semaphore_mem>>
    %dma_start3A_179 = arith.constant 0 : i32
    %dma_start3A_180 = arith.constant 0 : i32
    %dma_start3A_181 = tpu.memref_slice %arg2[%select_n3A_113, %select_n3A_153, %dma_start3A_179, %mul3A_171, %dma_start3A_180] : memref<2x128x4x32x1024xf32, #tpu.memory_space<hbm>> -> memref<1x1x4x2x1024xf32, #tpu.memory_space<hbm>>
    %dma_start3A_182 = tpu.memref_squeeze %dma_start3A_181 : memref<1x1x4x2x1024xf32, #tpu.memory_space<hbm>> -> memref<4x2x1024xf32, #tpu.memory_space<hbm>>
    tpu.enqueue_dma source(%dma_start3A_182 : memref<4x2x1024xf32, #tpu.memory_space<hbm>>) target(%arg5 : memref<4x2x1024xf32, #tpu.memory_space<vmem>>) target_semaphore(%dma_start3A_178 : memref<!tpu.dma_semaphore, #tpu.memory_space<semaphore_mem>>)
    %add3A_183 = arith.constant 64 : i32
    %add3A_184 = arith.addi %add3A_183, %add3A : i32
    %jit3A_185 = arith.constant 2048 : i32
    %div3A_186 = arith.divsi %add3A_184, %jit3A_185 : i32
    %sign3A_187 = arith.constant 0 : i32
    %sign3A_188 = arith.cmpi sgt, %add3A_184, %sign3A_187 : i32
    %sign3A_189 = arith.extui %sign3A_188 : i1 to i32
    %sign3A_190 = arith.constant 0 : i32
    %sign3A_191 = arith.cmpi slt, %add3A_184, %sign3A_190 : i32
    %sign3A_192 = arith.extui %sign3A_191 : i1 to i32
    %sign3A_193 = arith.subi %sign3A_189, %sign3A_192 : i32
    %sign3A_194 = arith.constant 0 : i32
    %sign3A_195 = arith.cmpi sgt, %jit3A_185, %sign3A_194 : i32
    %sign3A_196 = arith.extui %sign3A_195 : i1 to i32
    %sign3A_197 = arith.constant 0 : i32
    %sign3A_198 = arith.cmpi slt, %jit3A_185, %sign3A_197 : i32
    %sign3A_199 = arith.extui %sign3A_198 : i1 to i32
    %sign3A_200 = arith.subi %sign3A_196, %sign3A_199 : i32
    %ne3A_201 = arith.cmpi ne, %sign3A_193, %sign3A_200 : i32
    %rem3A_202 = arith.remsi %add3A_184, %jit3A_185 : i32
    %ne3A_203 = arith.constant 0 : i32
    %ne3A_204 = arith.cmpi ne, %rem3A_202, %ne3A_203 : i32
    %and3A_205 = arith.andi %ne3A_201, %ne3A_204 : i1
    %sub3A_206 = arith.constant 1 : i32
    %sub3A_207 = arith.subi %div3A_186, %sub3A_206 : i32
    %select_n3A_208 = arith.select %and3A_205, %sub3A_207, %div3A_186 : i32
    %jit3A_209 = arith.constant 2048 : i32
    %eq3A_210 = arith.constant 0 : i32
    %eq3A_211 = arith.cmpi eq, %jit3A_209, %eq3A_210 : i32
    %jit3A_212 = arith.constant 1 : i32
    %select_n3A_213 = arith.select %eq3A_211, %jit3A_212, %jit3A_209 : i32
    %rem3A_214 = arith.remsi %add3A_184, %select_n3A_213 : i32
    %ne3A_215 = arith.constant 0 : i32
    %ne3A_216 = arith.cmpi ne, %rem3A_214, %ne3A_215 : i32
    %lt3A_217 = arith.constant 0 : i32
    %lt3A_218 = arith.cmpi slt, %rem3A_214, %lt3A_217 : i32
    %lt3A_219 = arith.constant 0 : i32
    %lt3A_220 = arith.cmpi slt, %select_n3A_213, %lt3A_219 : i32
    %ne3A_221 = arith.xori %lt3A_218, %lt3A_220 : i1
    %and3A_222 = arith.andi %ne3A_221, %ne3A_216 : i1
    %add3A_223 = arith.addi %rem3A_214, %select_n3A_213 : i32
    %select_n3A_224 = arith.select %and3A_222, %add3A_223, %rem3A_214 : i32
    %jit3A_225 = arith.constant 16 : i32
    %div3A_226 = arith.divsi %select_n3A_224, %jit3A_225 : i32
    %sign3A_227 = arith.constant 0 : i32
    %sign3A_228 = arith.cmpi sgt, %select_n3A_224, %sign3A_227 : i32
    %sign3A_229 = arith.extui %sign3A_228 : i1 to i32
    %sign3A_230 = arith.constant 0 : i32
    %sign3A_231 = arith.cmpi slt, %select_n3A_224, %sign3A_230 : i32
    %sign3A_232 = arith.extui %sign3A_231 : i1 to i32
    %sign3A_233 = arith.subi %sign3A_229, %sign3A_232 : i32
    %sign3A_234 = arith.constant 0 : i32
    %sign3A_235 = arith.cmpi sgt, %jit3A_225, %sign3A_234 : i32
    %sign3A_236 = arith.extui %sign3A_235 : i1 to i32
    %sign3A_237 = arith.constant 0 : i32
    %sign3A_238 = arith.cmpi slt, %jit3A_225, %sign3A_237 : i32
    %sign3A_239 = arith.extui %sign3A_238 : i1 to i32
    %sign3A_240 = arith.subi %sign3A_236, %sign3A_239 : i32
    %ne3A_241 = arith.cmpi ne, %sign3A_233, %sign3A_240 : i32
    %rem3A_242 = arith.remsi %select_n3A_224, %jit3A_225 : i32
    %ne3A_243 = arith.constant 0 : i32
    %ne3A_244 = arith.cmpi ne, %rem3A_242, %ne3A_243 : i32
    %and3A_245 = arith.andi %ne3A_241, %ne3A_244 : i1
    %sub3A_246 = arith.constant 1 : i32
    %sub3A_247 = arith.subi %div3A_226, %sub3A_246 : i32
    %select_n3A_248 = arith.select %and3A_245, %sub3A_247, %div3A_226 : i32
    %jit3A_249 = arith.constant 16 : i32
    %eq3A_250 = arith.constant 0 : i32
    %eq3A_251 = arith.cmpi eq, %jit3A_249, %eq3A_250 : i32
    %jit3A_252 = arith.constant 1 : i32
    %select_n3A_253 = arith.select %eq3A_251, %jit3A_252, %jit3A_249 : i32
    %rem3A_254 = arith.remsi %select_n3A_224, %select_n3A_253 : i32
    %ne3A_255 = arith.constant 0 : i32
    %ne3A_256 = arith.cmpi ne, %rem3A_254, %ne3A_255 : i32
    %lt3A_257 = arith.constant 0 : i32
    %lt3A_258 = arith.cmpi slt, %rem3A_254, %lt3A_257 : i32
    %lt3A_259 = arith.constant 0 : i32
    %lt3A_260 = arith.cmpi slt, %select_n3A_253, %lt3A_259 : i32
    %ne3A_261 = arith.xori %lt3A_258, %lt3A_260 : i1
    %and3A_262 = arith.andi %ne3A_261, %ne3A_256 : i1
    %add3A_263 = arith.addi %rem3A_254, %select_n3A_253 : i32
    %select_n3A_264 = arith.select %and3A_262, %add3A_263, %rem3A_254 : i32
    %mul3A_265 = arith.constant 2 : i32
    %mul3A_266 = arith.muli %select_n3A_264, %mul3A_265 : i32
    %dma_start3A_267 = arith.constant 2 : i32
    %dma_start3A_268 = arith.constant 0 : i32
    %dma_start3A_269 = arith.constant 0 : i32
    %dma_start3A_270 = tpu.memref_slice %arg2[%select_n3A_208, %select_n3A_248, %dma_start3A_268, %mul3A_266, %dma_start3A_269] : memref<2x128x4x32x1024xf32, #tpu.memory_space<hbm>> -> memref<1x1x4x2x1024xf32, #tpu.memory_space<hbm>>
    %dma_start3A_271 = tpu.memref_squeeze %dma_start3A_270 : memref<1x1x4x2x1024xf32, #tpu.memory_space<hbm>> -> memref<4x2x1024xf32, #tpu.memory_space<hbm>>
    %dma_start3A_272 = tpu.memref_slice %arg12[%dma_start3A_267] : memref<4x!tpu.dma_semaphore, #tpu.memory_space<semaphore_mem>> -> memref<1x!tpu.dma_semaphore, #tpu.memory_space<semaphore_mem>>
    %dma_start3A_273 = tpu.memref_squeeze %dma_start3A_272 : memref<1x!tpu.dma_semaphore, #tpu.memory_space<semaphore_mem>> -> memref<!tpu.dma_semaphore, #tpu.memory_space<semaphore_mem>>
    %dma_start3A_274 = arith.constant 0 : i32
    %dma_start3A_275 = arith.constant 0 : i32
    %dma_start3A_276 = tpu.memref_slice %arg2[%select_n3A_208, %select_n3A_248, %dma_start3A_274, %mul3A_266, %dma_start3A_275] : memref<2x128x4x32x1024xf32, #tpu.memory_space<hbm>> -> memref<1x1x4x2x1024xf32, #tpu.memory_space<hbm>>
    %dma_start3A_277 = tpu.memref_squeeze %dma_start3A_276 : memref<1x1x4x2x1024xf32, #tpu.memory_space<hbm>> -> memref<4x2x1024xf32, #tpu.memory_space<hbm>>
    tpu.enqueue_dma source(%dma_start3A_277 : memref<4x2x1024xf32, #tpu.memory_space<hbm>>) target(%arg6 : memref<4x2x1024xf32, #tpu.memory_space<vmem>>) target_semaphore(%dma_start3A_273 : memref<!tpu.dma_semaphore, #tpu.memory_space<semaphore_mem>>)
    %add3A_278 = arith.constant 96 : i32
    %add3A_279 = arith.addi %add3A_278, %add3A : i32
    %jit3A_280 = arith.constant 2048 : i32
    %div3A_281 = arith.divsi %add3A_279, %jit3A_280 : i32
    %sign3A_282 = arith.constant 0 : i32
    %sign3A_283 = arith.cmpi sgt, %add3A_279, %sign3A_282 : i32
    %sign3A_284 = arith.extui %sign3A_283 : i1 to i32
    %sign3A_285 = arith.constant 0 : i32
    %sign3A_286 = arith.cmpi slt, %add3A_279, %sign3A_285 : i32
    %sign3A_287 = arith.extui %sign3A_286 : i1 to i32
    %sign3A_288 = arith.subi %sign3A_284, %sign3A_287 : i32
    %sign3A_289 = arith.constant 0 : i32
    %sign3A_290 = arith.cmpi sgt, %jit3A_280, %sign3A_289 : i32
    %sign3A_291 = arith.extui %sign3A_290 : i1 to i32
    %sign3A_292 = arith.constant 0 : i32
    %sign3A_293 = arith.cmpi slt, %jit3A_280, %sign3A_292 : i32
    %sign3A_294 = arith.extui %sign3A_293 : i1 to i32
    %sign3A_295 = arith.subi %sign3A_291, %sign3A_294 : i32
    %ne3A_296 = arith.cmpi ne, %sign3A_288, %sign3A_295 : i32
    %rem3A_297 = arith.remsi %add3A_279, %jit3A_280 : i32
    %ne3A_298 = arith.constant 0 : i32
    %ne3A_299 = arith.cmpi ne, %rem3A_297, %ne3A_298 : i32
    %and3A_300 = arith.andi %ne3A_296, %ne3A_299 : i1
    %sub3A_301 = arith.constant 1 : i32
    %sub3A_302 = arith.subi %div3A_281, %sub3A_301 : i32
    %select_n3A_303 = arith.select %and3A_300, %sub3A_302, %div3A_281 : i32
    %jit3A_304 = arith.constant 2048 : i32
    %eq3A_305 = arith.constant 0 : i32
    %eq3A_306 = arith.cmpi eq, %jit3A_304, %eq3A_305 : i32
    %jit3A_307 = arith.constant 1 : i32
    %select_n3A_308 = arith.select %eq3A_306, %jit3A_307, %jit3A_304 : i32
    %rem3A_309 = arith.remsi %add3A_279, %select_n3A_308 : i32
    %ne3A_310 = arith.constant 0 : i32
    %ne3A_311 = arith.cmpi ne, %rem3A_309, %ne3A_310 : i32
    %lt3A_312 = arith.constant 0 : i32
    %lt3A_313 = arith.cmpi slt, %rem3A_309, %lt3A_312 : i32
    %lt3A_314 = arith.constant 0 : i32
    %lt3A_315 = arith.cmpi slt, %select_n3A_308, %lt3A_314 : i32
    %ne3A_316 = arith.xori %lt3A_313, %lt3A_315 : i1
    %and3A_317 = arith.andi %ne3A_316, %ne3A_311 : i1
    %add3A_318 = arith.addi %rem3A_309, %select_n3A_308 : i32
    %select_n3A_319 = arith.select %and3A_317, %add3A_318, %rem3A_309 : i32
    %jit3A_320 = arith.constant 16 : i32
    %div3A_321 = arith.divsi %select_n3A_319, %jit3A_320 : i32
    %sign3A_322 = arith.constant 0 : i32
    %sign3A_323 = arith.cmpi sgt, %select_n3A_319, %sign3A_322 : i32
    %sign3A_324 = arith.extui %sign3A_323 : i1 to i32
    %sign3A_325 = arith.constant 0 : i32
    %sign3A_326 = arith.cmpi slt, %select_n3A_319, %sign3A_325 : i32
    %sign3A_327 = arith.extui %sign3A_326 : i1 to i32
    %sign3A_328 = arith.subi %sign3A_324, %sign3A_327 : i32
    %sign3A_329 = arith.constant 0 : i32
    %sign3A_330 = arith.cmpi sgt, %jit3A_320, %sign3A_329 : i32
    %sign3A_331 = arith.extui %sign3A_330 : i1 to i32
    %sign3A_332 = arith.constant 0 : i32
    %sign3A_333 = arith.cmpi slt, %jit3A_320, %sign3A_332 : i32
    %sign3A_334 = arith.extui %sign3A_333 : i1 to i32
    %sign3A_335 = arith.subi %sign3A_331, %sign3A_334 : i32
    %ne3A_336 = arith.cmpi ne, %sign3A_328, %sign3A_335 : i32
    %rem3A_337 = arith.remsi %select_n3A_319, %jit3A_320 : i32
    %ne3A_338 = arith.constant 0 : i32
    %ne3A_339 = arith.cmpi ne, %rem3A_337, %ne3A_338 : i32
    %and3A_340 = arith.andi %ne3A_336, %ne3A_339 : i1
    %sub3A_341 = arith.constant 1 : i32
    %sub3A_342 = arith.subi %div3A_321, %sub3A_341 : i32
    %select_n3A_343 = arith.select %and3A_340, %sub3A_342, %div3A_321 : i32
    %jit3A_344 = arith.constant 16 : i32
    %eq3A_345 = arith.constant 0 : i32
    %eq3A_346 = arith.cmpi eq, %jit3A_344, %eq3A_345 : i32
    %jit3A_347 = arith.constant 1 : i32
    %select_n3A_348 = arith.select %eq3A_346, %jit3A_347, %jit3A_344 : i32
    %rem3A_349 = arith.remsi %select_n3A_319, %select_n3A_348 : i32
    %ne3A_350 = arith.constant 0 : i32
    %ne3A_351 = arith.cmpi ne, %rem3A_349, %ne3A_350 : i32
    %lt3A_352 = arith.constant 0 : i32
    %lt3A_353 = arith.cmpi slt, %rem3A_349, %lt3A_352 : i32
    %lt3A_354 = arith.constant 0 : i32
    %lt3A_355 = arith.cmpi slt, %select_n3A_348, %lt3A_354 : i32
    %ne3A_356 = arith.xori %lt3A_353, %lt3A_355 : i1
    %and3A_357 = arith.andi %ne3A_356, %ne3A_351 : i1
    %add3A_358 = arith.addi %rem3A_349, %select_n3A_348 : i32
    %select_n3A_359 = arith.select %and3A_357, %add3A_358, %rem3A_349 : i32
    %mul3A_360 = arith.constant 2 : i32
    %mul3A_361 = arith.muli %select_n3A_359, %mul3A_360 : i32
    %dma_start3A_362 = arith.constant 3 : i32
    %dma_start3A_363 = arith.constant 0 : i32
    %dma_start3A_364 = arith.constant 0 : i32
    %dma_start3A_365 = tpu.memref_slice %arg2[%select_n3A_303, %select_n3A_343, %dma_start3A_363, %mul3A_361, %dma_start3A_364] : memref<2x128x4x32x1024xf32, #tpu.memory_space<hbm>> -> memref<1x1x4x2x1024xf32, #tpu.memory_space<hbm>>
    %dma_start3A_366 = tpu.memref_squeeze %dma_start3A_365 : memref<1x1x4x2x1024xf32, #tpu.memory_space<hbm>> -> memref<4x2x1024xf32, #tpu.memory_space<hbm>>
    %dma_start3A_367 = tpu.memref_slice %arg12[%dma_start3A_362] : memref<4x!tpu.dma_semaphore, #tpu.memory_space<semaphore_mem>> -> memref<1x!tpu.dma_semaphore, #tpu.memory_space<semaphore_mem>>
    %dma_start3A_368 = tpu.memref_squeeze %dma_start3A_367 : memref<1x!tpu.dma_semaphore, #tpu.memory_space<semaphore_mem>> -> memref<!tpu.dma_semaphore, #tpu.memory_space<semaphore_mem>>
    %dma_start3A_369 = arith.constant 0 : i32
    %dma_start3A_370 = arith.constant 0 : i32
    %dma_start3A_371 = tpu.memref_slice %arg2[%select_n3A_303, %select_n3A_343, %dma_start3A_369, %mul3A_361, %dma_start3A_370] : memref<2x128x4x32x1024xf32, #tpu.memory_space<hbm>> -> memref<1x1x4x2x1024xf32, #tpu.memory_space<hbm>>
    %dma_start3A_372 = tpu.memref_squeeze %dma_start3A_371 : memref<1x1x4x2x1024xf32, #tpu.memory_space<hbm>> -> memref<4x2x1024xf32, #tpu.memory_space<hbm>>
    tpu.enqueue_dma source(%dma_start3A_372 : memref<4x2x1024xf32, #tpu.memory_space<hbm>>) target(%arg7 : memref<4x2x1024xf32, #tpu.memory_space<vmem>>) target_semaphore(%dma_start3A_368 : memref<!tpu.dma_semaphore, #tpu.memory_space<semaphore_mem>>)
    %scan3A = arith.constant 0 : i32
    %scan3A_373 = arith.constant 0 : i32
    %scan3A_374 = arith.constant 32 : i32
    %scan3A_375 = arith.addi %scan3A_373, %scan3A_374 : i32
    %scan3A_376 = arith.constant 1 : i32
    scf.for %scan3A_429 = %scan3A_373 to %scan3A_375 step %scan3A_376  : i32 {
      %mul3A_430 = arith.constant 4 : i32
      %mul3A_431 = arith.muli %scan3A_429, %mul3A_430 : i32
      %add3A_432 = arith.constant 0 : i32
      %add3A_433 = arith.addi %mul3A_431, %add3A_432 : i32
      %dma_wait3A_434 = arith.constant 0 : i32
      %dma_wait3A_435 = arith.constant 0 : i32
      %dma_wait3A_436 = arith.constant 0 : i32
      %dma_wait3A_437 = arith.constant 0 : i32
      %dma_wait3A_438 = arith.constant 0 : i32
      %dma_wait3A_439 = arith.constant 0 : i32
      %dma_wait3A_440 = tpu.memref_slice %arg2[%dma_wait3A_434, %dma_wait3A_435, %dma_wait3A_437, %dma_wait3A_438, %dma_wait3A_439] : memref<2x128x4x32x1024xf32, #tpu.memory_space<hbm>> -> memref<1x1x4x2x1024xf32, #tpu.memory_space<hbm>>
      %dma_wait3A_441 = tpu.memref_squeeze %dma_wait3A_440 : memref<1x1x4x2x1024xf32, #tpu.memory_space<hbm>> -> memref<4x2x1024xf32, #tpu.memory_space<hbm>>
      %dma_wait3A_442 = tpu.memref_slice %arg12[%dma_wait3A_436] : memref<4x!tpu.dma_semaphore, #tpu.memory_space<semaphore_mem>> -> memref<1x!tpu.dma_semaphore, #tpu.memory_space<semaphore_mem>>
      %dma_wait3A_443 = tpu.memref_squeeze %dma_wait3A_442 : memref<1x!tpu.dma_semaphore, #tpu.memory_space<semaphore_mem>> -> memref<!tpu.dma_semaphore, #tpu.memory_space<semaphore_mem>>
      %dma_wait3A_444 = arith.constant 0 : i32
      %dma_wait3A_445 = arith.constant 0 : i32
      %dma_wait3A_446 = arith.constant 0 : i32
      %dma_wait3A_447 = tpu.memref_slice %arg2[%dma_wait3A_434, %dma_wait3A_435, %dma_wait3A_444, %dma_wait3A_445, %dma_wait3A_446] : memref<2x128x4x32x1024xf32, #tpu.memory_space<hbm>> -> memref<1x1x4x2x1024xf32, #tpu.memory_space<hbm>>
      %dma_wait3A_448 = tpu.memref_squeeze %dma_wait3A_447 : memref<1x1x4x2x1024xf32, #tpu.memory_space<hbm>> -> memref<4x2x1024xf32, #tpu.memory_space<hbm>>
      tpu.wait_dma2 semaphore(%dma_wait3A_443 : memref<!tpu.dma_semaphore, #tpu.memory_space<semaphore_mem>>) src(%dma_wait3A_448 : memref<4x2x1024xf32, #tpu.memory_space<hbm>>) dst(%arg4 : memref<4x2x1024xf32, #tpu.memory_space<vmem>>)
      %ge3A = arith.constant 4 : i32
      %ge3A_449 = arith.cmpi sge, %add3A_433, %ge3A : i32
      %convert_element_type3A = arith.extui %ge3A_449 : i1 to i32
      %cond3A = arith.constant 0 : i32
      %cond3A_450 = arith.cmpi ne, %convert_element_type3A, %cond3A : i32
      scf.if %cond3A_450 {
        %dma_wait3A_1293 = arith.constant 0 : i32
        %dma_wait3A_1294 = arith.constant 0 : i32
        %dma_wait3A_1295 = arith.constant 0 : i32
        %dma_wait3A_1296 = arith.constant 0 : i32
        %dma_wait3A_1297 = arith.constant 0 : i32
        %dma_wait3A_1298 = tpu.memref_slice %arg3[%dma_wait3A_1293, %dma_wait3A_1294, %dma_wait3A_1296, %dma_wait3A_1297] : memref<2x64x32x8192xf32, #tpu.memory_space<hbm>> -> memref<1x1x2x4096xf32, #tpu.memory_space<hbm>>
        %dma_wait3A_1299 = tpu.memref_squeeze %dma_wait3A_1298 : memref<1x1x2x4096xf32, #tpu.memory_space<hbm>> -> memref<2x4096xf32, #tpu.memory_space<hbm>>
        %dma_wait3A_1300 = tpu.memref_slice %arg13[%dma_wait3A_1295] : memref<4x!tpu.dma_semaphore, #tpu.memory_space<semaphore_mem>> -> memref<1x!tpu.dma_semaphore, #tpu.memory_space<semaphore_mem>>
        %dma_wait3A_1301 = tpu.memref_squeeze %dma_wait3A_1300 : memref<1x!tpu.dma_semaphore, #tpu.memory_space<semaphore_mem>> -> memref<!tpu.dma_semaphore, #tpu.memory_space<semaphore_mem>>
        %dma_wait3A_1302 = arith.constant 0 : i32
        %dma_wait3A_1303 = arith.constant 0 : i32
        %dma_wait3A_1304 = tpu.memref_slice %arg3[%dma_wait3A_1293, %dma_wait3A_1294, %dma_wait3A_1302, %dma_wait3A_1303] : memref<2x64x32x8192xf32, #tpu.memory_space<hbm>> -> memref<1x1x2x4096xf32, #tpu.memory_space<hbm>>
        %dma_wait3A_1305 = tpu.memref_squeeze %dma_wait3A_1304 : memref<1x1x2x4096xf32, #tpu.memory_space<hbm>> -> memref<2x4096xf32, #tpu.memory_space<hbm>>
        tpu.wait_dma2 semaphore(%dma_wait3A_1301 : memref<!tpu.dma_semaphore, #tpu.memory_space<semaphore_mem>>) src(%arg8 : memref<2x4096xf32, #tpu.memory_space<vmem>>) dst(%dma_wait3A_1305 : memref<2x4096xf32, #tpu.memory_space<hbm>>)
      } else {
      }
      %broadcast_in_dim3A = arith.constant 0 : i32
      %broadcast_in_dim3A_451 = vector.broadcast %broadcast_in_dim3A : i32 to vector<16xi32>
      %add3A_452 = arith.constant 0 : i32
      %add3A_453 = vector.broadcast %add3A_452 : i32 to vector<16xi32>
      %add3A_454 = arith.addi %mul3A_3, %add3A_453 : vector<16xi32>
      %parallel_loop3A = arith.constant 0 : i32
      %parallel_loop3A_455 = arith.constant 64 : i32
      %parallel_loop3A_456 = arith.constant 1 : i32
      scf.for %parallel_loop3A_1293 = %parallel_loop3A to %parallel_loop3A_455 step %parallel_loop3A_456  : i32 {
        %parallel_loop3A_1294 = arith.constant 16 : i32
        %parallel_loop3A_1295 = arith.muli %parallel_loop3A_1293, %parallel_loop3A_1294 : i32
        %parallel_loop3A_1296 = arith.constant 0 : i32
        %parallel_loop3A_1297 = arith.constant 0 : i32
        %parallel_loop3A_1298 = arith.index_cast %parallel_loop3A_1296 : i32 to index
        %parallel_loop3A_1299 = arith.index_cast %parallel_loop3A_1297 : i32 to index
        %parallel_loop3A_1300 = arith.index_cast %parallel_loop3A_1295 : i32 to index
        %parallel_loop3A_1301 = tpu.vector_load %arg4[%parallel_loop3A_1298, %parallel_loop3A_1299, %parallel_loop3A_1300] {strides = array<i32>} : memref<4x2x1024xf32, #tpu.memory_space<vmem>>, vector<16xf32>,
        %parallel_loop3A_1302 = arith.constant 64 : i32
        %parallel_loop3A_1303 = arith.muli %parallel_loop3A_1302, %parallel_loop3A_1293 : i32
        %parallel_loop3A_1304 = arith.constant 1 : i32
        %parallel_loop3A_1305 = arith.andi %parallel_loop3A_1293, %parallel_loop3A_1304 : i32
        %parallel_loop3A_1306 = arith.constant 32 : i32
        %parallel_loop3A_1307 = arith.muli %parallel_loop3A_1306, %parallel_loop3A_1305 : i32
        %parallel_loop3A_1308 = arith.subi %parallel_loop3A_1303, %parallel_loop3A_1307 : i32
        %parallel_loop3A_1309 = vector.broadcast %parallel_loop3A_1308 : i32 to vector<16xi32>
        %parallel_loop3A_1310 = arith.addi %add3A_454, %parallel_loop3A_1309 : vector<16xi32>
        tpu.vector_store_idx %arg8[%broadcast_in_dim3A_451, %parallel_loop3A_1310], %parallel_loop3A_1301 : memref<2x4096xf32, #tpu.memory_space<vmem>>[vector<16xi32>, vector<16xi32>], vector<16xf32>,
      } {sc.loop_unroll_factor = 8 : i64, sc.parallel_access}
      %add3A_457 = arith.constant 1 : i32
      %add3A_458 = vector.broadcast %add3A_457 : i32 to vector<16xi32>
      %add3A_459 = arith.addi %mul3A_3, %add3A_458 : vector<16xi32>
      %parallel_loop3A_460 = arith.constant 0 : i32
      %parallel_loop3A_461 = arith.constant 64 : i32
      %parallel_loop3A_462 = arith.constant 1 : i32
      scf.for %parallel_loop3A_1293 = %parallel_loop3A_460 to %parallel_loop3A_461 step %parallel_loop3A_462  : i32 {
        %parallel_loop3A_1294 = arith.constant 16 : i32
        %parallel_loop3A_1295 = arith.muli %parallel_loop3A_1293, %parallel_loop3A_1294 : i32
        %parallel_loop3A_1296 = arith.constant 1 : i32
        %parallel_loop3A_1297 = arith.constant 0 : i32
        %parallel_loop3A_1298 = arith.index_cast %parallel_loop3A_1296 : i32 to index
        %parallel_loop3A_1299 = arith.index_cast %parallel_loop3A_1297 : i32 to index
        %parallel_loop3A_1300 = arith.index_cast %parallel_loop3A_1295 : i32 to index
        %parallel_loop3A_1301 = tpu.vector_load %arg4[%parallel_loop3A_1298, %parallel_loop3A_1299, %parallel_loop3A_1300] {strides = array<i32>} : memref<4x2x1024xf32, #tpu.memory_space<vmem>>, vector<16xf32>,
        %parallel_loop3A_1302 = arith.constant 64 : i32
        %parallel_loop3A_1303 = arith.muli %parallel_loop3A_1302, %parallel_loop3A_1293 : i32
        %parallel_loop3A_1304 = arith.constant 1 : i32
        %parallel_loop3A_1305 = arith.andi %parallel_loop3A_1293, %parallel_loop3A_1304 : i32
        %parallel_loop3A_1306 = arith.constant 32 : i32
        %parallel_loop3A_1307 = arith.muli %parallel_loop3A_1306, %parallel_loop3A_1305 : i32
        %parallel_loop3A_1308 = arith.subi %parallel_loop3A_1303, %parallel_loop3A_1307 : i32
        %parallel_loop3A_1309 = vector.broadcast %parallel_loop3A_1308 : i32 to vector<16xi32>
        %parallel_loop3A_1310 = arith.addi %add3A_459, %parallel_loop3A_1309 : vector<16xi32>
        tpu.vector_store_idx %arg8[%broadcast_in_dim3A_451, %parallel_loop3A_1310], %parallel_loop3A_1301 : memref<2x4096xf32, #tpu.memory_space<vmem>>[vector<16xi32>, vector<16xi32>], vector<16xf32>,
      } {sc.loop_unroll_factor = 8 : i64, sc.parallel_access}
      %add3A_463 = arith.constant 64 : i32
      %add3A_464 = vector.broadcast %add3A_463 : i32 to vector<16xi32>
      %add3A_465 = arith.addi %mul3A_3, %add3A_464 : vector<16xi32>
      %parallel_loop3A_466 = arith.constant 0 : i32
      %parallel_loop3A_467 = arith.constant 64 : i32
      %parallel_loop3A_468 = arith.constant 1 : i32
      scf.for %parallel_loop3A_1293 = %parallel_loop3A_466 to %parallel_loop3A_467 step %parallel_loop3A_468  : i32 {
        %parallel_loop3A_1294 = arith.constant 16 : i32
        %parallel_loop3A_1295 = arith.muli %parallel_loop3A_1293, %parallel_loop3A_1294 : i32
        %parallel_loop3A_1296 = arith.constant 2 : i32
        %parallel_loop3A_1297 = arith.constant 0 : i32
        %parallel_loop3A_1298 = arith.index_cast %parallel_loop3A_1296 : i32 to index
        %parallel_loop3A_1299 = arith.index_cast %parallel_loop3A_1297 : i32 to index
        %parallel_loop3A_1300 = arith.index_cast %parallel_loop3A_1295 : i32 to index
        %parallel_loop3A_1301 = tpu.vector_load %arg4[%parallel_loop3A_1298, %parallel_loop3A_1299, %parallel_loop3A_1300] {strides = array<i32>} : memref<4x2x1024xf32, #tpu.memory_space<vmem>>, vector<16xf32>,
        %parallel_loop3A_1302 = arith.constant 64 : i32
        %parallel_loop3A_1303 = arith.muli %parallel_loop3A_1302, %parallel_loop3A_1293 : i32
        %parallel_loop3A_1304 = arith.constant 1 : i32
        %parallel_loop3A_1305 = arith.andi %parallel_loop3A_1293, %parallel_loop3A_1304 : i32
        %parallel_loop3A_1306 = arith.constant 32 : i32
        %parallel_loop3A_1307 = arith.muli %parallel_loop3A_1306, %parallel_loop3A_1305 : i32
        %parallel_loop3A_1308 = arith.subi %parallel_loop3A_1303, %parallel_loop3A_1307 : i32
        %parallel_loop3A_1309 = vector.broadcast %parallel_loop3A_1308 : i32 to vector<16xi32>
        %parallel_loop3A_1310 = arith.addi %add3A_465, %parallel_loop3A_1309 : vector<16xi32>
        tpu.vector_store_idx %arg8[%broadcast_in_dim3A_451, %parallel_loop3A_1310], %parallel_loop3A_1301 : memref<2x4096xf32, #tpu.memory_space<vmem>>[vector<16xi32>, vector<16xi32>], vector<16xf32>,
      } {sc.loop_unroll_factor = 8 : i64, sc.parallel_access}
      %add3A_469 = arith.constant 65 : i32
      %add3A_470 = vector.broadcast %add3A_469 : i32 to vector<16xi32>
      %add3A_471 = arith.addi %mul3A_3, %add3A_470 : vector<16xi32>
      %parallel_loop3A_472 = arith.constant 0 : i32
      %parallel_loop3A_473 = arith.constant 64 : i32
      %parallel_loop3A_474 = arith.constant 1 : i32
      scf.for %parallel_loop3A_1293 = %parallel_loop3A_472 to %parallel_loop3A_473 step %parallel_loop3A_474  : i32 {
        %parallel_loop3A_1294 = arith.constant 16 : i32
        %parallel_loop3A_1295 = arith.muli %parallel_loop3A_1293, %parallel_loop3A_1294 : i32
        %parallel_loop3A_1296 = arith.constant 3 : i32
        %parallel_loop3A_1297 = arith.constant 0 : i32
        %parallel_loop3A_1298 = arith.index_cast %parallel_loop3A_1296 : i32 to index
        %parallel_loop3A_1299 = arith.index_cast %parallel_loop3A_1297 : i32 to index
        %parallel_loop3A_1300 = arith.index_cast %parallel_loop3A_1295 : i32 to index
        %parallel_loop3A_1301 = tpu.vector_load %arg4[%parallel_loop3A_1298, %parallel_loop3A_1299, %parallel_loop3A_1300] {strides = array<i32>} : memref<4x2x1024xf32, #tpu.memory_space<vmem>>, vector<16xf32>,
        %parallel_loop3A_1302 = arith.constant 64 : i32
        %parallel_loop3A_1303 = arith.muli %parallel_loop3A_1302, %parallel_loop3A_1293 : i32
        %parallel_loop3A_1304 = arith.constant 1 : i32
        %parallel_loop3A_1305 = arith.andi %parallel_loop3A_1293, %parallel_loop3A_1304 : i32
        %parallel_loop3A_1306 = arith.constant 32 : i32
        %parallel_loop3A_1307 = arith.muli %parallel_loop3A_1306, %parallel_loop3A_1305 : i32
        %parallel_loop3A_1308 = arith.subi %parallel_loop3A_1303, %parallel_loop3A_1307 : i32
        %parallel_loop3A_1309 = vector.broadcast %parallel_loop3A_1308 : i32 to vector<16xi32>
        %parallel_loop3A_1310 = arith.addi %add3A_471, %parallel_loop3A_1309 : vector<16xi32>
        tpu.vector_store_idx %arg8[%broadcast_in_dim3A_451, %parallel_loop3A_1310], %parallel_loop3A_1301 : memref<2x4096xf32, #tpu.memory_space<vmem>>[vector<16xi32>, vector<16xi32>], vector<16xf32>,
      } {sc.loop_unroll_factor = 8 : i64, sc.parallel_access}
      %broadcast_in_dim3A_475 = arith.constant 1 : i32
      %broadcast_in_dim3A_476 = vector.broadcast %broadcast_in_dim3A_475 : i32 to vector<16xi32>
      %add3A_477 = arith.constant 0 : i32
      %add3A_478 = vector.broadcast %add3A_477 : i32 to vector<16xi32>
      %add3A_479 = arith.addi %mul3A_3, %add3A_478 : vector<16xi32>
      %parallel_loop3A_480 = arith.constant 0 : i32
      %parallel_loop3A_481 = arith.constant 64 : i32
      %parallel_loop3A_482 = arith.constant 1 : i32
      scf.for %parallel_loop3A_1293 = %parallel_loop3A_480 to %parallel_loop3A_481 step %parallel_loop3A_482  : i32 {
        %parallel_loop3A_1294 = arith.constant 16 : i32
        %parallel_loop3A_1295 = arith.muli %parallel_loop3A_1293, %parallel_loop3A_1294 : i32
        %parallel_loop3A_1296 = arith.constant 0 : i32
        %parallel_loop3A_1297 = arith.constant 1 : i32
        %parallel_loop3A_1298 = arith.index_cast %parallel_loop3A_1296 : i32 to index
        %parallel_loop3A_1299 = arith.index_cast %parallel_loop3A_1297 : i32 to index
        %parallel_loop3A_1300 = arith.index_cast %parallel_loop3A_1295 : i32 to index
        %parallel_loop3A_1301 = tpu.vector_load %arg4[%parallel_loop3A_1298, %parallel_loop3A_1299, %parallel_loop3A_1300] {strides = array<i32>} : memref<4x2x1024xf32, #tpu.memory_space<vmem>>, vector<16xf32>,
        %parallel_loop3A_1302 = arith.constant 64 : i32
        %parallel_loop3A_1303 = arith.muli %parallel_loop3A_1302, %parallel_loop3A_1293 : i32
        %parallel_loop3A_1304 = arith.constant 1 : i32
        %parallel_loop3A_1305 = arith.andi %parallel_loop3A_1293, %parallel_loop3A_1304 : i32
        %parallel_loop3A_1306 = arith.constant 32 : i32
        %parallel_loop3A_1307 = arith.muli %parallel_loop3A_1306, %parallel_loop3A_1305 : i32
        %parallel_loop3A_1308 = arith.subi %parallel_loop3A_1303, %parallel_loop3A_1307 : i32
        %parallel_loop3A_1309 = vector.broadcast %parallel_loop3A_1308 : i32 to vector<16xi32>
        %parallel_loop3A_1310 = arith.addi %add3A_479, %parallel_loop3A_1309 : vector<16xi32>
        tpu.vector_store_idx %arg8[%broadcast_in_dim3A_476, %parallel_loop3A_1310], %parallel_loop3A_1301 : memref<2x4096xf32, #tpu.memory_space<vmem>>[vector<16xi32>, vector<16xi32>], vector<16xf32>,
      } {sc.loop_unroll_factor = 8 : i64, sc.parallel_access}
      %add3A_483 = arith.constant 1 : i32
      %add3A_484 = vector.broadcast %add3A_483 : i32 to vector<16xi32>
      %add3A_485 = arith.addi %mul3A_3, %add3A_484 : vector<16xi32>
      %parallel_loop3A_486 = arith.constant 0 : i32
      %parallel_loop3A_487 = arith.constant 64 : i32
      %parallel_loop3A_488 = arith.constant 1 : i32
      scf.for %parallel_loop3A_1293 = %parallel_loop3A_486 to %parallel_loop3A_487 step %parallel_loop3A_488  : i32 {
        %parallel_loop3A_1294 = arith.constant 16 : i32
        %parallel_loop3A_1295 = arith.muli %parallel_loop3A_1293, %parallel_loop3A_1294 : i32
        %parallel_loop3A_1296 = arith.constant 1 : i32
        %parallel_loop3A_1297 = arith.constant 1 : i32
        %parallel_loop3A_1298 = arith.index_cast %parallel_loop3A_1296 : i32 to index
        %parallel_loop3A_1299 = arith.index_cast %parallel_loop3A_1297 : i32 to index
        %parallel_loop3A_1300 = arith.index_cast %parallel_loop3A_1295 : i32 to index
        %parallel_loop3A_1301 = tpu.vector_load %arg4[%parallel_loop3A_1298, %parallel_loop3A_1299, %parallel_loop3A_1300] {strides = array<i32>} : memref<4x2x1024xf32, #tpu.memory_space<vmem>>, vector<16xf32>,
        %parallel_loop3A_1302 = arith.constant 64 : i32
        %parallel_loop3A_1303 = arith.muli %parallel_loop3A_1302, %parallel_loop3A_1293 : i32
        %parallel_loop3A_1304 = arith.constant 1 : i32
        %parallel_loop3A_1305 = arith.andi %parallel_loop3A_1293, %parallel_loop3A_1304 : i32
        %parallel_loop3A_1306 = arith.constant 32 : i32
        %parallel_loop3A_1307 = arith.muli %parallel_loop3A_1306, %parallel_loop3A_1305 : i32
        %parallel_loop3A_1308 = arith.subi %parallel_loop3A_1303, %parallel_loop3A_1307 : i32
        %parallel_loop3A_1309 = vector.broadcast %parallel_loop3A_1308 : i32 to vector<16xi32>
        %parallel_loop3A_1310 = arith.addi %add3A_485, %parallel_loop3A_1309 : vector<16xi32>
        tpu.vector_store_idx %arg8[%broadcast_in_dim3A_476, %parallel_loop3A_1310], %parallel_loop3A_1301 : memref<2x4096xf32, #tpu.memory_space<vmem>>[vector<16xi32>, vector<16xi32>], vector<16xf32>,
      } {sc.loop_unroll_factor = 8 : i64, sc.parallel_access}
      %add3A_489 = arith.constant 64 : i32
      %add3A_490 = vector.broadcast %add3A_489 : i32 to vector<16xi32>
      %add3A_491 = arith.addi %mul3A_3, %add3A_490 : vector<16xi32>
      %parallel_loop3A_492 = arith.constant 0 : i32
      %parallel_loop3A_493 = arith.constant 64 : i32
      %parallel_loop3A_494 = arith.constant 1 : i32
      scf.for %parallel_loop3A_1293 = %parallel_loop3A_492 to %parallel_loop3A_493 step %parallel_loop3A_494  : i32 {
        %parallel_loop3A_1294 = arith.constant 16 : i32
        %parallel_loop3A_1295 = arith.muli %parallel_loop3A_1293, %parallel_loop3A_1294 : i32
        %parallel_loop3A_1296 = arith.constant 2 : i32
        %parallel_loop3A_1297 = arith.constant 1 : i32
        %parallel_loop3A_1298 = arith.index_cast %parallel_loop3A_1296 : i32 to index
        %parallel_loop3A_1299 = arith.index_cast %parallel_loop3A_1297 : i32 to index
        %parallel_loop3A_1300 = arith.index_cast %parallel_loop3A_1295 : i32 to index
        %parallel_loop3A_1301 = tpu.vector_load %arg4[%parallel_loop3A_1298, %parallel_loop3A_1299, %parallel_loop3A_1300] {strides = array<i32>} : memref<4x2x1024xf32, #tpu.memory_space<vmem>>, vector<16xf32>,
        %parallel_loop3A_1302 = arith.constant 64 : i32
        %parallel_loop3A_1303 = arith.muli %parallel_loop3A_1302, %parallel_loop3A_1293 : i32
        %parallel_loop3A_1304 = arith.constant 1 : i32
        %parallel_loop3A_1305 = arith.andi %parallel_loop3A_1293, %parallel_loop3A_1304 : i32
        %parallel_loop3A_1306 = arith.constant 32 : i32
        %parallel_loop3A_1307 = arith.muli %parallel_loop3A_1306, %parallel_loop3A_1305 : i32
        %parallel_loop3A_1308 = arith.subi %parallel_loop3A_1303, %parallel_loop3A_1307 : i32
        %parallel_loop3A_1309 = vector.broadcast %parallel_loop3A_1308 : i32 to vector<16xi32>
        %parallel_loop3A_1310 = arith.addi %add3A_491, %parallel_loop3A_1309 : vector<16xi32>
        tpu.vector_store_idx %arg8[%broadcast_in_dim3A_476, %parallel_loop3A_1310], %parallel_loop3A_1301 : memref<2x4096xf32, #tpu.memory_space<vmem>>[vector<16xi32>, vector<16xi32>], vector<16xf32>,
      } {sc.loop_unroll_factor = 8 : i64, sc.parallel_access}
      %add3A_495 = arith.constant 65 : i32
      %add3A_496 = vector.broadcast %add3A_495 : i32 to vector<16xi32>
      %add3A_497 = arith.addi %mul3A_3, %add3A_496 : vector<16xi32>
      %parallel_loop3A_498 = arith.constant 0 : i32
      %parallel_loop3A_499 = arith.constant 64 : i32
      %parallel_loop3A_500 = arith.constant 1 : i32
      scf.for %parallel_loop3A_1293 = %parallel_loop3A_498 to %parallel_loop3A_499 step %parallel_loop3A_500  : i32 {
        %parallel_loop3A_1294 = arith.constant 16 : i32
        %parallel_loop3A_1295 = arith.muli %parallel_loop3A_1293, %parallel_loop3A_1294 : i32
        %parallel_loop3A_1296 = arith.constant 3 : i32
        %parallel_loop3A_1297 = arith.constant 1 : i32
        %parallel_loop3A_1298 = arith.index_cast %parallel_loop3A_1296 : i32 to index
        %parallel_loop3A_1299 = arith.index_cast %parallel_loop3A_1297 : i32 to index
        %parallel_loop3A_1300 = arith.index_cast %parallel_loop3A_1295 : i32 to index
        %parallel_loop3A_1301 = tpu.vector_load %arg4[%parallel_loop3A_1298, %parallel_loop3A_1299, %parallel_loop3A_1300] {strides = array<i32>} : memref<4x2x1024xf32, #tpu.memory_space<vmem>>, vector<16xf32>,
        %parallel_loop3A_1302 = arith.constant 64 : i32
        %parallel_loop3A_1303 = arith.muli %parallel_loop3A_1302, %parallel_loop3A_1293 : i32
        %parallel_loop3A_1304 = arith.constant 1 : i32
        %parallel_loop3A_1305 = arith.andi %parallel_loop3A_1293, %parallel_loop3A_1304 : i32
        %parallel_loop3A_1306 = arith.constant 32 : i32
        %parallel_loop3A_1307 = arith.muli %parallel_loop3A_1306, %parallel_loop3A_1305 : i32
        %parallel_loop3A_1308 = arith.subi %parallel_loop3A_1303, %parallel_loop3A_1307 : i32
        %parallel_loop3A_1309 = vector.broadcast %parallel_loop3A_1308 : i32 to vector<16xi32>
        %parallel_loop3A_1310 = arith.addi %add3A_497, %parallel_loop3A_1309 : vector<16xi32>
        tpu.vector_store_idx %arg8[%broadcast_in_dim3A_476, %parallel_loop3A_1310], %parallel_loop3A_1301 : memref<2x4096xf32, #tpu.memory_space<vmem>>[vector<16xi32>, vector<16xi32>], vector<16xf32>,
      } {sc.loop_unroll_factor = 8 : i64, sc.parallel_access}
      %mul3A_501 = arith.constant 32 : i32
      %mul3A_502 = arith.muli %add3A_433, %mul3A_501 : i32
      %add3A_503 = arith.addi %mul3A_502, %add3A : i32
      %jit3A_504 = arith.constant 2048 : i32
      %div3A_505 = arith.divsi %add3A_503, %jit3A_504 : i32
      %sign3A_506 = arith.constant 0 : i32
      %sign3A_507 = arith.cmpi sgt, %add3A_503, %sign3A_506 : i32
      %sign3A_508 = arith.extui %sign3A_507 : i1 to i32
      %sign3A_509 = arith.constant 0 : i32
      %sign3A_510 = arith.cmpi slt, %add3A_503, %sign3A_509 : i32
      %sign3A_511 = arith.extui %sign3A_510 : i1 to i32
      %sign3A_512 = arith.subi %sign3A_508, %sign3A_511 : i32
      %sign3A_513 = arith.constant 0 : i32
      %sign3A_514 = arith.cmpi sgt, %jit3A_504, %sign3A_513 : i32
      %sign3A_515 = arith.extui %sign3A_514 : i1 to i32
      %sign3A_516 = arith.constant 0 : i32
      %sign3A_517 = arith.cmpi slt, %jit3A_504, %sign3A_516 : i32
      %sign3A_518 = arith.extui %sign3A_517 : i1 to i32
      %sign3A_519 = arith.subi %sign3A_515, %sign3A_518 : i32
      %ne3A_520 = arith.cmpi ne, %sign3A_512, %sign3A_519 : i32
      %rem3A_521 = arith.remsi %add3A_503, %jit3A_504 : i32
      %ne3A_522 = arith.constant 0 : i32
      %ne3A_523 = arith.cmpi ne, %rem3A_521, %ne3A_522 : i32
      %and3A_524 = arith.andi %ne3A_520, %ne3A_523 : i1
      %sub3A_525 = arith.constant 1 : i32
      %sub3A_526 = arith.subi %div3A_505, %sub3A_525 : i32
      %select_n3A_527 = arith.select %and3A_524, %sub3A_526, %div3A_505 : i32
      %jit3A_528 = arith.constant 2048 : i32
      %eq3A_529 = arith.constant 0 : i32
      %eq3A_530 = arith.cmpi eq, %jit3A_528, %eq3A_529 : i32
      %jit3A_531 = arith.constant 1 : i32
      %select_n3A_532 = arith.select %eq3A_530, %jit3A_531, %jit3A_528 : i32
      %rem3A_533 = arith.remsi %add3A_503, %select_n3A_532 : i32
      %ne3A_534 = arith.constant 0 : i32
      %ne3A_535 = arith.cmpi ne, %rem3A_533, %ne3A_534 : i32
      %lt3A_536 = arith.constant 0 : i32
      %lt3A_537 = arith.cmpi slt, %rem3A_533, %lt3A_536 : i32
      %lt3A_538 = arith.constant 0 : i32
      %lt3A_539 = arith.cmpi slt, %select_n3A_532, %lt3A_538 : i32
      %ne3A_540 = arith.xori %lt3A_537, %lt3A_539 : i1
      %and3A_541 = arith.andi %ne3A_540, %ne3A_535 : i1
      %add3A_542 = arith.addi %rem3A_533, %select_n3A_532 : i32
      %select_n3A_543 = arith.select %and3A_541, %add3A_542, %rem3A_533 : i32
      %jit3A_544 = arith.constant 16 : i32
      %div3A_545 = arith.divsi %select_n3A_543, %jit3A_544 : i32
      %sign3A_546 = arith.constant 0 : i32
      %sign3A_547 = arith.cmpi sgt, %select_n3A_543, %sign3A_546 : i32
      %sign3A_548 = arith.extui %sign3A_547 : i1 to i32
      %sign3A_549 = arith.constant 0 : i32
      %sign3A_550 = arith.cmpi slt, %select_n3A_543, %sign3A_549 : i32
      %sign3A_551 = arith.extui %sign3A_550 : i1 to i32
      %sign3A_552 = arith.subi %sign3A_548, %sign3A_551 : i32
      %sign3A_553 = arith.constant 0 : i32
      %sign3A_554 = arith.cmpi sgt, %jit3A_544, %sign3A_553 : i32
      %sign3A_555 = arith.extui %sign3A_554 : i1 to i32
      %sign3A_556 = arith.constant 0 : i32
      %sign3A_557 = arith.cmpi slt, %jit3A_544, %sign3A_556 : i32
      %sign3A_558 = arith.extui %sign3A_557 : i1 to i32
      %sign3A_559 = arith.subi %sign3A_555, %sign3A_558 : i32
      %ne3A_560 = arith.cmpi ne, %sign3A_552, %sign3A_559 : i32
      %rem3A_561 = arith.remsi %select_n3A_543, %jit3A_544 : i32
      %ne3A_562 = arith.constant 0 : i32
      %ne3A_563 = arith.cmpi ne, %rem3A_561, %ne3A_562 : i32
      %and3A_564 = arith.andi %ne3A_560, %ne3A_563 : i1
      %sub3A_565 = arith.constant 1 : i32
      %sub3A_566 = arith.subi %div3A_545, %sub3A_565 : i32
      %select_n3A_567 = arith.select %and3A_564, %sub3A_566, %div3A_545 : i32
      %jit3A_568 = arith.constant 16 : i32
      %eq3A_569 = arith.constant 0 : i32
      %eq3A_570 = arith.cmpi eq, %jit3A_568, %eq3A_569 : i32
      %jit3A_571 = arith.constant 1 : i32
      %select_n3A_572 = arith.select %eq3A_570, %jit3A_571, %jit3A_568 : i32
      %rem3A_573 = arith.remsi %select_n3A_543, %select_n3A_572 : i32
      %ne3A_574 = arith.constant 0 : i32
      %ne3A_575 = arith.cmpi ne, %rem3A_573, %ne3A_574 : i32
      %lt3A_576 = arith.constant 0 : i32
      %lt3A_577 = arith.cmpi slt, %rem3A_573, %lt3A_576 : i32
      %lt3A_578 = arith.constant 0 : i32
      %lt3A_579 = arith.cmpi slt, %select_n3A_572, %lt3A_578 : i32
      %ne3A_580 = arith.xori %lt3A_577, %lt3A_579 : i1
      %and3A_581 = arith.andi %ne3A_580, %ne3A_575 : i1
      %add3A_582 = arith.addi %rem3A_573, %select_n3A_572 : i32
      %select_n3A_583 = arith.select %and3A_581, %add3A_582, %rem3A_573 : i32
      %jit3A_584 = arith.constant 2 : i32
      %div3A_585 = arith.divsi %select_n3A_567, %jit3A_584 : i32
      %sign3A_586 = arith.constant 0 : i32
      %sign3A_587 = arith.cmpi sgt, %select_n3A_567, %sign3A_586 : i32
      %sign3A_588 = arith.extui %sign3A_587 : i1 to i32
      %sign3A_589 = arith.constant 0 : i32
      %sign3A_590 = arith.cmpi slt, %select_n3A_567, %sign3A_589 : i32
      %sign3A_591 = arith.extui %sign3A_590 : i1 to i32
      %sign3A_592 = arith.subi %sign3A_588, %sign3A_591 : i32
      %sign3A_593 = arith.constant 0 : i32
      %sign3A_594 = arith.cmpi sgt, %jit3A_584, %sign3A_593 : i32
      %sign3A_595 = arith.extui %sign3A_594 : i1 to i32
      %sign3A_596 = arith.constant 0 : i32
      %sign3A_597 = arith.cmpi slt, %jit3A_584, %sign3A_596 : i32
      %sign3A_598 = arith.extui %sign3A_597 : i1 to i32
      %sign3A_599 = arith.subi %sign3A_595, %sign3A_598 : i32
      %ne3A_600 = arith.cmpi ne, %sign3A_592, %sign3A_599 : i32
      %rem3A_601 = arith.remsi %select_n3A_567, %jit3A_584 : i32
      %ne3A_602 = arith.constant 0 : i32
      %ne3A_603 = arith.cmpi ne, %rem3A_601, %ne3A_602 : i32
      %and3A_604 = arith.andi %ne3A_600, %ne3A_603 : i1
      %sub3A_605 = arith.constant 1 : i32
      %sub3A_606 = arith.subi %div3A_585, %sub3A_605 : i32
      %select_n3A_607 = arith.select %and3A_604, %sub3A_606, %div3A_585 : i32
      %mul3A_608 = arith.constant 2 : i32
      %mul3A_609 = arith.muli %select_n3A_583, %mul3A_608 : i32
      %jit3A_610 = arith.constant 2 : i32
      %eq3A_611 = arith.constant 0 : i32
      %eq3A_612 = arith.cmpi eq, %jit3A_610, %eq3A_611 : i32
      %jit3A_613 = arith.constant 1 : i32
      %select_n3A_614 = arith.select %eq3A_612, %jit3A_613, %jit3A_610 : i32
      %rem3A_615 = arith.remsi %select_n3A_567, %select_n3A_614 : i32
      %ne3A_616 = arith.constant 0 : i32
      %ne3A_617 = arith.cmpi ne, %rem3A_615, %ne3A_616 : i32
      %lt3A_618 = arith.constant 0 : i32
      %lt3A_619 = arith.cmpi slt, %rem3A_615, %lt3A_618 : i32
      %lt3A_620 = arith.constant 0 : i32
      %lt3A_621 = arith.cmpi slt, %select_n3A_614, %lt3A_620 : i32
      %ne3A_622 = arith.xori %lt3A_619, %lt3A_621 : i1
      %and3A_623 = arith.andi %ne3A_622, %ne3A_617 : i1
      %add3A_624 = arith.addi %rem3A_615, %select_n3A_614 : i32
      %select_n3A_625 = arith.select %and3A_623, %add3A_624, %rem3A_615 : i32
      %mul3A_626 = arith.constant 4096 : i32
      %mul3A_627 = arith.muli %select_n3A_625, %mul3A_626 : i32
      %dma_start3A_628 = arith.constant 0 : i32
      %dma_start3A_629 = tpu.memref_slice %arg3[%select_n3A_527, %select_n3A_607, %mul3A_609, %mul3A_627] : memref<2x64x32x8192xf32, #tpu.memory_space<hbm>> -> memref<1x1x2x4096xf32, #tpu.memory_space<hbm>>
      %dma_start3A_630 = tpu.memref_squeeze %dma_start3A_629 : memref<1x1x2x4096xf32, #tpu.memory_space<hbm>> -> memref<2x4096xf32, #tpu.memory_space<hbm>>
      %dma_start3A_631 = tpu.memref_slice %arg13[%dma_start3A_628] : memref<4x!tpu.dma_semaphore, #tpu.memory_space<semaphore_mem>> -> memref<1x!tpu.dma_semaphore, #tpu.memory_space<semaphore_mem>>
      %dma_start3A_632 = tpu.memref_squeeze %dma_start3A_631 : memref<1x!tpu.dma_semaphore, #tpu.memory_space<semaphore_mem>> -> memref<!tpu.dma_semaphore, #tpu.memory_space<semaphore_mem>>
      %dma_start3A_633 = tpu.memref_slice %arg3[%select_n3A_527, %select_n3A_607, %mul3A_609, %mul3A_627] : memref<2x64x32x8192xf32, #tpu.memory_space<hbm>> -> memref<1x1x2x4096xf32, #tpu.memory_space<hbm>>
      %dma_start3A_634 = tpu.memref_squeeze %dma_start3A_633 : memref<1x1x2x4096xf32, #tpu.memory_space<hbm>> -> memref<2x4096xf32, #tpu.memory_space<hbm>>
      tpu.enqueue_dma source(%arg8 : memref<2x4096xf32, #tpu.memory_space<vmem>>) target(%dma_start3A_634 : memref<2x4096xf32, #tpu.memory_space<hbm>>) target_semaphore(%dma_start3A_632 : memref<!tpu.dma_semaphore, #tpu.memory_space<semaphore_mem>>)
      %add3A_635 = arith.constant 4 : i32
      %add3A_636 = arith.addi %add3A_433, %add3A_635 : i32
      %lt3A_637 = arith.constant 128 : i32
      %lt3A_638 = arith.cmpi slt, %add3A_636, %lt3A_637 : i32
      %convert_element_type3A_639 = arith.extui %lt3A_638 : i1 to i32
      %cond3A_640 = arith.constant 0 : i32
      %cond3A_641 = arith.cmpi ne, %convert_element_type3A_639, %cond3A_640 : i32
      scf.if %cond3A_641 {
        %add3A_1293 = arith.constant 4 : i32
        %add3A_1294 = arith.addi %add3A_433, %add3A_1293 : i32
        %mul3A_1295 = arith.constant 32 : i32
        %mul3A_1296 = arith.muli %add3A_1294, %mul3A_1295 : i32
        %add3A_1297 = arith.addi %mul3A_1296, %add3A : i32
        %jit3A_1298 = arith.constant 2048 : i32
        %div3A_1299 = arith.divsi %add3A_1297, %jit3A_1298 : i32
        %sign3A_1300 = arith.constant 0 : i32
        %sign3A_1301 = arith.cmpi sgt, %add3A_1297, %sign3A_1300 : i32
        %sign3A_1302 = arith.extui %sign3A_1301 : i1 to i32
        %sign3A_1303 = arith.constant 0 : i32
        %sign3A_1304 = arith.cmpi slt, %add3A_1297, %sign3A_1303 : i32
        %sign3A_1305 = arith.extui %sign3A_1304 : i1 to i32
        %sign3A_1306 = arith.subi %sign3A_1302, %sign3A_1305 : i32
        %sign3A_1307 = arith.constant 0 : i32
        %sign3A_1308 = arith.cmpi sgt, %jit3A_1298, %sign3A_1307 : i32
        %sign3A_1309 = arith.extui %sign3A_1308 : i1 to i32
        %sign3A_1310 = arith.constant 0 : i32
        %sign3A_1311 = arith.cmpi slt, %jit3A_1298, %sign3A_1310 : i32
        %sign3A_1312 = arith.extui %sign3A_1311 : i1 to i32
        %sign3A_1313 = arith.subi %sign3A_1309, %sign3A_1312 : i32
        %ne3A_1314 = arith.cmpi ne, %sign3A_1306, %sign3A_1313 : i32
        %rem3A_1315 = arith.remsi %add3A_1297, %jit3A_1298 : i32
        %ne3A_1316 = arith.constant 0 : i32
        %ne3A_1317 = arith.cmpi ne, %rem3A_1315, %ne3A_1316 : i32
        %and3A_1318 = arith.andi %ne3A_1314, %ne3A_1317 : i1
        %sub3A_1319 = arith.constant 1 : i32
        %sub3A_1320 = arith.subi %div3A_1299, %sub3A_1319 : i32
        %select_n3A_1321 = arith.select %and3A_1318, %sub3A_1320, %div3A_1299 : i32
        %jit3A_1322 = arith.constant 2048 : i32
        %eq3A_1323 = arith.constant 0 : i32
        %eq3A_1324 = arith.cmpi eq, %jit3A_1322, %eq3A_1323 : i32
        %jit3A_1325 = arith.constant 1 : i32
        %select_n3A_1326 = arith.select %eq3A_1324, %jit3A_1325, %jit3A_1322 : i32
        %rem3A_1327 = arith.remsi %add3A_1297, %select_n3A_1326 : i32
        %ne3A_1328 = arith.constant 0 : i32
        %ne3A_1329 = arith.cmpi ne, %rem3A_1327, %ne3A_1328 : i32
        %lt3A_1330 = arith.constant 0 : i32
        %lt3A_1331 = arith.cmpi slt, %rem3A_1327, %lt3A_1330 : i32
        %lt3A_1332 = arith.constant 0 : i32
        %lt3A_1333 = arith.cmpi slt, %select_n3A_1326, %lt3A_1332 : i32
        %ne3A_1334 = arith.xori %lt3A_1331, %lt3A_1333 : i1
        %and3A_1335 = arith.andi %ne3A_1334, %ne3A_1329 : i1
        %add3A_1336 = arith.addi %rem3A_1327, %select_n3A_1326 : i32
        %select_n3A_1337 = arith.select %and3A_1335, %add3A_1336, %rem3A_1327 : i32
        %jit3A_1338 = arith.constant 16 : i32
        %div3A_1339 = arith.divsi %select_n3A_1337, %jit3A_1338 : i32
        %sign3A_1340 = arith.constant 0 : i32
        %sign3A_1341 = arith.cmpi sgt, %select_n3A_1337, %sign3A_1340 : i32
        %sign3A_1342 = arith.extui %sign3A_1341 : i1 to i32
        %sign3A_1343 = arith.constant 0 : i32
        %sign3A_1344 = arith.cmpi slt, %select_n3A_1337, %sign3A_1343 : i32
        %sign3A_1345 = arith.extui %sign3A_1344 : i1 to i32
        %sign3A_1346 = arith.subi %sign3A_1342, %sign3A_1345 : i32
        %sign3A_1347 = arith.constant 0 : i32
        %sign3A_1348 = arith.cmpi sgt, %jit3A_1338, %sign3A_1347 : i32
        %sign3A_1349 = arith.extui %sign3A_1348 : i1 to i32
        %sign3A_1350 = arith.constant 0 : i32
        %sign3A_1351 = arith.cmpi slt, %jit3A_1338, %sign3A_1350 : i32
        %sign3A_1352 = arith.extui %sign3A_1351 : i1 to i32
        %sign3A_1353 = arith.subi %sign3A_1349, %sign3A_1352 : i32
        %ne3A_1354 = arith.cmpi ne, %sign3A_1346, %sign3A_1353 : i32
        %rem3A_1355 = arith.remsi %select_n3A_1337, %jit3A_1338 : i32
        %ne3A_1356 = arith.constant 0 : i32
        %ne3A_1357 = arith.cmpi ne, %rem3A_1355, %ne3A_1356 : i32
        %and3A_1358 = arith.andi %ne3A_1354, %ne3A_1357 : i1
        %sub3A_1359 = arith.constant 1 : i32
        %sub3A_1360 = arith.subi %div3A_1339, %sub3A_1359 : i32
        %select_n3A_1361 = arith.select %and3A_1358, %sub3A_1360, %div3A_1339 : i32
        %jit3A_1362 = arith.constant 16 : i32
        %eq3A_1363 = arith.constant 0 : i32
        %eq3A_1364 = arith.cmpi eq, %jit3A_1362, %eq3A_1363 : i32
        %jit3A_1365 = arith.constant 1 : i32
        %select_n3A_1366 = arith.select %eq3A_1364, %jit3A_1365, %jit3A_1362 : i32
        %rem3A_1367 = arith.remsi %select_n3A_1337, %select_n3A_1366 : i32
        %ne3A_1368 = arith.constant 0 : i32
        %ne3A_1369 = arith.cmpi ne, %rem3A_1367, %ne3A_1368 : i32
        %lt3A_1370 = arith.constant 0 : i32
        %lt3A_1371 = arith.cmpi slt, %rem3A_1367, %lt3A_1370 : i32
        %lt3A_1372 = arith.constant 0 : i32
        %lt3A_1373 = arith.cmpi slt, %select_n3A_1366, %lt3A_1372 : i32
        %ne3A_1374 = arith.xori %lt3A_1371, %lt3A_1373 : i1
        %and3A_1375 = arith.andi %ne3A_1374, %ne3A_1369 : i1
        %add3A_1376 = arith.addi %rem3A_1367, %select_n3A_1366 : i32
        %select_n3A_1377 = arith.select %and3A_1375, %add3A_1376, %rem3A_1367 : i32
        %mul3A_1378 = arith.constant 2 : i32
        %mul3A_1379 = arith.muli %select_n3A_1377, %mul3A_1378 : i32
        %dma_start3A_1380 = arith.constant 0 : i32
        %dma_start3A_1381 = arith.constant 0 : i32
        %dma_start3A_1382 = arith.constant 0 : i32
        %dma_start3A_1383 = tpu.memref_slice %arg2[%select_n3A_1321, %select_n3A_1361, %dma_start3A_1381, %mul3A_1379, %dma_start3A_1382] : memref<2x128x4x32x1024xf32, #tpu.memory_space<hbm>> -> memref<1x1x4x2x1024xf32, #tpu.memory_space<hbm>>
        %dma_start3A_1384 = tpu.memref_squeeze %dma_start3A_1383 : memref<1x1x4x2x1024xf32, #tpu.memory_space<hbm>> -> memref<4x2x1024xf32, #tpu.memory_space<hbm>>
        %dma_start3A_1385 = tpu.memref_slice %arg12[%dma_start3A_1380] : memref<4x!tpu.dma_semaphore, #tpu.memory_space<semaphore_mem>> -> memref<1x!tpu.dma_semaphore, #tpu.memory_space<semaphore_mem>>
        %dma_start3A_1386 = tpu.memref_squeeze %dma_start3A_1385 : memref<1x!tpu.dma_semaphore, #tpu.memory_space<semaphore_mem>> -> memref<!tpu.dma_semaphore, #tpu.memory_space<semaphore_mem>>
        %dma_start3A_1387 = arith.constant 0 : i32
        %dma_start3A_1388 = arith.constant 0 : i32
        %dma_start3A_1389 = tpu.memref_slice %arg2[%select_n3A_1321, %select_n3A_1361, %dma_start3A_1387, %mul3A_1379, %dma_start3A_1388] : memref<2x128x4x32x1024xf32, #tpu.memory_space<hbm>> -> memref<1x1x4x2x1024xf32, #tpu.memory_space<hbm>>
        %dma_start3A_1390 = tpu.memref_squeeze %dma_start3A_1389 : memref<1x1x4x2x1024xf32, #tpu.memory_space<hbm>> -> memref<4x2x1024xf32, #tpu.memory_space<hbm>>
        tpu.enqueue_dma source(%dma_start3A_1390 : memref<4x2x1024xf32, #tpu.memory_space<hbm>>) target(%arg4 : memref<4x2x1024xf32, #tpu.memory_space<vmem>>) target_semaphore(%dma_start3A_1386 : memref<!tpu.dma_semaphore, #tpu.memory_space<semaphore_mem>>)
      } else {
      }
      %mul3A_642 = arith.constant 4 : i32
      %mul3A_643 = arith.muli %scan3A_429, %mul3A_642 : i32
      %add3A_644 = arith.constant 1 : i32
      %add3A_645 = arith.addi %mul3A_643, %add3A_644 : i32
      %dma_wait3A_646 = arith.constant 0 : i32
      %dma_wait3A_647 = arith.constant 0 : i32
      %dma_wait3A_648 = arith.constant 1 : i32
      %dma_wait3A_649 = arith.constant 0 : i32
      %dma_wait3A_650 = arith.constant 0 : i32
      %dma_wait3A_651 = arith.constant 0 : i32
      %dma_wait3A_652 = tpu.memref_slice %arg2[%dma_wait3A_646, %dma_wait3A_647, %dma_wait3A_649, %dma_wait3A_650, %dma_wait3A_651] : memref<2x128x4x32x1024xf32, #tpu.memory_space<hbm>> -> memref<1x1x4x2x1024xf32, #tpu.memory_space<hbm>>
      %dma_wait3A_653 = tpu.memref_squeeze %dma_wait3A_652 : memref<1x1x4x2x1024xf32, #tpu.memory_space<hbm>> -> memref<4x2x1024xf32, #tpu.memory_space<hbm>>
      %dma_wait3A_654 = tpu.memref_slice %arg12[%dma_wait3A_648] : memref<4x!tpu.dma_semaphore, #tpu.memory_space<semaphore_mem>> -> memref<1x!tpu.dma_semaphore, #tpu.memory_space<semaphore_mem>>
      %dma_wait3A_655 = tpu.memref_squeeze %dma_wait3A_654 : memref<1x!tpu.dma_semaphore, #tpu.memory_space<semaphore_mem>> -> memref<!tpu.dma_semaphore, #tpu.memory_space<semaphore_mem>>
      %dma_wait3A_656 = arith.constant 0 : i32
      %dma_wait3A_657 = arith.constant 0 : i32
      %dma_wait3A_658 = arith.constant 0 : i32
      %dma_wait3A_659 = tpu.memref_slice %arg2[%dma_wait3A_646, %dma_wait3A_647, %dma_wait3A_656, %dma_wait3A_657, %dma_wait3A_658] : memref<2x128x4x32x1024xf32, #tpu.memory_space<hbm>> -> memref<1x1x4x2x1024xf32, #tpu.memory_space<hbm>>
      %dma_wait3A_660 = tpu.memref_squeeze %dma_wait3A_659 : memref<1x1x4x2x1024xf32, #tpu.memory_space<hbm>> -> memref<4x2x1024xf32, #tpu.memory_space<hbm>>
      tpu.wait_dma2 semaphore(%dma_wait3A_655 : memref<!tpu.dma_semaphore, #tpu.memory_space<semaphore_mem>>) src(%dma_wait3A_660 : memref<4x2x1024xf32, #tpu.memory_space<hbm>>) dst(%arg5 : memref<4x2x1024xf32, #tpu.memory_space<vmem>>)
      %ge3A_661 = arith.constant 4 : i32
      %ge3A_662 = arith.cmpi sge, %add3A_645, %ge3A_661 : i32
      %convert_element_type3A_663 = arith.extui %ge3A_662 : i1 to i32
      %cond3A_664 = arith.constant 0 : i32
      %cond3A_665 = arith.cmpi ne, %convert_element_type3A_663, %cond3A_664 : i32
      scf.if %cond3A_665 {
        %dma_wait3A_1293 = arith.constant 0 : i32
        %dma_wait3A_1294 = arith.constant 0 : i32
        %dma_wait3A_1295 = arith.constant 1 : i32
        %dma_wait3A_1296 = arith.constant 0 : i32
        %dma_wait3A_1297 = arith.constant 0 : i32
        %dma_wait3A_1298 = tpu.memref_slice %arg3[%dma_wait3A_1293, %dma_wait3A_1294, %dma_wait3A_1296, %dma_wait3A_1297] : memref<2x64x32x8192xf32, #tpu.memory_space<hbm>> -> memref<1x1x2x4096xf32, #tpu.memory_space<hbm>>
        %dma_wait3A_1299 = tpu.memref_squeeze %dma_wait3A_1298 : memref<1x1x2x4096xf32, #tpu.memory_space<hbm>> -> memref<2x4096xf32, #tpu.memory_space<hbm>>
        %dma_wait3A_1300 = tpu.memref_slice %arg13[%dma_wait3A_1295] : memref<4x!tpu.dma_semaphore, #tpu.memory_space<semaphore_mem>> -> memref<1x!tpu.dma_semaphore, #tpu.memory_space<semaphore_mem>>
        %dma_wait3A_1301 = tpu.memref_squeeze %dma_wait3A_1300 : memref<1x!tpu.dma_semaphore, #tpu.memory_space<semaphore_mem>> -> memref<!tpu.dma_semaphore, #tpu.memory_space<semaphore_mem>>
        %dma_wait3A_1302 = arith.constant 0 : i32
        %dma_wait3A_1303 = arith.constant 0 : i32
        %dma_wait3A_1304 = tpu.memref_slice %arg3[%dma_wait3A_1293, %dma_wait3A_1294, %dma_wait3A_1302, %dma_wait3A_1303] : memref<2x64x32x8192xf32, #tpu.memory_space<hbm>> -> memref<1x1x2x4096xf32, #tpu.memory_space<hbm>>
        %dma_wait3A_1305 = tpu.memref_squeeze %dma_wait3A_1304 : memref<1x1x2x4096xf32, #tpu.memory_space<hbm>> -> memref<2x4096xf32, #tpu.memory_space<hbm>>
        tpu.wait_dma2 semaphore(%dma_wait3A_1301 : memref<!tpu.dma_semaphore, #tpu.memory_space<semaphore_mem>>) src(%arg9 : memref<2x4096xf32, #tpu.memory_space<vmem>>) dst(%dma_wait3A_1305 : memref<2x4096xf32, #tpu.memory_space<hbm>>)
      } else {
      }
      %broadcast_in_dim3A_666 = arith.constant 0 : i32
      %broadcast_in_dim3A_667 = vector.broadcast %broadcast_in_dim3A_666 : i32 to vector<16xi32>
      %add3A_668 = arith.constant 0 : i32
      %add3A_669 = vector.broadcast %add3A_668 : i32 to vector<16xi32>
      %add3A_670 = arith.addi %mul3A_3, %add3A_669 : vector<16xi32>
      %parallel_loop3A_671 = arith.constant 0 : i32
      %parallel_loop3A_672 = arith.constant 64 : i32
      %parallel_loop3A_673 = arith.constant 1 : i32
      scf.for %parallel_loop3A_1293 = %parallel_loop3A_671 to %parallel_loop3A_672 step %parallel_loop3A_673  : i32 {
        %parallel_loop3A_1294 = arith.constant 16 : i32
        %parallel_loop3A_1295 = arith.muli %parallel_loop3A_1293, %parallel_loop3A_1294 : i32
        %parallel_loop3A_1296 = arith.constant 0 : i32
        %parallel_loop3A_1297 = arith.constant 0 : i32
        %parallel_loop3A_1298 = arith.index_cast %parallel_loop3A_1296 : i32 to index
        %parallel_loop3A_1299 = arith.index_cast %parallel_loop3A_1297 : i32 to index
        %parallel_loop3A_1300 = arith.index_cast %parallel_loop3A_1295 : i32 to index
        %parallel_loop3A_1301 = tpu.vector_load %arg5[%parallel_loop3A_1298, %parallel_loop3A_1299, %parallel_loop3A_1300] {strides = array<i32>} : memref<4x2x1024xf32, #tpu.memory_space<vmem>>, vector<16xf32>,
        %parallel_loop3A_1302 = arith.constant 64 : i32
        %parallel_loop3A_1303 = arith.muli %parallel_loop3A_1302, %parallel_loop3A_1293 : i32
        %parallel_loop3A_1304 = arith.constant 1 : i32
        %parallel_loop3A_1305 = arith.andi %parallel_loop3A_1293, %parallel_loop3A_1304 : i32
        %parallel_loop3A_1306 = arith.constant 32 : i32
        %parallel_loop3A_1307 = arith.muli %parallel_loop3A_1306, %parallel_loop3A_1305 : i32
        %parallel_loop3A_1308 = arith.subi %parallel_loop3A_1303, %parallel_loop3A_1307 : i32
        %parallel_loop3A_1309 = vector.broadcast %parallel_loop3A_1308 : i32 to vector<16xi32>
        %parallel_loop3A_1310 = arith.addi %add3A_670, %parallel_loop3A_1309 : vector<16xi32>
        tpu.vector_store_idx %arg9[%broadcast_in_dim3A_667, %parallel_loop3A_1310], %parallel_loop3A_1301 : memref<2x4096xf32, #tpu.memory_space<vmem>>[vector<16xi32>, vector<16xi32>], vector<16xf32>,
      } {sc.loop_unroll_factor = 8 : i64, sc.parallel_access}
      %add3A_674 = arith.constant 1 : i32
      %add3A_675 = vector.broadcast %add3A_674 : i32 to vector<16xi32>
      %add3A_676 = arith.addi %mul3A_3, %add3A_675 : vector<16xi32>
      %parallel_loop3A_677 = arith.constant 0 : i32
      %parallel_loop3A_678 = arith.constant 64 : i32
      %parallel_loop3A_679 = arith.constant 1 : i32
      scf.for %parallel_loop3A_1293 = %parallel_loop3A_677 to %parallel_loop3A_678 step %parallel_loop3A_679  : i32 {
        %parallel_loop3A_1294 = arith.constant 16 : i32
        %parallel_loop3A_1295 = arith.muli %parallel_loop3A_1293, %parallel_loop3A_1294 : i32
        %parallel_loop3A_1296 = arith.constant 1 : i32
        %parallel_loop3A_1297 = arith.constant 0 : i32
        %parallel_loop3A_1298 = arith.index_cast %parallel_loop3A_1296 : i32 to index
        %parallel_loop3A_1299 = arith.index_cast %parallel_loop3A_1297 : i32 to index
        %parallel_loop3A_1300 = arith.index_cast %parallel_loop3A_1295 : i32 to index
        %parallel_loop3A_1301 = tpu.vector_load %arg5[%parallel_loop3A_1298, %parallel_loop3A_1299, %parallel_loop3A_1300] {strides = array<i32>} : memref<4x2x1024xf32, #tpu.memory_space<vmem>>, vector<16xf32>,
        %parallel_loop3A_1302 = arith.constant 64 : i32
        %parallel_loop3A_1303 = arith.muli %parallel_loop3A_1302, %parallel_loop3A_1293 : i32
        %parallel_loop3A_1304 = arith.constant 1 : i32
        %parallel_loop3A_1305 = arith.andi %parallel_loop3A_1293, %parallel_loop3A_1304 : i32
        %parallel_loop3A_1306 = arith.constant 32 : i32
        %parallel_loop3A_1307 = arith.muli %parallel_loop3A_1306, %parallel_loop3A_1305 : i32
        %parallel_loop3A_1308 = arith.subi %parallel_loop3A_1303, %parallel_loop3A_1307 : i32
        %parallel_loop3A_1309 = vector.broadcast %parallel_loop3A_1308 : i32 to vector<16xi32>
        %parallel_loop3A_1310 = arith.addi %add3A_676, %parallel_loop3A_1309 : vector<16xi32>
        tpu.vector_store_idx %arg9[%broadcast_in_dim3A_667, %parallel_loop3A_1310], %parallel_loop3A_1301 : memref<2x4096xf32, #tpu.memory_space<vmem>>[vector<16xi32>, vector<16xi32>], vector<16xf32>,
      } {sc.loop_unroll_factor = 8 : i64, sc.parallel_access}
      %add3A_680 = arith.constant 64 : i32
      %add3A_681 = vector.broadcast %add3A_680 : i32 to vector<16xi32>
      %add3A_682 = arith.addi %mul3A_3, %add3A_681 : vector<16xi32>
      %parallel_loop3A_683 = arith.constant 0 : i32
      %parallel_loop3A_684 = arith.constant 64 : i32
      %parallel_loop3A_685 = arith.constant 1 : i32
      scf.for %parallel_loop3A_1293 = %parallel_loop3A_683 to %parallel_loop3A_684 step %parallel_loop3A_685  : i32 {
        %parallel_loop3A_1294 = arith.constant 16 : i32
        %parallel_loop3A_1295 = arith.muli %parallel_loop3A_1293, %parallel_loop3A_1294 : i32
        %parallel_loop3A_1296 = arith.constant 2 : i32
        %parallel_loop3A_1297 = arith.constant 0 : i32
        %parallel_loop3A_1298 = arith.index_cast %parallel_loop3A_1296 : i32 to index
        %parallel_loop3A_1299 = arith.index_cast %parallel_loop3A_1297 : i32 to index
        %parallel_loop3A_1300 = arith.index_cast %parallel_loop3A_1295 : i32 to index
        %parallel_loop3A_1301 = tpu.vector_load %arg5[%parallel_loop3A_1298, %parallel_loop3A_1299, %parallel_loop3A_1300] {strides = array<i32>} : memref<4x2x1024xf32, #tpu.memory_space<vmem>>, vector<16xf32>,
        %parallel_loop3A_1302 = arith.constant 64 : i32
        %parallel_loop3A_1303 = arith.muli %parallel_loop3A_1302, %parallel_loop3A_1293 : i32
        %parallel_loop3A_1304 = arith.constant 1 : i32
        %parallel_loop3A_1305 = arith.andi %parallel_loop3A_1293, %parallel_loop3A_1304 : i32
        %parallel_loop3A_1306 = arith.constant 32 : i32
        %parallel_loop3A_1307 = arith.muli %parallel_loop3A_1306, %parallel_loop3A_1305 : i32
        %parallel_loop3A_1308 = arith.subi %parallel_loop3A_1303, %parallel_loop3A_1307 : i32
        %parallel_loop3A_1309 = vector.broadcast %parallel_loop3A_1308 : i32 to vector<16xi32>
        %parallel_loop3A_1310 = arith.addi %add3A_682, %parallel_loop3A_1309 : vector<16xi32>
        tpu.vector_store_idx %arg9[%broadcast_in_dim3A_667, %parallel_loop3A_1310], %parallel_loop3A_1301 : memref<2x4096xf32, #tpu.memory_space<vmem>>[vector<16xi32>, vector<16xi32>], vector<16xf32>,
      } {sc.loop_unroll_factor = 8 : i64, sc.parallel_access}
      %add3A_686 = arith.constant 65 : i32
      %add3A_687 = vector.broadcast %add3A_686 : i32 to vector<16xi32>
      %add3A_688 = arith.addi %mul3A_3, %add3A_687 : vector<16xi32>
      %parallel_loop3A_689 = arith.constant 0 : i32
      %parallel_loop3A_690 = arith.constant 64 : i32
      %parallel_loop3A_691 = arith.constant 1 : i32
      scf.for %parallel_loop3A_1293 = %parallel_loop3A_689 to %parallel_loop3A_690 step %parallel_loop3A_691  : i32 {
        %parallel_loop3A_1294 = arith.constant 16 : i32
        %parallel_loop3A_1295 = arith.muli %parallel_loop3A_1293, %parallel_loop3A_1294 : i32
        %parallel_loop3A_1296 = arith.constant 3 : i32
        %parallel_loop3A_1297 = arith.constant 0 : i32
        %parallel_loop3A_1298 = arith.index_cast %parallel_loop3A_1296 : i32 to index
        %parallel_loop3A_1299 = arith.index_cast %parallel_loop3A_1297 : i32 to index
        %parallel_loop3A_1300 = arith.index_cast %parallel_loop3A_1295 : i32 to index
        %parallel_loop3A_1301 = tpu.vector_load %arg5[%parallel_loop3A_1298, %parallel_loop3A_1299, %parallel_loop3A_1300] {strides = array<i32>} : memref<4x2x1024xf32, #tpu.memory_space<vmem>>, vector<16xf32>,
        %parallel_loop3A_1302 = arith.constant 64 : i32
        %parallel_loop3A_1303 = arith.muli %parallel_loop3A_1302, %parallel_loop3A_1293 : i32
        %parallel_loop3A_1304 = arith.constant 1 : i32
        %parallel_loop3A_1305 = arith.andi %parallel_loop3A_1293, %parallel_loop3A_1304 : i32
        %parallel_loop3A_1306 = arith.constant 32 : i32
        %parallel_loop3A_1307 = arith.muli %parallel_loop3A_1306, %parallel_loop3A_1305 : i32
        %parallel_loop3A_1308 = arith.subi %parallel_loop3A_1303, %parallel_loop3A_1307 : i32
        %parallel_loop3A_1309 = vector.broadcast %parallel_loop3A_1308 : i32 to vector<16xi32>
        %parallel_loop3A_1310 = arith.addi %add3A_688, %parallel_loop3A_1309 : vector<16xi32>
        tpu.vector_store_idx %arg9[%broadcast_in_dim3A_667, %parallel_loop3A_1310], %parallel_loop3A_1301 : memref<2x4096xf32, #tpu.memory_space<vmem>>[vector<16xi32>, vector<16xi32>], vector<16xf32>,
      } {sc.loop_unroll_factor = 8 : i64, sc.parallel_access}
      %broadcast_in_dim3A_692 = arith.constant 1 : i32
      %broadcast_in_dim3A_693 = vector.broadcast %broadcast_in_dim3A_692 : i32 to vector<16xi32>
      %add3A_694 = arith.constant 0 : i32
      %add3A_695 = vector.broadcast %add3A_694 : i32 to vector<16xi32>
      %add3A_696 = arith.addi %mul3A_3, %add3A_695 : vector<16xi32>
      %parallel_loop3A_697 = arith.constant 0 : i32
      %parallel_loop3A_698 = arith.constant 64 : i32
      %parallel_loop3A_699 = arith.constant 1 : i32
      scf.for %parallel_loop3A_1293 = %parallel_loop3A_697 to %parallel_loop3A_698 step %parallel_loop3A_699  : i32 {
        %parallel_loop3A_1294 = arith.constant 16 : i32
        %parallel_loop3A_1295 = arith.muli %parallel_loop3A_1293, %parallel_loop3A_1294 : i32
        %parallel_loop3A_1296 = arith.constant 0 : i32
        %parallel_loop3A_1297 = arith.constant 1 : i32
        %parallel_loop3A_1298 = arith.index_cast %parallel_loop3A_1296 : i32 to index
        %parallel_loop3A_1299 = arith.index_cast %parallel_loop3A_1297 : i32 to index
        %parallel_loop3A_1300 = arith.index_cast %parallel_loop3A_1295 : i32 to index
        %parallel_loop3A_1301 = tpu.vector_load %arg5[%parallel_loop3A_1298, %parallel_loop3A_1299, %parallel_loop3A_1300] {strides = array<i32>} : memref<4x2x1024xf32, #tpu.memory_space<vmem>>, vector<16xf32>,
        %parallel_loop3A_1302 = arith.constant 64 : i32
        %parallel_loop3A_1303 = arith.muli %parallel_loop3A_1302, %parallel_loop3A_1293 : i32
        %parallel_loop3A_1304 = arith.constant 1 : i32
        %parallel_loop3A_1305 = arith.andi %parallel_loop3A_1293, %parallel_loop3A_1304 : i32
        %parallel_loop3A_1306 = arith.constant 32 : i32
        %parallel_loop3A_1307 = arith.muli %parallel_loop3A_1306, %parallel_loop3A_1305 : i32
        %parallel_loop3A_1308 = arith.subi %parallel_loop3A_1303, %parallel_loop3A_1307 : i32
        %parallel_loop3A_1309 = vector.broadcast %parallel_loop3A_1308 : i32 to vector<16xi32>
        %parallel_loop3A_1310 = arith.addi %add3A_696, %parallel_loop3A_1309 : vector<16xi32>
        tpu.vector_store_idx %arg9[%broadcast_in_dim3A_693, %parallel_loop3A_1310], %parallel_loop3A_1301 : memref<2x4096xf32, #tpu.memory_space<vmem>>[vector<16xi32>, vector<16xi32>], vector<16xf32>,
      } {sc.loop_unroll_factor = 8 : i64, sc.parallel_access}
      %add3A_700 = arith.constant 1 : i32
      %add3A_701 = vector.broadcast %add3A_700 : i32 to vector<16xi32>
      %add3A_702 = arith.addi %mul3A_3, %add3A_701 : vector<16xi32>
      %parallel_loop3A_703 = arith.constant 0 : i32
      %parallel_loop3A_704 = arith.constant 64 : i32
      %parallel_loop3A_705 = arith.constant 1 : i32
      scf.for %parallel_loop3A_1293 = %parallel_loop3A_703 to %parallel_loop3A_704 step %parallel_loop3A_705  : i32 {
        %parallel_loop3A_1294 = arith.constant 16 : i32
        %parallel_loop3A_1295 = arith.muli %parallel_loop3A_1293, %parallel_loop3A_1294 : i32
        %parallel_loop3A_1296 = arith.constant 1 : i32
        %parallel_loop3A_1297 = arith.constant 1 : i32
        %parallel_loop3A_1298 = arith.index_cast %parallel_loop3A_1296 : i32 to index
        %parallel_loop3A_1299 = arith.index_cast %parallel_loop3A_1297 : i32 to index
        %parallel_loop3A_1300 = arith.index_cast %parallel_loop3A_1295 : i32 to index
        %parallel_loop3A_1301 = tpu.vector_load %arg5[%parallel_loop3A_1298, %parallel_loop3A_1299, %parallel_loop3A_1300] {strides = array<i32>} : memref<4x2x1024xf32, #tpu.memory_space<vmem>>, vector<16xf32>,
        %parallel_loop3A_1302 = arith.constant 64 : i32
        %parallel_loop3A_1303 = arith.muli %parallel_loop3A_1302, %parallel_loop3A_1293 : i32
        %parallel_loop3A_1304 = arith.constant 1 : i32
        %parallel_loop3A_1305 = arith.andi %parallel_loop3A_1293, %parallel_loop3A_1304 : i32
        %parallel_loop3A_1306 = arith.constant 32 : i32
        %parallel_loop3A_1307 = arith.muli %parallel_loop3A_1306, %parallel_loop3A_1305 : i32
        %parallel_loop3A_1308 = arith.subi %parallel_loop3A_1303, %parallel_loop3A_1307 : i32
        %parallel_loop3A_1309 = vector.broadcast %parallel_loop3A_1308 : i32 to vector<16xi32>
        %parallel_loop3A_1310 = arith.addi %add3A_702, %parallel_loop3A_1309 : vector<16xi32>
        tpu.vector_store_idx %arg9[%broadcast_in_dim3A_693, %parallel_loop3A_1310], %parallel_loop3A_1301 : memref<2x4096xf32, #tpu.memory_space<vmem>>[vector<16xi32>, vector<16xi32>], vector<16xf32>,
      } {sc.loop_unroll_factor = 8 : i64, sc.parallel_access}
      %add3A_706 = arith.constant 64 : i32
      %add3A_707 = vector.broadcast %add3A_706 : i32 to vector<16xi32>
      %add3A_708 = arith.addi %mul3A_3, %add3A_707 : vector<16xi32>
      %parallel_loop3A_709 = arith.constant 0 : i32
      %parallel_loop3A_710 = arith.constant 64 : i32
      %parallel_loop3A_711 = arith.constant 1 : i32
      scf.for %parallel_loop3A_1293 = %parallel_loop3A_709 to %parallel_loop3A_710 step %parallel_loop3A_711  : i32 {
        %parallel_loop3A_1294 = arith.constant 16 : i32
        %parallel_loop3A_1295 = arith.muli %parallel_loop3A_1293, %parallel_loop3A_1294 : i32
        %parallel_loop3A_1296 = arith.constant 2 : i32
        %parallel_loop3A_1297 = arith.constant 1 : i32
        %parallel_loop3A_1298 = arith.index_cast %parallel_loop3A_1296 : i32 to index
        %parallel_loop3A_1299 = arith.index_cast %parallel_loop3A_1297 : i32 to index
        %parallel_loop3A_1300 = arith.index_cast %parallel_loop3A_1295 : i32 to index
        %parallel_loop3A_1301 = tpu.vector_load %arg5[%parallel_loop3A_1298, %parallel_loop3A_1299, %parallel_loop3A_1300] {strides = array<i32>} : memref<4x2x1024xf32, #tpu.memory_space<vmem>>, vector<16xf32>,
        %parallel_loop3A_1302 = arith.constant 64 : i32
        %parallel_loop3A_1303 = arith.muli %parallel_loop3A_1302, %parallel_loop3A_1293 : i32
        %parallel_loop3A_1304 = arith.constant 1 : i32
        %parallel_loop3A_1305 = arith.andi %parallel_loop3A_1293, %parallel_loop3A_1304 : i32
        %parallel_loop3A_1306 = arith.constant 32 : i32
        %parallel_loop3A_1307 = arith.muli %parallel_loop3A_1306, %parallel_loop3A_1305 : i32
        %parallel_loop3A_1308 = arith.subi %parallel_loop3A_1303, %parallel_loop3A_1307 : i32
        %parallel_loop3A_1309 = vector.broadcast %parallel_loop3A_1308 : i32 to vector<16xi32>
        %parallel_loop3A_1310 = arith.addi %add3A_708, %parallel_loop3A_1309 : vector<16xi32>
        tpu.vector_store_idx %arg9[%broadcast_in_dim3A_693, %parallel_loop3A_1310], %parallel_loop3A_1301 : memref<2x4096xf32, #tpu.memory_space<vmem>>[vector<16xi32>, vector<16xi32>], vector<16xf32>,
      } {sc.loop_unroll_factor = 8 : i64, sc.parallel_access}
      %add3A_712 = arith.constant 65 : i32
      %add3A_713 = vector.broadcast %add3A_712 : i32 to vector<16xi32>
      %add3A_714 = arith.addi %mul3A_3, %add3A_713 : vector<16xi32>
      %parallel_loop3A_715 = arith.constant 0 : i32
      %parallel_loop3A_716 = arith.constant 64 : i32
      %parallel_loop3A_717 = arith.constant 1 : i32
      scf.for %parallel_loop3A_1293 = %parallel_loop3A_715 to %parallel_loop3A_716 step %parallel_loop3A_717  : i32 {
        %parallel_loop3A_1294 = arith.constant 16 : i32
        %parallel_loop3A_1295 = arith.muli %parallel_loop3A_1293, %parallel_loop3A_1294 : i32
        %parallel_loop3A_1296 = arith.constant 3 : i32
        %parallel_loop3A_1297 = arith.constant 1 : i32
        %parallel_loop3A_1298 = arith.index_cast %parallel_loop3A_1296 : i32 to index
        %parallel_loop3A_1299 = arith.index_cast %parallel_loop3A_1297 : i32 to index
        %parallel_loop3A_1300 = arith.index_cast %parallel_loop3A_1295 : i32 to index
        %parallel_loop3A_1301 = tpu.vector_load %arg5[%parallel_loop3A_1298, %parallel_loop3A_1299, %parallel_loop3A_1300] {strides = array<i32>} : memref<4x2x1024xf32, #tpu.memory_space<vmem>>, vector<16xf32>,
        %parallel_loop3A_1302 = arith.constant 64 : i32
        %parallel_loop3A_1303 = arith.muli %parallel_loop3A_1302, %parallel_loop3A_1293 : i32
        %parallel_loop3A_1304 = arith.constant 1 : i32
        %parallel_loop3A_1305 = arith.andi %parallel_loop3A_1293, %parallel_loop3A_1304 : i32
        %parallel_loop3A_1306 = arith.constant 32 : i32
        %parallel_loop3A_1307 = arith.muli %parallel_loop3A_1306, %parallel_loop3A_1305 : i32
        %parallel_loop3A_1308 = arith.subi %parallel_loop3A_1303, %parallel_loop3A_1307 : i32
        %parallel_loop3A_1309 = vector.broadcast %parallel_loop3A_1308 : i32 to vector<16xi32>
        %parallel_loop3A_1310 = arith.addi %add3A_714, %parallel_loop3A_1309 : vector<16xi32>
        tpu.vector_store_idx %arg9[%broadcast_in_dim3A_693, %parallel_loop3A_1310], %parallel_loop3A_1301 : memref<2x4096xf32, #tpu.memory_space<vmem>>[vector<16xi32>, vector<16xi32>], vector<16xf32>,
      } {sc.loop_unroll_factor = 8 : i64, sc.parallel_access}
      %mul3A_718 = arith.constant 32 : i32
      %mul3A_719 = arith.muli %add3A_645, %mul3A_718 : i32
      %add3A_720 = arith.addi %mul3A_719, %add3A : i32
      %jit3A_721 = arith.constant 2048 : i32
      %div3A_722 = arith.divsi %add3A_720, %jit3A_721 : i32
      %sign3A_723 = arith.constant 0 : i32
      %sign3A_724 = arith.cmpi sgt, %add3A_720, %sign3A_723 : i32
      %sign3A_725 = arith.extui %sign3A_724 : i1 to i32
      %sign3A_726 = arith.constant 0 : i32
      %sign3A_727 = arith.cmpi slt, %add3A_720, %sign3A_726 : i32
      %sign3A_728 = arith.extui %sign3A_727 : i1 to i32
      %sign3A_729 = arith.subi %sign3A_725, %sign3A_728 : i32
      %sign3A_730 = arith.constant 0 : i32
      %sign3A_731 = arith.cmpi sgt, %jit3A_721, %sign3A_730 : i32
      %sign3A_732 = arith.extui %sign3A_731 : i1 to i32
      %sign3A_733 = arith.constant 0 : i32
      %sign3A_734 = arith.cmpi slt, %jit3A_721, %sign3A_733 : i32
      %sign3A_735 = arith.extui %sign3A_734 : i1 to i32
      %sign3A_736 = arith.subi %sign3A_732, %sign3A_735 : i32
      %ne3A_737 = arith.cmpi ne, %sign3A_729, %sign3A_736 : i32
      %rem3A_738 = arith.remsi %add3A_720, %jit3A_721 : i32
      %ne3A_739 = arith.constant 0 : i32
      %ne3A_740 = arith.cmpi ne, %rem3A_738, %ne3A_739 : i32
      %and3A_741 = arith.andi %ne3A_737, %ne3A_740 : i1
      %sub3A_742 = arith.constant 1 : i32
      %sub3A_743 = arith.subi %div3A_722, %sub3A_742 : i32
      %select_n3A_744 = arith.select %and3A_741, %sub3A_743, %div3A_722 : i32
      %jit3A_745 = arith.constant 2048 : i32
      %eq3A_746 = arith.constant 0 : i32
      %eq3A_747 = arith.cmpi eq, %jit3A_745, %eq3A_746 : i32
      %jit3A_748 = arith.constant 1 : i32
      %select_n3A_749 = arith.select %eq3A_747, %jit3A_748, %jit3A_745 : i32
      %rem3A_750 = arith.remsi %add3A_720, %select_n3A_749 : i32
      %ne3A_751 = arith.constant 0 : i32
      %ne3A_752 = arith.cmpi ne, %rem3A_750, %ne3A_751 : i32
      %lt3A_753 = arith.constant 0 : i32
      %lt3A_754 = arith.cmpi slt, %rem3A_750, %lt3A_753 : i32
      %lt3A_755 = arith.constant 0 : i32
      %lt3A_756 = arith.cmpi slt, %select_n3A_749, %lt3A_755 : i32
      %ne3A_757 = arith.xori %lt3A_754, %lt3A_756 : i1
      %and3A_758 = arith.andi %ne3A_757, %ne3A_752 : i1
      %add3A_759 = arith.addi %rem3A_750, %select_n3A_749 : i32
      %select_n3A_760 = arith.select %and3A_758, %add3A_759, %rem3A_750 : i32
      %jit3A_761 = arith.constant 16 : i32
      %div3A_762 = arith.divsi %select_n3A_760, %jit3A_761 : i32
      %sign3A_763 = arith.constant 0 : i32
      %sign3A_764 = arith.cmpi sgt, %select_n3A_760, %sign3A_763 : i32
      %sign3A_765 = arith.extui %sign3A_764 : i1 to i32
      %sign3A_766 = arith.constant 0 : i32
      %sign3A_767 = arith.cmpi slt, %select_n3A_760, %sign3A_766 : i32
      %sign3A_768 = arith.extui %sign3A_767 : i1 to i32
      %sign3A_769 = arith.subi %sign3A_765, %sign3A_768 : i32
      %sign3A_770 = arith.constant 0 : i32
      %sign3A_771 = arith.cmpi sgt, %jit3A_761, %sign3A_770 : i32
      %sign3A_772 = arith.extui %sign3A_771 : i1 to i32
      %sign3A_773 = arith.constant 0 : i32
      %sign3A_774 = arith.cmpi slt, %jit3A_761, %sign3A_773 : i32
      %sign3A_775 = arith.extui %sign3A_774 : i1 to i32
      %sign3A_776 = arith.subi %sign3A_772, %sign3A_775 : i32
      %ne3A_777 = arith.cmpi ne, %sign3A_769, %sign3A_776 : i32
      %rem3A_778 = arith.remsi %select_n3A_760, %jit3A_761 : i32
      %ne3A_779 = arith.constant 0 : i32
      %ne3A_780 = arith.cmpi ne, %rem3A_778, %ne3A_779 : i32
      %and3A_781 = arith.andi %ne3A_777, %ne3A_780 : i1
      %sub3A_782 = arith.constant 1 : i32
      %sub3A_783 = arith.subi %div3A_762, %sub3A_782 : i32
      %select_n3A_784 = arith.select %and3A_781, %sub3A_783, %div3A_762 : i32
      %jit3A_785 = arith.constant 16 : i32
      %eq3A_786 = arith.constant 0 : i32
      %eq3A_787 = arith.cmpi eq, %jit3A_785, %eq3A_786 : i32
      %jit3A_788 = arith.constant 1 : i32
      %select_n3A_789 = arith.select %eq3A_787, %jit3A_788, %jit3A_785 : i32
      %rem3A_790 = arith.remsi %select_n3A_760, %select_n3A_789 : i32
      %ne3A_791 = arith.constant 0 : i32
      %ne3A_792 = arith.cmpi ne, %rem3A_790, %ne3A_791 : i32
      %lt3A_793 = arith.constant 0 : i32
      %lt3A_794 = arith.cmpi slt, %rem3A_790, %lt3A_793 : i32
      %lt3A_795 = arith.constant 0 : i32
      %lt3A_796 = arith.cmpi slt, %select_n3A_789, %lt3A_795 : i32
      %ne3A_797 = arith.xori %lt3A_794, %lt3A_796 : i1
      %and3A_798 = arith.andi %ne3A_797, %ne3A_792 : i1
      %add3A_799 = arith.addi %rem3A_790, %select_n3A_789 : i32
      %select_n3A_800 = arith.select %and3A_798, %add3A_799, %rem3A_790 : i32
      %jit3A_801 = arith.constant 2 : i32
      %div3A_802 = arith.divsi %select_n3A_784, %jit3A_801 : i32
      %sign3A_803 = arith.constant 0 : i32
      %sign3A_804 = arith.cmpi sgt, %select_n3A_784, %sign3A_803 : i32
      %sign3A_805 = arith.extui %sign3A_804 : i1 to i32
      %sign3A_806 = arith.constant 0 : i32
      %sign3A_807 = arith.cmpi slt, %select_n3A_784, %sign3A_806 : i32
      %sign3A_808 = arith.extui %sign3A_807 : i1 to i32
      %sign3A_809 = arith.subi %sign3A_805, %sign3A_808 : i32
      %sign3A_810 = arith.constant 0 : i32
      %sign3A_811 = arith.cmpi sgt, %jit3A_801, %sign3A_810 : i32
      %sign3A_812 = arith.extui %sign3A_811 : i1 to i32
      %sign3A_813 = arith.constant 0 : i32
      %sign3A_814 = arith.cmpi slt, %jit3A_801, %sign3A_813 : i32
      %sign3A_815 = arith.extui %sign3A_814 : i1 to i32
      %sign3A_816 = arith.subi %sign3A_812, %sign3A_815 : i32
      %ne3A_817 = arith.cmpi ne, %sign3A_809, %sign3A_816 : i32
      %rem3A_818 = arith.remsi %select_n3A_784, %jit3A_801 : i32
      %ne3A_819 = arith.constant 0 : i32
      %ne3A_820 = arith.cmpi ne, %rem3A_818, %ne3A_819 : i32
      %and3A_821 = arith.andi %ne3A_817, %ne3A_820 : i1
      %sub3A_822 = arith.constant 1 : i32
      %sub3A_823 = arith.subi %div3A_802, %sub3A_822 : i32
      %select_n3A_824 = arith.select %and3A_821, %sub3A_823, %div3A_802 : i32
      %mul3A_825 = arith.constant 2 : i32
      %mul3A_826 = arith.muli %select_n3A_800, %mul3A_825 : i32
      %jit3A_827 = arith.constant 2 : i32
      %eq3A_828 = arith.constant 0 : i32
      %eq3A_829 = arith.cmpi eq, %jit3A_827, %eq3A_828 : i32
      %jit3A_830 = arith.constant 1 : i32
      %select_n3A_831 = arith.select %eq3A_829, %jit3A_830, %jit3A_827 : i32
      %rem3A_832 = arith.remsi %select_n3A_784, %select_n3A_831 : i32
      %ne3A_833 = arith.constant 0 : i32
      %ne3A_834 = arith.cmpi ne, %rem3A_832, %ne3A_833 : i32
      %lt3A_835 = arith.constant 0 : i32
      %lt3A_836 = arith.cmpi slt, %rem3A_832, %lt3A_835 : i32
      %lt3A_837 = arith.constant 0 : i32
      %lt3A_838 = arith.cmpi slt, %select_n3A_831, %lt3A_837 : i32
      %ne3A_839 = arith.xori %lt3A_836, %lt3A_838 : i1
      %and3A_840 = arith.andi %ne3A_839, %ne3A_834 : i1
      %add3A_841 = arith.addi %rem3A_832, %select_n3A_831 : i32
      %select_n3A_842 = arith.select %and3A_840, %add3A_841, %rem3A_832 : i32
      %mul3A_843 = arith.constant 4096 : i32
      %mul3A_844 = arith.muli %select_n3A_842, %mul3A_843 : i32
      %dma_start3A_845 = arith.constant 1 : i32
      %dma_start3A_846 = tpu.memref_slice %arg3[%select_n3A_744, %select_n3A_824, %mul3A_826, %mul3A_844] : memref<2x64x32x8192xf32, #tpu.memory_space<hbm>> -> memref<1x1x2x4096xf32, #tpu.memory_space<hbm>>
      %dma_start3A_847 = tpu.memref_squeeze %dma_start3A_846 : memref<1x1x2x4096xf32, #tpu.memory_space<hbm>> -> memref<2x4096xf32, #tpu.memory_space<hbm>>
      %dma_start3A_848 = tpu.memref_slice %arg13[%dma_start3A_845] : memref<4x!tpu.dma_semaphore, #tpu.memory_space<semaphore_mem>> -> memref<1x!tpu.dma_semaphore, #tpu.memory_space<semaphore_mem>>
      %dma_start3A_849 = tpu.memref_squeeze %dma_start3A_848 : memref<1x!tpu.dma_semaphore, #tpu.memory_space<semaphore_mem>> -> memref<!tpu.dma_semaphore, #tpu.memory_space<semaphore_mem>>
      %dma_start3A_850 = tpu.memref_slice %arg3[%select_n3A_744, %select_n3A_824, %mul3A_826, %mul3A_844] : memref<2x64x32x8192xf32, #tpu.memory_space<hbm>> -> memref<1x1x2x4096xf32, #tpu.memory_space<hbm>>
      %dma_start3A_851 = tpu.memref_squeeze %dma_start3A_850 : memref<1x1x2x4096xf32, #tpu.memory_space<hbm>> -> memref<2x4096xf32, #tpu.memory_space<hbm>>
      tpu.enqueue_dma source(%arg9 : memref<2x4096xf32, #tpu.memory_space<vmem>>) target(%dma_start3A_851 : memref<2x4096xf32, #tpu.memory_space<hbm>>) target_semaphore(%dma_start3A_849 : memref<!tpu.dma_semaphore, #tpu.memory_space<semaphore_mem>>)
      %add3A_852 = arith.constant 4 : i32
      %add3A_853 = arith.addi %add3A_645, %add3A_852 : i32
      %lt3A_854 = arith.constant 128 : i32
      %lt3A_855 = arith.cmpi slt, %add3A_853, %lt3A_854 : i32
      %convert_element_type3A_856 = arith.extui %lt3A_855 : i1 to i32
      %cond3A_857 = arith.constant 0 : i32
      %cond3A_858 = arith.cmpi ne, %convert_element_type3A_856, %cond3A_857 : i32
      scf.if %cond3A_858 {
        %add3A_1293 = arith.constant 4 : i32
        %add3A_1294 = arith.addi %add3A_645, %add3A_1293 : i32
        %mul3A_1295 = arith.constant 32 : i32
        %mul3A_1296 = arith.muli %add3A_1294, %mul3A_1295 : i32
        %add3A_1297 = arith.addi %mul3A_1296, %add3A : i32
        %jit3A_1298 = arith.constant 2048 : i32
        %div3A_1299 = arith.divsi %add3A_1297, %jit3A_1298 : i32
        %sign3A_1300 = arith.constant 0 : i32
        %sign3A_1301 = arith.cmpi sgt, %add3A_1297, %sign3A_1300 : i32
        %sign3A_1302 = arith.extui %sign3A_1301 : i1 to i32
        %sign3A_1303 = arith.constant 0 : i32
        %sign3A_1304 = arith.cmpi slt, %add3A_1297, %sign3A_1303 : i32
        %sign3A_1305 = arith.extui %sign3A_1304 : i1 to i32
        %sign3A_1306 = arith.subi %sign3A_1302, %sign3A_1305 : i32
        %sign3A_1307 = arith.constant 0 : i32
        %sign3A_1308 = arith.cmpi sgt, %jit3A_1298, %sign3A_1307 : i32
        %sign3A_1309 = arith.extui %sign3A_1308 : i1 to i32
        %sign3A_1310 = arith.constant 0 : i32
        %sign3A_1311 = arith.cmpi slt, %jit3A_1298, %sign3A_1310 : i32
        %sign3A_1312 = arith.extui %sign3A_1311 : i1 to i32
        %sign3A_1313 = arith.subi %sign3A_1309, %sign3A_1312 : i32
        %ne3A_1314 = arith.cmpi ne, %sign3A_1306, %sign3A_1313 : i32
        %rem3A_1315 = arith.remsi %add3A_1297, %jit3A_1298 : i32
        %ne3A_1316 = arith.constant 0 : i32
        %ne3A_1317 = arith.cmpi ne, %rem3A_1315, %ne3A_1316 : i32
        %and3A_1318 = arith.andi %ne3A_1314, %ne3A_1317 : i1
        %sub3A_1319 = arith.constant 1 : i32
        %sub3A_1320 = arith.subi %div3A_1299, %sub3A_1319 : i32
        %select_n3A_1321 = arith.select %and3A_1318, %sub3A_1320, %div3A_1299 : i32
        %jit3A_1322 = arith.constant 2048 : i32
        %eq3A_1323 = arith.constant 0 : i32
        %eq3A_1324 = arith.cmpi eq, %jit3A_1322, %eq3A_1323 : i32
        %jit3A_1325 = arith.constant 1 : i32
        %select_n3A_1326 = arith.select %eq3A_1324, %jit3A_1325, %jit3A_1322 : i32
        %rem3A_1327 = arith.remsi %add3A_1297, %select_n3A_1326 : i32
        %ne3A_1328 = arith.constant 0 : i32
        %ne3A_1329 = arith.cmpi ne, %rem3A_1327, %ne3A_1328 : i32
        %lt3A_1330 = arith.constant 0 : i32
        %lt3A_1331 = arith.cmpi slt, %rem3A_1327, %lt3A_1330 : i32
        %lt3A_1332 = arith.constant 0 : i32
        %lt3A_1333 = arith.cmpi slt, %select_n3A_1326, %lt3A_1332 : i32
        %ne3A_1334 = arith.xori %lt3A_1331, %lt3A_1333 : i1
        %and3A_1335 = arith.andi %ne3A_1334, %ne3A_1329 : i1
        %add3A_1336 = arith.addi %rem3A_1327, %select_n3A_1326 : i32
        %select_n3A_1337 = arith.select %and3A_1335, %add3A_1336, %rem3A_1327 : i32
        %jit3A_1338 = arith.constant 16 : i32
        %div3A_1339 = arith.divsi %select_n3A_1337, %jit3A_1338 : i32
        %sign3A_1340 = arith.constant 0 : i32
        %sign3A_1341 = arith.cmpi sgt, %select_n3A_1337, %sign3A_1340 : i32
        %sign3A_1342 = arith.extui %sign3A_1341 : i1 to i32
        %sign3A_1343 = arith.constant 0 : i32
        %sign3A_1344 = arith.cmpi slt, %select_n3A_1337, %sign3A_1343 : i32
        %sign3A_1345 = arith.extui %sign3A_1344 : i1 to i32
        %sign3A_1346 = arith.subi %sign3A_1342, %sign3A_1345 : i32
        %sign3A_1347 = arith.constant 0 : i32
        %sign3A_1348 = arith.cmpi sgt, %jit3A_1338, %sign3A_1347 : i32
        %sign3A_1349 = arith.extui %sign3A_1348 : i1 to i32
        %sign3A_1350 = arith.constant 0 : i32
        %sign3A_1351 = arith.cmpi slt, %jit3A_1338, %sign3A_1350 : i32
        %sign3A_1352 = arith.extui %sign3A_1351 : i1 to i32
        %sign3A_1353 = arith.subi %sign3A_1349, %sign3A_1352 : i32
        %ne3A_1354 = arith.cmpi ne, %sign3A_1346, %sign3A_1353 : i32
        %rem3A_1355 = arith.remsi %select_n3A_1337, %jit3A_1338 : i32
        %ne3A_1356 = arith.constant 0 : i32
        %ne3A_1357 = arith.cmpi ne, %rem3A_1355, %ne3A_1356 : i32
        %and3A_1358 = arith.andi %ne3A_1354, %ne3A_1357 : i1
        %sub3A_1359 = arith.constant 1 : i32
        %sub3A_1360 = arith.subi %div3A_1339, %sub3A_1359 : i32
        %select_n3A_1361 = arith.select %and3A_1358, %sub3A_1360, %div3A_1339 : i32
        %jit3A_1362 = arith.constant 16 : i32
        %eq3A_1363 = arith.constant 0 : i32
        %eq3A_1364 = arith.cmpi eq, %jit3A_1362, %eq3A_1363 : i32
        %jit3A_1365 = arith.constant 1 : i32
        %select_n3A_1366 = arith.select %eq3A_1364, %jit3A_1365, %jit3A_1362 : i32
        %rem3A_1367 = arith.remsi %select_n3A_1337, %select_n3A_1366 : i32
        %ne3A_1368 = arith.constant 0 : i32
        %ne3A_1369 = arith.cmpi ne, %rem3A_1367, %ne3A_1368 : i32
        %lt3A_1370 = arith.constant 0 : i32
        %lt3A_1371 = arith.cmpi slt, %rem3A_1367, %lt3A_1370 : i32
        %lt3A_1372 = arith.constant 0 : i32
        %lt3A_1373 = arith.cmpi slt, %select_n3A_1366, %lt3A_1372 : i32
        %ne3A_1374 = arith.xori %lt3A_1371, %lt3A_1373 : i1
        %and3A_1375 = arith.andi %ne3A_1374, %ne3A_1369 : i1
        %add3A_1376 = arith.addi %rem3A_1367, %select_n3A_1366 : i32
        %select_n3A_1377 = arith.select %and3A_1375, %add3A_1376, %rem3A_1367 : i32
        %mul3A_1378 = arith.constant 2 : i32
        %mul3A_1379 = arith.muli %select_n3A_1377, %mul3A_1378 : i32
        %dma_start3A_1380 = arith.constant 1 : i32
        %dma_start3A_1381 = arith.constant 0 : i32
        %dma_start3A_1382 = arith.constant 0 : i32
        %dma_start3A_1383 = tpu.memref_slice %arg2[%select_n3A_1321, %select_n3A_1361, %dma_start3A_1381, %mul3A_1379, %dma_start3A_1382] : memref<2x128x4x32x1024xf32, #tpu.memory_space<hbm>> -> memref<1x1x4x2x1024xf32, #tpu.memory_space<hbm>>
        %dma_start3A_1384 = tpu.memref_squeeze %dma_start3A_1383 : memref<1x1x4x2x1024xf32, #tpu.memory_space<hbm>> -> memref<4x2x1024xf32, #tpu.memory_space<hbm>>
        %dma_start3A_1385 = tpu.memref_slice %arg12[%dma_start3A_1380] : memref<4x!tpu.dma_semaphore, #tpu.memory_space<semaphore_mem>> -> memref<1x!tpu.dma_semaphore, #tpu.memory_space<semaphore_mem>>
        %dma_start3A_1386 = tpu.memref_squeeze %dma_start3A_1385 : memref<1x!tpu.dma_semaphore, #tpu.memory_space<semaphore_mem>> -> memref<!tpu.dma_semaphore, #tpu.memory_space<semaphore_mem>>
        %dma_start3A_1387 = arith.constant 0 : i32
        %dma_start3A_1388 = arith.constant 0 : i32
        %dma_start3A_1389 = tpu.memref_slice %arg2[%select_n3A_1321, %select_n3A_1361, %dma_start3A_1387, %mul3A_1379, %dma_start3A_1388] : memref<2x128x4x32x1024xf32, #tpu.memory_space<hbm>> -> memref<1x1x4x2x1024xf32, #tpu.memory_space<hbm>>
        %dma_start3A_1390 = tpu.memref_squeeze %dma_start3A_1389 : memref<1x1x4x2x1024xf32, #tpu.memory_space<hbm>> -> memref<4x2x1024xf32, #tpu.memory_space<hbm>>
        tpu.enqueue_dma source(%dma_start3A_1390 : memref<4x2x1024xf32, #tpu.memory_space<hbm>>) target(%arg5 : memref<4x2x1024xf32, #tpu.memory_space<vmem>>) target_semaphore(%dma_start3A_1386 : memref<!tpu.dma_semaphore, #tpu.memory_space<semaphore_mem>>)
      } else {
      }
      %mul3A_859 = arith.constant 4 : i32
      %mul3A_860 = arith.muli %scan3A_429, %mul3A_859 : i32
      %add3A_861 = arith.constant 2 : i32
      %add3A_862 = arith.addi %mul3A_860, %add3A_861 : i32
      %dma_wait3A_863 = arith.constant 0 : i32
      %dma_wait3A_864 = arith.constant 0 : i32
      %dma_wait3A_865 = arith.constant 2 : i32
      %dma_wait3A_866 = arith.constant 0 : i32
      %dma_wait3A_867 = arith.constant 0 : i32
      %dma_wait3A_868 = arith.constant 0 : i32
      %dma_wait3A_869 = tpu.memref_slice %arg2[%dma_wait3A_863, %dma_wait3A_864, %dma_wait3A_866, %dma_wait3A_867, %dma_wait3A_868] : memref<2x128x4x32x1024xf32, #tpu.memory_space<hbm>> -> memref<1x1x4x2x1024xf32, #tpu.memory_space<hbm>>
      %dma_wait3A_870 = tpu.memref_squeeze %dma_wait3A_869 : memref<1x1x4x2x1024xf32, #tpu.memory_space<hbm>> -> memref<4x2x1024xf32, #tpu.memory_space<hbm>>
      %dma_wait3A_871 = tpu.memref_slice %arg12[%dma_wait3A_865] : memref<4x!tpu.dma_semaphore, #tpu.memory_space<semaphore_mem>> -> memref<1x!tpu.dma_semaphore, #tpu.memory_space<semaphore_mem>>
      %dma_wait3A_872 = tpu.memref_squeeze %dma_wait3A_871 : memref<1x!tpu.dma_semaphore, #tpu.memory_space<semaphore_mem>> -> memref<!tpu.dma_semaphore, #tpu.memory_space<semaphore_mem>>
      %dma_wait3A_873 = arith.constant 0 : i32
      %dma_wait3A_874 = arith.constant 0 : i32
      %dma_wait3A_875 = arith.constant 0 : i32
      %dma_wait3A_876 = tpu.memref_slice %arg2[%dma_wait3A_863, %dma_wait3A_864, %dma_wait3A_873, %dma_wait3A_874, %dma_wait3A_875] : memref<2x128x4x32x1024xf32, #tpu.memory_space<hbm>> -> memref<1x1x4x2x1024xf32, #tpu.memory_space<hbm>>
      %dma_wait3A_877 = tpu.memref_squeeze %dma_wait3A_876 : memref<1x1x4x2x1024xf32, #tpu.memory_space<hbm>> -> memref<4x2x1024xf32, #tpu.memory_space<hbm>>
      tpu.wait_dma2 semaphore(%dma_wait3A_872 : memref<!tpu.dma_semaphore, #tpu.memory_space<semaphore_mem>>) src(%dma_wait3A_877 : memref<4x2x1024xf32, #tpu.memory_space<hbm>>) dst(%arg6 : memref<4x2x1024xf32, #tpu.memory_space<vmem>>)
      %ge3A_878 = arith.constant 4 : i32
      %ge3A_879 = arith.cmpi sge, %add3A_862, %ge3A_878 : i32
      %convert_element_type3A_880 = arith.extui %ge3A_879 : i1 to i32
      %cond3A_881 = arith.constant 0 : i32
      %cond3A_882 = arith.cmpi ne, %convert_element_type3A_880, %cond3A_881 : i32
      scf.if %cond3A_882 {
        %dma_wait3A_1293 = arith.constant 0 : i32
        %dma_wait3A_1294 = arith.constant 0 : i32
        %dma_wait3A_1295 = arith.constant 2 : i32
        %dma_wait3A_1296 = arith.constant 0 : i32
        %dma_wait3A_1297 = arith.constant 0 : i32
        %dma_wait3A_1298 = tpu.memref_slice %arg3[%dma_wait3A_1293, %dma_wait3A_1294, %dma_wait3A_1296, %dma_wait3A_1297] : memref<2x64x32x8192xf32, #tpu.memory_space<hbm>> -> memref<1x1x2x4096xf32, #tpu.memory_space<hbm>>
        %dma_wait3A_1299 = tpu.memref_squeeze %dma_wait3A_1298 : memref<1x1x2x4096xf32, #tpu.memory_space<hbm>> -> memref<2x4096xf32, #tpu.memory_space<hbm>>
        %dma_wait3A_1300 = tpu.memref_slice %arg13[%dma_wait3A_1295] : memref<4x!tpu.dma_semaphore, #tpu.memory_space<semaphore_mem>> -> memref<1x!tpu.dma_semaphore, #tpu.memory_space<semaphore_mem>>
        %dma_wait3A_1301 = tpu.memref_squeeze %dma_wait3A_1300 : memref<1x!tpu.dma_semaphore, #tpu.memory_space<semaphore_mem>> -> memref<!tpu.dma_semaphore, #tpu.memory_space<semaphore_mem>>
        %dma_wait3A_1302 = arith.constant 0 : i32
        %dma_wait3A_1303 = arith.constant 0 : i32
        %dma_wait3A_1304 = tpu.memref_slice %arg3[%dma_wait3A_1293, %dma_wait3A_1294, %dma_wait3A_1302, %dma_wait3A_1303] : memref<2x64x32x8192xf32, #tpu.memory_space<hbm>> -> memref<1x1x2x4096xf32, #tpu.memory_space<hbm>>
        %dma_wait3A_1305 = tpu.memref_squeeze %dma_wait3A_1304 : memref<1x1x2x4096xf32, #tpu.memory_space<hbm>> -> memref<2x4096xf32, #tpu.memory_space<hbm>>
        tpu.wait_dma2 semaphore(%dma_wait3A_1301 : memref<!tpu.dma_semaphore, #tpu.memory_space<semaphore_mem>>) src(%arg10 : memref<2x4096xf32, #tpu.memory_space<vmem>>) dst(%dma_wait3A_1305 : memref<2x4096xf32, #tpu.memory_space<hbm>>)
      } else {
      }
      %broadcast_in_dim3A_883 = arith.constant 0 : i32
      %broadcast_in_dim3A_884 = vector.broadcast %broadcast_in_dim3A_883 : i32 to vector<16xi32>
      %add3A_885 = arith.constant 0 : i32
      %add3A_886 = vector.broadcast %add3A_885 : i32 to vector<16xi32>
      %add3A_887 = arith.addi %mul3A_3, %add3A_886 : vector<16xi32>
      %parallel_loop3A_888 = arith.constant 0 : i32
      %parallel_loop3A_889 = arith.constant 64 : i32
      %parallel_loop3A_890 = arith.constant 1 : i32
      scf.for %parallel_loop3A_1293 = %parallel_loop3A_888 to %parallel_loop3A_889 step %parallel_loop3A_890  : i32 {
        %parallel_loop3A_1294 = arith.constant 16 : i32
        %parallel_loop3A_1295 = arith.muli %parallel_loop3A_1293, %parallel_loop3A_1294 : i32
        %parallel_loop3A_1296 = arith.constant 0 : i32
        %parallel_loop3A_1297 = arith.constant 0 : i32
        %parallel_loop3A_1298 = arith.index_cast %parallel_loop3A_1296 : i32 to index
        %parallel_loop3A_1299 = arith.index_cast %parallel_loop3A_1297 : i32 to index
        %parallel_loop3A_1300 = arith.index_cast %parallel_loop3A_1295 : i32 to index
        %parallel_loop3A_1301 = tpu.vector_load %arg6[%parallel_loop3A_1298, %parallel_loop3A_1299, %parallel_loop3A_1300] {strides = array<i32>} : memref<4x2x1024xf32, #tpu.memory_space<vmem>>, vector<16xf32>,
        %parallel_loop3A_1302 = arith.constant 64 : i32
        %parallel_loop3A_1303 = arith.muli %parallel_loop3A_1302, %parallel_loop3A_1293 : i32
        %parallel_loop3A_1304 = arith.constant 1 : i32
        %parallel_loop3A_1305 = arith.andi %parallel_loop3A_1293, %parallel_loop3A_1304 : i32
        %parallel_loop3A_1306 = arith.constant 32 : i32
        %parallel_loop3A_1307 = arith.muli %parallel_loop3A_1306, %parallel_loop3A_1305 : i32
        %parallel_loop3A_1308 = arith.subi %parallel_loop3A_1303, %parallel_loop3A_1307 : i32
        %parallel_loop3A_1309 = vector.broadcast %parallel_loop3A_1308 : i32 to vector<16xi32>
        %parallel_loop3A_1310 = arith.addi %add3A_887, %parallel_loop3A_1309 : vector<16xi32>
        tpu.vector_store_idx %arg10[%broadcast_in_dim3A_884, %parallel_loop3A_1310], %parallel_loop3A_1301 : memref<2x4096xf32, #tpu.memory_space<vmem>>[vector<16xi32>, vector<16xi32>], vector<16xf32>,
      } {sc.loop_unroll_factor = 8 : i64, sc.parallel_access}
      %add3A_891 = arith.constant 1 : i32
      %add3A_892 = vector.broadcast %add3A_891 : i32 to vector<16xi32>
      %add3A_893 = arith.addi %mul3A_3, %add3A_892 : vector<16xi32>
      %parallel_loop3A_894 = arith.constant 0 : i32
      %parallel_loop3A_895 = arith.constant 64 : i32
      %parallel_loop3A_896 = arith.constant 1 : i32
      scf.for %parallel_loop3A_1293 = %parallel_loop3A_894 to %parallel_loop3A_895 step %parallel_loop3A_896  : i32 {
        %parallel_loop3A_1294 = arith.constant 16 : i32
        %parallel_loop3A_1295 = arith.muli %parallel_loop3A_1293, %parallel_loop3A_1294 : i32
        %parallel_loop3A_1296 = arith.constant 1 : i32
        %parallel_loop3A_1297 = arith.constant 0 : i32
        %parallel_loop3A_1298 = arith.index_cast %parallel_loop3A_1296 : i32 to index
        %parallel_loop3A_1299 = arith.index_cast %parallel_loop3A_1297 : i32 to index
        %parallel_loop3A_1300 = arith.index_cast %parallel_loop3A_1295 : i32 to index
        %parallel_loop3A_1301 = tpu.vector_load %arg6[%parallel_loop3A_1298, %parallel_loop3A_1299, %parallel_loop3A_1300] {strides = array<i32>} : memref<4x2x1024xf32, #tpu.memory_space<vmem>>, vector<16xf32>,
        %parallel_loop3A_1302 = arith.constant 64 : i32
        %parallel_loop3A_1303 = arith.muli %parallel_loop3A_1302, %parallel_loop3A_1293 : i32
        %parallel_loop3A_1304 = arith.constant 1 : i32
        %parallel_loop3A_1305 = arith.andi %parallel_loop3A_1293, %parallel_loop3A_1304 : i32
        %parallel_loop3A_1306 = arith.constant 32 : i32
        %parallel_loop3A_1307 = arith.muli %parallel_loop3A_1306, %parallel_loop3A_1305 : i32
        %parallel_loop3A_1308 = arith.subi %parallel_loop3A_1303, %parallel_loop3A_1307 : i32
        %parallel_loop3A_1309 = vector.broadcast %parallel_loop3A_1308 : i32 to vector<16xi32>
        %parallel_loop3A_1310 = arith.addi %add3A_893, %parallel_loop3A_1309 : vector<16xi32>
        tpu.vector_store_idx %arg10[%broadcast_in_dim3A_884, %parallel_loop3A_1310], %parallel_loop3A_1301 : memref<2x4096xf32, #tpu.memory_space<vmem>>[vector<16xi32>, vector<16xi32>], vector<16xf32>,
      } {sc.loop_unroll_factor = 8 : i64, sc.parallel_access}
      %add3A_897 = arith.constant 64 : i32
      %add3A_898 = vector.broadcast %add3A_897 : i32 to vector<16xi32>
      %add3A_899 = arith.addi %mul3A_3, %add3A_898 : vector<16xi32>
      %parallel_loop3A_900 = arith.constant 0 : i32
      %parallel_loop3A_901 = arith.constant 64 : i32
      %parallel_loop3A_902 = arith.constant 1 : i32
      scf.for %parallel_loop3A_1293 = %parallel_loop3A_900 to %parallel_loop3A_901 step %parallel_loop3A_902  : i32 {
        %parallel_loop3A_1294 = arith.constant 16 : i32
        %parallel_loop3A_1295 = arith.muli %parallel_loop3A_1293, %parallel_loop3A_1294 : i32
        %parallel_loop3A_1296 = arith.constant 2 : i32
        %parallel_loop3A_1297 = arith.constant 0 : i32
        %parallel_loop3A_1298 = arith.index_cast %parallel_loop3A_1296 : i32 to index
        %parallel_loop3A_1299 = arith.index_cast %parallel_loop3A_1297 : i32 to index
        %parallel_loop3A_1300 = arith.index_cast %parallel_loop3A_1295 : i32 to index
        %parallel_loop3A_1301 = tpu.vector_load %arg6[%parallel_loop3A_1298, %parallel_loop3A_1299, %parallel_loop3A_1300] {strides = array<i32>} : memref<4x2x1024xf32, #tpu.memory_space<vmem>>, vector<16xf32>,
        %parallel_loop3A_1302 = arith.constant 64 : i32
        %parallel_loop3A_1303 = arith.muli %parallel_loop3A_1302, %parallel_loop3A_1293 : i32
        %parallel_loop3A_1304 = arith.constant 1 : i32
        %parallel_loop3A_1305 = arith.andi %parallel_loop3A_1293, %parallel_loop3A_1304 : i32
        %parallel_loop3A_1306 = arith.constant 32 : i32
        %parallel_loop3A_1307 = arith.muli %parallel_loop3A_1306, %parallel_loop3A_1305 : i32
        %parallel_loop3A_1308 = arith.subi %parallel_loop3A_1303, %parallel_loop3A_1307 : i32
        %parallel_loop3A_1309 = vector.broadcast %parallel_loop3A_1308 : i32 to vector<16xi32>
        %parallel_loop3A_1310 = arith.addi %add3A_899, %parallel_loop3A_1309 : vector<16xi32>
        tpu.vector_store_idx %arg10[%broadcast_in_dim3A_884, %parallel_loop3A_1310], %parallel_loop3A_1301 : memref<2x4096xf32, #tpu.memory_space<vmem>>[vector<16xi32>, vector<16xi32>], vector<16xf32>,
      } {sc.loop_unroll_factor = 8 : i64, sc.parallel_access}
      %add3A_903 = arith.constant 65 : i32
      %add3A_904 = vector.broadcast %add3A_903 : i32 to vector<16xi32>
      %add3A_905 = arith.addi %mul3A_3, %add3A_904 : vector<16xi32>
      %parallel_loop3A_906 = arith.constant 0 : i32
      %parallel_loop3A_907 = arith.constant 64 : i32
      %parallel_loop3A_908 = arith.constant 1 : i32
      scf.for %parallel_loop3A_1293 = %parallel_loop3A_906 to %parallel_loop3A_907 step %parallel_loop3A_908  : i32 {
        %parallel_loop3A_1294 = arith.constant 16 : i32
        %parallel_loop3A_1295 = arith.muli %parallel_loop3A_1293, %parallel_loop3A_1294 : i32
        %parallel_loop3A_1296 = arith.constant 3 : i32
        %parallel_loop3A_1297 = arith.constant 0 : i32
        %parallel_loop3A_1298 = arith.index_cast %parallel_loop3A_1296 : i32 to index
        %parallel_loop3A_1299 = arith.index_cast %parallel_loop3A_1297 : i32 to index
        %parallel_loop3A_1300 = arith.index_cast %parallel_loop3A_1295 : i32 to index
        %parallel_loop3A_1301 = tpu.vector_load %arg6[%parallel_loop3A_1298, %parallel_loop3A_1299, %parallel_loop3A_1300] {strides = array<i32>} : memref<4x2x1024xf32, #tpu.memory_space<vmem>>, vector<16xf32>,
        %parallel_loop3A_1302 = arith.constant 64 : i32
        %parallel_loop3A_1303 = arith.muli %parallel_loop3A_1302, %parallel_loop3A_1293 : i32
        %parallel_loop3A_1304 = arith.constant 1 : i32
        %parallel_loop3A_1305 = arith.andi %parallel_loop3A_1293, %parallel_loop3A_1304 : i32
        %parallel_loop3A_1306 = arith.constant 32 : i32
        %parallel_loop3A_1307 = arith.muli %parallel_loop3A_1306, %parallel_loop3A_1305 : i32
        %parallel_loop3A_1308 = arith.subi %parallel_loop3A_1303, %parallel_loop3A_1307 : i32
        %parallel_loop3A_1309 = vector.broadcast %parallel_loop3A_1308 : i32 to vector<16xi32>
        %parallel_loop3A_1310 = arith.addi %add3A_905, %parallel_loop3A_1309 : vector<16xi32>
        tpu.vector_store_idx %arg10[%broadcast_in_dim3A_884, %parallel_loop3A_1310], %parallel_loop3A_1301 : memref<2x4096xf32, #tpu.memory_space<vmem>>[vector<16xi32>, vector<16xi32>], vector<16xf32>,
      } {sc.loop_unroll_factor = 8 : i64, sc.parallel_access}
      %broadcast_in_dim3A_909 = arith.constant 1 : i32
      %broadcast_in_dim3A_910 = vector.broadcast %broadcast_in_dim3A_909 : i32 to vector<16xi32>
      %add3A_911 = arith.constant 0 : i32
      %add3A_912 = vector.broadcast %add3A_911 : i32 to vector<16xi32>
      %add3A_913 = arith.addi %mul3A_3, %add3A_912 : vector<16xi32>
      %parallel_loop3A_914 = arith.constant 0 : i32
      %parallel_loop3A_915 = arith.constant 64 : i32
      %parallel_loop3A_916 = arith.constant 1 : i32
      scf.for %parallel_loop3A_1293 = %parallel_loop3A_914 to %parallel_loop3A_915 step %parallel_loop3A_916  : i32 {
        %parallel_loop3A_1294 = arith.constant 16 : i32
        %parallel_loop3A_1295 = arith.muli %parallel_loop3A_1293, %parallel_loop3A_1294 : i32
        %parallel_loop3A_1296 = arith.constant 0 : i32
        %parallel_loop3A_1297 = arith.constant 1 : i32
        %parallel_loop3A_1298 = arith.index_cast %parallel_loop3A_1296 : i32 to index
        %parallel_loop3A_1299 = arith.index_cast %parallel_loop3A_1297 : i32 to index
        %parallel_loop3A_1300 = arith.index_cast %parallel_loop3A_1295 : i32 to index
        %parallel_loop3A_1301 = tpu.vector_load %arg6[%parallel_loop3A_1298, %parallel_loop3A_1299, %parallel_loop3A_1300] {strides = array<i32>} : memref<4x2x1024xf32, #tpu.memory_space<vmem>>, vector<16xf32>,
        %parallel_loop3A_1302 = arith.constant 64 : i32
        %parallel_loop3A_1303 = arith.muli %parallel_loop3A_1302, %parallel_loop3A_1293 : i32
        %parallel_loop3A_1304 = arith.constant 1 : i32
        %parallel_loop3A_1305 = arith.andi %parallel_loop3A_1293, %parallel_loop3A_1304 : i32
        %parallel_loop3A_1306 = arith.constant 32 : i32
        %parallel_loop3A_1307 = arith.muli %parallel_loop3A_1306, %parallel_loop3A_1305 : i32
        %parallel_loop3A_1308 = arith.subi %parallel_loop3A_1303, %parallel_loop3A_1307 : i32
        %parallel_loop3A_1309 = vector.broadcast %parallel_loop3A_1308 : i32 to vector<16xi32>
        %parallel_loop3A_1310 = arith.addi %add3A_913, %parallel_loop3A_1309 : vector<16xi32>
        tpu.vector_store_idx %arg10[%broadcast_in_dim3A_910, %parallel_loop3A_1310], %parallel_loop3A_1301 : memref<2x4096xf32, #tpu.memory_space<vmem>>[vector<16xi32>, vector<16xi32>], vector<16xf32>,
      } {sc.loop_unroll_factor = 8 : i64, sc.parallel_access}
      %add3A_917 = arith.constant 1 : i32
      %add3A_918 = vector.broadcast %add3A_917 : i32 to vector<16xi32>
      %add3A_919 = arith.addi %mul3A_3, %add3A_918 : vector<16xi32>
      %parallel_loop3A_920 = arith.constant 0 : i32
      %parallel_loop3A_921 = arith.constant 64 : i32
      %parallel_loop3A_922 = arith.constant 1 : i32
      scf.for %parallel_loop3A_1293 = %parallel_loop3A_920 to %parallel_loop3A_921 step %parallel_loop3A_922  : i32 {
        %parallel_loop3A_1294 = arith.constant 16 : i32
        %parallel_loop3A_1295 = arith.muli %parallel_loop3A_1293, %parallel_loop3A_1294 : i32
        %parallel_loop3A_1296 = arith.constant 1 : i32
        %parallel_loop3A_1297 = arith.constant 1 : i32
        %parallel_loop3A_1298 = arith.index_cast %parallel_loop3A_1296 : i32 to index
        %parallel_loop3A_1299 = arith.index_cast %parallel_loop3A_1297 : i32 to index
        %parallel_loop3A_1300 = arith.index_cast %parallel_loop3A_1295 : i32 to index
        %parallel_loop3A_1301 = tpu.vector_load %arg6[%parallel_loop3A_1298, %parallel_loop3A_1299, %parallel_loop3A_1300] {strides = array<i32>} : memref<4x2x1024xf32, #tpu.memory_space<vmem>>, vector<16xf32>,
        %parallel_loop3A_1302 = arith.constant 64 : i32
        %parallel_loop3A_1303 = arith.muli %parallel_loop3A_1302, %parallel_loop3A_1293 : i32
        %parallel_loop3A_1304 = arith.constant 1 : i32
        %parallel_loop3A_1305 = arith.andi %parallel_loop3A_1293, %parallel_loop3A_1304 : i32
        %parallel_loop3A_1306 = arith.constant 32 : i32
        %parallel_loop3A_1307 = arith.muli %parallel_loop3A_1306, %parallel_loop3A_1305 : i32
        %parallel_loop3A_1308 = arith.subi %parallel_loop3A_1303, %parallel_loop3A_1307 : i32
        %parallel_loop3A_1309 = vector.broadcast %parallel_loop3A_1308 : i32 to vector<16xi32>
        %parallel_loop3A_1310 = arith.addi %add3A_919, %parallel_loop3A_1309 : vector<16xi32>
        tpu.vector_store_idx %arg10[%broadcast_in_dim3A_910, %parallel_loop3A_1310], %parallel_loop3A_1301 : memref<2x4096xf32, #tpu.memory_space<vmem>>[vector<16xi32>, vector<16xi32>], vector<16xf32>,
      } {sc.loop_unroll_factor = 8 : i64, sc.parallel_access}
      %add3A_923 = arith.constant 64 : i32
      %add3A_924 = vector.broadcast %add3A_923 : i32 to vector<16xi32>
      %add3A_925 = arith.addi %mul3A_3, %add3A_924 : vector<16xi32>
      %parallel_loop3A_926 = arith.constant 0 : i32
      %parallel_loop3A_927 = arith.constant 64 : i32
      %parallel_loop3A_928 = arith.constant 1 : i32
      scf.for %parallel_loop3A_1293 = %parallel_loop3A_926 to %parallel_loop3A_927 step %parallel_loop3A_928  : i32 {
        %parallel_loop3A_1294 = arith.constant 16 : i32
        %parallel_loop3A_1295 = arith.muli %parallel_loop3A_1293, %parallel_loop3A_1294 : i32
        %parallel_loop3A_1296 = arith.constant 2 : i32
        %parallel_loop3A_1297 = arith.constant 1 : i32
        %parallel_loop3A_1298 = arith.index_cast %parallel_loop3A_1296 : i32 to index
        %parallel_loop3A_1299 = arith.index_cast %parallel_loop3A_1297 : i32 to index
        %parallel_loop3A_1300 = arith.index_cast %parallel_loop3A_1295 : i32 to index
        %parallel_loop3A_1301 = tpu.vector_load %arg6[%parallel_loop3A_1298, %parallel_loop3A_1299, %parallel_loop3A_1300] {strides = array<i32>} : memref<4x2x1024xf32, #tpu.memory_space<vmem>>, vector<16xf32>,
        %parallel_loop3A_1302 = arith.constant 64 : i32
        %parallel_loop3A_1303 = arith.muli %parallel_loop3A_1302, %parallel_loop3A_1293 : i32
        %parallel_loop3A_1304 = arith.constant 1 : i32
        %parallel_loop3A_1305 = arith.andi %parallel_loop3A_1293, %parallel_loop3A_1304 : i32
        %parallel_loop3A_1306 = arith.constant 32 : i32
        %parallel_loop3A_1307 = arith.muli %parallel_loop3A_1306, %parallel_loop3A_1305 : i32
        %parallel_loop3A_1308 = arith.subi %parallel_loop3A_1303, %parallel_loop3A_1307 : i32
        %parallel_loop3A_1309 = vector.broadcast %parallel_loop3A_1308 : i32 to vector<16xi32>
        %parallel_loop3A_1310 = arith.addi %add3A_925, %parallel_loop3A_1309 : vector<16xi32>
        tpu.vector_store_idx %arg10[%broadcast_in_dim3A_910, %parallel_loop3A_1310], %parallel_loop3A_1301 : memref<2x4096xf32, #tpu.memory_space<vmem>>[vector<16xi32>, vector<16xi32>], vector<16xf32>,
      } {sc.loop_unroll_factor = 8 : i64, sc.parallel_access}
      %add3A_929 = arith.constant 65 : i32
      %add3A_930 = vector.broadcast %add3A_929 : i32 to vector<16xi32>
      %add3A_931 = arith.addi %mul3A_3, %add3A_930 : vector<16xi32>
      %parallel_loop3A_932 = arith.constant 0 : i32
      %parallel_loop3A_933 = arith.constant 64 : i32
      %parallel_loop3A_934 = arith.constant 1 : i32
      scf.for %parallel_loop3A_1293 = %parallel_loop3A_932 to %parallel_loop3A_933 step %parallel_loop3A_934  : i32 {
        %parallel_loop3A_1294 = arith.constant 16 : i32
        %parallel_loop3A_1295 = arith.muli %parallel_loop3A_1293, %parallel_loop3A_1294 : i32
        %parallel_loop3A_1296 = arith.constant 3 : i32
        %parallel_loop3A_1297 = arith.constant 1 : i32
        %parallel_loop3A_1298 = arith.index_cast %parallel_loop3A_1296 : i32 to index
        %parallel_loop3A_1299 = arith.index_cast %parallel_loop3A_1297 : i32 to index
        %parallel_loop3A_1300 = arith.index_cast %parallel_loop3A_1295 : i32 to index
        %parallel_loop3A_1301 = tpu.vector_load %arg6[%parallel_loop3A_1298, %parallel_loop3A_1299, %parallel_loop3A_1300] {strides = array<i32>} : memref<4x2x1024xf32, #tpu.memory_space<vmem>>, vector<16xf32>,
        %parallel_loop3A_1302 = arith.constant 64 : i32
        %parallel_loop3A_1303 = arith.muli %parallel_loop3A_1302, %parallel_loop3A_1293 : i32
        %parallel_loop3A_1304 = arith.constant 1 : i32
        %parallel_loop3A_1305 = arith.andi %parallel_loop3A_1293, %parallel_loop3A_1304 : i32
        %parallel_loop3A_1306 = arith.constant 32 : i32
        %parallel_loop3A_1307 = arith.muli %parallel_loop3A_1306, %parallel_loop3A_1305 : i32
        %parallel_loop3A_1308 = arith.subi %parallel_loop3A_1303, %parallel_loop3A_1307 : i32
        %parallel_loop3A_1309 = vector.broadcast %parallel_loop3A_1308 : i32 to vector<16xi32>
        %parallel_loop3A_1310 = arith.addi %add3A_931, %parallel_loop3A_1309 : vector<16xi32>
        tpu.vector_store_idx %arg10[%broadcast_in_dim3A_910, %parallel_loop3A_1310], %parallel_loop3A_1301 : memref<2x4096xf32, #tpu.memory_space<vmem>>[vector<16xi32>, vector<16xi32>], vector<16xf32>,
      } {sc.loop_unroll_factor = 8 : i64, sc.parallel_access}
      %mul3A_935 = arith.constant 32 : i32
      %mul3A_936 = arith.muli %add3A_862, %mul3A_935 : i32
      %add3A_937 = arith.addi %mul3A_936, %add3A : i32
      %jit3A_938 = arith.constant 2048 : i32
      %div3A_939 = arith.divsi %add3A_937, %jit3A_938 : i32
      %sign3A_940 = arith.constant 0 : i32
      %sign3A_941 = arith.cmpi sgt, %add3A_937, %sign3A_940 : i32
      %sign3A_942 = arith.extui %sign3A_941 : i1 to i32
      %sign3A_943 = arith.constant 0 : i32
      %sign3A_944 = arith.cmpi slt, %add3A_937, %sign3A_943 : i32
      %sign3A_945 = arith.extui %sign3A_944 : i1 to i32
      %sign3A_946 = arith.subi %sign3A_942, %sign3A_945 : i32
      %sign3A_947 = arith.constant 0 : i32
      %sign3A_948 = arith.cmpi sgt, %jit3A_938, %sign3A_947 : i32
      %sign3A_949 = arith.extui %sign3A_948 : i1 to i32
      %sign3A_950 = arith.constant 0 : i32
      %sign3A_951 = arith.cmpi slt, %jit3A_938, %sign3A_950 : i32
      %sign3A_952 = arith.extui %sign3A_951 : i1 to i32
      %sign3A_953 = arith.subi %sign3A_949, %sign3A_952 : i32
      %ne3A_954 = arith.cmpi ne, %sign3A_946, %sign3A_953 : i32
      %rem3A_955 = arith.remsi %add3A_937, %jit3A_938 : i32
      %ne3A_956 = arith.constant 0 : i32
      %ne3A_957 = arith.cmpi ne, %rem3A_955, %ne3A_956 : i32
      %and3A_958 = arith.andi %ne3A_954, %ne3A_957 : i1
      %sub3A_959 = arith.constant 1 : i32
      %sub3A_960 = arith.subi %div3A_939, %sub3A_959 : i32
      %select_n3A_961 = arith.select %and3A_958, %sub3A_960, %div3A_939 : i32
      %jit3A_962 = arith.constant 2048 : i32
      %eq3A_963 = arith.constant 0 : i32
      %eq3A_964 = arith.cmpi eq, %jit3A_962, %eq3A_963 : i32
      %jit3A_965 = arith.constant 1 : i32
      %select_n3A_966 = arith.select %eq3A_964, %jit3A_965, %jit3A_962 : i32
      %rem3A_967 = arith.remsi %add3A_937, %select_n3A_966 : i32
      %ne3A_968 = arith.constant 0 : i32
      %ne3A_969 = arith.cmpi ne, %rem3A_967, %ne3A_968 : i32
      %lt3A_970 = arith.constant 0 : i32
      %lt3A_971 = arith.cmpi slt, %rem3A_967, %lt3A_970 : i32
      %lt3A_972 = arith.constant 0 : i32
      %lt3A_973 = arith.cmpi slt, %select_n3A_966, %lt3A_972 : i32
      %ne3A_974 = arith.xori %lt3A_971, %lt3A_973 : i1
      %and3A_975 = arith.andi %ne3A_974, %ne3A_969 : i1
      %add3A_976 = arith.addi %rem3A_967, %select_n3A_966 : i32
      %select_n3A_977 = arith.select %and3A_975, %add3A_976, %rem3A_967 : i32
      %jit3A_978 = arith.constant 16 : i32
      %div3A_979 = arith.divsi %select_n3A_977, %jit3A_978 : i32
      %sign3A_980 = arith.constant 0 : i32
      %sign3A_981 = arith.cmpi sgt, %select_n3A_977, %sign3A_980 : i32
      %sign3A_982 = arith.extui %sign3A_981 : i1 to i32
      %sign3A_983 = arith.constant 0 : i32
      %sign3A_984 = arith.cmpi slt, %select_n3A_977, %sign3A_983 : i32
      %sign3A_985 = arith.extui %sign3A_984 : i1 to i32
      %sign3A_986 = arith.subi %sign3A_982, %sign3A_985 : i32
      %sign3A_987 = arith.constant 0 : i32
      %sign3A_988 = arith.cmpi sgt, %jit3A_978, %sign3A_987 : i32
      %sign3A_989 = arith.extui %sign3A_988 : i1 to i32
      %sign3A_990 = arith.constant 0 : i32
      %sign3A_991 = arith.cmpi slt, %jit3A_978, %sign3A_990 : i32
      %sign3A_992 = arith.extui %sign3A_991 : i1 to i32
      %sign3A_993 = arith.subi %sign3A_989, %sign3A_992 : i32
      %ne3A_994 = arith.cmpi ne, %sign3A_986, %sign3A_993 : i32
      %rem3A_995 = arith.remsi %select_n3A_977, %jit3A_978 : i32
      %ne3A_996 = arith.constant 0 : i32
      %ne3A_997 = arith.cmpi ne, %rem3A_995, %ne3A_996 : i32
      %and3A_998 = arith.andi %ne3A_994, %ne3A_997 : i1
      %sub3A_999 = arith.constant 1 : i32
      %sub3A_1000 = arith.subi %div3A_979, %sub3A_999 : i32
      %select_n3A_1001 = arith.select %and3A_998, %sub3A_1000, %div3A_979 : i32
      %jit3A_1002 = arith.constant 16 : i32
      %eq3A_1003 = arith.constant 0 : i32
      %eq3A_1004 = arith.cmpi eq, %jit3A_1002, %eq3A_1003 : i32
      %jit3A_1005 = arith.constant 1 : i32
      %select_n3A_1006 = arith.select %eq3A_1004, %jit3A_1005, %jit3A_1002 : i32
      %rem3A_1007 = arith.remsi %select_n3A_977, %select_n3A_1006 : i32
      %ne3A_1008 = arith.constant 0 : i32
      %ne3A_1009 = arith.cmpi ne, %rem3A_1007, %ne3A_1008 : i32
      %lt3A_1010 = arith.constant 0 : i32
      %lt3A_1011 = arith.cmpi slt, %rem3A_1007, %lt3A_1010 : i32
      %lt3A_1012 = arith.constant 0 : i32
      %lt3A_1013 = arith.cmpi slt, %select_n3A_1006, %lt3A_1012 : i32
      %ne3A_1014 = arith.xori %lt3A_1011, %lt3A_1013 : i1
      %and3A_1015 = arith.andi %ne3A_1014, %ne3A_1009 : i1
      %add3A_1016 = arith.addi %rem3A_1007, %select_n3A_1006 : i32
      %select_n3A_1017 = arith.select %and3A_1015, %add3A_1016, %rem3A_1007 : i32
      %jit3A_1018 = arith.constant 2 : i32
      %div3A_1019 = arith.divsi %select_n3A_1001, %jit3A_1018 : i32
      %sign3A_1020 = arith.constant 0 : i32
      %sign3A_1021 = arith.cmpi sgt, %select_n3A_1001, %sign3A_1020 : i32
      %sign3A_1022 = arith.extui %sign3A_1021 : i1 to i32
      %sign3A_1023 = arith.constant 0 : i32
      %sign3A_1024 = arith.cmpi slt, %select_n3A_1001, %sign3A_1023 : i32
      %sign3A_1025 = arith.extui %sign3A_1024 : i1 to i32
      %sign3A_1026 = arith.subi %sign3A_1022, %sign3A_1025 : i32
      %sign3A_1027 = arith.constant 0 : i32
      %sign3A_1028 = arith.cmpi sgt, %jit3A_1018, %sign3A_1027 : i32
      %sign3A_1029 = arith.extui %sign3A_1028 : i1 to i32
      %sign3A_1030 = arith.constant 0 : i32
      %sign3A_1031 = arith.cmpi slt, %jit3A_1018, %sign3A_1030 : i32
      %sign3A_1032 = arith.extui %sign3A_1031 : i1 to i32
      %sign3A_1033 = arith.subi %sign3A_1029, %sign3A_1032 : i32
      %ne3A_1034 = arith.cmpi ne, %sign3A_1026, %sign3A_1033 : i32
      %rem3A_1035 = arith.remsi %select_n3A_1001, %jit3A_1018 : i32
      %ne3A_1036 = arith.constant 0 : i32
      %ne3A_1037 = arith.cmpi ne, %rem3A_1035, %ne3A_1036 : i32
      %and3A_1038 = arith.andi %ne3A_1034, %ne3A_1037 : i1
      %sub3A_1039 = arith.constant 1 : i32
      %sub3A_1040 = arith.subi %div3A_1019, %sub3A_1039 : i32
      %select_n3A_1041 = arith.select %and3A_1038, %sub3A_1040, %div3A_1019 : i32
      %mul3A_1042 = arith.constant 2 : i32
      %mul3A_1043 = arith.muli %select_n3A_1017, %mul3A_1042 : i32
      %jit3A_1044 = arith.constant 2 : i32
      %eq3A_1045 = arith.constant 0 : i32
      %eq3A_1046 = arith.cmpi eq, %jit3A_1044, %eq3A_1045 : i32
      %jit3A_1047 = arith.constant 1 : i32
      %select_n3A_1048 = arith.select %eq3A_1046, %jit3A_1047, %jit3A_1044 : i32
      %rem3A_1049 = arith.remsi %select_n3A_1001, %select_n3A_1048 : i32
      %ne3A_1050 = arith.constant 0 : i32
      %ne3A_1051 = arith.cmpi ne, %rem3A_1049, %ne3A_1050 : i32
      %lt3A_1052 = arith.constant 0 : i32
      %lt3A_1053 = arith.cmpi slt, %rem3A_1049, %lt3A_1052 : i32
      %lt3A_1054 = arith.constant 0 : i32
      %lt3A_1055 = arith.cmpi slt, %select_n3A_1048, %lt3A_1054 : i32
      %ne3A_1056 = arith.xori %lt3A_1053, %lt3A_1055 : i1
      %and3A_1057 = arith.andi %ne3A_1056, %ne3A_1051 : i1
      %add3A_1058 = arith.addi %rem3A_1049, %select_n3A_1048 : i32
      %select_n3A_1059 = arith.select %and3A_1057, %add3A_1058, %rem3A_1049 : i32
      %mul3A_1060 = arith.constant 4096 : i32
      %mul3A_1061 = arith.muli %select_n3A_1059, %mul3A_1060 : i32
      %dma_start3A_1062 = arith.constant 2 : i32
      %dma_start3A_1063 = tpu.memref_slice %arg3[%select_n3A_961, %select_n3A_1041, %mul3A_1043, %mul3A_1061] : memref<2x64x32x8192xf32, #tpu.memory_space<hbm>> -> memref<1x1x2x4096xf32, #tpu.memory_space<hbm>>
      %dma_start3A_1064 = tpu.memref_squeeze %dma_start3A_1063 : memref<1x1x2x4096xf32, #tpu.memory_space<hbm>> -> memref<2x4096xf32, #tpu.memory_space<hbm>>
      %dma_start3A_1065 = tpu.memref_slice %arg13[%dma_start3A_1062] : memref<4x!tpu.dma_semaphore, #tpu.memory_space<semaphore_mem>> -> memref<1x!tpu.dma_semaphore, #tpu.memory_space<semaphore_mem>>
      %dma_start3A_1066 = tpu.memref_squeeze %dma_start3A_1065 : memref<1x!tpu.dma_semaphore, #tpu.memory_space<semaphore_mem>> -> memref<!tpu.dma_semaphore, #tpu.memory_space<semaphore_mem>>
      %dma_start3A_1067 = tpu.memref_slice %arg3[%select_n3A_961, %select_n3A_1041, %mul3A_1043, %mul3A_1061] : memref<2x64x32x8192xf32, #tpu.memory_space<hbm>> -> memref<1x1x2x4096xf32, #tpu.memory_space<hbm>>
      %dma_start3A_1068 = tpu.memref_squeeze %dma_start3A_1067 : memref<1x1x2x4096xf32, #tpu.memory_space<hbm>> -> memref<2x4096xf32, #tpu.memory_space<hbm>>
      tpu.enqueue_dma source(%arg10 : memref<2x4096xf32, #tpu.memory_space<vmem>>) target(%dma_start3A_1068 : memref<2x4096xf32, #tpu.memory_space<hbm>>) target_semaphore(%dma_start3A_1066 : memref<!tpu.dma_semaphore, #tpu.memory_space<semaphore_mem>>)
      %add3A_1069 = arith.constant 4 : i32
      %add3A_1070 = arith.addi %add3A_862, %add3A_1069 : i32
      %lt3A_1071 = arith.constant 128 : i32
      %lt3A_1072 = arith.cmpi slt, %add3A_1070, %lt3A_1071 : i32
      %convert_element_type3A_1073 = arith.extui %lt3A_1072 : i1 to i32
      %cond3A_1074 = arith.constant 0 : i32
      %cond3A_1075 = arith.cmpi ne, %convert_element_type3A_1073, %cond3A_1074 : i32
      scf.if %cond3A_1075 {
        %add3A_1293 = arith.constant 4 : i32
        %add3A_1294 = arith.addi %add3A_862, %add3A_1293 : i32
        %mul3A_1295 = arith.constant 32 : i32
        %mul3A_1296 = arith.muli %add3A_1294, %mul3A_1295 : i32
        %add3A_1297 = arith.addi %mul3A_1296, %add3A : i32
        %jit3A_1298 = arith.constant 2048 : i32
        %div3A_1299 = arith.divsi %add3A_1297, %jit3A_1298 : i32
        %sign3A_1300 = arith.constant 0 : i32
        %sign3A_1301 = arith.cmpi sgt, %add3A_1297, %sign3A_1300 : i32
        %sign3A_1302 = arith.extui %sign3A_1301 : i1 to i32
        %sign3A_1303 = arith.constant 0 : i32
        %sign3A_1304 = arith.cmpi slt, %add3A_1297, %sign3A_1303 : i32
        %sign3A_1305 = arith.extui %sign3A_1304 : i1 to i32
        %sign3A_1306 = arith.subi %sign3A_1302, %sign3A_1305 : i32
        %sign3A_1307 = arith.constant 0 : i32
        %sign3A_1308 = arith.cmpi sgt, %jit3A_1298, %sign3A_1307 : i32
        %sign3A_1309 = arith.extui %sign3A_1308 : i1 to i32
        %sign3A_1310 = arith.constant 0 : i32
        %sign3A_1311 = arith.cmpi slt, %jit3A_1298, %sign3A_1310 : i32
        %sign3A_1312 = arith.extui %sign3A_1311 : i1 to i32
        %sign3A_1313 = arith.subi %sign3A_1309, %sign3A_1312 : i32
        %ne3A_1314 = arith.cmpi ne, %sign3A_1306, %sign3A_1313 : i32
        %rem3A_1315 = arith.remsi %add3A_1297, %jit3A_1298 : i32
        %ne3A_1316 = arith.constant 0 : i32
        %ne3A_1317 = arith.cmpi ne, %rem3A_1315, %ne3A_1316 : i32
        %and3A_1318 = arith.andi %ne3A_1314, %ne3A_1317 : i1
        %sub3A_1319 = arith.constant 1 : i32
        %sub3A_1320 = arith.subi %div3A_1299, %sub3A_1319 : i32
        %select_n3A_1321 = arith.select %and3A_1318, %sub3A_1320, %div3A_1299 : i32
        %jit3A_1322 = arith.constant 2048 : i32
        %eq3A_1323 = arith.constant 0 : i32
        %eq3A_1324 = arith.cmpi eq, %jit3A_1322, %eq3A_1323 : i32
        %jit3A_1325 = arith.constant 1 : i32
        %select_n3A_1326 = arith.select %eq3A_1324, %jit3A_1325, %jit3A_1322 : i32
        %rem3A_1327 = arith.remsi %add3A_1297, %select_n3A_1326 : i32
        %ne3A_1328 = arith.constant 0 : i32
        %ne3A_1329 = arith.cmpi ne, %rem3A_1327, %ne3A_1328 : i32
        %lt3A_1330 = arith.constant 0 : i32
        %lt3A_1331 = arith.cmpi slt, %rem3A_1327, %lt3A_1330 : i32
        %lt3A_1332 = arith.constant 0 : i32
        %lt3A_1333 = arith.cmpi slt, %select_n3A_1326, %lt3A_1332 : i32
        %ne3A_1334 = arith.xori %lt3A_1331, %lt3A_1333 : i1
        %and3A_1335 = arith.andi %ne3A_1334, %ne3A_1329 : i1
        %add3A_1336 = arith.addi %rem3A_1327, %select_n3A_1326 : i32
        %select_n3A_1337 = arith.select %and3A_1335, %add3A_1336, %rem3A_1327 : i32
        %jit3A_1338 = arith.constant 16 : i32
        %div3A_1339 = arith.divsi %select_n3A_1337, %jit3A_1338 : i32
        %sign3A_1340 = arith.constant 0 : i32
        %sign3A_1341 = arith.cmpi sgt, %select_n3A_1337, %sign3A_1340 : i32
        %sign3A_1342 = arith.extui %sign3A_1341 : i1 to i32
        %sign3A_1343 = arith.constant 0 : i32
        %sign3A_1344 = arith.cmpi slt, %select_n3A_1337, %sign3A_1343 : i32
        %sign3A_1345 = arith.extui %sign3A_1344 : i1 to i32
        %sign3A_1346 = arith.subi %sign3A_1342, %sign3A_1345 : i32
        %sign3A_1347 = arith.constant 0 : i32
        %sign3A_1348 = arith.cmpi sgt, %jit3A_1338, %sign3A_1347 : i32
        %sign3A_1349 = arith.extui %sign3A_1348 : i1 to i32
        %sign3A_1350 = arith.constant 0 : i32
        %sign3A_1351 = arith.cmpi slt, %jit3A_1338, %sign3A_1350 : i32
        %sign3A_1352 = arith.extui %sign3A_1351 : i1 to i32
        %sign3A_1353 = arith.subi %sign3A_1349, %sign3A_1352 : i32
        %ne3A_1354 = arith.cmpi ne, %sign3A_1346, %sign3A_1353 : i32
        %rem3A_1355 = arith.remsi %select_n3A_1337, %jit3A_1338 : i32
        %ne3A_1356 = arith.constant 0 : i32
        %ne3A_1357 = arith.cmpi ne, %rem3A_1355, %ne3A_1356 : i32
        %and3A_1358 = arith.andi %ne3A_1354, %ne3A_1357 : i1
        %sub3A_1359 = arith.constant 1 : i32
        %sub3A_1360 = arith.subi %div3A_1339, %sub3A_1359 : i32
        %select_n3A_1361 = arith.select %and3A_1358, %sub3A_1360, %div3A_1339 : i32
        %jit3A_1362 = arith.constant 16 : i32
        %eq3A_1363 = arith.constant 0 : i32
        %eq3A_1364 = arith.cmpi eq, %jit3A_1362, %eq3A_1363 : i32
        %jit3A_1365 = arith.constant 1 : i32
        %select_n3A_1366 = arith.select %eq3A_1364, %jit3A_1365, %jit3A_1362 : i32
        %rem3A_1367 = arith.remsi %select_n3A_1337, %select_n3A_1366 : i32
        %ne3A_1368 = arith.constant 0 : i32
        %ne3A_1369 = arith.cmpi ne, %rem3A_1367, %ne3A_1368 : i32
        %lt3A_1370 = arith.constant 0 : i32
        %lt3A_1371 = arith.cmpi slt, %rem3A_1367, %lt3A_1370 : i32
        %lt3A_1372 = arith.constant 0 : i32
        %lt3A_1373 = arith.cmpi slt, %select_n3A_1366, %lt3A_1372 : i32
        %ne3A_1374 = arith.xori %lt3A_1371, %lt3A_1373 : i1
        %and3A_1375 = arith.andi %ne3A_1374, %ne3A_1369 : i1
        %add3A_1376 = arith.addi %rem3A_1367, %select_n3A_1366 : i32
        %select_n3A_1377 = arith.select %and3A_1375, %add3A_1376, %rem3A_1367 : i32
        %mul3A_1378 = arith.constant 2 : i32
        %mul3A_1379 = arith.muli %select_n3A_1377, %mul3A_1378 : i32
        %dma_start3A_1380 = arith.constant 2 : i32
        %dma_start3A_1381 = arith.constant 0 : i32
        %dma_start3A_1382 = arith.constant 0 : i32
        %dma_start3A_1383 = tpu.memref_slice %arg2[%select_n3A_1321, %select_n3A_1361, %dma_start3A_1381, %mul3A_1379, %dma_start3A_1382] : memref<2x128x4x32x1024xf32, #tpu.memory_space<hbm>> -> memref<1x1x4x2x1024xf32, #tpu.memory_space<hbm>>
        %dma_start3A_1384 = tpu.memref_squeeze %dma_start3A_1383 : memref<1x1x4x2x1024xf32, #tpu.memory_space<hbm>> -> memref<4x2x1024xf32, #tpu.memory_space<hbm>>
        %dma_start3A_1385 = tpu.memref_slice %arg12[%dma_start3A_1380] : memref<4x!tpu.dma_semaphore, #tpu.memory_space<semaphore_mem>> -> memref<1x!tpu.dma_semaphore, #tpu.memory_space<semaphore_mem>>
        %dma_start3A_1386 = tpu.memref_squeeze %dma_start3A_1385 : memref<1x!tpu.dma_semaphore, #tpu.memory_space<semaphore_mem>> -> memref<!tpu.dma_semaphore, #tpu.memory_space<semaphore_mem>>
        %dma_start3A_1387 = arith.constant 0 : i32
        %dma_start3A_1388 = arith.constant 0 : i32
        %dma_start3A_1389 = tpu.memref_slice %arg2[%select_n3A_1321, %select_n3A_1361, %dma_start3A_1387, %mul3A_1379, %dma_start3A_1388] : memref<2x128x4x32x1024xf32, #tpu.memory_space<hbm>> -> memref<1x1x4x2x1024xf32, #tpu.memory_space<hbm>>
        %dma_start3A_1390 = tpu.memref_squeeze %dma_start3A_1389 : memref<1x1x4x2x1024xf32, #tpu.memory_space<hbm>> -> memref<4x2x1024xf32, #tpu.memory_space<hbm>>
        tpu.enqueue_dma source(%dma_start3A_1390 : memref<4x2x1024xf32, #tpu.memory_space<hbm>>) target(%arg6 : memref<4x2x1024xf32, #tpu.memory_space<vmem>>) target_semaphore(%dma_start3A_1386 : memref<!tpu.dma_semaphore, #tpu.memory_space<semaphore_mem>>)
      } else {
      }
      %mul3A_1076 = arith.constant 4 : i32
      %mul3A_1077 = arith.muli %scan3A_429, %mul3A_1076 : i32
      %add3A_1078 = arith.constant 3 : i32
      %add3A_1079 = arith.addi %mul3A_1077, %add3A_1078 : i32
      %dma_wait3A_1080 = arith.constant 0 : i32
      %dma_wait3A_1081 = arith.constant 0 : i32
      %dma_wait3A_1082 = arith.constant 3 : i32
      %dma_wait3A_1083 = arith.constant 0 : i32
      %dma_wait3A_1084 = arith.constant 0 : i32
      %dma_wait3A_1085 = arith.constant 0 : i32
      %dma_wait3A_1086 = tpu.memref_slice %arg2[%dma_wait3A_1080, %dma_wait3A_1081, %dma_wait3A_1083, %dma_wait3A_1084, %dma_wait3A_1085] : memref<2x128x4x32x1024xf32, #tpu.memory_space<hbm>> -> memref<1x1x4x2x1024xf32, #tpu.memory_space<hbm>>
      %dma_wait3A_1087 = tpu.memref_squeeze %dma_wait3A_1086 : memref<1x1x4x2x1024xf32, #tpu.memory_space<hbm>> -> memref<4x2x1024xf32, #tpu.memory_space<hbm>>
      %dma_wait3A_1088 = tpu.memref_slice %arg12[%dma_wait3A_1082] : memref<4x!tpu.dma_semaphore, #tpu.memory_space<semaphore_mem>> -> memref<1x!tpu.dma_semaphore, #tpu.memory_space<semaphore_mem>>
      %dma_wait3A_1089 = tpu.memref_squeeze %dma_wait3A_1088 : memref<1x!tpu.dma_semaphore, #tpu.memory_space<semaphore_mem>> -> memref<!tpu.dma_semaphore, #tpu.memory_space<semaphore_mem>>
      %dma_wait3A_1090 = arith.constant 0 : i32
      %dma_wait3A_1091 = arith.constant 0 : i32
      %dma_wait3A_1092 = arith.constant 0 : i32
      %dma_wait3A_1093 = tpu.memref_slice %arg2[%dma_wait3A_1080, %dma_wait3A_1081, %dma_wait3A_1090, %dma_wait3A_1091, %dma_wait3A_1092] : memref<2x128x4x32x1024xf32, #tpu.memory_space<hbm>> -> memref<1x1x4x2x1024xf32, #tpu.memory_space<hbm>>
      %dma_wait3A_1094 = tpu.memref_squeeze %dma_wait3A_1093 : memref<1x1x4x2x1024xf32, #tpu.memory_space<hbm>> -> memref<4x2x1024xf32, #tpu.memory_space<hbm>>
      tpu.wait_dma2 semaphore(%dma_wait3A_1089 : memref<!tpu.dma_semaphore, #tpu.memory_space<semaphore_mem>>) src(%dma_wait3A_1094 : memref<4x2x1024xf32, #tpu.memory_space<hbm>>) dst(%arg7 : memref<4x2x1024xf32, #tpu.memory_space<vmem>>)
      %ge3A_1095 = arith.constant 4 : i32
      %ge3A_1096 = arith.cmpi sge, %add3A_1079, %ge3A_1095 : i32
      %convert_element_type3A_1097 = arith.extui %ge3A_1096 : i1 to i32
      %cond3A_1098 = arith.constant 0 : i32
      %cond3A_1099 = arith.cmpi ne, %convert_element_type3A_1097, %cond3A_1098 : i32
      scf.if %cond3A_1099 {
        %dma_wait3A_1293 = arith.constant 0 : i32
        %dma_wait3A_1294 = arith.constant 0 : i32
        %dma_wait3A_1295 = arith.constant 3 : i32
        %dma_wait3A_1296 = arith.constant 0 : i32
        %dma_wait3A_1297 = arith.constant 0 : i32
        %dma_wait3A_1298 = tpu.memref_slice %arg3[%dma_wait3A_1293, %dma_wait3A_1294, %dma_wait3A_1296, %dma_wait3A_1297] : memref<2x64x32x8192xf32, #tpu.memory_space<hbm>> -> memref<1x1x2x4096xf32, #tpu.memory_space<hbm>>
        %dma_wait3A_1299 = tpu.memref_squeeze %dma_wait3A_1298 : memref<1x1x2x4096xf32, #tpu.memory_space<hbm>> -> memref<2x4096xf32, #tpu.memory_space<hbm>>
        %dma_wait3A_1300 = tpu.memref_slice %arg13[%dma_wait3A_1295] : memref<4x!tpu.dma_semaphore, #tpu.memory_space<semaphore_mem>> -> memref<1x!tpu.dma_semaphore, #tpu.memory_space<semaphore_mem>>
        %dma_wait3A_1301 = tpu.memref_squeeze %dma_wait3A_1300 : memref<1x!tpu.dma_semaphore, #tpu.memory_space<semaphore_mem>> -> memref<!tpu.dma_semaphore, #tpu.memory_space<semaphore_mem>>
        %dma_wait3A_1302 = arith.constant 0 : i32
        %dma_wait3A_1303 = arith.constant 0 : i32
        %dma_wait3A_1304 = tpu.memref_slice %arg3[%dma_wait3A_1293, %dma_wait3A_1294, %dma_wait3A_1302, %dma_wait3A_1303] : memref<2x64x32x8192xf32, #tpu.memory_space<hbm>> -> memref<1x1x2x4096xf32, #tpu.memory_space<hbm>>
        %dma_wait3A_1305 = tpu.memref_squeeze %dma_wait3A_1304 : memref<1x1x2x4096xf32, #tpu.memory_space<hbm>> -> memref<2x4096xf32, #tpu.memory_space<hbm>>
        tpu.wait_dma2 semaphore(%dma_wait3A_1301 : memref<!tpu.dma_semaphore, #tpu.memory_space<semaphore_mem>>) src(%arg11 : memref<2x4096xf32, #tpu.memory_space<vmem>>) dst(%dma_wait3A_1305 : memref<2x4096xf32, #tpu.memory_space<hbm>>)
      } else {
      }
      %broadcast_in_dim3A_1100 = arith.constant 0 : i32
      %broadcast_in_dim3A_1101 = vector.broadcast %broadcast_in_dim3A_1100 : i32 to vector<16xi32>
      %add3A_1102 = arith.constant 0 : i32
      %add3A_1103 = vector.broadcast %add3A_1102 : i32 to vector<16xi32>
      %add3A_1104 = arith.addi %mul3A_3, %add3A_1103 : vector<16xi32>
      %parallel_loop3A_1105 = arith.constant 0 : i32
      %parallel_loop3A_1106 = arith.constant 64 : i32
      %parallel_loop3A_1107 = arith.constant 1 : i32
      scf.for %parallel_loop3A_1293 = %parallel_loop3A_1105 to %parallel_loop3A_1106 step %parallel_loop3A_1107  : i32 {
        %parallel_loop3A_1294 = arith.constant 16 : i32
        %parallel_loop3A_1295 = arith.muli %parallel_loop3A_1293, %parallel_loop3A_1294 : i32
        %parallel_loop3A_1296 = arith.constant 0 : i32
        %parallel_loop3A_1297 = arith.constant 0 : i32
        %parallel_loop3A_1298 = arith.index_cast %parallel_loop3A_1296 : i32 to index
        %parallel_loop3A_1299 = arith.index_cast %parallel_loop3A_1297 : i32 to index
        %parallel_loop3A_1300 = arith.index_cast %parallel_loop3A_1295 : i32 to index
        %parallel_loop3A_1301 = tpu.vector_load %arg7[%parallel_loop3A_1298, %parallel_loop3A_1299, %parallel_loop3A_1300] {strides = array<i32>} : memref<4x2x1024xf32, #tpu.memory_space<vmem>>, vector<16xf32>,
        %parallel_loop3A_1302 = arith.constant 64 : i32
        %parallel_loop3A_1303 = arith.muli %parallel_loop3A_1302, %parallel_loop3A_1293 : i32
        %parallel_loop3A_1304 = arith.constant 1 : i32
        %parallel_loop3A_1305 = arith.andi %parallel_loop3A_1293, %parallel_loop3A_1304 : i32
        %parallel_loop3A_1306 = arith.constant 32 : i32
        %parallel_loop3A_1307 = arith.muli %parallel_loop3A_1306, %parallel_loop3A_1305 : i32
        %parallel_loop3A_1308 = arith.subi %parallel_loop3A_1303, %parallel_loop3A_1307 : i32
        %parallel_loop3A_1309 = vector.broadcast %parallel_loop3A_1308 : i32 to vector<16xi32>
        %parallel_loop3A_1310 = arith.addi %add3A_1104, %parallel_loop3A_1309 : vector<16xi32>
        tpu.vector_store_idx %arg11[%broadcast_in_dim3A_1101, %parallel_loop3A_1310], %parallel_loop3A_1301 : memref<2x4096xf32, #tpu.memory_space<vmem>>[vector<16xi32>, vector<16xi32>], vector<16xf32>,
      } {sc.loop_unroll_factor = 8 : i64, sc.parallel_access}
      %add3A_1108 = arith.constant 1 : i32
      %add3A_1109 = vector.broadcast %add3A_1108 : i32 to vector<16xi32>
      %add3A_1110 = arith.addi %mul3A_3, %add3A_1109 : vector<16xi32>
      %parallel_loop3A_1111 = arith.constant 0 : i32
      %parallel_loop3A_1112 = arith.constant 64 : i32
      %parallel_loop3A_1113 = arith.constant 1 : i32
      scf.for %parallel_loop3A_1293 = %parallel_loop3A_1111 to %parallel_loop3A_1112 step %parallel_loop3A_1113  : i32 {
        %parallel_loop3A_1294 = arith.constant 16 : i32
        %parallel_loop3A_1295 = arith.muli %parallel_loop3A_1293, %parallel_loop3A_1294 : i32
        %parallel_loop3A_1296 = arith.constant 1 : i32
        %parallel_loop3A_1297 = arith.constant 0 : i32
        %parallel_loop3A_1298 = arith.index_cast %parallel_loop3A_1296 : i32 to index
        %parallel_loop3A_1299 = arith.index_cast %parallel_loop3A_1297 : i32 to index
        %parallel_loop3A_1300 = arith.index_cast %parallel_loop3A_1295 : i32 to index
        %parallel_loop3A_1301 = tpu.vector_load %arg7[%parallel_loop3A_1298, %parallel_loop3A_1299, %parallel_loop3A_1300] {strides = array<i32>} : memref<4x2x1024xf32, #tpu.memory_space<vmem>>, vector<16xf32>,
        %parallel_loop3A_1302 = arith.constant 64 : i32
        %parallel_loop3A_1303 = arith.muli %parallel_loop3A_1302, %parallel_loop3A_1293 : i32
        %parallel_loop3A_1304 = arith.constant 1 : i32
        %parallel_loop3A_1305 = arith.andi %parallel_loop3A_1293, %parallel_loop3A_1304 : i32
        %parallel_loop3A_1306 = arith.constant 32 : i32
        %parallel_loop3A_1307 = arith.muli %parallel_loop3A_1306, %parallel_loop3A_1305 : i32
        %parallel_loop3A_1308 = arith.subi %parallel_loop3A_1303, %parallel_loop3A_1307 : i32
        %parallel_loop3A_1309 = vector.broadcast %parallel_loop3A_1308 : i32 to vector<16xi32>
        %parallel_loop3A_1310 = arith.addi %add3A_1110, %parallel_loop3A_1309 : vector<16xi32>
        tpu.vector_store_idx %arg11[%broadcast_in_dim3A_1101, %parallel_loop3A_1310], %parallel_loop3A_1301 : memref<2x4096xf32, #tpu.memory_space<vmem>>[vector<16xi32>, vector<16xi32>], vector<16xf32>,
      } {sc.loop_unroll_factor = 8 : i64, sc.parallel_access}
      %add3A_1114 = arith.constant 64 : i32
      %add3A_1115 = vector.broadcast %add3A_1114 : i32 to vector<16xi32>
      %add3A_1116 = arith.addi %mul3A_3, %add3A_1115 : vector<16xi32>
      %parallel_loop3A_1117 = arith.constant 0 : i32
      %parallel_loop3A_1118 = arith.constant 64 : i32
      %parallel_loop3A_1119 = arith.constant 1 : i32
      scf.for %parallel_loop3A_1293 = %parallel_loop3A_1117 to %parallel_loop3A_1118 step %parallel_loop3A_1119  : i32 {
        %parallel_loop3A_1294 = arith.constant 16 : i32
        %parallel_loop3A_1295 = arith.muli %parallel_loop3A_1293, %parallel_loop3A_1294 : i32
        %parallel_loop3A_1296 = arith.constant 2 : i32
        %parallel_loop3A_1297 = arith.constant 0 : i32
        %parallel_loop3A_1298 = arith.index_cast %parallel_loop3A_1296 : i32 to index
        %parallel_loop3A_1299 = arith.index_cast %parallel_loop3A_1297 : i32 to index
        %parallel_loop3A_1300 = arith.index_cast %parallel_loop3A_1295 : i32 to index
        %parallel_loop3A_1301 = tpu.vector_load %arg7[%parallel_loop3A_1298, %parallel_loop3A_1299, %parallel_loop3A_1300] {strides = array<i32>} : memref<4x2x1024xf32, #tpu.memory_space<vmem>>, vector<16xf32>,
        %parallel_loop3A_1302 = arith.constant 64 : i32
        %parallel_loop3A_1303 = arith.muli %parallel_loop3A_1302, %parallel_loop3A_1293 : i32
        %parallel_loop3A_1304 = arith.constant 1 : i32
        %parallel_loop3A_1305 = arith.andi %parallel_loop3A_1293, %parallel_loop3A_1304 : i32
        %parallel_loop3A_1306 = arith.constant 32 : i32
        %parallel_loop3A_1307 = arith.muli %parallel_loop3A_1306, %parallel_loop3A_1305 : i32
        %parallel_loop3A_1308 = arith.subi %parallel_loop3A_1303, %parallel_loop3A_1307 : i32
        %parallel_loop3A_1309 = vector.broadcast %parallel_loop3A_1308 : i32 to vector<16xi32>
        %parallel_loop3A_1310 = arith.addi %add3A_1116, %parallel_loop3A_1309 : vector<16xi32>
        tpu.vector_store_idx %arg11[%broadcast_in_dim3A_1101, %parallel_loop3A_1310], %parallel_loop3A_1301 : memref<2x4096xf32, #tpu.memory_space<vmem>>[vector<16xi32>, vector<16xi32>], vector<16xf32>,
      } {sc.loop_unroll_factor = 8 : i64, sc.parallel_access}
      %add3A_1120 = arith.constant 65 : i32
      %add3A_1121 = vector.broadcast %add3A_1120 : i32 to vector<16xi32>
      %add3A_1122 = arith.addi %mul3A_3, %add3A_1121 : vector<16xi32>
      %parallel_loop3A_1123 = arith.constant 0 : i32
      %parallel_loop3A_1124 = arith.constant 64 : i32
      %parallel_loop3A_1125 = arith.constant 1 : i32
      scf.for %parallel_loop3A_1293 = %parallel_loop3A_1123 to %parallel_loop3A_1124 step %parallel_loop3A_1125  : i32 {
        %parallel_loop3A_1294 = arith.constant 16 : i32
        %parallel_loop3A_1295 = arith.muli %parallel_loop3A_1293, %parallel_loop3A_1294 : i32
        %parallel_loop3A_1296 = arith.constant 3 : i32
        %parallel_loop3A_1297 = arith.constant 0 : i32
        %parallel_loop3A_1298 = arith.index_cast %parallel_loop3A_1296 : i32 to index
        %parallel_loop3A_1299 = arith.index_cast %parallel_loop3A_1297 : i32 to index
        %parallel_loop3A_1300 = arith.index_cast %parallel_loop3A_1295 : i32 to index
        %parallel_loop3A_1301 = tpu.vector_load %arg7[%parallel_loop3A_1298, %parallel_loop3A_1299, %parallel_loop3A_1300] {strides = array<i32>} : memref<4x2x1024xf32, #tpu.memory_space<vmem>>, vector<16xf32>,
        %parallel_loop3A_1302 = arith.constant 64 : i32
        %parallel_loop3A_1303 = arith.muli %parallel_loop3A_1302, %parallel_loop3A_1293 : i32
        %parallel_loop3A_1304 = arith.constant 1 : i32
        %parallel_loop3A_1305 = arith.andi %parallel_loop3A_1293, %parallel_loop3A_1304 : i32
        %parallel_loop3A_1306 = arith.constant 32 : i32
        %parallel_loop3A_1307 = arith.muli %parallel_loop3A_1306, %parallel_loop3A_1305 : i32
        %parallel_loop3A_1308 = arith.subi %parallel_loop3A_1303, %parallel_loop3A_1307 : i32
        %parallel_loop3A_1309 = vector.broadcast %parallel_loop3A_1308 : i32 to vector<16xi32>
        %parallel_loop3A_1310 = arith.addi %add3A_1122, %parallel_loop3A_1309 : vector<16xi32>
        tpu.vector_store_idx %arg11[%broadcast_in_dim3A_1101, %parallel_loop3A_1310], %parallel_loop3A_1301 : memref<2x4096xf32, #tpu.memory_space<vmem>>[vector<16xi32>, vector<16xi32>], vector<16xf32>,
      } {sc.loop_unroll_factor = 8 : i64, sc.parallel_access}
      %broadcast_in_dim3A_1126 = arith.constant 1 : i32
      %broadcast_in_dim3A_1127 = vector.broadcast %broadcast_in_dim3A_1126 : i32 to vector<16xi32>
      %add3A_1128 = arith.constant 0 : i32
      %add3A_1129 = vector.broadcast %add3A_1128 : i32 to vector<16xi32>
      %add3A_1130 = arith.addi %mul3A_3, %add3A_1129 : vector<16xi32>
      %parallel_loop3A_1131 = arith.constant 0 : i32
      %parallel_loop3A_1132 = arith.constant 64 : i32
      %parallel_loop3A_1133 = arith.constant 1 : i32
      scf.for %parallel_loop3A_1293 = %parallel_loop3A_1131 to %parallel_loop3A_1132 step %parallel_loop3A_1133  : i32 {
        %parallel_loop3A_1294 = arith.constant 16 : i32
        %parallel_loop3A_1295 = arith.muli %parallel_loop3A_1293, %parallel_loop3A_1294 : i32
        %parallel_loop3A_1296 = arith.constant 0 : i32
        %parallel_loop3A_1297 = arith.constant 1 : i32
        %parallel_loop3A_1298 = arith.index_cast %parallel_loop3A_1296 : i32 to index
        %parallel_loop3A_1299 = arith.index_cast %parallel_loop3A_1297 : i32 to index
        %parallel_loop3A_1300 = arith.index_cast %parallel_loop3A_1295 : i32 to index
        %parallel_loop3A_1301 = tpu.vector_load %arg7[%parallel_loop3A_1298, %parallel_loop3A_1299, %parallel_loop3A_1300] {strides = array<i32>} : memref<4x2x1024xf32, #tpu.memory_space<vmem>>, vector<16xf32>,
        %parallel_loop3A_1302 = arith.constant 64 : i32
        %parallel_loop3A_1303 = arith.muli %parallel_loop3A_1302, %parallel_loop3A_1293 : i32
        %parallel_loop3A_1304 = arith.constant 1 : i32
        %parallel_loop3A_1305 = arith.andi %parallel_loop3A_1293, %parallel_loop3A_1304 : i32
        %parallel_loop3A_1306 = arith.constant 32 : i32
        %parallel_loop3A_1307 = arith.muli %parallel_loop3A_1306, %parallel_loop3A_1305 : i32
        %parallel_loop3A_1308 = arith.subi %parallel_loop3A_1303, %parallel_loop3A_1307 : i32
        %parallel_loop3A_1309 = vector.broadcast %parallel_loop3A_1308 : i32 to vector<16xi32>
        %parallel_loop3A_1310 = arith.addi %add3A_1130, %parallel_loop3A_1309 : vector<16xi32>
        tpu.vector_store_idx %arg11[%broadcast_in_dim3A_1127, %parallel_loop3A_1310], %parallel_loop3A_1301 : memref<2x4096xf32, #tpu.memory_space<vmem>>[vector<16xi32>, vector<16xi32>], vector<16xf32>,
      } {sc.loop_unroll_factor = 8 : i64, sc.parallel_access}
      %add3A_1134 = arith.constant 1 : i32
      %add3A_1135 = vector.broadcast %add3A_1134 : i32 to vector<16xi32>
      %add3A_1136 = arith.addi %mul3A_3, %add3A_1135 : vector<16xi32>
      %parallel_loop3A_1137 = arith.constant 0 : i32
      %parallel_loop3A_1138 = arith.constant 64 : i32
      %parallel_loop3A_1139 = arith.constant 1 : i32
      scf.for %parallel_loop3A_1293 = %parallel_loop3A_1137 to %parallel_loop3A_1138 step %parallel_loop3A_1139  : i32 {
        %parallel_loop3A_1294 = arith.constant 16 : i32
        %parallel_loop3A_1295 = arith.muli %parallel_loop3A_1293, %parallel_loop3A_1294 : i32
        %parallel_loop3A_1296 = arith.constant 1 : i32
        %parallel_loop3A_1297 = arith.constant 1 : i32
        %parallel_loop3A_1298 = arith.index_cast %parallel_loop3A_1296 : i32 to index
        %parallel_loop3A_1299 = arith.index_cast %parallel_loop3A_1297 : i32 to index
        %parallel_loop3A_1300 = arith.index_cast %parallel_loop3A_1295 : i32 to index
        %parallel_loop3A_1301 = tpu.vector_load %arg7[%parallel_loop3A_1298, %parallel_loop3A_1299, %parallel_loop3A_1300] {strides = array<i32>} : memref<4x2x1024xf32, #tpu.memory_space<vmem>>, vector<16xf32>,
        %parallel_loop3A_1302 = arith.constant 64 : i32
        %parallel_loop3A_1303 = arith.muli %parallel_loop3A_1302, %parallel_loop3A_1293 : i32
        %parallel_loop3A_1304 = arith.constant 1 : i32
        %parallel_loop3A_1305 = arith.andi %parallel_loop3A_1293, %parallel_loop3A_1304 : i32
        %parallel_loop3A_1306 = arith.constant 32 : i32
        %parallel_loop3A_1307 = arith.muli %parallel_loop3A_1306, %parallel_loop3A_1305 : i32
        %parallel_loop3A_1308 = arith.subi %parallel_loop3A_1303, %parallel_loop3A_1307 : i32
        %parallel_loop3A_1309 = vector.broadcast %parallel_loop3A_1308 : i32 to vector<16xi32>
        %parallel_loop3A_1310 = arith.addi %add3A_1136, %parallel_loop3A_1309 : vector<16xi32>
        tpu.vector_store_idx %arg11[%broadcast_in_dim3A_1127, %parallel_loop3A_1310], %parallel_loop3A_1301 : memref<2x4096xf32, #tpu.memory_space<vmem>>[vector<16xi32>, vector<16xi32>], vector<16xf32>,
      } {sc.loop_unroll_factor = 8 : i64, sc.parallel_access}
      %add3A_1140 = arith.constant 64 : i32
      %add3A_1141 = vector.broadcast %add3A_1140 : i32 to vector<16xi32>
      %add3A_1142 = arith.addi %mul3A_3, %add3A_1141 : vector<16xi32>
      %parallel_loop3A_1143 = arith.constant 0 : i32
      %parallel_loop3A_1144 = arith.constant 64 : i32
      %parallel_loop3A_1145 = arith.constant 1 : i32
      scf.for %parallel_loop3A_1293 = %parallel_loop3A_1143 to %parallel_loop3A_1144 step %parallel_loop3A_1145  : i32 {
        %parallel_loop3A_1294 = arith.constant 16 : i32
        %parallel_loop3A_1295 = arith.muli %parallel_loop3A_1293, %parallel_loop3A_1294 : i32
        %parallel_loop3A_1296 = arith.constant 2 : i32
        %parallel_loop3A_1297 = arith.constant 1 : i32
        %parallel_loop3A_1298 = arith.index_cast %parallel_loop3A_1296 : i32 to index
        %parallel_loop3A_1299 = arith.index_cast %parallel_loop3A_1297 : i32 to index
        %parallel_loop3A_1300 = arith.index_cast %parallel_loop3A_1295 : i32 to index
        %parallel_loop3A_1301 = tpu.vector_load %arg7[%parallel_loop3A_1298, %parallel_loop3A_1299, %parallel_loop3A_1300] {strides = array<i32>} : memref<4x2x1024xf32, #tpu.memory_space<vmem>>, vector<16xf32>,
        %parallel_loop3A_1302 = arith.constant 64 : i32
        %parallel_loop3A_1303 = arith.muli %parallel_loop3A_1302, %parallel_loop3A_1293 : i32
        %parallel_loop3A_1304 = arith.constant 1 : i32
        %parallel_loop3A_1305 = arith.andi %parallel_loop3A_1293, %parallel_loop3A_1304 : i32
        %parallel_loop3A_1306 = arith.constant 32 : i32
        %parallel_loop3A_1307 = arith.muli %parallel_loop3A_1306, %parallel_loop3A_1305 : i32
        %parallel_loop3A_1308 = arith.subi %parallel_loop3A_1303, %parallel_loop3A_1307 : i32
        %parallel_loop3A_1309 = vector.broadcast %parallel_loop3A_1308 : i32 to vector<16xi32>
        %parallel_loop3A_1310 = arith.addi %add3A_1142, %parallel_loop3A_1309 : vector<16xi32>
        tpu.vector_store_idx %arg11[%broadcast_in_dim3A_1127, %parallel_loop3A_1310], %parallel_loop3A_1301 : memref<2x4096xf32, #tpu.memory_space<vmem>>[vector<16xi32>, vector<16xi32>], vector<16xf32>,
      } {sc.loop_unroll_factor = 8 : i64, sc.parallel_access}
      %add3A_1146 = arith.constant 65 : i32
      %add3A_1147 = vector.broadcast %add3A_1146 : i32 to vector<16xi32>
      %add3A_1148 = arith.addi %mul3A_3, %add3A_1147 : vector<16xi32>
      %parallel_loop3A_1149 = arith.constant 0 : i32
      %parallel_loop3A_1150 = arith.constant 64 : i32
      %parallel_loop3A_1151 = arith.constant 1 : i32
      scf.for %parallel_loop3A_1293 = %parallel_loop3A_1149 to %parallel_loop3A_1150 step %parallel_loop3A_1151  : i32 {
        %parallel_loop3A_1294 = arith.constant 16 : i32
        %parallel_loop3A_1295 = arith.muli %parallel_loop3A_1293, %parallel_loop3A_1294 : i32
        %parallel_loop3A_1296 = arith.constant 3 : i32
        %parallel_loop3A_1297 = arith.constant 1 : i32
        %parallel_loop3A_1298 = arith.index_cast %parallel_loop3A_1296 : i32 to index
        %parallel_loop3A_1299 = arith.index_cast %parallel_loop3A_1297 : i32 to index
        %parallel_loop3A_1300 = arith.index_cast %parallel_loop3A_1295 : i32 to index
        %parallel_loop3A_1301 = tpu.vector_load %arg7[%parallel_loop3A_1298, %parallel_loop3A_1299, %parallel_loop3A_1300] {strides = array<i32>} : memref<4x2x1024xf32, #tpu.memory_space<vmem>>, vector<16xf32>,
        %parallel_loop3A_1302 = arith.constant 64 : i32
        %parallel_loop3A_1303 = arith.muli %parallel_loop3A_1302, %parallel_loop3A_1293 : i32
        %parallel_loop3A_1304 = arith.constant 1 : i32
        %parallel_loop3A_1305 = arith.andi %parallel_loop3A_1293, %parallel_loop3A_1304 : i32
        %parallel_loop3A_1306 = arith.constant 32 : i32
        %parallel_loop3A_1307 = arith.muli %parallel_loop3A_1306, %parallel_loop3A_1305 : i32
        %parallel_loop3A_1308 = arith.subi %parallel_loop3A_1303, %parallel_loop3A_1307 : i32
        %parallel_loop3A_1309 = vector.broadcast %parallel_loop3A_1308 : i32 to vector<16xi32>
        %parallel_loop3A_1310 = arith.addi %add3A_1148, %parallel_loop3A_1309 : vector<16xi32>
        tpu.vector_store_idx %arg11[%broadcast_in_dim3A_1127, %parallel_loop3A_1310], %parallel_loop3A_1301 : memref<2x4096xf32, #tpu.memory_space<vmem>>[vector<16xi32>, vector<16xi32>], vector<16xf32>,
      } {sc.loop_unroll_factor = 8 : i64, sc.parallel_access}
      %mul3A_1152 = arith.constant 32 : i32
      %mul3A_1153 = arith.muli %add3A_1079, %mul3A_1152 : i32
      %add3A_1154 = arith.addi %mul3A_1153, %add3A : i32
      %jit3A_1155 = arith.constant 2048 : i32
      %div3A_1156 = arith.divsi %add3A_1154, %jit3A_1155 : i32
      %sign3A_1157 = arith.constant 0 : i32
      %sign3A_1158 = arith.cmpi sgt, %add3A_1154, %sign3A_1157 : i32
      %sign3A_1159 = arith.extui %sign3A_1158 : i1 to i32
      %sign3A_1160 = arith.constant 0 : i32
      %sign3A_1161 = arith.cmpi slt, %add3A_1154, %sign3A_1160 : i32
      %sign3A_1162 = arith.extui %sign3A_1161 : i1 to i32
      %sign3A_1163 = arith.subi %sign3A_1159, %sign3A_1162 : i32
      %sign3A_1164 = arith.constant 0 : i32
      %sign3A_1165 = arith.cmpi sgt, %jit3A_1155, %sign3A_1164 : i32
      %sign3A_1166 = arith.extui %sign3A_1165 : i1 to i32
      %sign3A_1167 = arith.constant 0 : i32
      %sign3A_1168 = arith.cmpi slt, %jit3A_1155, %sign3A_1167 : i32
      %sign3A_1169 = arith.extui %sign3A_1168 : i1 to i32
      %sign3A_1170 = arith.subi %sign3A_1166, %sign3A_1169 : i32
      %ne3A_1171 = arith.cmpi ne, %sign3A_1163, %sign3A_1170 : i32
      %rem3A_1172 = arith.remsi %add3A_1154, %jit3A_1155 : i32
      %ne3A_1173 = arith.constant 0 : i32
      %ne3A_1174 = arith.cmpi ne, %rem3A_1172, %ne3A_1173 : i32
      %and3A_1175 = arith.andi %ne3A_1171, %ne3A_1174 : i1
      %sub3A_1176 = arith.constant 1 : i32
      %sub3A_1177 = arith.subi %div3A_1156, %sub3A_1176 : i32
      %select_n3A_1178 = arith.select %and3A_1175, %sub3A_1177, %div3A_1156 : i32
      %jit3A_1179 = arith.constant 2048 : i32
      %eq3A_1180 = arith.constant 0 : i32
      %eq3A_1181 = arith.cmpi eq, %jit3A_1179, %eq3A_1180 : i32
      %jit3A_1182 = arith.constant 1 : i32
      %select_n3A_1183 = arith.select %eq3A_1181, %jit3A_1182, %jit3A_1179 : i32
      %rem3A_1184 = arith.remsi %add3A_1154, %select_n3A_1183 : i32
      %ne3A_1185 = arith.constant 0 : i32
      %ne3A_1186 = arith.cmpi ne, %rem3A_1184, %ne3A_1185 : i32
      %lt3A_1187 = arith.constant 0 : i32
      %lt3A_1188 = arith.cmpi slt, %rem3A_1184, %lt3A_1187 : i32
      %lt3A_1189 = arith.constant 0 : i32
      %lt3A_1190 = arith.cmpi slt, %select_n3A_1183, %lt3A_1189 : i32
      %ne3A_1191 = arith.xori %lt3A_1188, %lt3A_1190 : i1
      %and3A_1192 = arith.andi %ne3A_1191, %ne3A_1186 : i1
      %add3A_1193 = arith.addi %rem3A_1184, %select_n3A_1183 : i32
      %select_n3A_1194 = arith.select %and3A_1192, %add3A_1193, %rem3A_1184 : i32
      %jit3A_1195 = arith.constant 16 : i32
      %div3A_1196 = arith.divsi %select_n3A_1194, %jit3A_1195 : i32
      %sign3A_1197 = arith.constant 0 : i32
      %sign3A_1198 = arith.cmpi sgt, %select_n3A_1194, %sign3A_1197 : i32
      %sign3A_1199 = arith.extui %sign3A_1198 : i1 to i32
      %sign3A_1200 = arith.constant 0 : i32
      %sign3A_1201 = arith.cmpi slt, %select_n3A_1194, %sign3A_1200 : i32
      %sign3A_1202 = arith.extui %sign3A_1201 : i1 to i32
      %sign3A_1203 = arith.subi %sign3A_1199, %sign3A_1202 : i32
      %sign3A_1204 = arith.constant 0 : i32
      %sign3A_1205 = arith.cmpi sgt, %jit3A_1195, %sign3A_1204 : i32
      %sign3A_1206 = arith.extui %sign3A_1205 : i1 to i32
      %sign3A_1207 = arith.constant 0 : i32
      %sign3A_1208 = arith.cmpi slt, %jit3A_1195, %sign3A_1207 : i32
      %sign3A_1209 = arith.extui %sign3A_1208 : i1 to i32
      %sign3A_1210 = arith.subi %sign3A_1206, %sign3A_1209 : i32
      %ne3A_1211 = arith.cmpi ne, %sign3A_1203, %sign3A_1210 : i32
      %rem3A_1212 = arith.remsi %select_n3A_1194, %jit3A_1195 : i32
      %ne3A_1213 = arith.constant 0 : i32
      %ne3A_1214 = arith.cmpi ne, %rem3A_1212, %ne3A_1213 : i32
      %and3A_1215 = arith.andi %ne3A_1211, %ne3A_1214 : i1
      %sub3A_1216 = arith.constant 1 : i32
      %sub3A_1217 = arith.subi %div3A_1196, %sub3A_1216 : i32
      %select_n3A_1218 = arith.select %and3A_1215, %sub3A_1217, %div3A_1196 : i32
      %jit3A_1219 = arith.constant 16 : i32
      %eq3A_1220 = arith.constant 0 : i32
      %eq3A_1221 = arith.cmpi eq, %jit3A_1219, %eq3A_1220 : i32
      %jit3A_1222 = arith.constant 1 : i32
      %select_n3A_1223 = arith.select %eq3A_1221, %jit3A_1222, %jit3A_1219 : i32
      %rem3A_1224 = arith.remsi %select_n3A_1194, %select_n3A_1223 : i32
      %ne3A_1225 = arith.constant 0 : i32
      %ne3A_1226 = arith.cmpi ne, %rem3A_1224, %ne3A_1225 : i32
      %lt3A_1227 = arith.constant 0 : i32
      %lt3A_1228 = arith.cmpi slt, %rem3A_1224, %lt3A_1227 : i32
      %lt3A_1229 = arith.constant 0 : i32
      %lt3A_1230 = arith.cmpi slt, %select_n3A_1223, %lt3A_1229 : i32
      %ne3A_1231 = arith.xori %lt3A_1228, %lt3A_1230 : i1
      %and3A_1232 = arith.andi %ne3A_1231, %ne3A_1226 : i1
      %add3A_1233 = arith.addi %rem3A_1224, %select_n3A_1223 : i32
      %select_n3A_1234 = arith.select %and3A_1232, %add3A_1233, %rem3A_1224 : i32
      %jit3A_1235 = arith.constant 2 : i32
      %div3A_1236 = arith.divsi %select_n3A_1218, %jit3A_1235 : i32
      %sign3A_1237 = arith.constant 0 : i32
      %sign3A_1238 = arith.cmpi sgt, %select_n3A_1218, %sign3A_1237 : i32
      %sign3A_1239 = arith.extui %sign3A_1238 : i1 to i32
      %sign3A_1240 = arith.constant 0 : i32
      %sign3A_1241 = arith.cmpi slt, %select_n3A_1218, %sign3A_1240 : i32
      %sign3A_1242 = arith.extui %sign3A_1241 : i1 to i32
      %sign3A_1243 = arith.subi %sign3A_1239, %sign3A_1242 : i32
      %sign3A_1244 = arith.constant 0 : i32
      %sign3A_1245 = arith.cmpi sgt, %jit3A_1235, %sign3A_1244 : i32
      %sign3A_1246 = arith.extui %sign3A_1245 : i1 to i32
      %sign3A_1247 = arith.constant 0 : i32
      %sign3A_1248 = arith.cmpi slt, %jit3A_1235, %sign3A_1247 : i32
      %sign3A_1249 = arith.extui %sign3A_1248 : i1 to i32
      %sign3A_1250 = arith.subi %sign3A_1246, %sign3A_1249 : i32
      %ne3A_1251 = arith.cmpi ne, %sign3A_1243, %sign3A_1250 : i32
      %rem3A_1252 = arith.remsi %select_n3A_1218, %jit3A_1235 : i32
      %ne3A_1253 = arith.constant 0 : i32
      %ne3A_1254 = arith.cmpi ne, %rem3A_1252, %ne3A_1253 : i32
      %and3A_1255 = arith.andi %ne3A_1251, %ne3A_1254 : i1
      %sub3A_1256 = arith.constant 1 : i32
      %sub3A_1257 = arith.subi %div3A_1236, %sub3A_1256 : i32
      %select_n3A_1258 = arith.select %and3A_1255, %sub3A_1257, %div3A_1236 : i32
      %mul3A_1259 = arith.constant 2 : i32
      %mul3A_1260 = arith.muli %select_n3A_1234, %mul3A_1259 : i32
      %jit3A_1261 = arith.constant 2 : i32
      %eq3A_1262 = arith.constant 0 : i32
      %eq3A_1263 = arith.cmpi eq, %jit3A_1261, %eq3A_1262 : i32
      %jit3A_1264 = arith.constant 1 : i32
      %select_n3A_1265 = arith.select %eq3A_1263, %jit3A_1264, %jit3A_1261 : i32
      %rem3A_1266 = arith.remsi %select_n3A_1218, %select_n3A_1265 : i32
      %ne3A_1267 = arith.constant 0 : i32
      %ne3A_1268 = arith.cmpi ne, %rem3A_1266, %ne3A_1267 : i32
      %lt3A_1269 = arith.constant 0 : i32
      %lt3A_1270 = arith.cmpi slt, %rem3A_1266, %lt3A_1269 : i32
      %lt3A_1271 = arith.constant 0 : i32
      %lt3A_1272 = arith.cmpi slt, %select_n3A_1265, %lt3A_1271 : i32
      %ne3A_1273 = arith.xori %lt3A_1270, %lt3A_1272 : i1
      %and3A_1274 = arith.andi %ne3A_1273, %ne3A_1268 : i1
      %add3A_1275 = arith.addi %rem3A_1266, %select_n3A_1265 : i32
      %select_n3A_1276 = arith.select %and3A_1274, %add3A_1275, %rem3A_1266 : i32
      %mul3A_1277 = arith.constant 4096 : i32
      %mul3A_1278 = arith.muli %select_n3A_1276, %mul3A_1277 : i32
      %dma_start3A_1279 = arith.constant 3 : i32
      %dma_start3A_1280 = tpu.memref_slice %arg3[%select_n3A_1178, %select_n3A_1258, %mul3A_1260, %mul3A_1278] : memref<2x64x32x8192xf32, #tpu.memory_space<hbm>> -> memref<1x1x2x4096xf32, #tpu.memory_space<hbm>>
      %dma_start3A_1281 = tpu.memref_squeeze %dma_start3A_1280 : memref<1x1x2x4096xf32, #tpu.memory_space<hbm>> -> memref<2x4096xf32, #tpu.memory_space<hbm>>
      %dma_start3A_1282 = tpu.memref_slice %arg13[%dma_start3A_1279] : memref<4x!tpu.dma_semaphore, #tpu.memory_space<semaphore_mem>> -> memref<1x!tpu.dma_semaphore, #tpu.memory_space<semaphore_mem>>
      %dma_start3A_1283 = tpu.memref_squeeze %dma_start3A_1282 : memref<1x!tpu.dma_semaphore, #tpu.memory_space<semaphore_mem>> -> memref<!tpu.dma_semaphore, #tpu.memory_space<semaphore_mem>>
      %dma_start3A_1284 = tpu.memref_slice %arg3[%select_n3A_1178, %select_n3A_1258, %mul3A_1260, %mul3A_1278] : memref<2x64x32x8192xf32, #tpu.memory_space<hbm>> -> memref<1x1x2x4096xf32, #tpu.memory_space<hbm>>
      %dma_start3A_1285 = tpu.memref_squeeze %dma_start3A_1284 : memref<1x1x2x4096xf32, #tpu.memory_space<hbm>> -> memref<2x4096xf32, #tpu.memory_space<hbm>>
      tpu.enqueue_dma source(%arg11 : memref<2x4096xf32, #tpu.memory_space<vmem>>) target(%dma_start3A_1285 : memref<2x4096xf32, #tpu.memory_space<hbm>>) target_semaphore(%dma_start3A_1283 : memref<!tpu.dma_semaphore, #tpu.memory_space<semaphore_mem>>)
      %add3A_1286 = arith.constant 4 : i32
      %add3A_1287 = arith.addi %add3A_1079, %add3A_1286 : i32
      %lt3A_1288 = arith.constant 128 : i32
      %lt3A_1289 = arith.cmpi slt, %add3A_1287, %lt3A_1288 : i32
      %convert_element_type3A_1290 = arith.extui %lt3A_1289 : i1 to i32
      %cond3A_1291 = arith.constant 0 : i32
      %cond3A_1292 = arith.cmpi ne, %convert_element_type3A_1290, %cond3A_1291 : i32
      scf.if %cond3A_1292 {
        %add3A_1293 = arith.constant 4 : i32
        %add3A_1294 = arith.addi %add3A_1079, %add3A_1293 : i32
        %mul3A_1295 = arith.constant 32 : i32
        %mul3A_1296 = arith.muli %add3A_1294, %mul3A_1295 : i32
        %add3A_1297 = arith.addi %mul3A_1296, %add3A : i32
        %jit3A_1298 = arith.constant 2048 : i32
        %div3A_1299 = arith.divsi %add3A_1297, %jit3A_1298 : i32
        %sign3A_1300 = arith.constant 0 : i32
        %sign3A_1301 = arith.cmpi sgt, %add3A_1297, %sign3A_1300 : i32
        %sign3A_1302 = arith.extui %sign3A_1301 : i1 to i32
        %sign3A_1303 = arith.constant 0 : i32
        %sign3A_1304 = arith.cmpi slt, %add3A_1297, %sign3A_1303 : i32
        %sign3A_1305 = arith.extui %sign3A_1304 : i1 to i32
        %sign3A_1306 = arith.subi %sign3A_1302, %sign3A_1305 : i32
        %sign3A_1307 = arith.constant 0 : i32
        %sign3A_1308 = arith.cmpi sgt, %jit3A_1298, %sign3A_1307 : i32
        %sign3A_1309 = arith.extui %sign3A_1308 : i1 to i32
        %sign3A_1310 = arith.constant 0 : i32
        %sign3A_1311 = arith.cmpi slt, %jit3A_1298, %sign3A_1310 : i32
        %sign3A_1312 = arith.extui %sign3A_1311 : i1 to i32
        %sign3A_1313 = arith.subi %sign3A_1309, %sign3A_1312 : i32
        %ne3A_1314 = arith.cmpi ne, %sign3A_1306, %sign3A_1313 : i32
        %rem3A_1315 = arith.remsi %add3A_1297, %jit3A_1298 : i32
        %ne3A_1316 = arith.constant 0 : i32
        %ne3A_1317 = arith.cmpi ne, %rem3A_1315, %ne3A_1316 : i32
        %and3A_1318 = arith.andi %ne3A_1314, %ne3A_1317 : i1
        %sub3A_1319 = arith.constant 1 : i32
        %sub3A_1320 = arith.subi %div3A_1299, %sub3A_1319 : i32
        %select_n3A_1321 = arith.select %and3A_1318, %sub3A_1320, %div3A_1299 : i32
        %jit3A_1322 = arith.constant 2048 : i32
        %eq3A_1323 = arith.constant 0 : i32
        %eq3A_1324 = arith.cmpi eq, %jit3A_1322, %eq3A_1323 : i32
        %jit3A_1325 = arith.constant 1 : i32
        %select_n3A_1326 = arith.select %eq3A_1324, %jit3A_1325, %jit3A_1322 : i32
        %rem3A_1327 = arith.remsi %add3A_1297, %select_n3A_1326 : i32
        %ne3A_1328 = arith.constant 0 : i32
        %ne3A_1329 = arith.cmpi ne, %rem3A_1327, %ne3A_1328 : i32
        %lt3A_1330 = arith.constant 0 : i32
        %lt3A_1331 = arith.cmpi slt, %rem3A_1327, %lt3A_1330 : i32
        %lt3A_1332 = arith.constant 0 : i32
        %lt3A_1333 = arith.cmpi slt, %select_n3A_1326, %lt3A_1332 : i32
        %ne3A_1334 = arith.xori %lt3A_1331, %lt3A_1333 : i1
        %and3A_1335 = arith.andi %ne3A_1334, %ne3A_1329 : i1
        %add3A_1336 = arith.addi %rem3A_1327, %select_n3A_1326 : i32
        %select_n3A_1337 = arith.select %and3A_1335, %add3A_1336, %rem3A_1327 : i32
        %jit3A_1338 = arith.constant 16 : i32
        %div3A_1339 = arith.divsi %select_n3A_1337, %jit3A_1338 : i32
        %sign3A_1340 = arith.constant 0 : i32
        %sign3A_1341 = arith.cmpi sgt, %select_n3A_1337, %sign3A_1340 : i32
        %sign3A_1342 = arith.extui %sign3A_1341 : i1 to i32
        %sign3A_1343 = arith.constant 0 : i32
        %sign3A_1344 = arith.cmpi slt, %select_n3A_1337, %sign3A_1343 : i32
        %sign3A_1345 = arith.extui %sign3A_1344 : i1 to i32
        %sign3A_1346 = arith.subi %sign3A_1342, %sign3A_1345 : i32
        %sign3A_1347 = arith.constant 0 : i32
        %sign3A_1348 = arith.cmpi sgt, %jit3A_1338, %sign3A_1347 : i32
        %sign3A_1349 = arith.extui %sign3A_1348 : i1 to i32
        %sign3A_1350 = arith.constant 0 : i32
        %sign3A_1351 = arith.cmpi slt, %jit3A_1338, %sign3A_1350 : i32
        %sign3A_1352 = arith.extui %sign3A_1351 : i1 to i32
        %sign3A_1353 = arith.subi %sign3A_1349, %sign3A_1352 : i32
        %ne3A_1354 = arith.cmpi ne, %sign3A_1346, %sign3A_1353 : i32
        %rem3A_1355 = arith.remsi %select_n3A_1337, %jit3A_1338 : i32
        %ne3A_1356 = arith.constant 0 : i32
        %ne3A_1357 = arith.cmpi ne, %rem3A_1355, %ne3A_1356 : i32
        %and3A_1358 = arith.andi %ne3A_1354, %ne3A_1357 : i1
        %sub3A_1359 = arith.constant 1 : i32
        %sub3A_1360 = arith.subi %div3A_1339, %sub3A_1359 : i32
        %select_n3A_1361 = arith.select %and3A_1358, %sub3A_1360, %div3A_1339 : i32
        %jit3A_1362 = arith.constant 16 : i32
        %eq3A_1363 = arith.constant 0 : i32
        %eq3A_1364 = arith.cmpi eq, %jit3A_1362, %eq3A_1363 : i32
        %jit3A_1365 = arith.constant 1 : i32
        %select_n3A_1366 = arith.select %eq3A_1364, %jit3A_1365, %jit3A_1362 : i32
        %rem3A_1367 = arith.remsi %select_n3A_1337, %select_n3A_1366 : i32
        %ne3A_1368 = arith.constant 0 : i32
        %ne3A_1369 = arith.cmpi ne, %rem3A_1367, %ne3A_1368 : i32
        %lt3A_1370 = arith.constant 0 : i32
        %lt3A_1371 = arith.cmpi slt, %rem3A_1367, %lt3A_1370 : i32
        %lt3A_1372 = arith.constant 0 : i32
        %lt3A_1373 = arith.cmpi slt, %select_n3A_1366, %lt3A_1372 : i32
        %ne3A_1374 = arith.xori %lt3A_1371, %lt3A_1373 : i1
        %and3A_1375 = arith.andi %ne3A_1374, %ne3A_1369 : i1
        %add3A_1376 = arith.addi %rem3A_1367, %select_n3A_1366 : i32
        %select_n3A_1377 = arith.select %and3A_1375, %add3A_1376, %rem3A_1367 : i32
        %mul3A_1378 = arith.constant 2 : i32
        %mul3A_1379 = arith.muli %select_n3A_1377, %mul3A_1378 : i32
        %dma_start3A_1380 = arith.constant 3 : i32
        %dma_start3A_1381 = arith.constant 0 : i32
        %dma_start3A_1382 = arith.constant 0 : i32
        %dma_start3A_1383 = tpu.memref_slice %arg2[%select_n3A_1321, %select_n3A_1361, %dma_start3A_1381, %mul3A_1379, %dma_start3A_1382] : memref<2x128x4x32x1024xf32, #tpu.memory_space<hbm>> -> memref<1x1x4x2x1024xf32, #tpu.memory_space<hbm>>
        %dma_start3A_1384 = tpu.memref_squeeze %dma_start3A_1383 : memref<1x1x4x2x1024xf32, #tpu.memory_space<hbm>> -> memref<4x2x1024xf32, #tpu.memory_space<hbm>>
        %dma_start3A_1385 = tpu.memref_slice %arg12[%dma_start3A_1380] : memref<4x!tpu.dma_semaphore, #tpu.memory_space<semaphore_mem>> -> memref<1x!tpu.dma_semaphore, #tpu.memory_space<semaphore_mem>>
        %dma_start3A_1386 = tpu.memref_squeeze %dma_start3A_1385 : memref<1x!tpu.dma_semaphore, #tpu.memory_space<semaphore_mem>> -> memref<!tpu.dma_semaphore, #tpu.memory_space<semaphore_mem>>
        %dma_start3A_1387 = arith.constant 0 : i32
        %dma_start3A_1388 = arith.constant 0 : i32
        %dma_start3A_1389 = tpu.memref_slice %arg2[%select_n3A_1321, %select_n3A_1361, %dma_start3A_1387, %mul3A_1379, %dma_start3A_1388] : memref<2x128x4x32x1024xf32, #tpu.memory_space<hbm>> -> memref<1x1x4x2x1024xf32, #tpu.memory_space<hbm>>
        %dma_start3A_1390 = tpu.memref_squeeze %dma_start3A_1389 : memref<1x1x4x2x1024xf32, #tpu.memory_space<hbm>> -> memref<4x2x1024xf32, #tpu.memory_space<hbm>>
        tpu.enqueue_dma source(%dma_start3A_1390 : memref<4x2x1024xf32, #tpu.memory_space<hbm>>) target(%arg7 : memref<4x2x1024xf32, #tpu.memory_space<vmem>>) target_semaphore(%dma_start3A_1386 : memref<!tpu.dma_semaphore, #tpu.memory_space<semaphore_mem>>)
      } else {
      }
    }
    %scan3A_377 = arith.constant 32 : i32
    %dma_wait3A = arith.constant 0 : i32
    %dma_wait3A_378 = arith.constant 0 : i32
    %dma_wait3A_379 = arith.constant 0 : i32
    %dma_wait3A_380 = arith.constant 0 : i32
    %dma_wait3A_381 = arith.constant 0 : i32
    %dma_wait3A_382 = tpu.memref_slice %arg3[%dma_wait3A, %dma_wait3A_378, %dma_wait3A_380, %dma_wait3A_381] : memref<2x64x32x8192xf32, #tpu.memory_space<hbm>> -> memref<1x1x2x4096xf32, #tpu.memory_space<hbm>>
    %dma_wait3A_383 = tpu.memref_squeeze %dma_wait3A_382 : memref<1x1x2x4096xf32, #tpu.memory_space<hbm>> -> memref<2x4096xf32, #tpu.memory_space<hbm>>
    %dma_wait3A_384 = tpu.memref_slice %arg13[%dma_wait3A_379] : memref<4x!tpu.dma_semaphore, #tpu.memory_space<semaphore_mem>> -> memref<1x!tpu.dma_semaphore, #tpu.memory_space<semaphore_mem>>
    %dma_wait3A_385 = tpu.memref_squeeze %dma_wait3A_384 : memref<1x!tpu.dma_semaphore, #tpu.memory_space<semaphore_mem>> -> memref<!tpu.dma_semaphore, #tpu.memory_space<semaphore_mem>>
    %dma_wait3A_386 = arith.constant 0 : i32
    %dma_wait3A_387 = arith.constant 0 : i32
    %dma_wait3A_388 = tpu.memref_slice %arg3[%dma_wait3A, %dma_wait3A_378, %dma_wait3A_386, %dma_wait3A_387] : memref<2x64x32x8192xf32, #tpu.memory_space<hbm>> -> memref<1x1x2x4096xf32, #tpu.memory_space<hbm>>
    %dma_wait3A_389 = tpu.memref_squeeze %dma_wait3A_388 : memref<1x1x2x4096xf32, #tpu.memory_space<hbm>> -> memref<2x4096xf32, #tpu.memory_space<hbm>>
    tpu.wait_dma2 semaphore(%dma_wait3A_385 : memref<!tpu.dma_semaphore, #tpu.memory_space<semaphore_mem>>) src(%arg8 : memref<2x4096xf32, #tpu.memory_space<vmem>>) dst(%dma_wait3A_389 : memref<2x4096xf32, #tpu.memory_space<hbm>>)
    %dma_wait3A_390 = arith.constant 0 : i32
    %dma_wait3A_391 = arith.constant 0 : i32
    %dma_wait3A_392 = arith.constant 1 : i32
    %dma_wait3A_393 = arith.constant 0 : i32
    %dma_wait3A_394 = arith.constant 0 : i32
    %dma_wait3A_395 = tpu.memref_slice %arg3[%dma_wait3A_390, %dma_wait3A_391, %dma_wait3A_393, %dma_wait3A_394] : memref<2x64x32x8192xf32, #tpu.memory_space<hbm>> -> memref<1x1x2x4096xf32, #tpu.memory_space<hbm>>
    %dma_wait3A_396 = tpu.memref_squeeze %dma_wait3A_395 : memref<1x1x2x4096xf32, #tpu.memory_space<hbm>> -> memref<2x4096xf32, #tpu.memory_space<hbm>>
    %dma_wait3A_397 = tpu.memref_slice %arg13[%dma_wait3A_392] : memref<4x!tpu.dma_semaphore, #tpu.memory_space<semaphore_mem>> -> memref<1x!tpu.dma_semaphore, #tpu.memory_space<semaphore_mem>>
    %dma_wait3A_398 = tpu.memref_squeeze %dma_wait3A_397 : memref<1x!tpu.dma_semaphore, #tpu.memory_space<semaphore_mem>> -> memref<!tpu.dma_semaphore, #tpu.memory_space<semaphore_mem>>
    %dma_wait3A_399 = arith.constant 0 : i32
    %dma_wait3A_400 = arith.constant 0 : i32
    %dma_wait3A_401 = tpu.memref_slice %arg3[%dma_wait3A_390, %dma_wait3A_391, %dma_wait3A_399, %dma_wait3A_400] : memref<2x64x32x8192xf32, #tpu.memory_space<hbm>> -> memref<1x1x2x4096xf32, #tpu.memory_space<hbm>>
    %dma_wait3A_402 = tpu.memref_squeeze %dma_wait3A_401 : memref<1x1x2x4096xf32, #tpu.memory_space<hbm>> -> memref<2x4096xf32, #tpu.memory_space<hbm>>
    tpu.wait_dma2 semaphore(%dma_wait3A_398 : memref<!tpu.dma_semaphore, #tpu.memory_space<semaphore_mem>>) src(%arg9 : memref<2x4096xf32, #tpu.memory_space<vmem>>) dst(%dma_wait3A_402 : memref<2x4096xf32, #tpu.memory_space<hbm>>)
    %dma_wait3A_403 = arith.constant 0 : i32
    %dma_wait3A_404 = arith.constant 0 : i32
    %dma_wait3A_405 = arith.constant 2 : i32
    %dma_wait3A_406 = arith.constant 0 : i32
    %dma_wait3A_407 = arith.constant 0 : i32
    %dma_wait3A_408 = tpu.memref_slice %arg3[%dma_wait3A_403, %dma_wait3A_404, %dma_wait3A_406, %dma_wait3A_407] : memref<2x64x32x8192xf32, #tpu.memory_space<hbm>> -> memref<1x1x2x4096xf32, #tpu.memory_space<hbm>>
    %dma_wait3A_409 = tpu.memref_squeeze %dma_wait3A_408 : memref<1x1x2x4096xf32, #tpu.memory_space<hbm>> -> memref<2x4096xf32, #tpu.memory_space<hbm>>
    %dma_wait3A_410 = tpu.memref_slice %arg13[%dma_wait3A_405] : memref<4x!tpu.dma_semaphore, #tpu.memory_space<semaphore_mem>> -> memref<1x!tpu.dma_semaphore, #tpu.memory_space<semaphore_mem>>
    %dma_wait3A_411 = tpu.memref_squeeze %dma_wait3A_410 : memref<1x!tpu.dma_semaphore, #tpu.memory_space<semaphore_mem>> -> memref<!tpu.dma_semaphore, #tpu.memory_space<semaphore_mem>>
    %dma_wait3A_412 = arith.constant 0 : i32
    %dma_wait3A_413 = arith.constant 0 : i32
    %dma_wait3A_414 = tpu.memref_slice %arg3[%dma_wait3A_403, %dma_wait3A_404, %dma_wait3A_412, %dma_wait3A_413] : memref<2x64x32x8192xf32, #tpu.memory_space<hbm>> -> memref<1x1x2x4096xf32, #tpu.memory_space<hbm>>
    %dma_wait3A_415 = tpu.memref_squeeze %dma_wait3A_414 : memref<1x1x2x4096xf32, #tpu.memory_space<hbm>> -> memref<2x4096xf32, #tpu.memory_space<hbm>>
    tpu.wait_dma2 semaphore(%dma_wait3A_411 : memref<!tpu.dma_semaphore, #tpu.memory_space<semaphore_mem>>) src(%arg10 : memref<2x4096xf32, #tpu.memory_space<vmem>>) dst(%dma_wait3A_415 : memref<2x4096xf32, #tpu.memory_space<hbm>>)
    %dma_wait3A_416 = arith.constant 0 : i32
    %dma_wait3A_417 = arith.constant 0 : i32
    %dma_wait3A_418 = arith.constant 3 : i32
    %dma_wait3A_419 = arith.constant 0 : i32
    %dma_wait3A_420 = arith.constant 0 : i32
    %dma_wait3A_421 = tpu.memref_slice %arg3[%dma_wait3A_416, %dma_wait3A_417, %dma_wait3A_419, %dma_wait3A_420] : memref<2x64x32x8192xf32, #tpu.memory_space<hbm>> -> memref<1x1x2x4096xf32, #tpu.memory_space<hbm>>
    %dma_wait3A_422 = tpu.memref_squeeze %dma_wait3A_421 : memref<1x1x2x4096xf32, #tpu.memory_space<hbm>> -> memref<2x4096xf32, #tpu.memory_space<hbm>>
    %dma_wait3A_423 = tpu.memref_slice %arg13[%dma_wait3A_418] : memref<4x!tpu.dma_semaphore, #tpu.memory_space<semaphore_mem>> -> memref<1x!tpu.dma_semaphore, #tpu.memory_space<semaphore_mem>>
    %dma_wait3A_424 = tpu.memref_squeeze %dma_wait3A_423 : memref<1x!tpu.dma_semaphore, #tpu.memory_space<semaphore_mem>> -> memref<!tpu.dma_semaphore, #tpu.memory_space<semaphore_mem>>
    %dma_wait3A_425 = arith.constant 0 : i32
    %dma_wait3A_426 = arith.constant 0 : i32
    %dma_wait3A_427 = tpu.memref_slice %arg3[%dma_wait3A_416, %dma_wait3A_417, %dma_wait3A_425, %dma_wait3A_426] : memref<2x64x32x8192xf32, #tpu.memory_space<hbm>> -> memref<1x1x2x4096xf32, #tpu.memory_space<hbm>>
    %dma_wait3A_428 = tpu.memref_squeeze %dma_wait3A_427 : memref<1x1x2x4096xf32, #tpu.memory_space<hbm>> -> memref<2x4096xf32, #tpu.memory_space<hbm>>
    tpu.wait_dma2 semaphore(%dma_wait3A_424 : memref<!tpu.dma_semaphore, #tpu.memory_space<semaphore_mem>>) src(%arg11 : memref<2x4096xf32, #tpu.memory_space<vmem>>) dst(%dma_wait3A_428 : memref<2x4096xf32, #tpu.memory_space<hbm>>)
    return
  }
}

</mosaic_0001>

<sc_bundles>
// kernel: kernel.3.cloned.1.call-start
scs
__scs_entry_jumppad:
0x0: {  	(pc) =	sbr.rel $0x88, $3  }
0x1: {  	(tag) =	ssettag $0x0;
	lr =	simm.s32 $0x1  }
0x2: {  	[smem:$0x3FA0] =	sst lr;
	_ =	strace $0xD0000000  }
0x3: {  	_ = 	snop  }
0x4: {  	_ = 	snop  }
0x5: {  	_ = 	snop  }
0x6: {  	_ = 	snop  }
0x7: {  	_ = 	snop  }
__scs_overlays_trampoline_lowered:
0x8: {  	[smem:$0x3FAF] =	sst s0  }
0x9: {  	[smem:$0x3FB0] =	sst s1  }
0xa: {  	[smem:$0x3FB1] =	sst s2  }
0xb: {  	[smem:$0x3FB2] =	sst s3  }
0xc: {  	[smem:$0x3FB3] =	sst s4  }
0xd: {  	[smem:$0x3FB4] =	sst s5  }
0xe: {  	[smem:$0x3FB5] =	sst s6  }
0xf: {  	[smem:$0x3FB6] =	sst s7  }
0x10: {  	[smem:$0x3FB7] =	sst s8  }
0x11: {  	[smem:$0x3FB8] =	sst s9;
	s0 =	simm.s32 @!p0 $0x0  }
0x12: {  	s1 =	sld [smem:$0x3F9E];
	s0 =	simm.s32 @p0 $0x1  }
0x13: {  	[smem:$0x3FB9] =	sst s0;
	s0 =	simm.s32 @!p1 $0x0  }
0x14: {  	s2 =	sld [smem:$0x3F9D];
	s0 =	simm.s32 @p1 $0x1  }
0x15: {  	[smem:$0x3FBA] =	sst s0;
	s0 =	simm.s32 @!p2 $0x0  }
0x16: {  	s3 =	sld [smem:$0x3FDB];
	s0 =	simm.s32 @p2 $0x1  }
0x17: {  	s4 =	simm.s32 $0x1BF5;
	[smem:$0x3FBC] =	sst s0  }
0x18: {  	s0 =	sld [smem:$0x3F9F];
	_ =	swait.ge [sflag:s4], $0x0  }
0x19: {  	s7 =	sld [smem:$0x3FA0]  }
0x1a: {  	s8 =	sadd.s32 $0xFFFFE003, lr  }
0x1b: {  	s9 =	sadd.s32 $0xFFFFFEF7, lr;
	s5 =	simm.s32 $0xFFFFFFFF;
	p2 =	slt.u32 s8, $0xFFFFF086  }
0x1c: {  	p1 =	slt.u32 s9, $0xF7A;
	s5 =	simm.s32 @!p2 $0x0  }
0x1d: {  	s5 =	simm.s32 @p1 $0x1;
	p0 =	seq.s32 s7, s2  }
0x1e: {  	s7 =	smul.u32 @!p0 $0xF7A, s2;
	p2 =	seq.s32 @!p0 s5, $0x0  }
0x1f: {  	s9 =	smul.u32 $0xF7A, s1;
	s8 =	simm.s32 @!p0 $0x1BF5;
	p2 =	por !p2, p0  }
0x20: {  	[sflag:s8] =	ssyncset.s32 @!p0 $0xFFFFF086;
	s6 =	sadd.s32 @!p0 s3, s7;
	s7 =	simm.s32 @!p0 $0x108  }
0x21: {  	s3 =	sadd.s32 s3, s9;
	s6 =	sadd.s32 @!p0 $0x88, s6;
	s7 =	simm.s32 @p2 $0x1082  }
0x22: {  	[simem:s7], [sflag:s8] =	dma.local @!p0 [hbm:s6], $0xF7A  }
0x23: {  	s9 =	sor.u32 $0xD0000000, s2;
	s6 =	simm.s32 $0x108;
	_ =	swait.ge @!p0 [sflag:s8], $0x0  }
0x24: {  	s3 =	sadd.s32 $0x88, s3;
	s6 =	simm.s32 @!p1 $0x1082;
	[sflag:s4] =	ssyncset.s32 $0xFFFFF086  }
0x25: {  	[simem:s6], [sflag:s4] =	dma.local [hbm:s3], $0xF7A  }
0x26: {  	[smem:$0x3FA0] =	sst s1;
	(tag) =	ssettag s2;
	_ =	strace s9  }
0x27: {  	s1 =	sld [smem:$0x3FB0]  }
0x28: {  	s2 =	sld [smem:$0x3FB1]  }
0x29: {  	s4 =	sld [smem:$0x3FB3]  }
0x2a: {  	p0 =	seq.s32 s5, $0x0;
	s5 =	sld [smem:$0x3FB4]  }
0x2b: {  	s6 =	sld [smem:$0x3FB5]  }
0x2c: {  	s7 =	sld [smem:$0x3FB6]  }
0x2d: {  	s3 =	simm.s32 $0x108;
	s8 =	sld [smem:$0x3FB7]  }
0x2e: {  	s3 =	simm.s32 @!p0 $0x1082;
	s9 =	sld [smem:$0x3FB8]  }
0x2f: {  	lr =	sadd.s32 s0, s3;
	s0 =	sld [smem:$0x3FAF]  }
0x30: {  	s3 =	sld [smem:$0x3FB2]  }
0x31: {  	[smem:$0x3FBB] =	sst s10  }
0x32: {  	s10 =	sld [smem:$0x3FB9];
	_ =	sdelay $0x3  }
0x33: {  	p0 =	seq.s32 s10, $0x1;
	s10 =	sld [smem:$0x3FBB];
	_ =	sdelay $0x3  }
0x34: {  	[smem:$0x3FBB] =	sst s10  }
0x35: {  	s10 =	sld [smem:$0x3FBA];
	_ =	sdelay $0x3  }
0x36: {  	p1 =	seq.s32 s10, $0x1;
	s10 =	sld [smem:$0x3FBB];
	_ =	sdelay $0x3  }
0x37: {  	[smem:$0x3FBB] =	sst s10  }
0x38: {  	s10 =	sld [smem:$0x3FBC]  }
0x39: {  	_ = 	snop;
	(pc) =	sbr.ind lr, $3  }
0x3a: {  	_ = 	snop  }
0x3b: {  	_ = 	snop  }
0x3c: {  	p2 =	seq.s32 s10, $0x1;
	s10 =	sld [smem:$0x3FBB]  }
0x3d: {  	_ =	shalt  }
0x3e: {  	_ =	shalt  }
0x3f: {  	_ =	shalt  }
0x40: {  	_ =	shalt  }
0x41: {  	_ =	shalt  }
0x42: {  	_ =	shalt  }
0x43: {  	_ =	shalt  }
0x44: {  	_ =	shalt  }
0x45: {  	_ =	shalt  }
0x46: {  	_ =	shalt  }
0x47: {  	_ =	shalt  }
0x48: {  	_ =	shalt  }
0x49: {  	_ =	shalt  }
0x4a: {  	_ =	shalt  }
0x4b: {  	_ =	shalt  }
0x4c: {  	_ =	shalt  }
0x4d: {  	_ =	shalt  }
0x4e: {  	_ =	shalt  }
0x4f: {  	_ =	shalt  }
0x50: {  	_ =	shalt  }
0x51: {  	_ =	shalt  }
0x52: {  	_ =	shalt  }
0x53: {  	_ =	shalt  }
0x54: {  	_ =	shalt  }
0x55: {  	_ =	shalt  }
0x56: {  	_ =	shalt  }
0x57: {  	_ =	shalt  }
0x58: {  	_ =	shalt  }
0x59: {  	_ =	shalt  }
0x5a: {  	_ =	shalt  }
0x5b: {  	_ =	shalt  }
0x5c: {  	_ =	shalt  }
0x5d: {  	_ =	shalt  }
0x5e: {  	_ =	shalt  }
0x5f: {  	_ =	shalt  }
0x60: {  	_ =	shalt  }
0x61: {  	_ =	shalt  }
0x62: {  	_ =	shalt  }
0x63: {  	_ =	shalt  }
0x64: {  	_ =	shalt  }
0x65: {  	_ =	shalt  }
0x66: {  	_ =	shalt  }
0x67: {  	_ =	shalt  }
0x68: {  	_ =	shalt  }
0x69: {  	_ =	shalt  }
0x6a: {  	_ =	shalt  }
0x6b: {  	_ =	shalt  }
0x6c: {  	_ =	shalt  }
0x6d: {  	_ =	shalt  }
0x6e: {  	_ =	shalt  }
0x6f: {  	_ =	shalt  }
0x70: {  	_ =	shalt  }
0x71: {  	_ =	shalt  }
0x72: {  	_ =	shalt  }
0x73: {  	_ =	shalt  }
0x74: {  	_ =	shalt  }
0x75: {  	_ =	shalt  }
0x76: {  	_ =	shalt  }
0x77: {  	_ =	shalt  }
0x78: {  	_ =	shalt  }
0x79: {  	_ =	shalt  }
0x7a: {  	_ =	shalt  }
0x7b: {  	_ =	shalt  }
0x7c: {  	_ =	shalt  }
0x7d: {  	_ =	shalt  }
0x7e: {  	_ =	shalt  }
0x7f: {  	_ =	shalt  }
0x80: {  	_ =	shalt  }
0x81: {  	_ =	shalt  }
0x82: {  	_ =	shalt  }
0x83: {  	_ =	shalt  }
0x84: {  	_ =	shalt  }
0x85: {  	_ =	shalt  }
0x86: {  	_ =	shalt  }
0x87: {  	_ =	shalt  }
.Lfunc_end0:
.L_simem_size_0:
called_computation_lowered:
.L_overlay_start_0:
0x88: {  	s2 =	sld [smem:$0x3FD9]  }
0x89: {  	s3 =	sld [smem:$0x3FFE];
	_ =	sdelay $0x1  }
0x8a: {  	s1 =	srdreg.scid  }
0x8b: {  	s0 =	sand.u32 $0x1, s1  }
0x8c: {  	s17 =	sshll.u32 s0, $0xA;
	s2 =	sadd.s32 s3, s2  }
0x8d: {  	s2 =	sadd.s32 s2, s17  }
0x8e: {  	[smem:$0x3FC7] =	sst s2  }
0x8f: {  	_ = 	snop  }
0x90: {  	s2 =	sld [smem:$0x3FD0];
	(tm) =	ssettm $0x1  }
0x91: {  	s18 =	sld [smem:$0x3FFB];
	_ =	sdelay $0x3  }
0x92: {  	_ =	strace s18  }
0x93: {  	s3 =	sld [smem:$0x3FFC];
	_ =	sdelay $0x3  }
0x94: {  	_ =	strace s3  }
0x95: {  	s3 =	sld [smem:$0x3FFD];
	_ =	sdelay $0x3  }
0x96: {  	_ =	strace s3  }
0x97: {  	_ =	strace $0x8FFFFFFF  }
0x98: {  	s19 =	sld [smem:$0x3FDB];
	_ =	sdelay $0x1  }
0x99: {  	s4 =	simm.s32 $_scs_section_size  }
0x9a: {  	s5 =	simm.s32 $_size__tile_overlayer_lowered;
	s6 =	simm.s32 $_tile_overlayer_lowered  }
0x9b: {  	s22 =	simm.s32 $0x1BFF;
	s21 =	sshll.u32 s6, $0x1;
	s3 =	sadd.s32 s4, s19  }
0x9c: {  	s7 =	simm.s32 $0x0;
	s20 =	sshll.u32 s5, $0x1;
	s5 =	sadd.s32 s21, s3  }
0x9d: {  	[timem:s7], [sflag:s22] =	dma.local [hbm:s5], s20  }
0x9e: {  	_ =	swait.ge [sflag:s22], s20  }
0x9f: {  	s4 =	ssub.s32 $0x0, s20;
	[sflag:s22] =	ssyncset.done $0x0  }
0xa0: {  	[sflag:s22] =	ssyncadd.s32 s4;
	_ =	sdelay $0x1  }
0xa1: {  	s23 =	simm.s32 $0x1B8B  }
0xa2: {  	_ =	swait.ge [sflag:s23], $0x1  }
0xa3: {  	[sflag:s23] =	ssyncset.done $0x0  }
0xa4: {  	s25 =	simm.s32 $0x1B8E;
	s24 =	sld [smem:$0x3FFE];
	[sflag:s23] =	ssyncadd.s32 $0xFFFFFFFF  }
0xa5: {  	s26 =	simm.s32 $execute0_lowered;
	[smem:$0x3FD2] =	sst s25  }
0xa6: {  	s5 =	sshll.u32 s26, $0x1;
	_ =	strace $0x80000046;
	[dreg:$0x1] =	wrdreg $0xFFFFFFFF  }
0xa7: {  	s28 =	simm.s32 $_size_execute0_lowered;
	s3 =	sadd.s32 s3, s5;
	[dreg:$0x0] =	wrdreg $0x0  }
0xa8: {  	s5 =	sshll.u32 s28, $0x1;
	[dreg:$0x2] =	wrdreg s3  }
0xa9: {  	[dreg:$0x3] =	wrdreg s5  }
0xaa: {  	[dreg:$0x4] =	wrdreg $0xC0  }
0xab: {  	_ =	task [dreg:s7], $0x5FFFF  }
0xac: {  	[dreg:$0x1] =	wrdreg $0xFFFFFFFF  }
0xad: {  	[dreg:$0x0] =	wrdreg $0x60  }
0xae: {  	[dreg:$0x2] =	wrdreg s2  }
0xaf: {  	[dreg:$0x3] =	wrdreg s24  }
0xb0: {  	[dreg:$0x4] =	wrdreg $0x9  }
0xb1: {  	_ =	task.clear_ibuf [dreg:s7], $0x5FFFF;
	_ =	strace $0x90000046  }
0xb2: {  	s29 =	simm.s32 $0x9;
	_ =	strace $0x80000048  }
0xb3: {  	_ =	swait.ge [sflag:s29], $0x1  }
0xb4: {  	[sflag:s29] =	ssyncadd.s32 $0xFFFFFFFF  }
0xb5: {  	_ =	strace $0x90000048  }
0xb6: {  	_ =	sfence  }
0xb7: {  	s30 =	sld [smem:$0x0];
	_ =	sdelay $0x2  }
0xb8: {  	s31 =	sshll.u32 s1, $0xD;
	s1 =	sshrl.u32 s1, $0x2  }
0xb9: {  	s3 =	sand.u32 $0x4000, s31;
	s1 =	sadd.s32 s1, s30  }
0xba: {  	s0 =	sor.u32 s3, s0;
	s1 =	sshll.u32 s1, $0x11  }
0xbb: {  	s0 =	sor.u32 s1, s0  }
0xbc: {  	s0 =	sadd.s32 $0x8F2B, s0  }
0xbd: {  	[sflag:s0] =	ssyncadd.remote.s32 $0x1  }
0xbe: {  	_ =	sfence.sel $0xFFFF  }
0xbf: {  	[dreg:$0x0] =	wrdreg $0xFFFFFFFF;
	(pc) =	sbr.abs _section_cstart, $3  }
0xc0: {  	[dreg:$0x1] =	wrdreg $0xFFFFFFFF  }
0xc1: {  	_ =	task.clear_ibuf [dreg:s7], $0x2FFFF;
	_ =	strace $0x9FFFFFFF  }
0xc2: {  	(tm) =	ssettm $0x7FFFFFFF  }
0xc3: {  	_ =	shalt  }
tec
execute0_lowered:
.L_overlay_start_1:
0x0: {  	(tag) =	ssettag $0x1  }
0x1: {  	s0 =	rddreg [dreg:$0x0]  }
0x2: {  	s1 =	rddreg [dreg:$0x1];
	s2 =	srdreg.scid;
	s3 =	simm.s32 $0x0  }
0x3: {  	s8 =	stileid.u32;
	s30 =	simm.s32 $0x100;
	s31 =	simm.s32 $0x400  }
0x4: {  	s2 =	sand.u32 $0x1, s2;
	[smem:$0x7FF] =	sst s3;
	s5 =	sshll.u32 s8, $0x8  }
0x5: {  	s6 =	sshll.u32 s8, $0x5;
	s19 =	sshll.u32 s2, $0xC;
	_ =	strace $0x80000047  }
0x6: {  	s20 =	ssub.s32 $0x2, s2;
	s4 =	sshll.u32 s2, $0xE;
	s2 =	sshll.u32 s2, $0x4  }
0x7: {  	s5 =	sand.u32 $0xC00, s5;
	s6 =	sand.u32 $0x60, s6;
	s24 =	sor.u32 $0x80, s2  }
0x8: {  	s4 =	sadd.s32 s0, s4;
	s25 =	sor.u32 $0xA0, s2;
	[dreg:$0x7] =	wrdreg s24  }
0x9: {  	s7 =	sshrl.u32 s20, $0x1;
	s26 =	sor.u32 $0xC0, s2;
	[dreg:$0x8] =	wrdreg s25  }
0xa: {  	s2 =	sor.u32 $0xE0, s2;
	s3 =	ssub.s32 s20, s7;
	[dreg:$0x9] =	wrdreg s26  }
0xb: {  	s4 =	sadd.s32 s5, s4;
	[dreg:$0xa] =	wrdreg s2;
	s9 =	smax.u32 s3, $0x1  }
0xc: {  	s28 =	simm.s32 $0x8000;
	s7 =	sadd.s32 s6, s4;
	[dreg:$0xb] =	wrdreg s9  }
0xd: {  	s29 =	simm.s32 $0x2;
	s4 =	sadd.s32 $0x8000, s7;
	[dreg:$0x3] =	wrdreg s7  }
0xe: {  	s22 =	sshll.u32 s8, $0xB;
	s21 =	sadd.s32 $0x10000, s7;
	[dreg:$0x4] =	wrdreg s4  }
0xf: {  	s8 =	simm.s32 $0x0;
	s23 =	sadd.s32 $0x18000, s7;
	[dreg:$0x5] =	wrdreg s21  }
0x10: {  	s1 =	sadd.s32 s19, s1;
	s10 =	sadd.s32 $0x1000, s7;
	[dreg:$0x6] =	wrdreg s23  }
0x11: {  	s0 =	sadd.s32 s0, s5;
	s16 =	sadd.s32 $0x2000, s7;
	[dreg:$0xc] =	wrdreg s10  }
0x12: {  	s12 =	sadd.s32 s6, s0;
	s17 =	sadd.s32 $0x3000, s7;
	[dreg:$0xd] =	wrdreg s16  }
0x13: {  	s0 =	simm.s32 $0x3;
	s18 =	sadd.s32 $0x9000, s7;
	[dreg:$0xe] =	wrdreg s17  }
0x14: {  	s2 =	simm.s32 $0x7;
	s19 =	sadd.s32 $0xA000, s7;
	[dreg:$0xf] =	wrdreg s18  }
0x15: {  	s5 =	simm.s32 $0x4;
	s20 =	sadd.s32 $0xB000, s7;
	[dreg:$0x10] =	wrdreg s19  }
0x16: {  	s3 =	simm.s32 $0x6;
	s24 =	sadd.s32 $0x19000, s7;
	[dreg:$0x11] =	wrdreg s20  }
0x17: {  	s25 =	sadd.s32 $0x1A000, s7;
	s26 =	sadd.s32 $0x1B000, s7;
	[dreg:$0x15] =	wrdreg s24  }
0x18: {  	s4 =	sand.u32 $0x6000, s22;
	s21 =	sadd.s32 $0x11000, s7;
	[dreg:$0x16] =	wrdreg s25  }
0x19: {  	v0 =	vlaneseq.u32;
	s22 =	sadd.s32 $0x12000, s7;
	s23 =	sadd.s32 $0x13000, s7;
	[dreg:$0x17] =	wrdreg s26  }
.Ltmp0:
0x1a: {  	v0 =	vmul.u32 $0x2, v0;
	s26 =	simm.s32 $0x1;
	[dreg:$0x12] =	wrdreg s21;
	(pc) =	sbr.rel .LBB2_1-.Ltmp0, $4  }
0x1b: {  	v1 =	vimm.s32 $0x0;
	vm0 =	vcmask $0x300;
	s16 =	simm.s32 $0xE000;
	s1 =	sadd.s32 s4, s1;
	[dreg:$0x13] =	wrdreg s22  }
0x1c: {  	v1 =	vsel vm0, $0x8, v1;
	v2 =	vor.u32 $0x20, v0;
	[dreg:$0x14] =	wrdreg s23;
	s4 =	simm.s32 $0xC000;
	s1 =	sadd.s32 s6, s1  }
0x1d: {  	v3 =	vor.u32 $0x1, v0;
	v4 =	vor.u32 $0x21, v0;
	v5 =	vor.u32 $0x40, v0;
	s6 =	simm.s32 $0x8;
	s11 =	sadd.s32 $0x400, s1;
	s13 =	sadd.s32 $0x8400, s1  }
0x1e: {  	v6 =	vor.u32 $0x60, v0;
	v7 =	vor.u32 $0x41, v0;
	v8 =	vor.u32 $0x61, v0;
	s14 =	sadd.s32 $0x10400, s1;
	s15 =	sadd.s32 $0x18400, s1;
	s1 =	simm.s32 $0xA000  }
.LBB2_80:
0x1f: {  	s7 =	simm.s32 $0x5  }
0x20: {  	_ =	swait.ge [sflag:s7], $0x2000  }
0x21: {  	[sflag:s7] =	ssyncset.done $0x0  }
0x22: {  	[sflag:s7] =	ssyncadd.s32 $0xFFFFE000  }
0x23: {  	_ =	swait.ge [sflag:s3], $0x2000  }
0x24: {  	[sflag:s3] =	ssyncset.done $0x0  }
0x25: {  	[sflag:s3] =	ssyncadd.s32 $0xFFFFE000  }
0x26: {  	_ =	swait.ge [sflag:s2], $0x2000  }
0x27: {  	[sflag:s2] =	ssyncset.done $0x0  }
0x28: {  	[sflag:s2] =	ssyncadd.s32 $0xFFFFE000  }
0x29: {  	_ =	swait.ge [sflag:s6], $0x2000  }
0x2a: {  	s8 =	rddreg [dreg:$0x18]  }
0x2b: {  	s25 =	rddreg [dreg:$0xb];
	s8 =	sadd.s32 $0x1, s8  }
0x2c: {  	p0 =	sne.s32 s8, s25  }
.Ltmp1:
0x2d: {  	_ = 	snop;
	(pc) =	sbr.rel @!p0 .LBB2_81-.Ltmp1, $3  }
0x2e: {  	_ =	sdelay $0x1  }
0x2f: {  	[sflag:s6] =	ssyncset.done $0x0  }
0x30: {  	[sflag:s6] =	ssyncadd.s32 $0xFFFFE000  }
.LBB2_1:
0x31: {  	[dreg:$0x18] =	wrdreg s8  }
0x32: {  	s7 =	simm.s32 $0x0;
	s19 =	rddreg [dreg:$0x3]  }
0x33: {  	[tilespmem:s7], [sflag:$0x1] =	stream.strided.gather [hbm4b:s19+s30], $0x800, s31, s30, $0x38;
	[tilespmem:$0x10000] =	vst v63  }
0x34: {  	s20 =	rddreg [dreg:$0xc];
	s21 =	simm.s32 $0x800  }
0x35: {  	[tilespmem:s21], [sflag:$0x1] =	stream.strided.gather [hbm4b:s20+s30], $0x800, s31, s30, $0x38;
	[tilespmem:$0x10000] =	vst v63  }
0x36: {  	s22 =	rddreg [dreg:$0xd];
	s23 =	simm.s32 $0x1000  }
0x37: {  	[tilespmem:s23], [sflag:$0x1] =	stream.strided.gather [hbm4b:s22+s30], $0x800, s31, s30, $0x38;
	[tilespmem:$0x10000] =	vst v63  }
0x38: {  	s24 =	rddreg [dreg:$0xe];
	s25 =	simm.s32 $0x1800  }
0x39: {  	[tilespmem:s25], [sflag:$0x1] =	stream.strided.gather [hbm4b:s24+s30], $0x800, s31, s30, $0x38;
	[tilespmem:$0x10000] =	vst v63  }
0x3a: {  	s8 =	rddreg [dreg:$0x4];
	s9 =	simm.s32 $0x2000  }
0x3b: {  	[tilespmem:s9], [sflag:$0x2] =	stream.strided.gather [hbm4b:s8+s30], $0x800, s31, s30, $0x38;
	[tilespmem:$0x10000] =	vst v63  }
0x3c: {  	s10 =	rddreg [dreg:$0xf];
	s17 =	simm.s32 $0x2800  }
0x3d: {  	[tilespmem:s17], [sflag:$0x2] =	stream.strided.gather [hbm4b:s10+s30], $0x800, s31, s30, $0x38;
	[tilespmem:$0x10000] =	vst v63  }
0x3e: {  	s18 =	rddreg [dreg:$0x10];
	s19 =	simm.s32 $0x3000  }
0x3f: {  	[tilespmem:s19], [sflag:$0x2] =	stream.strided.gather [hbm4b:s18+s30], $0x800, s31, s30, $0x38;
	[tilespmem:$0x10000] =	vst v63  }
0x40: {  	s20 =	rddreg [dreg:$0x11];
	s21 =	simm.s32 $0x3800  }
0x41: {  	[tilespmem:s21], [sflag:$0x2] =	stream.strided.gather [hbm4b:s20+s30], $0x800, s31, s30, $0x38;
	[tilespmem:$0x10000] =	vst v63  }
0x42: {  	s22 =	rddreg [dreg:$0x5];
	s23 =	simm.s32 $0x4000  }
0x43: {  	[tilespmem:s23], [sflag:$0x3] =	stream.strided.gather [hbm4b:s22+s30], $0x800, s31, s30, $0x38;
	[tilespmem:$0x10000] =	vst v63  }
0x44: {  	s24 =	rddreg [dreg:$0x12];
	s25 =	simm.s32 $0x4800  }
0x45: {  	[tilespmem:s25], [sflag:$0x3] =	stream.strided.gather [hbm4b:s24+s30], $0x800, s31, s30, $0x38;
	[tilespmem:$0x10000] =	vst v63  }
0x46: {  	s8 =	rddreg [dreg:$0x13];
	s9 =	simm.s32 $0x5000  }
0x47: {  	[tilespmem:s9], [sflag:$0x3] =	stream.strided.gather [hbm4b:s8+s30], $0x800, s31, s30, $0x38;
	[tilespmem:$0x10000] =	vst v63  }
0x48: {  	s10 =	rddreg [dreg:$0x14];
	s17 =	simm.s32 $0x5800  }
0x49: {  	[tilespmem:s17], [sflag:$0x3] =	stream.strided.gather [hbm4b:s10+s30], $0x800, s31, s30, $0x38;
	[tilespmem:$0x10000] =	vst v63  }
0x4a: {  	s18 =	rddreg [dreg:$0x6];
	s19 =	simm.s32 $0x6000  }
0x4b: {  	[tilespmem:s19], [sflag:$0x4] =	stream.strided.gather [hbm4b:s18+s30], $0x800, s31, s30, $0x38;
	[tilespmem:$0x10000] =	vst v63  }
0x4c: {  	s20 =	rddreg [dreg:$0x15];
	s21 =	simm.s32 $0x6800  }
0x4d: {  	[tilespmem:s21], [sflag:$0x4] =	stream.strided.gather [hbm4b:s20+s30], $0x800, s31, s30, $0x38;
	[tilespmem:$0x10000] =	vst v63  }
0x4e: {  	s22 =	rddreg [dreg:$0x16];
	s23 =	simm.s32 $0x7000  }
0x4f: {  	[tilespmem:s23], [sflag:$0x4] =	stream.strided.gather [hbm4b:s22+s30], $0x800, s31, s30, $0x38;
	[tilespmem:$0x10000] =	vst v63  }
0x50: {  	s24 =	rddreg [dreg:$0x17];
	s25 =	simm.s32 $0x7800;
	s17 =	simm.s32 $0x0  }
0x51: {  	[tilespmem:s25], [sflag:$0x4] =	stream.strided.gather [hbm4b:s24+s30], $0x800, s31, s30, $0x38;
	[tilespmem:$0x10000] =	vst v63  }
.LBB2_2:
0x52: {  	_ =	swait.ge [sflag:s26], $0x2000  }
0x53: {  	s7 =	simm.s32 $0x1A0;
	s8 =	simm.s32 $0x0;
	s9 =	simm.s32 $0x80  }
0x54: {  	s22 =	simm.s32 $0x100;
	p0 =	seq.s32 s17, $0x0;
	s23 =	simm.s32 $0x120;
	v9 =	vmov s7  }
0x55: {  	s24 =	simm.s32 $0xA0;
	s25 =	simm.s32 $0x180;
	[sflag:s26] =	ssyncset.done $0x0;
	v10 =	vmov s8;
	v11 =	vmov s9;
	v12 =	vmov s22  }
0x56: {  	s7 =	simm.s32 @!p0 $0x5;
	v13 =	vmov s23;
	v14 =	vmov s24;
	v15 =	vmov s25;
	[sflag:s26] =	ssyncadd.s32 $0xFFFFE000  }
0x57: {  	v10 =	vshrl.u32 v10, $0x7;
	v11 =	vshrl.u32 v11, $0x7;
	v12 =	vshrl.u32 v12, $0x7;
	_ =	swait.ge @!p0 [sflag:s7], $0x2000  }
0x58: {  	v9 =	vshrl.u32 v9, $0x7;
	v21 =	vshrl.u32 v13, $0x7;
	v11 =	vshll.u32 v11, v1;
	[sflag:s7] =	ssyncset.done @!p0 $0x0  }
0x59: {  	s19 =	simm.s32 $0x40;
	v14 =	vshrl.u32 v14, $0x7;
	v10 =	vshll.u32 v10, v1;
	v11 =	vbroadcast v11, $0x0;
	[sflag:s7] =	ssyncadd.s32 @!p0 $0xFFFFE000  }
0x5a: {  	v15 =	vshrl.u32 v15, $0x7;
	v12 =	vshll.u32 v12, v1;
	v10 =	vbroadcast v10, $0x0;
	v19 =	vld [tilespmem:s19+$0xFFFFFFE0]  }
0x5b: {  	v15 =	vshll.u32 v15, v1;
	v13 =	vbroadcast v12, $0x0;
	v22 =	vor.u32 v0, v11;
	v17 =	vld [tilespmem:s19+$0x10]  }
0x5c: {  	v12 =	vshll.u32 v14, v1;
	v14 =	vshll.u32 v21, v1;
	v18 =	vor.u32 v0, v10;
	v20 =	vld [tilespmem:s19+$0xFFFFFFC0]  }
0x5d: {  	s18 =	sshll.u32 s17, $0x7;
	s20 =	simm.s32 $0x140;
	v28 =	vshll.u32 v9, v1;
	v27 =	vbroadcast v14, $0x0;
	v21 =	vld [tilespmem:s19+$0x0];
	v24 =	vor.u32 v0, v13  }
0x5e: {  	s8 =	simm.s32 $0x0;
	s9 =	simm.s32 $0x3A0;
	v26 =	vbroadcast v15, $0x0;
	v25 =	vbroadcast v12, $0x0;
	s7 =	simm.s32 $0x870;
	v16 =	vor.u32 v2, v10;
	v23 =	vld [tilespmem:s19+$0xFFFFFFD0]  }
.LBB2_3:
0x5f: {  	s21 =	sadd.s32 $0xFFFFFE60, s9;
	s22 =	sadd.s32 $0xFFFFFEE0, s9;
	s23 =	sadd.s32 $0xFFFFFF00, s9;
	v29 =	vmov s9;
	v27 =	vor.u32 v2, v27;
	v28 =	vbroadcast v28, $0x0  }
0x60: {  	s24 =	sadd.s32 $0xFFFFFFE0, s9;
	v30 =	vmov s21;
	v31 =	vmov s22;
	s21 =	sadd.s32 $0xFFFFFF60, s9;
	s22 =	sadd.s32 $0xFFFFFF80, s9;
	[tilespmem:v22+s28+$0x0] =	vst.idx.msk $0xffff, v19;
	v19 =	vld [tilespmem:s19+$0x20];
	v22 =	vor.u32 v0, v26  }
0x61: {  	s8 =	sadd.s32 $0x8, s8;
	v25 =	vor.u32 v2, v25;
	v26 =	vmov s21;
	v32 =	vmov s22;
	[tilespmem:v18+s28+$0x0] =	vst.idx.msk $0xffff, v20;
	v20 =	vld [tilespmem:s19+$0xFFFFFFF0]  }
0x62: {  	p1 =	slt.u32 s8, $0x38;
	v18 =	vshrl.u32 v30, $0x7;
	v30 =	vshrl.u32 v31, $0x7;
	v31 =	vmov s23;
	[tilespmem:v24+s28+$0x0] =	vst.idx.msk $0xffff, v21  }
0x63: {  	v29 =	vshrl.u32 v29, $0x7;
	v18 =	vshll.u32 v18, v1;
	v21 =	vshrl.u32 v26, $0x7;
	[tilespmem:v16+s28+$0x0] =	vst.idx.msk $0xffff, v23  }
0x64: {  	v16 =	vbroadcast v18, $0x0;
	v18 =	vshll.u32 v30, v1;
	v23 =	vmov s24;
	[tilespmem:v27+s28+$0x0] =	vst.idx.msk $0xffff, v17;
	v30 =	vld [tilespmem:s19+$0x30];
	s19 =	smov.u32 s20  }
0x65: {  	v33 =	vor.u32 v2, v28;
	v21 =	vshll.u32 v21, v1;
	v17 =	vbroadcast v18, $0x0;
	[tilespmem:v22+s28+$0x0] =	vst.idx.msk $0xffff, v19  }
.Ltmp2:
0x66: {  	v24 =	vshrl.u32 v32, $0x7;
	v18 =	vor.u32 v0, v16;
	v16 =	vor.u32 v2, v16;
	v19 =	vld [tilespmem:s20+$0xFFFFFFE0];
	[tilespmem:v25+s28+$0x0] =	vst.idx.msk $0xffff, v20;
	(pc) =	sbr.rel @p1 .LBB2_3-.Ltmp2, $4  }
0x67: {  	v26 =	vbroadcast v21, $0x0;
	v22 =	vor.u32 v0, v17;
	v25 =	vshrl.u32 v31, $0x7;
	v17 =	vld [tilespmem:s20+$0x10]  }
0x68: {  	v27 =	vshll.u32 v24, v1;
	v23 =	vshrl.u32 v23, $0x7;
	v25 =	vshll.u32 v25, v1;
	v20 =	vld [tilespmem:s20+$0xFFFFFFC0]  }
0x69: {  	v27 =	vbroadcast v27, $0x0;
	v24 =	vor.u32 v0, v26;
	v26 =	vshll.u32 v23, v1;
	v21 =	vld [tilespmem:s20+$0x0]  }
0x6a: {  	s9 =	sadd.s32 $0x200, s9;
	v28 =	vshll.u32 v29, v1;
	v26 =	vbroadcast v26, $0x0;
	v25 =	vbroadcast v25, $0x0;
	s20 =	sadd.s32 $0x100, s20;
	v23 =	vld [tilespmem:s19+$0xFFFFFFD0];
	[tilespmem:v33+s28+$0x0] =	vst.idx.msk $0xffff, v30  }
0x6b: {  	_ =	sdelay $0x2  }
0x6c: {  	v27 =	vor.u32 v2, v27  }
0x6d: {  	v28 =	vbroadcast v28, $0x0;
	[tilespmem:v22+s28+$0x0] =	vst.idx.msk $0xffff, v19;
	v19 =	vld [tilespmem:s19+$0x20];
	v22 =	vor.u32 v0, v26  }
0x6e: {  	[tilespmem:v18+s28+$0x0] =	vst.idx.msk $0xffff, v20;
	v18 =	vld [tilespmem:s19+$0xFFFFFFF0];
	v20 =	vor.u32 v2, v25  }
0x6f: {  	v63 =	vor.u32 v2, v28;
	[tilespmem:v24+s28+$0x0] =	vst.idx.msk $0xffff, v21;
	v21 =	vld [tilespmem:s19+$0x30]  }
0x70: {  	[tilespmem:v16+s28+$0x0] =	vst.idx.msk $0xffff, v23  }
0x71: {  	[tilespmem:v27+s28+$0x0] =	vst.idx.msk $0xffff, v17  }
0x72: {  	[tilespmem:v22+s28+$0x0] =	vst.idx.msk $0xffff, v19  }
0x73: {  	[tilespmem:v20+s28+$0x0] =	vst.idx.msk $0xffff, v18  }
0x74: {  	[tilespmem:v63+s28+$0x0] =	vst.idx.msk $0xffff, v21  }
0x75: {  	v18 =	vld [tilespmem:s7+$0xFFFFFFB0]  }
0x76: {  	v21 =	vor.u32 v3, v11;
	v16 =	vld [tilespmem:s7+$0xFFFFFFE0]  }
0x77: {  	v17 =	vor.u32 v3, v10;
	v20 =	vld [tilespmem:s7+$0xFFFFFF90]  }
0x78: {  	s8 =	simm.s32 $0x0;
	v13 =	vor.u32 v3, v13;
	v12 =	vbroadcast v12, $0x0;
	v22 =	vbroadcast v14, $0x0;
	v19 =	vld [tilespmem:s7+$0xFFFFFFD0]  }
0x79: {  	v9 =	vshll.u32 v9, v1;
	s9 =	simm.s32 $0x3A0;
	s20 =	simm.s32 $0x970;
	s19 =	simm.s32 $0x1070;
	v10 =	vor.u32 v4, v10;
	v14 =	vbroadcast v15, $0x0;
	v11 =	vld [tilespmem:s7+$0xFFFFFFA0]  }
.LBB2_5:
0x7a: {  	s21 =	sadd.s32 $0xFFFFFE60, s9;
	s22 =	sadd.s32 $0xFFFFFEE0, s9;
	s23 =	sadd.s32 $0xFFFFFF00, s9;
	v15 =	vmov s9;
	v22 =	vor.u32 v4, v22;
	v9 =	vbroadcast v9, $0x0  }
0x7b: {  	s24 =	sadd.s32 $0xFFFFFFE0, s9;
	v23 =	vmov s21;
	v24 =	vmov s22;
	s21 =	sadd.s32 $0xFFFFFF60, s9;
	s22 =	sadd.s32 $0xFFFFFF80, s9;
	[tilespmem:v21+s28+$0x0] =	vst.idx.msk $0xffff, v18;
	v18 =	vld [tilespmem:s7+$0xFFFFFFF0];
	v14 =	vor.u32 v3, v14  }
0x7c: {  	s8 =	sadd.s32 $0x8, s8;
	v12 =	vor.u32 v4, v12;
	v21 =	vmov s21;
	v25 =	vmov s22;
	[tilespmem:v17+s28+$0x0] =	vst.idx.msk $0xffff, v20;
	v20 =	vld [tilespmem:s7+$0xFFFFFFC0]  }
0x7d: {  	p1 =	slt.u32 s8, $0x38;
	v17 =	vshrl.u32 v23, $0x7;
	v23 =	vshrl.u32 v24, $0x7;
	v24 =	vmov s23;
	[tilespmem:v13+s28+$0x0] =	vst.idx.msk $0xffff, v19  }
0x7e: {  	v15 =	vshrl.u32 v15, $0x7;
	v13 =	vshll.u32 v17, v1;
	v17 =	vshrl.u32 v21, $0x7;
	[tilespmem:v10+s28+$0x0] =	vst.idx.msk $0xffff, v11  }
0x7f: {  	v10 =	vbroadcast v13, $0x0;
	v11 =	vshll.u32 v23, v1;
	v13 =	vmov s24;
	[tilespmem:v22+s28+$0x0] =	vst.idx.msk $0xffff, v16;
	v23 =	vld [tilespmem:s7+$0x0];
	s7 =	smov.u32 s20  }
0x80: {  	v26 =	vor.u32 v4, v9;
	v11 =	vbroadcast v11, $0x0;
	v16 =	vshll.u32 v17, v1;
	[tilespmem:v14+s28+$0x0] =	vst.idx.msk $0xffff, v18  }
.Ltmp3:
0x81: {  	v9 =	vshrl.u32 v25, $0x7;
	v17 =	vor.u32 v3, v10;
	v10 =	vor.u32 v4, v10;
	v18 =	vld [tilespmem:s20+$0xFFFFFFB0];
	[tilespmem:v12+s28+$0x0] =	vst.idx.msk $0xffff, v20;
	(pc) =	sbr.rel @p1 .LBB2_5-.Ltmp3, $4  }
0x82: {  	v21 =	vor.u32 v3, v11;
	v11 =	vshrl.u32 v24, $0x7;
	v12 =	vbroadcast v16, $0x0;
	v16 =	vld [tilespmem:s20+$0xFFFFFFE0]  }
0x83: {  	v9 =	vshll.u32 v9, v1;
	v14 =	vshll.u32 v11, v1;
	v11 =	vshrl.u32 v13, $0x7;
	v20 =	vld [tilespmem:s20+$0xFFFFFF90]  }
0x84: {  	s21 =	simm.s32 $0x1A0;
	v22 =	vbroadcast v9, $0x0;
	v13 =	vor.u32 v3, v12;
	v9 =	vshll.u32 v11, v1;
	v19 =	vld [tilespmem:s20+$0xFFFFFFD0]  }
0x85: {  	s9 =	sadd.s32 $0x200, s9;
	v12 =	vbroadcast v14, $0x0;
	v14 =	vbroadcast v9, $0x0;
	v9 =	vshll.u32 v15, v1;
	s20 =	sadd.s32 $0x100, s20;
	v11 =	vld [tilespmem:s7+$0xFFFFFFA0];
	[tilespmem:v26+s28+$0x0] =	vst.idx.msk $0xffff, v23  }
0x86: {  	_ =	sdelay $0x2  }
0x87: {  	v15 =	vor.u32 v4, v22  }
0x88: {  	v9 =	vbroadcast v9, $0x0;
	[tilespmem:v21+s28+$0x0] =	vst.idx.msk $0xffff, v18;
	v18 =	vld [tilespmem:s7+$0xFFFFFFF0];
	v14 =	vor.u32 v3, v14  }
0x89: {  	s9 =	simm.s32 $0x100;
	v12 =	vor.u32 v4, v12;
	[tilespmem:v17+s28+$0x0] =	vst.idx.msk $0xffff, v20;
	v17 =	vld [tilespmem:s7+$0xFFFFFFC0]  }
0x8a: {  	s22 =	simm.s32 $0x0;
	s8 =	simm.s32 $0x80;
	v20 =	vmov s9;
	[tilespmem:v13+s28+$0x0] =	vst.idx.msk $0xffff, v19;
	v13 =	vld [tilespmem:s7+$0x0];
	v19 =	vor.u32 v4, v9  }
0x8b: {  	s23 =	simm.s32 $0x120;
	v9 =	vmov s21;
	[tilespmem:v10+s28+$0x0] =	vst.idx.msk $0xffff, v11;
	v10 =	vmov s22;
	v11 =	vmov s8  }
0x8c: {  	s25 =	simm.s32 $0x180;
	v9 =	vshrl.u32 v9, $0x7;
	[tilespmem:v15+s28+$0x0] =	vst.idx.msk $0xffff, v16;
	v15 =	vmov s23;
	v10 =	vshrl.u32 v10, $0x7  }
0x8d: {  	s24 =	simm.s32 $0xA0;
	v11 =	vshrl.u32 v11, $0x7;
	v16 =	vshrl.u32 v20, $0x7;
	v20 =	vmov s25;
	[tilespmem:v14+s28+$0x0] =	vst.idx.msk $0xffff, v18  }
0x8e: {  	v28 =	vshll.u32 v9, v1;
	v14 =	vmov s24;
	v11 =	vshll.u32 v11, v1;
	[tilespmem:v12+s28+$0x0] =	vst.idx.msk $0xffff, v17  }
0x8f: {  	v10 =	vshll.u32 v10, v1;
	v15 =	vshrl.u32 v15, $0x7;
	v11 =	vbroadcast v11, $0x0;
	[tilespmem:v19+s28+$0x0] =	vst.idx.msk $0xffff, v13  }
0x90: {  	v10 =	vbroadcast v10, $0x0;
	v12 =	vshll.u32 v16, v1;
	v14 =	vshrl.u32 v14, $0x7;
	v19 =	vld [tilespmem:s19+$0xFFFFFFB0]  }
0x91: {  	v13 =	vbroadcast v12, $0x0;
	v12 =	vshll.u32 v14, v1;
	v23 =	vor.u32 v5, v11;
	v17 =	vld [tilespmem:s19+$0xFFFFFFE0]  }
0x92: {  	v14 =	vshll.u32 v15, v1;
	v15 =	vshrl.u32 v20, $0x7;
	v18 =	vor.u32 v5, v10;
	v21 =	vld [tilespmem:s19+$0xFFFFFF90]  }
0x93: {  	s20 =	simm.s32 $0x1170;
	v20 =	vld [tilespmem:s19+$0xFFFFFFD0];
	v27 =	vbroadcast v14, $0x0;
	v15 =	vshll.u32 v15, v1;
	v24 =	vor.u32 v5, v13  }
0x94: {  	s9 =	simm.s32 $0x3A0;
	s7 =	simm.s32 $0x1870;
	s8 =	simm.s32 $0x0;
	v16 =	vor.u32 v6, v10;
	v22 =	vld [tilespmem:s19+$0xFFFFFFA0];
	v25 =	vbroadcast v12, $0x0;
	v26 =	vbroadcast v15, $0x0  }
.LBB2_7:
0x95: {  	s21 =	sadd.s32 $0xFFFFFE60, s9;
	s22 =	sadd.s32 $0xFFFFFEE0, s9;
	s23 =	sadd.s32 $0xFFFFFF00, s9;
	v29 =	vmov s9;
	v27 =	vor.u32 v6, v27;
	v28 =	vbroadcast v28, $0x0  }
0x96: {  	s24 =	sadd.s32 $0xFFFFFFE0, s9;
	v30 =	vmov s21;
	v31 =	vmov s22;
	s21 =	sadd.s32 $0xFFFFFF60, s9;
	s22 =	sadd.s32 $0xFFFFFF80, s9;
	[tilespmem:v23+s28+$0x0] =	vst.idx.msk $0xffff, v19;
	v19 =	vld [tilespmem:s19+$0xFFFFFFF0];
	v23 =	vor.u32 v5, v26  }
0x97: {  	s8 =	sadd.s32 $0x8, s8;
	v25 =	vor.u32 v6, v25;
	v26 =	vmov s21;
	v32 =	vmov s22;
	[tilespmem:v18+s28+$0x0] =	vst.idx.msk $0xffff, v21;
	v21 =	vld [tilespmem:s19+$0xFFFFFFC0]  }
0x98: {  	p1 =	slt.u32 s8, $0x38;
	v18 =	vshrl.u32 v30, $0x7;
	v30 =	vshrl.u32 v31, $0x7;
	v31 =	vmov s23;
	[tilespmem:v24+s28+$0x0] =	vst.idx.msk $0xffff, v20  }
0x99: {  	v29 =	vshrl.u32 v29, $0x7;
	v18 =	vshll.u32 v18, v1;
	v20 =	vshrl.u32 v26, $0x7;
	[tilespmem:v16+s28+$0x0] =	vst.idx.msk $0xffff, v22  }
0x9a: {  	v16 =	vbroadcast v18, $0x0;
	v18 =	vshll.u32 v30, v1;
	v22 =	vmov s24;
	[tilespmem:v27+s28+$0x0] =	vst.idx.msk $0xffff, v17;
	v30 =	vld [tilespmem:s19+$0x0];
	s19 =	smov.u32 s20  }
0x9b: {  	v33 =	vor.u32 v6, v28;
	v20 =	vshll.u32 v20, v1;
	v17 =	vbroadcast v18, $0x0;
	[tilespmem:v23+s28+$0x0] =	vst.idx.msk $0xffff, v19  }
.Ltmp4:
0x9c: {  	v24 =	vshrl.u32 v32, $0x7;
	v18 =	vor.u32 v5, v16;
	v16 =	vor.u32 v6, v16;
	v19 =	vld [tilespmem:s20+$0xFFFFFFB0];
	[tilespmem:v25+s28+$0x0] =	vst.idx.msk $0xffff, v21;
	(pc) =	sbr.rel @p1 .LBB2_7-.Ltmp4, $4  }
0x9d: {  	v26 =	vbroadcast v20, $0x0;
	v23 =	vor.u32 v5, v17;
	v25 =	vshrl.u32 v31, $0x7;
	v17 =	vld [tilespmem:s20+$0xFFFFFFE0]  }
0x9e: {  	v27 =	vshll.u32 v24, v1;
	v22 =	vshrl.u32 v22, $0x7;
	v25 =	vshll.u32 v25, v1;
	v21 =	vld [tilespmem:s20+$0xFFFFFF90]  }
0x9f: {  	v27 =	vbroadcast v27, $0x0;
	v24 =	vor.u32 v5, v26;
	v26 =	vshll.u32 v22, v1;
	v20 =	vld [tilespmem:s20+$0xFFFFFFD0]  }
0xa0: {  	s9 =	sadd.s32 $0x200, s9;
	v28 =	vshll.u32 v29, v1;
	v26 =	vbroadcast v26, $0x0;
	v25 =	vbroadcast v25, $0x0;
	s20 =	sadd.s32 $0x100, s20;
	v22 =	vld [tilespmem:s19+$0xFFFFFFA0];
	[tilespmem:v33+s28+$0x0] =	vst.idx.msk $0xffff, v30  }
0xa1: {  	_ =	sdelay $0x2  }
0xa2: {  	v27 =	vor.u32 v6, v27  }
0xa3: {  	v28 =	vbroadcast v28, $0x0;
	[tilespmem:v23+s28+$0x0] =	vst.idx.msk $0xffff, v19;
	v19 =	vld [tilespmem:s19+$0xFFFFFFF0];
	v23 =	vor.u32 v5, v26  }
0xa4: {  	[tilespmem:v18+s28+$0x0] =	vst.idx.msk $0xffff, v21;
	v18 =	vld [tilespmem:s19+$0xFFFFFFC0];
	v21 =	vor.u32 v6, v25  }
0xa5: {  	v63 =	vor.u32 v6, v28;
	[tilespmem:v24+s28+$0x0] =	vst.idx.msk $0xffff, v20;
	v20 =	vld [tilespmem:s19+$0x0]  }
0xa6: {  	[tilespmem:v16+s28+$0x0] =	vst.idx.msk $0xffff, v22  }
0xa7: {  	[tilespmem:v27+s28+$0x0] =	vst.idx.msk $0xffff, v17  }
0xa8: {  	[tilespmem:v23+s28+$0x0] =	vst.idx.msk $0xffff, v19  }
0xa9: {  	[tilespmem:v21+s28+$0x0] =	vst.idx.msk $0xffff, v18  }
0xaa: {  	[tilespmem:v63+s28+$0x0] =	vst.idx.msk $0xffff, v20  }
0xab: {  	v18 =	vld [tilespmem:s7+$0xFFFFFFB0]  }
0xac: {  	v21 =	vor.u32 v7, v11;
	v16 =	vld [tilespmem:s7+$0xFFFFFFE0]  }
0xad: {  	v17 =	vor.u32 v7, v10;
	v20 =	vld [tilespmem:s7+$0xFFFFFF90]  }
0xae: {  	s8 =	simm.s32 $0x0;
	v13 =	vor.u32 v7, v13;
	v12 =	vbroadcast v12, $0x0;
	v22 =	vbroadcast v14, $0x0;
	v19 =	vld [tilespmem:s7+$0xFFFFFFD0]  }
0xaf: {  	v9 =	vshll.u32 v9, v1;
	s9 =	simm.s32 $0x3A0;
	s20 =	simm.s32 $0x1970;
	s19 =	simm.s32 $0xF0;
	v14 =	vbroadcast v15, $0x0;
	v10 =	vor.u32 v8, v10;
	v11 =	vld [tilespmem:s7+$0xFFFFFFA0]  }
.LBB2_9:
0xb0: {  	s21 =	sadd.s32 $0xFFFFFE60, s9;
	s22 =	sadd.s32 $0xFFFFFEE0, s9;
	s23 =	sadd.s32 $0xFFFFFF00, s9;
	v15 =	vmov s9;
	v22 =	vor.u32 v8, v22;
	v9 =	vbroadcast v9, $0x0  }
0xb1: {  	s24 =	sadd.s32 $0xFFFFFFE0, s9;
	v23 =	vmov s21;
	v24 =	vmov s22;
	s21 =	sadd.s32 $0xFFFFFF60, s9;
	s22 =	sadd.s32 $0xFFFFFF80, s9;
	[tilespmem:v21+s28+$0x0] =	vst.idx.msk $0xffff, v18;
	v18 =	vld [tilespmem:s7+$0xFFFFFFF0];
	v14 =	vor.u32 v7, v14  }
0xb2: {  	s8 =	sadd.s32 $0x8, s8;
	v12 =	vor.u32 v8, v12;
	v21 =	vmov s21;
	v25 =	vmov s22;
	[tilespmem:v17+s28+$0x0] =	vst.idx.msk $0xffff, v20;
	v20 =	vld [tilespmem:s7+$0xFFFFFFC0]  }
0xb3: {  	p1 =	slt.u32 s8, $0x38;
	v17 =	vshrl.u32 v23, $0x7;
	v23 =	vshrl.u32 v24, $0x7;
	v24 =	vmov s23;
	[tilespmem:v13+s28+$0x0] =	vst.idx.msk $0xffff, v19  }
0xb4: {  	v15 =	vshrl.u32 v15, $0x7;
	v13 =	vshll.u32 v17, v1;
	v17 =	vshrl.u32 v21, $0x7;
	[tilespmem:v10+s28+$0x0] =	vst.idx.msk $0xffff, v11  }
0xb5: {  	v10 =	vbroadcast v13, $0x0;
	v11 =	vshll.u32 v23, v1;
	v13 =	vmov s24;
	[tilespmem:v22+s28+$0x0] =	vst.idx.msk $0xffff, v16;
	v23 =	vld [tilespmem:s7+$0x0];
	s7 =	smov.u32 s20  }
0xb6: {  	v26 =	vor.u32 v8, v9;
	v11 =	vbroadcast v11, $0x0;
	v16 =	vshll.u32 v17, v1;
	[tilespmem:v14+s28+$0x0] =	vst.idx.msk $0xffff, v18  }
.Ltmp5:
0xb7: {  	v9 =	vshrl.u32 v25, $0x7;
	v17 =	vor.u32 v7, v10;
	v10 =	vor.u32 v8, v10;
	v18 =	vld [tilespmem:s20+$0xFFFFFFB0];
	[tilespmem:v12+s28+$0x0] =	vst.idx.msk $0xffff, v20;
	(pc) =	sbr.rel @p1 .LBB2_9-.Ltmp5, $4  }
0xb8: {  	v21 =	vor.u32 v7, v11;
	v11 =	vshrl.u32 v24, $0x7;
	v12 =	vbroadcast v16, $0x0;
	v16 =	vld [tilespmem:s20+$0xFFFFFFE0]  }
0xb9: {  	v9 =	vshll.u32 v9, v1;
	v14 =	vshll.u32 v11, v1;
	v11 =	vshrl.u32 v13, $0x7;
	v20 =	vld [tilespmem:s20+$0xFFFFFF90]  }
0xba: {  	s21 =	simm.s32 $0x1A0;
	v22 =	vbroadcast v9, $0x0;
	v13 =	vor.u32 v7, v12;
	v9 =	vshll.u32 v11, v1;
	v19 =	vld [tilespmem:s20+$0xFFFFFFD0]  }
0xbb: {  	s9 =	sadd.s32 $0x200, s9;
	v12 =	vbroadcast v14, $0x0;
	v14 =	vbroadcast v9, $0x0;
	v9 =	vshll.u32 v15, v1;
	s20 =	sadd.s32 $0x100, s20;
	v11 =	vld [tilespmem:s7+$0xFFFFFFA0];
	[tilespmem:v26+s28+$0x0] =	vst.idx.msk $0xffff, v23  }
0xbc: {  	_ =	sdelay $0x2  }
0xbd: {  	v15 =	vor.u32 v8, v22  }
0xbe: {  	[tilespmem:v21+s28+$0x0] =	vst.idx.msk $0xffff, v18  }
0xbf: {  	v9 =	vbroadcast v9, $0x0;
	v18 =	vld [tilespmem:s7+$0xFFFFFFF0];
	s9 =	simm.s32 $0x180;
	v14 =	vor.u32 v7, v14;
	[tilespmem:v17+s28+$0x0] =	vst.idx.msk $0xffff, v20  }
0xc0: {  	s8 =	simm.s32 $0x0;
	v12 =	vor.u32 v8, v12;
	v21 =	vmov s9;
	v17 =	vld [tilespmem:s7+$0xFFFFFFC0];
	[tilespmem:v13+s28+$0x0] =	vst.idx.msk $0xffff, v19;
	v19 =	vmov s21  }
0xc1: {  	s22 =	simm.s32 $0x80;
	s23 =	simm.s32 $0xA0;
	v9 =	vor.u32 v8, v9;
	v20 =	vmov s8;
	v13 =	vld [tilespmem:s7+$0x0];
	[tilespmem:v10+s28+$0x0] =	vst.idx.msk $0xffff, v11;
	v10 =	vshrl.u32 v19, $0x7  }
0xc2: {  	s24 =	simm.s32 $0x100;
	s25 =	simm.s32 $0x120;
	v11 =	vmov s22;
	v19 =	vmov s23;
	[tilespmem:v15+s28+$0x0] =	vst.idx.msk $0xffff, v16;
	v15 =	vshrl.u32 v21, $0x7  }
0xc3: {  	v16 =	vmov s24;
	v21 =	vmov s25;
	v11 =	vshrl.u32 v11, $0x7  }
0xc4: {  	v10 =	vshll.u32 v10, v1;
	[tilespmem:v14+s28+$0x0] =	vst.idx.msk $0xffff, v18;
	v14 =	vshll.u32 v15, v1;
	v15 =	vshrl.u32 v20, $0x7  }
0xc5: {  	v16 =	vshrl.u32 v16, $0x7;
	v11 =	vshll.u32 v11, v1;
	[tilespmem:v12+s28+$0x0] =	vst.idx.msk $0xffff, v17;
	v12 =	vadd.s32 $0x80, v14  }
0xc6: {  	v14 =	vshrl.u32 v19, $0x7;
	v18 =	vadd.s32 $0x80, v11;
	[tilespmem:v9+s28+$0x0] =	vst.idx.msk $0xffff, v13;
	v9 =	vbroadcast v12, $0x0  }
0xc7: {  	v12 =	vshll.u32 v15, v1;
	v13 =	vshrl.u32 v21, $0x7;
	v14 =	vshll.u32 v14, v1;
	v21 =	vld [tilespmem:s19+$0xFFFFFFF0]  }
0xc8: {  	v15 =	vshll.u32 v16, v1;
	v12 =	vadd.s32 $0x80, v12;
	v17 =	vld [tilespmem:s19+$0xFFFFFFA0];
	v13 =	vshll.u32 v13, v1  }
0xc9: {  	v16 =	vld [tilespmem:s19+$0xFFFFFFB0];
	v14 =	vadd.s32 $0x80, v14;
	v19 =	vadd.s32 $0x80, v15;
	v22 =	vor.u32 v0, v9  }
0xca: {  	v20 =	vld [tilespmem:s19+$0xFFFFFFC0];
	v15 =	vbroadcast v18, $0x0;
	v11 =	vbroadcast v12, $0x0;
	v24 =	vadd.s32 $0x80, v13  }
0xcb: {  	v18 =	vld [tilespmem:s19+$0xFFFFFFD0];
	v12 =	vadd.s32 $0x80, v10;
	v10 =	vbroadcast v14, $0x0;
	v13 =	vbroadcast v19, $0x0  }
0xcc: {  	v28 =	vld [tilespmem:s19+$0xFFFFFF90];
	v14 =	vbroadcast v24, $0x0;
	v25 =	vor.u32 v0, v15;
	v29 =	vbroadcast v12, $0x0  }
0xcd: {  	v19 =	vld [tilespmem:s19+$0xFFFFFFE0];
	v23 =	vor.u32 v0, v11;
	v27 =	vor.u32 v2, v11;
	v26 =	vor.u32 v2, v10  }
0xce: {  	s20 =	simm.s32 $0x8F0;
	s8 =	simm.s32 $0x3A0;
	s7 =	simm.s32 $0x0;
	v24 =	vor.u32 v0, v13;
	[tilespmem:v22+s28+$0x0] =	vst.idx.msk $0xffff, v21;
	v21 =	vld [tilespmem:s19+$0x0];
	v22 =	vor.u32 v2, v14  }
.LBB2_11:
0xcf: {  	s9 =	sadd.s32 $0xFFFFFE60, s8;
	s21 =	sadd.s32 $0xFFFFFFE0, s8;
	v30 =	vmov s8;
	s7 =	sadd.s32 $0x8, s7;
	v29 =	vor.u32 v2, v29  }
0xd0: {  	s22 =	sadd.s32 $0xFFFFFF00, s8;
	v31 =	vmov s9;
	s9 =	sadd.s32 $0xFFFFFEE0, s8;
	v32 =	vmov s21;
	v30 =	vshrl.u32 v30, $0x7;
	p1 =	slt.u32 s7, $0x38  }
0xd1: {  	v34 =	vmov s22;
	s21 =	sadd.s32 $0xFFFFFF80, s8;
	v33 =	vmov s9;
	s9 =	sadd.s32 $0xFFFFFF60, s8;
	v32 =	vshrl.u32 v32, $0x7  }
0xd2: {  	v36 =	vmov s21;
	v35 =	vmov s9;
	v32 =	vshll.u32 v32, v1;
	[tilespmem:v27+s28+$0x0] =	vst.idx.msk $0xffff, v17  }
0xd3: {  	v17 =	vshrl.u32 v31, $0x7;
	v27 =	vshrl.u32 v33, $0x7;
	v31 =	vadd.s32 $0x80, v32;
	[tilespmem:v23+s28+$0x0] =	vst.idx.msk $0xffff, v28  }
0xd4: {  	v23 =	vshrl.u32 v34, $0x7;
	v28 =	vshrl.u32 v35, $0x7;
	v31 =	vbroadcast v31, $0x0;
	[tilespmem:v25+s28+$0x0] =	vst.idx.msk $0xffff, v16  }
0xd5: {  	s19 =	sadd.s32 $0x100, s19;
	v16 =	vshll.u32 v17, v1;
	v25 =	vshll.u32 v27, v1;
	v27 =	vshrl.u32 v36, $0x7;
	[tilespmem:v26+s28+$0x0] =	vst.idx.msk $0xffff, v20  }
0xd6: {  	v20 =	vshll.u32 v23, v1;
	v23 =	vshll.u32 v28, v1;
	v26 =	vld [tilespmem:s19+$0xFFFFFFF0];
	v28 =	vor.u32 v0, v31  }
0xd7: {  	v30 =	vshll.u32 v30, v1;
	v27 =	vshll.u32 v27, v1;
	v31 =	vadd.s32 $0x80, v16;
	v17 =	vld [tilespmem:s19+$0xFFFFFFA0];
	[tilespmem:v24+s28+$0x0] =	vst.idx.msk $0xffff, v18  }
0xd8: {  	v18 =	vadd.s32 $0x80, v25;
	v24 =	vadd.s32 $0x80, v20;
	v25 =	vadd.s32 $0x80, v23;
	v16 =	vld [tilespmem:s19+$0xFFFFFFB0];
	[tilespmem:v22+s28+$0x0] =	vst.idx.msk $0xffff, v19  }
.Ltmp6:
0xd9: {  	v30 =	vadd.s32 $0x80, v30;
	v27 =	vadd.s32 $0x80, v27;
	v22 =	vbroadcast v31, $0x0;
	v20 =	vld [tilespmem:s19+$0xFFFFFFC0];
	[tilespmem:v29+s28+$0x0] =	vst.idx.msk $0xffff, v21;
	(pc) =	sbr.rel @p1 .LBB2_11-.Ltmp6, $4  }
0xda: {  	v24 =	vbroadcast v24, $0x0;
	v21 =	vbroadcast v18, $0x0;
	v18 =	vld [tilespmem:s19+$0xFFFFFFD0]  }
0xdb: {  	v32 =	vbroadcast v27, $0x0;
	v31 =	vbroadcast v25, $0x0;
	v23 =	vor.u32 v0, v22;
	v19 =	vld [tilespmem:s19+$0xFFFFFFE0];
	[tilespmem:v28+s28+$0x0] =	vst.idx.msk $0xffff, v26  }
0xdc: {  	v29 =	vbroadcast v30, $0x0;
	v27 =	vor.u32 v2, v22;
	v25 =	vor.u32 v0, v21;
	v21 =	vld [tilespmem:s19+$0x0]  }
0xdd: {  	s8 =	sadd.s32 $0x200, s8;
	v22 =	vor.u32 v2, v32;
	v26 =	vor.u32 v2, v24;
	v24 =	vor.u32 v0, v31;
	v28 =	vld [tilespmem:s19+$0xFFFFFF90]  }
0xde: {  	_ =	sdelay $0x3  }
0xdf: {  	[tilespmem:v27+s28+$0x0] =	vst.idx.msk $0xffff, v17  }
0xe0: {  	v17 =	vor.u32 v2, v29;
	[tilespmem:v25+s28+$0x0] =	vst.idx.msk $0xffff, v16  }
0xe1: {  	[tilespmem:v26+s28+$0x0] =	vst.idx.msk $0xffff, v20  }
0xe2: {  	[tilespmem:v24+s28+$0x0] =	vst.idx.msk $0xffff, v18  }
0xe3: {  	[tilespmem:v22+s28+$0x0] =	vst.idx.msk $0xffff, v19  }
0xe4: {  	[tilespmem:v23+s28+$0x0] =	vst.idx.msk $0xffff, v28  }
0xe5: {  	[tilespmem:v17+s28+$0x0] =	vst.idx.msk $0xffff, v21  }
0xe6: {  	v21 =	vld [tilespmem:s20+$0xFFFFFFF0]  }
0xe7: {  	v22 =	vor.u32 v3, v9;
	v19 =	vld [tilespmem:s20+$0xFFFFFFA0]  }
0xe8: {  	v18 =	vld [tilespmem:s20+$0xFFFFFFB0]  }
0xe9: {  	v17 =	vld [tilespmem:s20+$0xFFFFFFC0]  }
0xea: {  	v16 =	vld [tilespmem:s20+$0xFFFFFFD0]  }
0xeb: {  	v20 =	vor.u32 v3, v11;
	v9 =	vld [tilespmem:s20+$0xFFFFFFE0]  }
0xec: {  	v15 =	vor.u32 v3, v15;
	v24 =	vbroadcast v12, $0x0;
	v23 =	vld [tilespmem:s20+$0xFFFFFF90];
	[tilespmem:v22+s28+$0x0] =	vst.idx.msk $0xffff, v21;
	v22 =	vor.u32 v4, v11  }
0xed: {  	s7 =	simm.s32 $0x0;
	s19 =	simm.s32 $0x10F0;
	s8 =	simm.s32 $0x3A0;
	v12 =	vor.u32 v3, v13;
	v11 =	vld [tilespmem:s20+$0x0];
	v21 =	vor.u32 v4, v10;
	v10 =	vor.u32 v4, v14  }
.LBB2_13:
0xee: {  	s9 =	sadd.s32 $0xFFFFFE60, s8;
	s21 =	sadd.s32 $0xFFFFFFE0, s8;
	v13 =	vmov s8;
	s7 =	sadd.s32 $0x8, s7;
	v14 =	vor.u32 v4, v24  }
0xef: {  	s22 =	sadd.s32 $0xFFFFFF00, s8;
	v24 =	vmov s9;
	s9 =	sadd.s32 $0xFFFFFEE0, s8;
	v25 =	vmov s21;
	v13 =	vshrl.u32 v13, $0x7;
	p1 =	slt.u32 s7, $0x38  }
0xf0: {  	v27 =	vmov s22;
	s21 =	sadd.s32 $0xFFFFFF80, s8;
	v26 =	vmov s9;
	s9 =	sadd.s32 $0xFFFFFF60, s8;
	v25 =	vshrl.u32 v25, $0x7  }
0xf1: {  	v29 =	vmov s21;
	v28 =	vmov s9;
	v25 =	vshll.u32 v25, v1;
	[tilespmem:v22+s28+$0x0] =	vst.idx.msk $0xffff, v19  }
0xf2: {  	v19 =	vshrl.u32 v24, $0x7;
	v22 =	vshrl.u32 v26, $0x7;
	v24 =	vadd.s32 $0x80, v25;
	[tilespmem:v20+s28+$0x0] =	vst.idx.msk $0xffff, v23  }
0xf3: {  	v20 =	vshrl.u32 v27, $0x7;
	v23 =	vshrl.u32 v28, $0x7;
	v24 =	vbroadcast v24, $0x0;
	[tilespmem:v15+s28+$0x0] =	vst.idx.msk $0xffff, v18  }
0xf4: {  	s20 =	sadd.s32 $0x100, s20;
	v22 =	vshll.u32 v22, v1;
	v15 =	vshll.u32 v19, v1;
	v18 =	vshrl.u32 v29, $0x7;
	[tilespmem:v21+s28+$0x0] =	vst.idx.msk $0xffff, v17  }
0xf5: {  	v17 =	vshll.u32 v20, v1;
	v20 =	vshll.u32 v23, v1;
	v21 =	vld [tilespmem:s20+$0xFFFFFFF0];
	v23 =	vor.u32 v3, v24  }
0xf6: {  	v13 =	vshll.u32 v13, v1;
	v15 =	vadd.s32 $0x80, v15;
	v24 =	vshll.u32 v18, v1;
	v19 =	vld [tilespmem:s20+$0xFFFFFFA0];
	[tilespmem:v12+s28+$0x0] =	vst.idx.msk $0xffff, v16  }
0xf7: {  	v12 =	vadd.s32 $0x80, v22;
	v16 =	vadd.s32 $0x80, v17;
	v22 =	vadd.s32 $0x80, v20;
	v18 =	vld [tilespmem:s20+$0xFFFFFFB0];
	[tilespmem:v10+s28+$0x0] =	vst.idx.msk $0xffff, v9  }
.Ltmp7:
0xf8: {  	v13 =	vadd.s32 $0x80, v13;
	v10 =	vbroadcast v15, $0x0;
	v15 =	vadd.s32 $0x80, v24;
	v17 =	vld [tilespmem:s20+$0xFFFFFFC0];
	[tilespmem:v14+s28+$0x0] =	vst.idx.msk $0xffff, v11;
	(pc) =	sbr.rel @p1 .LBB2_13-.Ltmp7, $4  }
0xf9: {  	v11 =	vbroadcast v12, $0x0;
	v12 =	vbroadcast v16, $0x0;
	v16 =	vld [tilespmem:s20+$0xFFFFFFD0]  }
0xfa: {  	s9 =	simm.s32 $0x1A0;
	v14 =	vbroadcast v22, $0x0;
	v25 =	vbroadcast v15, $0x0;
	v20 =	vor.u32 v3, v10;
	v9 =	vld [tilespmem:s20+$0xFFFFFFE0];
	[tilespmem:v23+s28+$0x0] =	vst.idx.msk $0xffff, v21  }
0xfb: {  	v24 =	vbroadcast v13, $0x0;
	v22 =	vor.u32 v4, v10;
	v15 =	vor.u32 v3, v11;
	v11 =	vld [tilespmem:s20+$0x0]  }
0xfc: {  	s8 =	sadd.s32 $0x200, s8;
	v21 =	vor.u32 v4, v12;
	v12 =	vor.u32 v3, v14;
	v10 =	vor.u32 v4, v25;
	v23 =	vld [tilespmem:s20+$0xFFFFFF90]  }
0xfd: {  	_ =	sdelay $0x3  }
0xfe: {  	[tilespmem:v22+s28+$0x0] =	vst.idx.msk $0xffff, v19  }
0xff: {  	[tilespmem:v15+s28+$0x0] =	vst.idx.msk $0xffff, v18  }
0x100: {  	v13 =	vor.u32 v4, v24;
	s7 =	simm.s32 $0x0;
	v14 =	vmov s9;
	s22 =	simm.s32 $0x80;
	[tilespmem:v21+s28+$0x0] =	vst.idx.msk $0xffff, v17  }
0x101: {  	s23 =	simm.s32 $0xA0;
	s25 =	simm.s32 $0x120;
	v19 =	vmov s7;
	v14 =	vshrl.u32 v14, $0x7;
	v15 =	vmov s22;
	[tilespmem:v12+s28+$0x0] =	vst.idx.msk $0xffff, v16  }
0x102: {  	s8 =	simm.s32 $0x180;
	v18 =	vmov s23;
	v21 =	vmov s25;
	v16 =	vshrl.u32 v19, $0x7;
	[tilespmem:v10+s28+$0x0] =	vst.idx.msk $0xffff, v9  }
0x103: {  	v15 =	vshrl.u32 v15, $0x7;
	v10 =	vshrl.u32 v18, $0x7;
	[tilespmem:v20+s28+$0x0] =	vst.idx.msk $0xffff, v23;
	v20 =	vmov s8  }
0x104: {  	s24 =	simm.s32 $0x100;
	v14 =	vshll.u32 v14, v1;
	v10 =	vshll.u32 v10, v1;
	v17 =	vshrl.u32 v20, $0x7  }
0x105: {  	v10 =	vadd.s32 $0x80, v10;
	v20 =	vmov s24;
	v12 =	vshll.u32 v17, v1  }
0x106: {  	[tilespmem:v13+s28+$0x0] =	vst.idx.msk $0xffff, v11;
	v11 =	vshll.u32 v16, v1;
	v13 =	vshll.u32 v15, v1;
	v9 =	vadd.s32 $0x80, v12  }
0x107: {  	v15 =	vshrl.u32 v21, $0x7;
	v10 =	vbroadcast v10, $0x0;
	v21 =	vld [tilespmem:s19+$0xFFFFFFF0];
	v9 =	vbroadcast v9, $0x0  }
0x108: {  	v11 =	vadd.s32 $0x80, v11;
	v17 =	vld [tilespmem:s19+$0xFFFFFFA0];
	v15 =	vshll.u32 v15, v1;
	v13 =	vadd.s32 $0x80, v13  }
0x109: {  	v16 =	vld [tilespmem:s19+$0xFFFFFFB0];
	v12 =	vshrl.u32 v20, $0x7;
	v11 =	vbroadcast v11, $0x0;
	v22 =	vor.u32 v5, v9  }
0x10a: {  	v18 =	vld [tilespmem:s19+$0xFFFFFFD0];
	v24 =	vadd.s32 $0x80, v15;
	v15 =	vbroadcast v13, $0x0;
	v12 =	vshll.u32 v12, v1  }
0x10b: {  	v28 =	vld [tilespmem:s19+$0xFFFFFF90];
	v26 =	vor.u32 v6, v10;
	v19 =	vadd.s32 $0x80, v12;
	v12 =	vadd.s32 $0x80, v14  }
0x10c: {  	v20 =	vld [tilespmem:s19+$0xFFFFFFC0];
	v23 =	vor.u32 v5, v11;
	v14 =	vbroadcast v24, $0x0;
	v13 =	vbroadcast v19, $0x0  }
0x10d: {  	v27 =	vor.u32 v6, v11;
	v25 =	vor.u32 v5, v15;
	v19 =	vld [tilespmem:s19+$0xFFFFFFE0];
	v29 =	vbroadcast v12, $0x0  }
0x10e: {  	s9 =	simm.s32 $0x3A0;
	s7 =	simm.s32 $0x18F0;
	s8 =	simm.s32 $0x0;
	v24 =	vor.u32 v5, v13;
	[tilespmem:v22+s28+$0x0] =	vst.idx.msk $0xffff, v21;
	v21 =	vld [tilespmem:s19+$0x0];
	v22 =	vor.u32 v6, v14  }
.LBB2_15:
0x10f: {  	s20 =	sadd.s32 $0xFFFFFE60, s9;
	s21 =	sadd.s32 $0xFFFFFFE0, s9;
	v30 =	vmov s9;
	s8 =	sadd.s32 $0x8, s8;
	v29 =	vor.u32 v6, v29  }
0x110: {  	s22 =	sadd.s32 $0xFFFFFF00, s9;
	v31 =	vmov s20;
	s20 =	sadd.s32 $0xFFFFFEE0, s9;
	v32 =	vmov s21;
	v30 =	vshrl.u32 v30, $0x7;
	p1 =	slt.u32 s8, $0x38  }
0x111: {  	v34 =	vmov s22;
	s21 =	sadd.s32 $0xFFFFFF80, s9;
	v33 =	vmov s20;
	s20 =	sadd.s32 $0xFFFFFF60, s9;
	v32 =	vshrl.u32 v32, $0x7  }
0x112: {  	v36 =	vmov s21;
	v35 =	vmov s20;
	v32 =	vshll.u32 v32, v1;
	[tilespmem:v27+s28+$0x0] =	vst.idx.msk $0xffff, v17  }
0x113: {  	v17 =	vshrl.u32 v31, $0x7;
	v27 =	vshrl.u32 v33, $0x7;
	v31 =	vadd.s32 $0x80, v32;
	[tilespmem:v23+s28+$0x0] =	vst.idx.msk $0xffff, v28  }
0x114: {  	v23 =	vshrl.u32 v34, $0x7;
	v28 =	vshrl.u32 v35, $0x7;
	v31 =	vbroadcast v31, $0x0;
	[tilespmem:v25+s28+$0x0] =	vst.idx.msk $0xffff, v16  }
0x115: {  	s19 =	sadd.s32 $0x100, s19;
	v16 =	vshll.u32 v17, v1;
	v25 =	vshll.u32 v27, v1;
	v27 =	vshrl.u32 v36, $0x7;
	[tilespmem:v26+s28+$0x0] =	vst.idx.msk $0xffff, v20  }
0x116: {  	v20 =	vshll.u32 v23, v1;
	v23 =	vshll.u32 v28, v1;
	v26 =	vld [tilespmem:s19+$0xFFFFFFF0];
	v28 =	vor.u32 v5, v31  }
0x117: {  	v30 =	vshll.u32 v30, v1;
	v27 =	vshll.u32 v27, v1;
	v31 =	vadd.s32 $0x80, v16;
	v17 =	vld [tilespmem:s19+$0xFFFFFFA0];
	[tilespmem:v24+s28+$0x0] =	vst.idx.msk $0xffff, v18  }
0x118: {  	v18 =	vadd.s32 $0x80, v25;
	v24 =	vadd.s32 $0x80, v20;
	v25 =	vadd.s32 $0x80, v23;
	v16 =	vld [tilespmem:s19+$0xFFFFFFB0];
	[tilespmem:v22+s28+$0x0] =	vst.idx.msk $0xffff, v19  }
.Ltmp8:
0x119: {  	v30 =	vadd.s32 $0x80, v30;
	v27 =	vadd.s32 $0x80, v27;
	v22 =	vbroadcast v31, $0x0;
	v20 =	vld [tilespmem:s19+$0xFFFFFFC0];
	[tilespmem:v29+s28+$0x0] =	vst.idx.msk $0xffff, v21;
	(pc) =	sbr.rel @p1 .LBB2_15-.Ltmp8, $4  }
0x11a: {  	v24 =	vbroadcast v24, $0x0;
	v21 =	vbroadcast v18, $0x0;
	v18 =	vld [tilespmem:s19+$0xFFFFFFD0]  }
0x11b: {  	v32 =	vbroadcast v27, $0x0;
	v31 =	vbroadcast v25, $0x0;
	v23 =	vor.u32 v5, v22;
	v19 =	vld [tilespmem:s19+$0xFFFFFFE0];
	[tilespmem:v28+s28+$0x0] =	vst.idx.msk $0xffff, v26  }
0x11c: {  	v29 =	vbroadcast v30, $0x0;
	v27 =	vor.u32 v6, v22;
	v25 =	vor.u32 v5, v21;
	v21 =	vld [tilespmem:s19+$0x0]  }
0x11d: {  	s9 =	sadd.s32 $0x200, s9;
	v22 =	vor.u32 v6, v32;
	v26 =	vor.u32 v6, v24;
	v24 =	vor.u32 v5, v31;
	v28 =	vld [tilespmem:s19+$0xFFFFFF90]  }
0x11e: {  	_ =	sdelay $0x3  }
0x11f: {  	[tilespmem:v27+s28+$0x0] =	vst.idx.msk $0xffff, v17  }
0x120: {  	v17 =	vor.u32 v6, v29;
	[tilespmem:v25+s28+$0x0] =	vst.idx.msk $0xffff, v16  }
0x121: {  	[tilespmem:v26+s28+$0x0] =	vst.idx.msk $0xffff, v20  }
0x122: {  	[tilespmem:v24+s28+$0x0] =	vst.idx.msk $0xffff, v18  }
0x123: {  	[tilespmem:v22+s28+$0x0] =	vst.idx.msk $0xffff, v19  }
0x124: {  	[tilespmem:v23+s28+$0x0] =	vst.idx.msk $0xffff, v28  }
0x125: {  	[tilespmem:v17+s28+$0x0] =	vst.idx.msk $0xffff, v21  }
0x126: {  	v21 =	vld [tilespmem:s7+$0xFFFFFFF0]  }
0x127: {  	v22 =	vor.u32 v7, v9;
	v19 =	vld [tilespmem:s7+$0xFFFFFFA0]  }
0x128: {  	v17 =	vld [tilespmem:s7+$0xFFFFFFB0]  }
0x129: {  	v18 =	vld [tilespmem:s7+$0xFFFFFFC0]  }
0x12a: {  	v16 =	vld [tilespmem:s7+$0xFFFFFFD0]  }
0x12b: {  	v20 =	vor.u32 v7, v11;
	v9 =	vld [tilespmem:s7+$0xFFFFFFE0]  }
0x12c: {  	v15 =	vor.u32 v7, v15;
	v24 =	vbroadcast v12, $0x0;
	v23 =	vld [tilespmem:s7+$0xFFFFFF90];
	[tilespmem:v22+s28+$0x0] =	vst.idx.msk $0xffff, v21;
	v22 =	vor.u32 v8, v11  }
0x12d: {  	s8 =	simm.s32 $0x0;
	s9 =	simm.s32 $0x3A0;
	v12 =	vor.u32 v7, v13;
	v11 =	vld [tilespmem:s7+$0x0];
	v21 =	vor.u32 v8, v10;
	v10 =	vor.u32 v8, v14  }
.LBB2_17:
0x12e: {  	s19 =	sadd.s32 $0xFFFFFE60, s9;
	s20 =	sadd.s32 $0xFFFFFFE0, s9;
	v13 =	vmov s9;
	s8 =	sadd.s32 $0x8, s8;
	v14 =	vor.u32 v8, v24  }
0x12f: {  	s21 =	sadd.s32 $0xFFFFFF00, s9;
	v24 =	vmov s19;
	s19 =	sadd.s32 $0xFFFFFEE0, s9;
	v25 =	vmov s20;
	v13 =	vshrl.u32 v13, $0x7;
	p1 =	slt.u32 s8, $0x38  }
0x130: {  	v27 =	vmov s21;
	s20 =	sadd.s32 $0xFFFFFF80, s9;
	v26 =	vmov s19;
	s19 =	sadd.s32 $0xFFFFFF60, s9;
	v25 =	vshrl.u32 v25, $0x7  }
0x131: {  	v29 =	vmov s20;
	v28 =	vmov s19;
	v25 =	vshll.u32 v25, v1;
	[tilespmem:v22+s28+$0x0] =	vst.idx.msk $0xffff, v19  }
0x132: {  	v19 =	vshrl.u32 v24, $0x7;
	v22 =	vshrl.u32 v26, $0x7;
	v24 =	vadd.s32 $0x80, v25;
	[tilespmem:v20+s28+$0x0] =	vst.idx.msk $0xffff, v23  }
0x133: {  	v20 =	vshrl.u32 v27, $0x7;
	v23 =	vshrl.u32 v28, $0x7;
	v24 =	vbroadcast v24, $0x0;
	[tilespmem:v15+s28+$0x0] =	vst.idx.msk $0xffff, v17  }
0x134: {  	s7 =	sadd.s32 $0x100, s7;
	v22 =	vshll.u32 v22, v1;
	v15 =	vshll.u32 v19, v1;
	v17 =	vshrl.u32 v29, $0x7;
	[tilespmem:v21+s28+$0x0] =	vst.idx.msk $0xffff, v18  }
0x135: {  	v18 =	vshll.u32 v20, v1;
	v20 =	vshll.u32 v23, v1;
	v21 =	vld [tilespmem:s7+$0xFFFFFFF0];
	v23 =	vor.u32 v7, v24  }
0x136: {  	v13 =	vshll.u32 v13, v1;
	v15 =	vadd.s32 $0x80, v15;
	v24 =	vshll.u32 v17, v1;
	v19 =	vld [tilespmem:s7+$0xFFFFFFA0];
	[tilespmem:v12+s28+$0x0] =	vst.idx.msk $0xffff, v16  }
0x137: {  	v12 =	vadd.s32 $0x80, v22;
	v16 =	vadd.s32 $0x80, v18;
	v22 =	vadd.s32 $0x80, v20;
	v17 =	vld [tilespmem:s7+$0xFFFFFFB0];
	[tilespmem:v10+s28+$0x0] =	vst.idx.msk $0xffff, v9  }
.Ltmp9:
0x138: {  	v13 =	vadd.s32 $0x80, v13;
	v10 =	vbroadcast v15, $0x0;
	v15 =	vadd.s32 $0x80, v24;
	v18 =	vld [tilespmem:s7+$0xFFFFFFC0];
	[tilespmem:v14+s28+$0x0] =	vst.idx.msk $0xffff, v11;
	(pc) =	sbr.rel @p1 .LBB2_17-.Ltmp9, $4  }
0x139: {  	v11 =	vbroadcast v12, $0x0;
	v12 =	vbroadcast v16, $0x0;
	v16 =	vld [tilespmem:s7+$0xFFFFFFD0]  }
0x13a: {  	v14 =	vbroadcast v22, $0x0;
	v25 =	vbroadcast v15, $0x0;
	v20 =	vor.u32 v7, v10;
	v9 =	vld [tilespmem:s7+$0xFFFFFFE0];
	[tilespmem:v23+s28+$0x0] =	vst.idx.msk $0xffff, v21  }
0x13b: {  	v24 =	vbroadcast v13, $0x0;
	v22 =	vor.u32 v8, v10;
	v15 =	vor.u32 v7, v11;
	v11 =	vld [tilespmem:s7+$0x0]  }
0x13c: {  	s9 =	sadd.s32 $0x200, s9;
	v21 =	vor.u32 v8, v12;
	v12 =	vor.u32 v7, v14;
	v10 =	vor.u32 v8, v25;
	v23 =	vld [tilespmem:s7+$0xFFFFFF90]  }
0x13d: {  	_ =	sdelay $0x3  }
0x13e: {  	[tilespmem:v22+s28+$0x0] =	vst.idx.msk $0xffff, v19  }
0x13f: {  	v13 =	vor.u32 v8, v24;
	[tilespmem:v15+s28+$0x0] =	vst.idx.msk $0xffff, v17  }
0x140: {  	[tilespmem:v21+s28+$0x0] =	vst.idx.msk $0xffff, v18;
	p1 =	sne.s32 s17, $0x1F  }
.Ltmp10:
0x141: {  	[tilespmem:v12+s28+$0x0] =	vst.idx.msk $0xffff, v16;
	(pc) =	sbr.rel @p1 .LBB2_20-.Ltmp10, $4  }
0x142: {  	[tilespmem:v10+s28+$0x0] =	vst.idx.msk $0xffff, v9  }
0x143: {  	s7 =	sshll.u32 s17, $0x11;
	[tilespmem:v20+s28+$0x0] =	vst.idx.msk $0xffff, v23  }
0x144: {  	s8 =	sadd.s32 s7, s11;
	[tilespmem:v13+s28+$0x0] =	vst.idx.msk $0xffff, v11  }
0x145: {  	[hbm4b:s8+s30] =	stream.strided.scatter [tilespmem:s28], [sflag:$0x5], $0x2000, s31, s30, $0x38;
	[tilespmem:$0x10000] =	vst v63  }
.Ltmp11:
0x146: {  	(pc) =	sbr.rel .LBB2_21-.Ltmp11, $4  }
0x147: {  	_ = 	snop  }
0x148: {  	_ =	swait.ge [sflag:s29], $0x2000  }
0x149: {  	[sflag:s29] =	ssyncset.done $0x0  }
0x14a: {  	[sflag:s29] =	ssyncadd.s32 $0xFFFFE000  }
.LBB2_20:
0x14b: {  	s8 =	rddreg [dreg:$0x7]  }
0x14c: {  	s8 =	sadd.s32 s8, s18  }
0x14d: {  	s8 =	sshll.u32 s8, $0xA  }
0x14e: {  	s9 =	simm.s32 $0x0;
	s8 =	sadd.s32 s8, s12  }
0x14f: {  	[tilespmem:s9], [sflag:$0x1] =	stream.strided.gather [hbm4b:s8+s30], $0x800, s31, s30, $0x38;
	[tilespmem:$0x10000] =	vst v63  }
0x150: {  	s10 =	simm.s32 $0x800;
	s22 =	sadd.s32 $0x1000, s8  }
0x151: {  	[tilespmem:s10], [sflag:$0x1] =	stream.strided.gather [hbm4b:s22+s30], $0x800, s31, s30, $0x38;
	[tilespmem:$0x10000] =	vst v63  }
0x152: {  	s24 =	simm.s32 $0x1000;
	s23 =	sadd.s32 $0x2000, s8  }
0x153: {  	[tilespmem:s24], [sflag:$0x1] =	stream.strided.gather [hbm4b:s23+s30], $0x800, s31, s30, $0x38;
	[tilespmem:$0x10000] =	vst v63  }
.Ltmp12:
0x154: {  	s25 =	simm.s32 $0x1800;
	s8 =	sadd.s32 $0x3000, s8;
	(pc) =	sbr.rel @p0 .LBB2_22-.Ltmp12, $4  }
0x155: {  	[tilespmem:s25], [sflag:$0x1] =	stream.strided.gather [hbm4b:s8+s30], $0x800, s31, s30, $0x38;
	[tilespmem:$0x10000] =	vst v63  }
0x156: {  	_ =	swait.ge [sflag:s29], $0x2000  }
0x157: {  	[sflag:s29] =	ssyncset.done $0x0  }
0x158: {  	[sflag:s29] =	ssyncadd.s32 $0xFFFFE000  }
.LBB2_21:
0x159: {  	_ =	swait.ge [sflag:s3], $0x2000  }
0x15a: {  	[sflag:s3] =	ssyncset.done $0x0  }
0x15b: {  	[sflag:s3] =	ssyncadd.s32 $0xFFFFE000  }
.LBB2_22:
0x15c: {  	s8 =	simm.s32 $0x1A0  }
0x15d: {  	s9 =	simm.s32 $0x0;
	s19 =	simm.s32 $0x80;
	s22 =	simm.s32 $0x100;
	v9 =	vmov s8  }
0x15e: {  	s23 =	simm.s32 $0x120;
	s24 =	simm.s32 $0xA0;
	s25 =	simm.s32 $0x180;
	v10 =	vmov s9;
	v11 =	vmov s19;
	v12 =	vmov s22  }
0x15f: {  	v13 =	vmov s23;
	v14 =	vmov s24;
	v15 =	vmov s25  }
0x160: {  	v10 =	vshrl.u32 v10, $0x7;
	v11 =	vshrl.u32 v11, $0x7;
	v12 =	vshrl.u32 v12, $0x7  }
0x161: {  	v9 =	vshrl.u32 v9, $0x7;
	v22 =	vshrl.u32 v13, $0x7;
	v11 =	vshll.u32 v11, v1  }
0x162: {  	s21 =	simm.s32 $0x2040;
	v14 =	vshrl.u32 v14, $0x7;
	v10 =	vshll.u32 v10, v1;
	v11 =	vbroadcast v11, $0x0  }
0x163: {  	v19 =	vld [tilespmem:s21+$0xFFFFFFE0];
	v15 =	vshrl.u32 v15, $0x7;
	v12 =	vshll.u32 v12, v1;
	v10 =	vbroadcast v10, $0x0  }
0x164: {  	v17 =	vld [tilespmem:s21+$0x10];
	v15 =	vshll.u32 v15, v1;
	v13 =	vbroadcast v12, $0x0;
	v21 =	vor.u32 v0, v11  }
0x165: {  	v20 =	vld [tilespmem:s21+$0xFFFFFFC0];
	v12 =	vshll.u32 v14, v1;
	v14 =	vshll.u32 v22, v1;
	v18 =	vor.u32 v0, v10  }
0x166: {  	s20 =	sand.u32 $0x1E0000, s7;
	s19 =	sand.u32 $0x200000, s7;
	s8 =	simm.s32 $0x0;
	v28 =	vshll.u32 v9, v1;
	v22 =	vld [tilespmem:s21+$0x0];
	v27 =	vbroadcast v14, $0x0;
	v24 =	vor.u32 v0, v13  }
0x167: {  	v23 =	vld [tilespmem:s21+$0xFFFFFFD0];
	s9 =	simm.s32 $0x3A0;
	s22 =	simm.s32 $0x2140;
	s7 =	simm.s32 $0x2870;
	v26 =	vbroadcast v15, $0x0;
	v25 =	vbroadcast v12, $0x0;
	v16 =	vor.u32 v2, v10  }
.LBB2_23:
0x168: {  	s23 =	sadd.s32 $0xFFFFFE60, s9;
	s24 =	sadd.s32 $0xFFFFFEE0, s9;
	s25 =	sadd.s32 $0xFFFFFF00, s9;
	v29 =	vmov s9;
	v27 =	vor.u32 v2, v27;
	v28 =	vbroadcast v28, $0x0  }
0x169: {  	s10 =	sadd.s32 $0xFFFFFFE0, s9;
	v30 =	vmov s23;
	v31 =	vmov s24;
	s23 =	sadd.s32 $0xFFFFFF60, s9;
	s24 =	sadd.s32 $0xFFFFFF80, s9;
	[tilespmem:v21+s1+$0x0] =	vst.idx.msk $0xffff, v19;
	v19 =	vld [tilespmem:s21+$0x20];
	v21 =	vor.u32 v0, v26  }
0x16a: {  	s8 =	sadd.s32 $0x8, s8;
	v25 =	vor.u32 v2, v25;
	v26 =	vmov s23;
	v32 =	vmov s24;
	[tilespmem:v18+s1+$0x0] =	vst.idx.msk $0xffff, v20;
	v20 =	vld [tilespmem:s21+$0xFFFFFFF0]  }
0x16b: {  	p2 =	slt.u32 s8, $0x38;
	v18 =	vshrl.u32 v30, $0x7;
	v30 =	vshrl.u32 v31, $0x7;
	v31 =	vmov s25;
	[tilespmem:v24+s1+$0x0] =	vst.idx.msk $0xffff, v22  }
0x16c: {  	v29 =	vshrl.u32 v29, $0x7;
	v18 =	vshll.u32 v18, v1;
	v22 =	vshrl.u32 v26, $0x7;
	[tilespmem:v16+s1+$0x0] =	vst.idx.msk $0xffff, v23  }
0x16d: {  	v16 =	vbroadcast v18, $0x0;
	v18 =	vshll.u32 v30, v1;
	v23 =	vmov s10;
	[tilespmem:v27+s1+$0x0] =	vst.idx.msk $0xffff, v17;
	v30 =	vld [tilespmem:s21+$0x30];
	s21 =	smov.u32 s22  }
0x16e: {  	v33 =	vor.u32 v2, v28;
	v22 =	vshll.u32 v22, v1;
	v17 =	vbroadcast v18, $0x0;
	[tilespmem:v21+s1+$0x0] =	vst.idx.msk $0xffff, v19  }
.Ltmp13:
0x16f: {  	v24 =	vshrl.u32 v32, $0x7;
	v18 =	vor.u32 v0, v16;
	v16 =	vor.u32 v2, v16;
	v19 =	vld [tilespmem:s22+$0xFFFFFFE0];
	[tilespmem:v25+s1+$0x0] =	vst.idx.msk $0xffff, v20;
	(pc) =	sbr.rel @p2 .LBB2_23-.Ltmp13, $4  }
0x170: {  	v26 =	vbroadcast v22, $0x0;
	v21 =	vor.u32 v0, v17;
	v25 =	vshrl.u32 v31, $0x7;
	v17 =	vld [tilespmem:s22+$0x10]  }
0x171: {  	v27 =	vshll.u32 v24, v1;
	v23 =	vshrl.u32 v23, $0x7;
	v25 =	vshll.u32 v25, v1;
	v20 =	vld [tilespmem:s22+$0xFFFFFFC0]  }
0x172: {  	v27 =	vbroadcast v27, $0x0;
	v24 =	vor.u32 v0, v26;
	v26 =	vshll.u32 v23, v1;
	v22 =	vld [tilespmem:s22+$0x0]  }
0x173: {  	s9 =	sadd.s32 $0x200, s9;
	v28 =	vshll.u32 v29, v1;
	v26 =	vbroadcast v26, $0x0;
	v25 =	vbroadcast v25, $0x0;
	s22 =	sadd.s32 $0x100, s22;
	v23 =	vld [tilespmem:s21+$0xFFFFFFD0];
	[tilespmem:v33+s1+$0x0] =	vst.idx.msk $0xffff, v30  }
0x174: {  	_ =	sdelay $0x2  }
0x175: {  	v27 =	vor.u32 v2, v27  }
0x176: {  	v28 =	vbroadcast v28, $0x0;
	[tilespmem:v21+s1+$0x0] =	vst.idx.msk $0xffff, v19;
	v19 =	vld [tilespmem:s21+$0x20];
	v21 =	vor.u32 v0, v26  }
0x177: {  	[tilespmem:v18+s1+$0x0] =	vst.idx.msk $0xffff, v20;
	v18 =	vld [tilespmem:s21+$0xFFFFFFF0];
	v20 =	vor.u32 v2, v25  }
0x178: {  	v63 =	vor.u32 v2, v28;
	[tilespmem:v24+s1+$0x0] =	vst.idx.msk $0xffff, v22;
	v22 =	vld [tilespmem:s21+$0x30]  }
0x179: {  	[tilespmem:v16+s1+$0x0] =	vst.idx.msk $0xffff, v23  }
0x17a: {  	[tilespmem:v27+s1+$0x0] =	vst.idx.msk $0xffff, v17  }
0x17b: {  	[tilespmem:v21+s1+$0x0] =	vst.idx.msk $0xffff, v19  }
0x17c: {  	[tilespmem:v20+s1+$0x0] =	vst.idx.msk $0xffff, v18  }
0x17d: {  	[tilespmem:v63+s1+$0x0] =	vst.idx.msk $0xffff, v22  }
0x17e: {  	v18 =	vld [tilespmem:s7+$0xFFFFFFB0]  }
0x17f: {  	v21 =	vor.u32 v3, v11;
	v16 =	vld [tilespmem:s7+$0xFFFFFFE0]  }
0x180: {  	v17 =	vor.u32 v3, v10;
	v20 =	vld [tilespmem:s7+$0xFFFFFF90]  }
0x181: {  	s8 =	simm.s32 $0x0;
	v13 =	vor.u32 v3, v13;
	v12 =	vbroadcast v12, $0x0;
	v22 =	vbroadcast v14, $0x0;
	v19 =	vld [tilespmem:s7+$0xFFFFFFD0]  }
0x182: {  	v9 =	vshll.u32 v9, v1;
	s9 =	simm.s32 $0x3A0;
	s22 =	simm.s32 $0x2970;
	s21 =	simm.s32 $0x3070;
	v10 =	vor.u32 v4, v10;
	v14 =	vbroadcast v15, $0x0;
	v11 =	vld [tilespmem:s7+$0xFFFFFFA0]  }
.LBB2_25:
0x183: {  	s10 =	sadd.s32 $0xFFFFFE60, s9;
	s23 =	sadd.s32 $0xFFFFFEE0, s9;
	s24 =	sadd.s32 $0xFFFFFF00, s9;
	v15 =	vmov s9;
	v22 =	vor.u32 v4, v22;
	v9 =	vbroadcast v9, $0x0  }
0x184: {  	s25 =	sadd.s32 $0xFFFFFFE0, s9;
	v23 =	vmov s10;
	v24 =	vmov s23;
	s10 =	sadd.s32 $0xFFFFFF60, s9;
	s23 =	sadd.s32 $0xFFFFFF80, s9;
	[tilespmem:v21+s1+$0x0] =	vst.idx.msk $0xffff, v18;
	v18 =	vld [tilespmem:s7+$0xFFFFFFF0];
	v14 =	vor.u32 v3, v14  }
0x185: {  	s8 =	sadd.s32 $0x8, s8;
	v12 =	vor.u32 v4, v12;
	v21 =	vmov s10;
	v25 =	vmov s23;
	[tilespmem:v17+s1+$0x0] =	vst.idx.msk $0xffff, v20;
	v20 =	vld [tilespmem:s7+$0xFFFFFFC0]  }
0x186: {  	p2 =	slt.u32 s8, $0x38;
	v17 =	vshrl.u32 v23, $0x7;
	v23 =	vshrl.u32 v24, $0x7;
	v24 =	vmov s24;
	[tilespmem:v13+s1+$0x0] =	vst.idx.msk $0xffff, v19  }
0x187: {  	v15 =	vshrl.u32 v15, $0x7;
	v13 =	vshll.u32 v17, v1;
	v17 =	vshrl.u32 v21, $0x7;
	[tilespmem:v10+s1+$0x0] =	vst.idx.msk $0xffff, v11  }
0x188: {  	v10 =	vbroadcast v13, $0x0;
	v11 =	vshll.u32 v23, v1;
	v13 =	vmov s25;
	[tilespmem:v22+s1+$0x0] =	vst.idx.msk $0xffff, v16;
	v23 =	vld [tilespmem:s7+$0x0];
	s7 =	smov.u32 s22  }
0x189: {  	v26 =	vor.u32 v4, v9;
	v11 =	vbroadcast v11, $0x0;
	v16 =	vshll.u32 v17, v1;
	[tilespmem:v14+s1+$0x0] =	vst.idx.msk $0xffff, v18  }
.Ltmp14:
0x18a: {  	v9 =	vshrl.u32 v25, $0x7;
	v17 =	vor.u32 v3, v10;
	v10 =	vor.u32 v4, v10;
	v18 =	vld [tilespmem:s22+$0xFFFFFFB0];
	[tilespmem:v12+s1+$0x0] =	vst.idx.msk $0xffff, v20;
	(pc) =	sbr.rel @p2 .LBB2_25-.Ltmp14, $4  }
0x18b: {  	v21 =	vor.u32 v3, v11;
	v11 =	vshrl.u32 v24, $0x7;
	v12 =	vbroadcast v16, $0x0;
	v16 =	vld [tilespmem:s22+$0xFFFFFFE0]  }
0x18c: {  	v9 =	vshll.u32 v9, v1;
	v14 =	vshll.u32 v11, v1;
	v11 =	vshrl.u32 v13, $0x7;
	v20 =	vld [tilespmem:s22+$0xFFFFFF90]  }
0x18d: {  	s23 =	simm.s32 $0x1A0;
	v22 =	vbroadcast v9, $0x0;
	v13 =	vor.u32 v3, v12;
	v9 =	vshll.u32 v11, v1;
	v19 =	vld [tilespmem:s22+$0xFFFFFFD0]  }
0x18e: {  	s9 =	sadd.s32 $0x200, s9;
	v12 =	vbroadcast v14, $0x0;
	v14 =	vbroadcast v9, $0x0;
	v9 =	vshll.u32 v15, v1;
	s22 =	sadd.s32 $0x100, s22;
	v11 =	vld [tilespmem:s7+$0xFFFFFFA0];
	[tilespmem:v26+s1+$0x0] =	vst.idx.msk $0xffff, v23  }
0x18f: {  	_ =	sdelay $0x2  }
0x190: {  	v15 =	vor.u32 v4, v22  }
0x191: {  	v9 =	vbroadcast v9, $0x0;
	[tilespmem:v21+s1+$0x0] =	vst.idx.msk $0xffff, v18;
	v18 =	vld [tilespmem:s7+$0xFFFFFFF0];
	v14 =	vor.u32 v3, v14  }
0x192: {  	s9 =	simm.s32 $0x100;
	v12 =	vor.u32 v4, v12;
	[tilespmem:v17+s1+$0x0] =	vst.idx.msk $0xffff, v20;
	v17 =	vld [tilespmem:s7+$0xFFFFFFC0]  }
0x193: {  	s22 =	simm.s32 $0x0;
	s8 =	simm.s32 $0x80;
	v20 =	vmov s9;
	[tilespmem:v13+s1+$0x0] =	vst.idx.msk $0xffff, v19;
	v13 =	vld [tilespmem:s7+$0x0];
	v19 =	vor.u32 v4, v9  }
0x194: {  	v9 =	vmov s23;
	s23 =	simm.s32 $0x120;
	[tilespmem:v10+s1+$0x0] =	vst.idx.msk $0xffff, v11;
	v10 =	vmov s22;
	v11 =	vmov s8  }
0x195: {  	s25 =	simm.s32 $0x180;
	v9 =	vshrl.u32 v9, $0x7;
	[tilespmem:v15+s1+$0x0] =	vst.idx.msk $0xffff, v16;
	v15 =	vmov s23;
	v10 =	vshrl.u32 v10, $0x7  }
0x196: {  	s24 =	simm.s32 $0xA0;
	v11 =	vshrl.u32 v11, $0x7;
	v16 =	vshrl.u32 v20, $0x7;
	v20 =	vmov s25;
	[tilespmem:v14+s1+$0x0] =	vst.idx.msk $0xffff, v18  }
0x197: {  	v28 =	vshll.u32 v9, v1;
	v14 =	vmov s24;
	v11 =	vshll.u32 v11, v1;
	[tilespmem:v12+s1+$0x0] =	vst.idx.msk $0xffff, v17  }
0x198: {  	v10 =	vshll.u32 v10, v1;
	v15 =	vshrl.u32 v15, $0x7;
	v11 =	vbroadcast v11, $0x0;
	[tilespmem:v19+s1+$0x0] =	vst.idx.msk $0xffff, v13  }
0x199: {  	v10 =	vbroadcast v10, $0x0;
	v12 =	vshll.u32 v16, v1;
	v14 =	vshrl.u32 v14, $0x7;
	v19 =	vld [tilespmem:s21+$0xFFFFFFB0]  }
0x19a: {  	v13 =	vbroadcast v12, $0x0;
	v12 =	vshll.u32 v14, v1;
	v23 =	vor.u32 v5, v11;
	v17 =	vld [tilespmem:s21+$0xFFFFFFE0]  }
0x19b: {  	v14 =	vshll.u32 v15, v1;
	v15 =	vshrl.u32 v20, $0x7;
	v18 =	vor.u32 v5, v10;
	v21 =	vld [tilespmem:s21+$0xFFFFFF90]  }
0x19c: {  	s9 =	simm.s32 $0x3A0;
	v20 =	vld [tilespmem:s21+$0xFFFFFFD0];
	v27 =	vbroadcast v14, $0x0;
	v15 =	vshll.u32 v15, v1;
	v24 =	vor.u32 v5, v13  }
0x19d: {  	s7 =	simm.s32 $0x3870;
	s8 =	simm.s32 $0x0;
	s22 =	simm.s32 $0x3170;
	v16 =	vor.u32 v6, v10;
	v22 =	vld [tilespmem:s21+$0xFFFFFFA0];
	v25 =	vbroadcast v12, $0x0;
	v26 =	vbroadcast v15, $0x0  }
.LBB2_27:
0x19e: {  	s10 =	sadd.s32 $0xFFFFFE60, s9;
	s23 =	sadd.s32 $0xFFFFFEE0, s9;
	s24 =	sadd.s32 $0xFFFFFF00, s9;
	v29 =	vmov s9;
	v27 =	vor.u32 v6, v27;
	v28 =	vbroadcast v28, $0x0  }
0x19f: {  	s25 =	sadd.s32 $0xFFFFFFE0, s9;
	v30 =	vmov s10;
	v31 =	vmov s23;
	s10 =	sadd.s32 $0xFFFFFF60, s9;
	s23 =	sadd.s32 $0xFFFFFF80, s9;
	[tilespmem:v23+s1+$0x0] =	vst.idx.msk $0xffff, v19;
	v19 =	vld [tilespmem:s21+$0xFFFFFFF0];
	v23 =	vor.u32 v5, v26  }
0x1a0: {  	s8 =	sadd.s32 $0x8, s8;
	v25 =	vor.u32 v6, v25;
	v26 =	vmov s10;
	v32 =	vmov s23;
	[tilespmem:v18+s1+$0x0] =	vst.idx.msk $0xffff, v21;
	v21 =	vld [tilespmem:s21+$0xFFFFFFC0]  }
0x1a1: {  	p2 =	slt.u32 s8, $0x38;
	v18 =	vshrl.u32 v30, $0x7;
	v30 =	vshrl.u32 v31, $0x7;
	v31 =	vmov s24;
	[tilespmem:v24+s1+$0x0] =	vst.idx.msk $0xffff, v20  }
0x1a2: {  	v29 =	vshrl.u32 v29, $0x7;
	v18 =	vshll.u32 v18, v1;
	v20 =	vshrl.u32 v26, $0x7;
	[tilespmem:v16+s1+$0x0] =	vst.idx.msk $0xffff, v22  }
0x1a3: {  	v16 =	vbroadcast v18, $0x0;
	v18 =	vshll.u32 v30, v1;
	v22 =	vmov s25;
	[tilespmem:v27+s1+$0x0] =	vst.idx.msk $0xffff, v17;
	v30 =	vld [tilespmem:s21+$0x0];
	s21 =	smov.u32 s22  }
0x1a4: {  	v33 =	vor.u32 v6, v28;
	v20 =	vshll.u32 v20, v1;
	v17 =	vbroadcast v18, $0x0;
	[tilespmem:v23+s1+$0x0] =	vst.idx.msk $0xffff, v19  }
.Ltmp15:
0x1a5: {  	v24 =	vshrl.u32 v32, $0x7;
	v18 =	vor.u32 v5, v16;
	v16 =	vor.u32 v6, v16;
	v19 =	vld [tilespmem:s22+$0xFFFFFFB0];
	[tilespmem:v25+s1+$0x0] =	vst.idx.msk $0xffff, v21;
	(pc) =	sbr.rel @p2 .LBB2_27-.Ltmp15, $4  }
0x1a6: {  	v26 =	vbroadcast v20, $0x0;
	v23 =	vor.u32 v5, v17;
	v25 =	vshrl.u32 v31, $0x7;
	v17 =	vld [tilespmem:s22+$0xFFFFFFE0]  }
0x1a7: {  	v27 =	vshll.u32 v24, v1;
	v22 =	vshrl.u32 v22, $0x7;
	v25 =	vshll.u32 v25, v1;
	v21 =	vld [tilespmem:s22+$0xFFFFFF90]  }
0x1a8: {  	v27 =	vbroadcast v27, $0x0;
	v24 =	vor.u32 v5, v26;
	v26 =	vshll.u32 v22, v1;
	v20 =	vld [tilespmem:s22+$0xFFFFFFD0]  }
0x1a9: {  	s9 =	sadd.s32 $0x200, s9;
	v28 =	vshll.u32 v29, v1;
	v26 =	vbroadcast v26, $0x0;
	v25 =	vbroadcast v25, $0x0;
	s22 =	sadd.s32 $0x100, s22;
	v22 =	vld [tilespmem:s21+$0xFFFFFFA0];
	[tilespmem:v33+s1+$0x0] =	vst.idx.msk $0xffff, v30  }
0x1aa: {  	_ =	sdelay $0x2  }
0x1ab: {  	v27 =	vor.u32 v6, v27  }
0x1ac: {  	v28 =	vbroadcast v28, $0x0;
	[tilespmem:v23+s1+$0x0] =	vst.idx.msk $0xffff, v19;
	v19 =	vld [tilespmem:s21+$0xFFFFFFF0];
	v23 =	vor.u32 v5, v26  }
0x1ad: {  	[tilespmem:v18+s1+$0x0] =	vst.idx.msk $0xffff, v21;
	v18 =	vld [tilespmem:s21+$0xFFFFFFC0];
	v21 =	vor.u32 v6, v25  }
0x1ae: {  	v63 =	vor.u32 v6, v28;
	[tilespmem:v24+s1+$0x0] =	vst.idx.msk $0xffff, v20;
	v20 =	vld [tilespmem:s21+$0x0]  }
0x1af: {  	[tilespmem:v16+s1+$0x0] =	vst.idx.msk $0xffff, v22  }
0x1b0: {  	[tilespmem:v27+s1+$0x0] =	vst.idx.msk $0xffff, v17  }
0x1b1: {  	[tilespmem:v23+s1+$0x0] =	vst.idx.msk $0xffff, v19  }
0x1b2: {  	[tilespmem:v21+s1+$0x0] =	vst.idx.msk $0xffff, v18  }
0x1b3: {  	[tilespmem:v63+s1+$0x0] =	vst.idx.msk $0xffff, v20  }
0x1b4: {  	v18 =	vld [tilespmem:s7+$0xFFFFFFB0]  }
0x1b5: {  	v21 =	vor.u32 v7, v11;
	v16 =	vld [tilespmem:s7+$0xFFFFFFE0]  }
0x1b6: {  	v17 =	vor.u32 v7, v10;
	v20 =	vld [tilespmem:s7+$0xFFFFFF90]  }
0x1b7: {  	s8 =	simm.s32 $0x0;
	v13 =	vor.u32 v7, v13;
	v12 =	vbroadcast v12, $0x0;
	v22 =	vbroadcast v14, $0x0;
	v19 =	vld [tilespmem:s7+$0xFFFFFFD0]  }
0x1b8: {  	v9 =	vshll.u32 v9, v1;
	s9 =	simm.s32 $0x3A0;
	s22 =	simm.s32 $0x3970;
	s21 =	simm.s32 $0x20F0;
	v14 =	vbroadcast v15, $0x0;
	v10 =	vor.u32 v8, v10;
	v11 =	vld [tilespmem:s7+$0xFFFFFFA0]  }
.LBB2_29:
0x1b9: {  	s10 =	sadd.s32 $0xFFFFFE60, s9;
	s23 =	sadd.s32 $0xFFFFFEE0, s9;
	s24 =	sadd.s32 $0xFFFFFF00, s9;
	v15 =	vmov s9;
	v22 =	vor.u32 v8, v22;
	v9 =	vbroadcast v9, $0x0  }
0x1ba: {  	s25 =	sadd.s32 $0xFFFFFFE0, s9;
	v23 =	vmov s10;
	v24 =	vmov s23;
	s10 =	sadd.s32 $0xFFFFFF60, s9;
	s23 =	sadd.s32 $0xFFFFFF80, s9;
	[tilespmem:v21+s1+$0x0] =	vst.idx.msk $0xffff, v18;
	v18 =	vld [tilespmem:s7+$0xFFFFFFF0];
	v14 =	vor.u32 v7, v14  }
0x1bb: {  	s8 =	sadd.s32 $0x8, s8;
	v12 =	vor.u32 v8, v12;
	v21 =	vmov s10;
	v25 =	vmov s23;
	[tilespmem:v17+s1+$0x0] =	vst.idx.msk $0xffff, v20;
	v20 =	vld [tilespmem:s7+$0xFFFFFFC0]  }
0x1bc: {  	p2 =	slt.u32 s8, $0x38;
	v17 =	vshrl.u32 v23, $0x7;
	v23 =	vshrl.u32 v24, $0x7;
	v24 =	vmov s24;
	[tilespmem:v13+s1+$0x0] =	vst.idx.msk $0xffff, v19  }
0x1bd: {  	v15 =	vshrl.u32 v15, $0x7;
	v13 =	vshll.u32 v17, v1;
	v17 =	vshrl.u32 v21, $0x7;
	[tilespmem:v10+s1+$0x0] =	vst.idx.msk $0xffff, v11  }
0x1be: {  	v10 =	vbroadcast v13, $0x0;
	v11 =	vshll.u32 v23, v1;
	v13 =	vmov s25;
	[tilespmem:v22+s1+$0x0] =	vst.idx.msk $0xffff, v16;
	v23 =	vld [tilespmem:s7+$0x0];
	s7 =	smov.u32 s22  }
0x1bf: {  	v26 =	vor.u32 v8, v9;
	v11 =	vbroadcast v11, $0x0;
	v16 =	vshll.u32 v17, v1;
	[tilespmem:v14+s1+$0x0] =	vst.idx.msk $0xffff, v18  }
.Ltmp16:
0x1c0: {  	v9 =	vshrl.u32 v25, $0x7;
	v17 =	vor.u32 v7, v10;
	v10 =	vor.u32 v8, v10;
	v18 =	vld [tilespmem:s22+$0xFFFFFFB0];
	[tilespmem:v12+s1+$0x0] =	vst.idx.msk $0xffff, v20;
	(pc) =	sbr.rel @p2 .LBB2_29-.Ltmp16, $4  }
0x1c1: {  	v21 =	vor.u32 v7, v11;
	v11 =	vshrl.u32 v24, $0x7;
	v12 =	vbroadcast v16, $0x0;
	v16 =	vld [tilespmem:s22+$0xFFFFFFE0]  }
0x1c2: {  	v9 =	vshll.u32 v9, v1;
	v14 =	vshll.u32 v11, v1;
	v11 =	vshrl.u32 v13, $0x7;
	v20 =	vld [tilespmem:s22+$0xFFFFFF90]  }
0x1c3: {  	s23 =	simm.s32 $0x1A0;
	v22 =	vbroadcast v9, $0x0;
	v13 =	vor.u32 v7, v12;
	v9 =	vshll.u32 v11, v1;
	v19 =	vld [tilespmem:s22+$0xFFFFFFD0]  }
0x1c4: {  	s9 =	sadd.s32 $0x200, s9;
	v12 =	vbroadcast v14, $0x0;
	v14 =	vbroadcast v9, $0x0;
	v9 =	vshll.u32 v15, v1;
	s22 =	sadd.s32 $0x100, s22;
	v11 =	vld [tilespmem:s7+$0xFFFFFFA0];
	[tilespmem:v26+s1+$0x0] =	vst.idx.msk $0xffff, v23  }
0x1c5: {  	_ =	sdelay $0x2  }
0x1c6: {  	v15 =	vor.u32 v8, v22  }
0x1c7: {  	[tilespmem:v21+s1+$0x0] =	vst.idx.msk $0xffff, v18  }
0x1c8: {  	v9 =	vbroadcast v9, $0x0;
	v18 =	vld [tilespmem:s7+$0xFFFFFFF0];
	s9 =	simm.s32 $0x180;
	v14 =	vor.u32 v7, v14;
	[tilespmem:v17+s1+$0x0] =	vst.idx.msk $0xffff, v20  }
0x1c9: {  	s8 =	simm.s32 $0x0;
	v12 =	vor.u32 v8, v12;
	v21 =	vmov s9;
	v17 =	vld [tilespmem:s7+$0xFFFFFFC0];
	[tilespmem:v13+s1+$0x0] =	vst.idx.msk $0xffff, v19;
	v19 =	vmov s23  }
0x1ca: {  	s22 =	simm.s32 $0x80;
	v9 =	vor.u32 v8, v9;
	v20 =	vmov s8;
	v13 =	vld [tilespmem:s7+$0x0];
	s23 =	simm.s32 $0xA0;
	[tilespmem:v10+s1+$0x0] =	vst.idx.msk $0xffff, v11;
	v10 =	vshrl.u32 v19, $0x7  }
0x1cb: {  	s24 =	simm.s32 $0x100;
	s25 =	simm.s32 $0x120;
	v11 =	vmov s22;
	v19 =	vmov s23;
	[tilespmem:v15+s1+$0x0] =	vst.idx.msk $0xffff, v16;
	v15 =	vshrl.u32 v21, $0x7  }
0x1cc: {  	v16 =	vmov s24;
	v21 =	vmov s25;
	v11 =	vshrl.u32 v11, $0x7  }
0x1cd: {  	v10 =	vshll.u32 v10, v1;
	[tilespmem:v14+s1+$0x0] =	vst.idx.msk $0xffff, v18;
	v14 =	vshll.u32 v15, v1;
	v15 =	vshrl.u32 v20, $0x7  }
0x1ce: {  	v16 =	vshrl.u32 v16, $0x7;
	v11 =	vshll.u32 v11, v1;
	[tilespmem:v12+s1+$0x0] =	vst.idx.msk $0xffff, v17;
	v12 =	vadd.s32 $0x80, v14  }
0x1cf: {  	v14 =	vshrl.u32 v19, $0x7;
	v18 =	vadd.s32 $0x80, v11;
	[tilespmem:v9+s1+$0x0] =	vst.idx.msk $0xffff, v13;
	v9 =	vbroadcast v12, $0x0  }
0x1d0: {  	v12 =	vshll.u32 v15, v1;
	v13 =	vshrl.u32 v21, $0x7;
	v14 =	vshll.u32 v14, v1;
	v21 =	vld [tilespmem:s21+$0xFFFFFFF0]  }
0x1d1: {  	v15 =	vshll.u32 v16, v1;
	v12 =	vadd.s32 $0x80, v12;
	v17 =	vld [tilespmem:s21+$0xFFFFFFA0];
	v13 =	vshll.u32 v13, v1  }
0x1d2: {  	v16 =	vld [tilespmem:s21+$0xFFFFFFB0];
	v14 =	vadd.s32 $0x80, v14;
	v19 =	vadd.s32 $0x80, v15;
	v22 =	vor.u32 v0, v9  }
0x1d3: {  	v20 =	vld [tilespmem:s21+$0xFFFFFFC0];
	v15 =	vbroadcast v18, $0x0;
	v11 =	vbroadcast v12, $0x0;
	v24 =	vadd.s32 $0x80, v13  }
0x1d4: {  	v18 =	vld [tilespmem:s21+$0xFFFFFFD0];
	v12 =	vadd.s32 $0x80, v10;
	v10 =	vbroadcast v14, $0x0;
	v13 =	vbroadcast v19, $0x0  }
0x1d5: {  	v28 =	vld [tilespmem:s21+$0xFFFFFF90];
	v14 =	vbroadcast v24, $0x0;
	v25 =	vor.u32 v0, v15;
	v29 =	vbroadcast v12, $0x0  }
0x1d6: {  	v19 =	vld [tilespmem:s21+$0xFFFFFFE0];
	v23 =	vor.u32 v0, v11;
	v27 =	vor.u32 v2, v11;
	v26 =	vor.u32 v2, v10  }
0x1d7: {  	s9 =	simm.s32 $0x3A0;
	s8 =	simm.s32 $0x0;
	s7 =	simm.s32 $0x28F0;
	v24 =	vor.u32 v0, v13;
	[tilespmem:v22+s1+$0x0] =	vst.idx.msk $0xffff, v21;
	v21 =	vld [tilespmem:s21+$0x0];
	v22 =	vor.u32 v2, v14  }
.LBB2_31:
0x1d8: {  	s10 =	sadd.s32 $0xFFFFFE60, s9;
	s22 =	sadd.s32 $0xFFFFFFE0, s9;
	v30 =	vmov s9;
	s8 =	sadd.s32 $0x8, s8;
	v29 =	vor.u32 v2, v29  }
0x1d9: {  	s23 =	sadd.s32 $0xFFFFFF00, s9;
	v31 =	vmov s10;
	s10 =	sadd.s32 $0xFFFFFEE0, s9;
	v32 =	vmov s22;
	v30 =	vshrl.u32 v30, $0x7;
	p2 =	slt.u32 s8, $0x38  }
0x1da: {  	v34 =	vmov s23;
	s22 =	sadd.s32 $0xFFFFFF80, s9;
	v33 =	vmov s10;
	s10 =	sadd.s32 $0xFFFFFF60, s9;
	v32 =	vshrl.u32 v32, $0x7  }
0x1db: {  	v36 =	vmov s22;
	v35 =	vmov s10;
	v32 =	vshll.u32 v32, v1;
	[tilespmem:v27+s1+$0x0] =	vst.idx.msk $0xffff, v17  }
0x1dc: {  	v17 =	vshrl.u32 v31, $0x7;
	v27 =	vshrl.u32 v33, $0x7;
	v31 =	vadd.s32 $0x80, v32;
	[tilespmem:v23+s1+$0x0] =	vst.idx.msk $0xffff, v28  }
0x1dd: {  	v23 =	vshrl.u32 v34, $0x7;
	v28 =	vshrl.u32 v35, $0x7;
	v31 =	vbroadcast v31, $0x0;
	[tilespmem:v25+s1+$0x0] =	vst.idx.msk $0xffff, v16  }
0x1de: {  	s21 =	sadd.s32 $0x100, s21;
	v16 =	vshll.u32 v17, v1;
	v25 =	vshll.u32 v27, v1;
	v27 =	vshrl.u32 v36, $0x7;
	[tilespmem:v26+s1+$0x0] =	vst.idx.msk $0xffff, v20  }
0x1df: {  	v20 =	vshll.u32 v23, v1;
	v23 =	vshll.u32 v28, v1;
	v26 =	vld [tilespmem:s21+$0xFFFFFFF0];
	v28 =	vor.u32 v0, v31  }
0x1e0: {  	v30 =	vshll.u32 v30, v1;
	v27 =	vshll.u32 v27, v1;
	v31 =	vadd.s32 $0x80, v16;
	v17 =	vld [tilespmem:s21+$0xFFFFFFA0];
	[tilespmem:v24+s1+$0x0] =	vst.idx.msk $0xffff, v18  }
0x1e1: {  	v18 =	vadd.s32 $0x80, v25;
	v24 =	vadd.s32 $0x80, v20;
	v25 =	vadd.s32 $0x80, v23;
	v16 =	vld [tilespmem:s21+$0xFFFFFFB0];
	[tilespmem:v22+s1+$0x0] =	vst.idx.msk $0xffff, v19  }
.Ltmp17:
0x1e2: {  	v30 =	vadd.s32 $0x80, v30;
	v27 =	vadd.s32 $0x80, v27;
	v22 =	vbroadcast v31, $0x0;
	v20 =	vld [tilespmem:s21+$0xFFFFFFC0];
	[tilespmem:v29+s1+$0x0] =	vst.idx.msk $0xffff, v21;
	(pc) =	sbr.rel @p2 .LBB2_31-.Ltmp17, $4  }
0x1e3: {  	v24 =	vbroadcast v24, $0x0;
	v21 =	vbroadcast v18, $0x0;
	v18 =	vld [tilespmem:s21+$0xFFFFFFD0]  }
0x1e4: {  	v32 =	vbroadcast v27, $0x0;
	v31 =	vbroadcast v25, $0x0;
	v23 =	vor.u32 v0, v22;
	v19 =	vld [tilespmem:s21+$0xFFFFFFE0];
	[tilespmem:v28+s1+$0x0] =	vst.idx.msk $0xffff, v26  }
0x1e5: {  	v29 =	vbroadcast v30, $0x0;
	v27 =	vor.u32 v2, v22;
	v25 =	vor.u32 v0, v21;
	v21 =	vld [tilespmem:s21+$0x0]  }
0x1e6: {  	s9 =	sadd.s32 $0x200, s9;
	v22 =	vor.u32 v2, v32;
	v26 =	vor.u32 v2, v24;
	v24 =	vor.u32 v0, v31;
	v28 =	vld [tilespmem:s21+$0xFFFFFF90]  }
0x1e7: {  	_ =	sdelay $0x3  }
0x1e8: {  	[tilespmem:v27+s1+$0x0] =	vst.idx.msk $0xffff, v17  }
0x1e9: {  	v17 =	vor.u32 v2, v29;
	[tilespmem:v25+s1+$0x0] =	vst.idx.msk $0xffff, v16  }
0x1ea: {  	[tilespmem:v26+s1+$0x0] =	vst.idx.msk $0xffff, v20  }
0x1eb: {  	[tilespmem:v24+s1+$0x0] =	vst.idx.msk $0xffff, v18  }
0x1ec: {  	[tilespmem:v22+s1+$0x0] =	vst.idx.msk $0xffff, v19  }
0x1ed: {  	[tilespmem:v23+s1+$0x0] =	vst.idx.msk $0xffff, v28  }
0x1ee: {  	[tilespmem:v17+s1+$0x0] =	vst.idx.msk $0xffff, v21  }
0x1ef: {  	v21 =	vld [tilespmem:s7+$0xFFFFFFF0]  }
0x1f0: {  	v22 =	vor.u32 v3, v9;
	v19 =	vld [tilespmem:s7+$0xFFFFFFA0]  }
0x1f1: {  	v18 =	vld [tilespmem:s7+$0xFFFFFFB0]  }
0x1f2: {  	v17 =	vld [tilespmem:s7+$0xFFFFFFC0]  }
0x1f3: {  	v16 =	vld [tilespmem:s7+$0xFFFFFFD0]  }
0x1f4: {  	v20 =	vor.u32 v3, v11;
	v9 =	vld [tilespmem:s7+$0xFFFFFFE0]  }
0x1f5: {  	v15 =	vor.u32 v3, v15;
	v24 =	vbroadcast v12, $0x0;
	v23 =	vld [tilespmem:s7+$0xFFFFFF90];
	[tilespmem:v22+s1+$0x0] =	vst.idx.msk $0xffff, v21;
	v22 =	vor.u32 v4, v11  }
0x1f6: {  	s8 =	simm.s32 $0x0;
	s21 =	simm.s32 $0x30F0;
	s9 =	simm.s32 $0x3A0;
	v12 =	vor.u32 v3, v13;
	v11 =	vld [tilespmem:s7+$0x0];
	v21 =	vor.u32 v4, v10;
	v10 =	vor.u32 v4, v14  }
.LBB2_33:
0x1f7: {  	s10 =	sadd.s32 $0xFFFFFE60, s9;
	s22 =	sadd.s32 $0xFFFFFFE0, s9;
	v13 =	vmov s9;
	s8 =	sadd.s32 $0x8, s8;
	v14 =	vor.u32 v4, v24  }
0x1f8: {  	s23 =	sadd.s32 $0xFFFFFF00, s9;
	v24 =	vmov s10;
	s10 =	sadd.s32 $0xFFFFFEE0, s9;
	v25 =	vmov s22;
	v13 =	vshrl.u32 v13, $0x7;
	p2 =	slt.u32 s8, $0x38  }
0x1f9: {  	v27 =	vmov s23;
	s22 =	sadd.s32 $0xFFFFFF80, s9;
	v26 =	vmov s10;
	s10 =	sadd.s32 $0xFFFFFF60, s9;
	v25 =	vshrl.u32 v25, $0x7  }
0x1fa: {  	v29 =	vmov s22;
	v28 =	vmov s10;
	v25 =	vshll.u32 v25, v1;
	[tilespmem:v22+s1+$0x0] =	vst.idx.msk $0xffff, v19  }
0x1fb: {  	v19 =	vshrl.u32 v24, $0x7;
	v22 =	vshrl.u32 v26, $0x7;
	v24 =	vadd.s32 $0x80, v25;
	[tilespmem:v20+s1+$0x0] =	vst.idx.msk $0xffff, v23  }
0x1fc: {  	v20 =	vshrl.u32 v27, $0x7;
	v23 =	vshrl.u32 v28, $0x7;
	v24 =	vbroadcast v24, $0x0;
	[tilespmem:v15+s1+$0x0] =	vst.idx.msk $0xffff, v18  }
0x1fd: {  	s7 =	sadd.s32 $0x100, s7;
	v22 =	vshll.u32 v22, v1;
	v15 =	vshll.u32 v19, v1;
	v18 =	vshrl.u32 v29, $0x7;
	[tilespmem:v21+s1+$0x0] =	vst.idx.msk $0xffff, v17  }
0x1fe: {  	v17 =	vshll.u32 v20, v1;
	v20 =	vshll.u32 v23, v1;
	v21 =	vld [tilespmem:s7+$0xFFFFFFF0];
	v23 =	vor.u32 v3, v24  }
0x1ff: {  	v13 =	vshll.u32 v13, v1;
	v15 =	vadd.s32 $0x80, v15;
	v24 =	vshll.u32 v18, v1;
	v19 =	vld [tilespmem:s7+$0xFFFFFFA0];
	[tilespmem:v12+s1+$0x0] =	vst.idx.msk $0xffff, v16  }
0x200: {  	v12 =	vadd.s32 $0x80, v22;
	v16 =	vadd.s32 $0x80, v17;
	v22 =	vadd.s32 $0x80, v20;
	v18 =	vld [tilespmem:s7+$0xFFFFFFB0];
	[tilespmem:v10+s1+$0x0] =	vst.idx.msk $0xffff, v9  }
.Ltmp18:
0x201: {  	v13 =	vadd.s32 $0x80, v13;
	v10 =	vbroadcast v15, $0x0;
	v15 =	vadd.s32 $0x80, v24;
	v17 =	vld [tilespmem:s7+$0xFFFFFFC0];
	[tilespmem:v14+s1+$0x0] =	vst.idx.msk $0xffff, v11;
	(pc) =	sbr.rel @p2 .LBB2_33-.Ltmp18, $4  }
0x202: {  	v11 =	vbroadcast v12, $0x0;
	v12 =	vbroadcast v16, $0x0;
	v16 =	vld [tilespmem:s7+$0xFFFFFFD0]  }
0x203: {  	s22 =	simm.s32 $0x1A0;
	v14 =	vbroadcast v22, $0x0;
	v25 =	vbroadcast v15, $0x0;
	v20 =	vor.u32 v3, v10;
	v9 =	vld [tilespmem:s7+$0xFFFFFFE0];
	[tilespmem:v23+s1+$0x0] =	vst.idx.msk $0xffff, v21  }
0x204: {  	v24 =	vbroadcast v13, $0x0;
	v22 =	vor.u32 v4, v10;
	v15 =	vor.u32 v3, v11;
	v11 =	vld [tilespmem:s7+$0x0]  }
0x205: {  	s9 =	sadd.s32 $0x200, s9;
	v21 =	vor.u32 v4, v12;
	v12 =	vor.u32 v3, v14;
	v10 =	vor.u32 v4, v25;
	v23 =	vld [tilespmem:s7+$0xFFFFFF90]  }
0x206: {  	_ =	sdelay $0x3  }
0x207: {  	[tilespmem:v22+s1+$0x0] =	vst.idx.msk $0xffff, v19  }
0x208: {  	[tilespmem:v15+s1+$0x0] =	vst.idx.msk $0xffff, v18  }
0x209: {  	v13 =	vor.u32 v4, v24;
	s7 =	simm.s32 $0x0;
	v14 =	vmov s22;
	s23 =	simm.s32 $0x80;
	[tilespmem:v21+s1+$0x0] =	vst.idx.msk $0xffff, v17  }
0x20a: {  	s9 =	simm.s32 $0xA0;
	s25 =	simm.s32 $0x120;
	v19 =	vmov s7;
	v14 =	vshrl.u32 v14, $0x7;
	v15 =	vmov s23;
	[tilespmem:v12+s1+$0x0] =	vst.idx.msk $0xffff, v16  }
0x20b: {  	s8 =	simm.s32 $0x180;
	v18 =	vmov s9;
	v21 =	vmov s25;
	v16 =	vshrl.u32 v19, $0x7;
	[tilespmem:v10+s1+$0x0] =	vst.idx.msk $0xffff, v9  }
0x20c: {  	v15 =	vshrl.u32 v15, $0x7;
	v10 =	vshrl.u32 v18, $0x7;
	[tilespmem:v20+s1+$0x0] =	vst.idx.msk $0xffff, v23;
	v20 =	vmov s8  }
0x20d: {  	s24 =	simm.s32 $0x100;
	v14 =	vshll.u32 v14, v1;
	v10 =	vshll.u32 v10, v1;
	v17 =	vshrl.u32 v20, $0x7  }
0x20e: {  	v10 =	vadd.s32 $0x80, v10;
	v20 =	vmov s24;
	v12 =	vshll.u32 v17, v1  }
0x20f: {  	[tilespmem:v13+s1+$0x0] =	vst.idx.msk $0xffff, v11;
	v11 =	vshll.u32 v16, v1;
	v13 =	vshll.u32 v15, v1;
	v9 =	vadd.s32 $0x80, v12  }
0x210: {  	v15 =	vshrl.u32 v21, $0x7;
	v10 =	vbroadcast v10, $0x0;
	v21 =	vld [tilespmem:s21+$0xFFFFFFF0];
	v9 =	vbroadcast v9, $0x0  }
0x211: {  	v11 =	vadd.s32 $0x80, v11;
	v17 =	vld [tilespmem:s21+$0xFFFFFFA0];
	v15 =	vshll.u32 v15, v1;
	v13 =	vadd.s32 $0x80, v13  }
0x212: {  	v16 =	vld [tilespmem:s21+$0xFFFFFFB0];
	v12 =	vshrl.u32 v20, $0x7;
	v11 =	vbroadcast v11, $0x0;
	v22 =	vor.u32 v5, v9  }
0x213: {  	v18 =	vld [tilespmem:s21+$0xFFFFFFD0];
	v24 =	vadd.s32 $0x80, v15;
	v15 =	vbroadcast v13, $0x0;
	v12 =	vshll.u32 v12, v1  }
0x214: {  	v28 =	vld [tilespmem:s21+$0xFFFFFF90];
	v26 =	vor.u32 v6, v10;
	v19 =	vadd.s32 $0x80, v12;
	v12 =	vadd.s32 $0x80, v14  }
0x215: {  	v20 =	vld [tilespmem:s21+$0xFFFFFFC0];
	v23 =	vor.u32 v5, v11;
	v14 =	vbroadcast v24, $0x0;
	v13 =	vbroadcast v19, $0x0  }
0x216: {  	v27 =	vor.u32 v6, v11;
	v25 =	vor.u32 v5, v15;
	v19 =	vld [tilespmem:s21+$0xFFFFFFE0];
	v29 =	vbroadcast v12, $0x0  }
0x217: {  	s7 =	simm.s32 $0x38F0;
	s9 =	simm.s32 $0x3A0;
	s8 =	simm.s32 $0x0;
	v24 =	vor.u32 v5, v13;
	[tilespmem:v22+s1+$0x0] =	vst.idx.msk $0xffff, v21;
	v21 =	vld [tilespmem:s21+$0x0];
	v22 =	vor.u32 v6, v14  }
.LBB2_35:
0x218: {  	s10 =	sadd.s32 $0xFFFFFE60, s9;
	s22 =	sadd.s32 $0xFFFFFFE0, s9;
	v30 =	vmov s9;
	s8 =	sadd.s32 $0x8, s8;
	v29 =	vor.u32 v6, v29  }
0x219: {  	s23 =	sadd.s32 $0xFFFFFF00, s9;
	v31 =	vmov s10;
	s10 =	sadd.s32 $0xFFFFFEE0, s9;
	v32 =	vmov s22;
	v30 =	vshrl.u32 v30, $0x7;
	p2 =	slt.u32 s8, $0x38  }
0x21a: {  	v34 =	vmov s23;
	s22 =	sadd.s32 $0xFFFFFF80, s9;
	v33 =	vmov s10;
	s10 =	sadd.s32 $0xFFFFFF60, s9;
	v32 =	vshrl.u32 v32, $0x7  }
0x21b: {  	v36 =	vmov s22;
	v35 =	vmov s10;
	v32 =	vshll.u32 v32, v1;
	[tilespmem:v27+s1+$0x0] =	vst.idx.msk $0xffff, v17  }
0x21c: {  	v17 =	vshrl.u32 v31, $0x7;
	v27 =	vshrl.u32 v33, $0x7;
	v31 =	vadd.s32 $0x80, v32;
	[tilespmem:v23+s1+$0x0] =	vst.idx.msk $0xffff, v28  }
0x21d: {  	v23 =	vshrl.u32 v34, $0x7;
	v28 =	vshrl.u32 v35, $0x7;
	v31 =	vbroadcast v31, $0x0;
	[tilespmem:v25+s1+$0x0] =	vst.idx.msk $0xffff, v16  }
0x21e: {  	s21 =	sadd.s32 $0x100, s21;
	v16 =	vshll.u32 v17, v1;
	v25 =	vshll.u32 v27, v1;
	v27 =	vshrl.u32 v36, $0x7;
	[tilespmem:v26+s1+$0x0] =	vst.idx.msk $0xffff, v20  }
0x21f: {  	v20 =	vshll.u32 v23, v1;
	v23 =	vshll.u32 v28, v1;
	v26 =	vld [tilespmem:s21+$0xFFFFFFF0];
	v28 =	vor.u32 v5, v31  }
0x220: {  	v30 =	vshll.u32 v30, v1;
	v27 =	vshll.u32 v27, v1;
	v31 =	vadd.s32 $0x80, v16;
	v17 =	vld [tilespmem:s21+$0xFFFFFFA0];
	[tilespmem:v24+s1+$0x0] =	vst.idx.msk $0xffff, v18  }
0x221: {  	v18 =	vadd.s32 $0x80, v25;
	v24 =	vadd.s32 $0x80, v20;
	v25 =	vadd.s32 $0x80, v23;
	v16 =	vld [tilespmem:s21+$0xFFFFFFB0];
	[tilespmem:v22+s1+$0x0] =	vst.idx.msk $0xffff, v19  }
.Ltmp19:
0x222: {  	v30 =	vadd.s32 $0x80, v30;
	v27 =	vadd.s32 $0x80, v27;
	v22 =	vbroadcast v31, $0x0;
	v20 =	vld [tilespmem:s21+$0xFFFFFFC0];
	[tilespmem:v29+s1+$0x0] =	vst.idx.msk $0xffff, v21;
	(pc) =	sbr.rel @p2 .LBB2_35-.Ltmp19, $4  }
0x223: {  	v24 =	vbroadcast v24, $0x0;
	v21 =	vbroadcast v18, $0x0;
	v18 =	vld [tilespmem:s21+$0xFFFFFFD0]  }
0x224: {  	v32 =	vbroadcast v27, $0x0;
	v31 =	vbroadcast v25, $0x0;
	v23 =	vor.u32 v5, v22;
	v19 =	vld [tilespmem:s21+$0xFFFFFFE0];
	[tilespmem:v28+s1+$0x0] =	vst.idx.msk $0xffff, v26  }
0x225: {  	v29 =	vbroadcast v30, $0x0;
	v27 =	vor.u32 v6, v22;
	v25 =	vor.u32 v5, v21;
	v21 =	vld [tilespmem:s21+$0x0]  }
0x226: {  	s9 =	sadd.s32 $0x200, s9;
	v22 =	vor.u32 v6, v32;
	v26 =	vor.u32 v6, v24;
	v24 =	vor.u32 v5, v31;
	v28 =	vld [tilespmem:s21+$0xFFFFFF90]  }
0x227: {  	_ =	sdelay $0x3  }
0x228: {  	[tilespmem:v27+s1+$0x0] =	vst.idx.msk $0xffff, v17  }
0x229: {  	v17 =	vor.u32 v6, v29;
	[tilespmem:v25+s1+$0x0] =	vst.idx.msk $0xffff, v16  }
0x22a: {  	[tilespmem:v26+s1+$0x0] =	vst.idx.msk $0xffff, v20  }
0x22b: {  	[tilespmem:v24+s1+$0x0] =	vst.idx.msk $0xffff, v18  }
0x22c: {  	[tilespmem:v22+s1+$0x0] =	vst.idx.msk $0xffff, v19  }
0x22d: {  	[tilespmem:v23+s1+$0x0] =	vst.idx.msk $0xffff, v28  }
0x22e: {  	[tilespmem:v17+s1+$0x0] =	vst.idx.msk $0xffff, v21  }
0x22f: {  	v21 =	vld [tilespmem:s7+$0xFFFFFFF0]  }
0x230: {  	v22 =	vor.u32 v7, v9;
	v19 =	vld [tilespmem:s7+$0xFFFFFFA0]  }
0x231: {  	v17 =	vld [tilespmem:s7+$0xFFFFFFB0]  }
0x232: {  	v18 =	vld [tilespmem:s7+$0xFFFFFFC0]  }
0x233: {  	v16 =	vld [tilespmem:s7+$0xFFFFFFD0]  }
0x234: {  	v20 =	vor.u32 v7, v11;
	v9 =	vld [tilespmem:s7+$0xFFFFFFE0]  }
0x235: {  	v15 =	vor.u32 v7, v15;
	v24 =	vbroadcast v12, $0x0;
	v23 =	vld [tilespmem:s7+$0xFFFFFF90];
	[tilespmem:v22+s1+$0x0] =	vst.idx.msk $0xffff, v21;
	v22 =	vor.u32 v8, v11  }
0x236: {  	s8 =	simm.s32 $0x0;
	s9 =	simm.s32 $0x3A0;
	v12 =	vor.u32 v7, v13;
	v11 =	vld [tilespmem:s7+$0x0];
	v21 =	vor.u32 v8, v10;
	v10 =	vor.u32 v8, v14  }
.LBB2_37:
0x237: {  	s10 =	sadd.s32 $0xFFFFFE60, s9;
	s21 =	sadd.s32 $0xFFFFFFE0, s9;
	v13 =	vmov s9;
	s8 =	sadd.s32 $0x8, s8;
	v14 =	vor.u32 v8, v24  }
0x238: {  	s22 =	sadd.s32 $0xFFFFFF00, s9;
	v24 =	vmov s10;
	s10 =	sadd.s32 $0xFFFFFEE0, s9;
	v25 =	vmov s21;
	v13 =	vshrl.u32 v13, $0x7;
	p2 =	slt.u32 s8, $0x38  }
0x239: {  	v27 =	vmov s22;
	s21 =	sadd.s32 $0xFFFFFF80, s9;
	v26 =	vmov s10;
	s10 =	sadd.s32 $0xFFFFFF60, s9;
	v25 =	vshrl.u32 v25, $0x7  }
0x23a: {  	v29 =	vmov s21;
	v28 =	vmov s10;
	v25 =	vshll.u32 v25, v1;
	[tilespmem:v22+s1+$0x0] =	vst.idx.msk $0xffff, v19  }
0x23b: {  	v19 =	vshrl.u32 v24, $0x7;
	v22 =	vshrl.u32 v26, $0x7;
	v24 =	vadd.s32 $0x80, v25;
	[tilespmem:v20+s1+$0x0] =	vst.idx.msk $0xffff, v23  }
0x23c: {  	v20 =	vshrl.u32 v27, $0x7;
	v23 =	vshrl.u32 v28, $0x7;
	v24 =	vbroadcast v24, $0x0;
	[tilespmem:v15+s1+$0x0] =	vst.idx.msk $0xffff, v17  }
0x23d: {  	s7 =	sadd.s32 $0x100, s7;
	v22 =	vshll.u32 v22, v1;
	v15 =	vshll.u32 v19, v1;
	v17 =	vshrl.u32 v29, $0x7;
	[tilespmem:v21+s1+$0x0] =	vst.idx.msk $0xffff, v18  }
0x23e: {  	v18 =	vshll.u32 v20, v1;
	v20 =	vshll.u32 v23, v1;
	v21 =	vld [tilespmem:s7+$0xFFFFFFF0];
	v23 =	vor.u32 v7, v24  }
0x23f: {  	v13 =	vshll.u32 v13, v1;
	v15 =	vadd.s32 $0x80, v15;
	v24 =	vshll.u32 v17, v1;
	v19 =	vld [tilespmem:s7+$0xFFFFFFA0];
	[tilespmem:v12+s1+$0x0] =	vst.idx.msk $0xffff, v16  }
0x240: {  	v12 =	vadd.s32 $0x80, v22;
	v16 =	vadd.s32 $0x80, v18;
	v22 =	vadd.s32 $0x80, v20;
	v17 =	vld [tilespmem:s7+$0xFFFFFFB0];
	[tilespmem:v10+s1+$0x0] =	vst.idx.msk $0xffff, v9  }
.Ltmp20:
0x241: {  	v13 =	vadd.s32 $0x80, v13;
	v10 =	vbroadcast v15, $0x0;
	v15 =	vadd.s32 $0x80, v24;
	v18 =	vld [tilespmem:s7+$0xFFFFFFC0];
	[tilespmem:v14+s1+$0x0] =	vst.idx.msk $0xffff, v11;
	(pc) =	sbr.rel @p2 .LBB2_37-.Ltmp20, $4  }
0x242: {  	v11 =	vbroadcast v12, $0x0;
	v12 =	vbroadcast v16, $0x0;
	v16 =	vld [tilespmem:s7+$0xFFFFFFD0]  }
0x243: {  	v14 =	vbroadcast v22, $0x0;
	v25 =	vbroadcast v15, $0x0;
	v20 =	vor.u32 v7, v10;
	v9 =	vld [tilespmem:s7+$0xFFFFFFE0];
	[tilespmem:v23+s1+$0x0] =	vst.idx.msk $0xffff, v21  }
0x244: {  	v24 =	vbroadcast v13, $0x0;
	v22 =	vor.u32 v8, v10;
	v15 =	vor.u32 v7, v11;
	v11 =	vld [tilespmem:s7+$0x0]  }
0x245: {  	s9 =	sadd.s32 $0x200, s9;
	v21 =	vor.u32 v8, v12;
	v12 =	vor.u32 v7, v14;
	v10 =	vor.u32 v8, v25;
	v23 =	vld [tilespmem:s7+$0xFFFFFF90]  }
0x246: {  	_ =	sdelay $0x3  }
0x247: {  	[tilespmem:v22+s1+$0x0] =	vst.idx.msk $0xffff, v19  }
0x248: {  	v13 =	vor.u32 v8, v24;
	[tilespmem:v15+s1+$0x0] =	vst.idx.msk $0xffff, v17  }
0x249: {  	[tilespmem:v21+s1+$0x0] =	vst.idx.msk $0xffff, v18  }
.Ltmp21:
0x24a: {  	[tilespmem:v12+s1+$0x0] =	vst.idx.msk $0xffff, v16;
	(pc) =	sbr.rel @p1 .LBB2_40-.Ltmp21, $4  }
0x24b: {  	[tilespmem:v10+s1+$0x0] =	vst.idx.msk $0xffff, v9  }
0x24c: {  	s7 =	sadd.s32 s20, s13;
	[tilespmem:v20+s1+$0x0] =	vst.idx.msk $0xffff, v23  }
0x24d: {  	s7 =	sadd.s32 s19, s7;
	[tilespmem:v13+s1+$0x0] =	vst.idx.msk $0xffff, v11  }
0x24e: {  	[hbm4b:s7+s30] =	stream.strided.scatter [tilespmem:s1], [sflag:$0x6], $0x2000, s31, s30, $0x38;
	[tilespmem:$0x10000] =	vst v63  }
.Ltmp22:
0x24f: {  	(pc) =	sbr.rel .LBB2_41-.Ltmp22, $4  }
0x250: {  	_ = 	snop  }
0x251: {  	_ =	swait.ge [sflag:s0], $0x2000  }
0x252: {  	[sflag:s0] =	ssyncset.done $0x0  }
0x253: {  	[sflag:s0] =	ssyncadd.s32 $0xFFFFE000  }
.LBB2_40:
0x254: {  	s7 =	rddreg [dreg:$0x8]  }
0x255: {  	s7 =	sadd.s32 s7, s18  }
0x256: {  	s7 =	sshll.u32 s7, $0xA  }
0x257: {  	s8 =	simm.s32 $0x2000;
	s7 =	sadd.s32 s7, s12  }
0x258: {  	[tilespmem:s8], [sflag:$0x2] =	stream.strided.gather [hbm4b:s7+s30], $0x800, s31, s30, $0x38;
	[tilespmem:$0x10000] =	vst v63  }
0x259: {  	s9 =	simm.s32 $0x2800;
	s22 =	sadd.s32 $0x1000, s7  }
0x25a: {  	[tilespmem:s9], [sflag:$0x2] =	stream.strided.gather [hbm4b:s22+s30], $0x800, s31, s30, $0x38;
	[tilespmem:$0x10000] =	vst v63  }
0x25b: {  	s24 =	simm.s32 $0x3000;
	s23 =	sadd.s32 $0x2000, s7  }
0x25c: {  	[tilespmem:s24], [sflag:$0x2] =	stream.strided.gather [hbm4b:s23+s30], $0x800, s31, s30, $0x38;
	[tilespmem:$0x10000] =	vst v63  }
.Ltmp23:
0x25d: {  	s25 =	simm.s32 $0x3800;
	s7 =	sadd.s32 $0x3000, s7;
	(pc) =	sbr.rel @p0 .LBB2_42-.Ltmp23, $4  }
0x25e: {  	[tilespmem:s25], [sflag:$0x2] =	stream.strided.gather [hbm4b:s7+s30], $0x800, s31, s30, $0x38;
	[tilespmem:$0x10000] =	vst v63  }
0x25f: {  	_ =	swait.ge [sflag:s0], $0x2000  }
0x260: {  	[sflag:s0] =	ssyncset.done $0x0  }
0x261: {  	[sflag:s0] =	ssyncadd.s32 $0xFFFFE000  }
.LBB2_41:
0x262: {  	_ =	swait.ge [sflag:s2], $0x2000  }
0x263: {  	[sflag:s2] =	ssyncset.done $0x0  }
0x264: {  	[sflag:s2] =	ssyncadd.s32 $0xFFFFE000  }
.LBB2_42:
0x265: {  	s7 =	simm.s32 $0x1A0  }
0x266: {  	s8 =	simm.s32 $0x0;
	s9 =	simm.s32 $0x80;
	s22 =	simm.s32 $0x100;
	v9 =	vmov s7  }
0x267: {  	s23 =	simm.s32 $0x120;
	s24 =	simm.s32 $0xA0;
	s25 =	simm.s32 $0x180;
	v10 =	vmov s8;
	v11 =	vmov s9;
	v12 =	vmov s22  }
0x268: {  	v13 =	vmov s23;
	v14 =	vmov s24;
	v15 =	vmov s25  }
0x269: {  	v10 =	vshrl.u32 v10, $0x7;
	v11 =	vshrl.u32 v11, $0x7;
	v12 =	vshrl.u32 v12, $0x7  }
0x26a: {  	v9 =	vshrl.u32 v9, $0x7;
	v20 =	vshrl.u32 v13, $0x7;
	v11 =	vshll.u32 v11, v1  }
0x26b: {  	s21 =	simm.s32 $0x4040;
	v14 =	vshrl.u32 v14, $0x7;
	v10 =	vshll.u32 v10, v1;
	v11 =	vbroadcast v11, $0x0  }
0x26c: {  	v19 =	vld [tilespmem:s21+$0xFFFFFFE0];
	v15 =	vshrl.u32 v15, $0x7;
	v12 =	vshll.u32 v12, v1;
	v10 =	vbroadcast v10, $0x0  }
0x26d: {  	v17 =	vld [tilespmem:s21+$0x10];
	v15 =	vshll.u32 v15, v1;
	v13 =	vbroadcast v12, $0x0;
	v23 =	vor.u32 v0, v11  }
0x26e: {  	v21 =	vld [tilespmem:s21+$0xFFFFFFC0];
	v12 =	vshll.u32 v14, v1;
	v14 =	vshll.u32 v20, v1;
	v18 =	vor.u32 v0, v10  }
0x26f: {  	s8 =	simm.s32 $0x0;
	v28 =	vshll.u32 v9, v1;
	v20 =	vld [tilespmem:s21+$0x0];
	v27 =	vbroadcast v14, $0x0;
	v24 =	vor.u32 v0, v13  }
0x270: {  	v22 =	vld [tilespmem:s21+$0xFFFFFFD0];
	s9 =	simm.s32 $0x3A0;
	s22 =	simm.s32 $0x4140;
	s7 =	simm.s32 $0x4870;
	v26 =	vbroadcast v15, $0x0;
	v25 =	vbroadcast v12, $0x0;
	v16 =	vor.u32 v2, v10  }
.LBB2_43:
0x271: {  	s10 =	sadd.s32 $0xFFFFFE60, s9;
	s23 =	sadd.s32 $0xFFFFFEE0, s9;
	s24 =	sadd.s32 $0xFFFFFF00, s9;
	v29 =	vmov s9;
	v27 =	vor.u32 v2, v27;
	v28 =	vbroadcast v28, $0x0  }
0x272: {  	s25 =	sadd.s32 $0xFFFFFFE0, s9;
	v30 =	vmov s10;
	v31 =	vmov s23;
	s10 =	sadd.s32 $0xFFFFFF60, s9;
	s23 =	sadd.s32 $0xFFFFFF80, s9;
	[tilespmem:v23+s4+$0x0] =	vst.idx.msk $0xffff, v19;
	v19 =	vld [tilespmem:s21+$0x20];
	v23 =	vor.u32 v0, v26  }
0x273: {  	s8 =	sadd.s32 $0x8, s8;
	v25 =	vor.u32 v2, v25;
	v26 =	vmov s10;
	v32 =	vmov s23;
	[tilespmem:v18+s4+$0x0] =	vst.idx.msk $0xffff, v21;
	v21 =	vld [tilespmem:s21+$0xFFFFFFF0]  }
0x274: {  	p2 =	slt.u32 s8, $0x38;
	v18 =	vshrl.u32 v30, $0x7;
	v30 =	vshrl.u32 v31, $0x7;
	v31 =	vmov s24;
	[tilespmem:v24+s4+$0x0] =	vst.idx.msk $0xffff, v20  }
0x275: {  	v29 =	vshrl.u32 v29, $0x7;
	v18 =	vshll.u32 v18, v1;
	v20 =	vshrl.u32 v26, $0x7;
	[tilespmem:v16+s4+$0x0] =	vst.idx.msk $0xffff, v22  }
0x276: {  	v16 =	vbroadcast v18, $0x0;
	v18 =	vshll.u32 v30, v1;
	v22 =	vmov s25;
	[tilespmem:v27+s4+$0x0] =	vst.idx.msk $0xffff, v17;
	v30 =	vld [tilespmem:s21+$0x30];
	s21 =	smov.u32 s22  }
0x277: {  	v33 =	vor.u32 v2, v28;
	v20 =	vshll.u32 v20, v1;
	v17 =	vbroadcast v18, $0x0;
	[tilespmem:v23+s4+$0x0] =	vst.idx.msk $0xffff, v19  }
.Ltmp24:
0x278: {  	v24 =	vshrl.u32 v32, $0x7;
	v18 =	vor.u32 v0, v16;
	v16 =	vor.u32 v2, v16;
	v19 =	vld [tilespmem:s22+$0xFFFFFFE0];
	[tilespmem:v25+s4+$0x0] =	vst.idx.msk $0xffff, v21;
	(pc) =	sbr.rel @p2 .LBB2_43-.Ltmp24, $4  }
0x279: {  	v26 =	vbroadcast v20, $0x0;
	v23 =	vor.u32 v0, v17;
	v25 =	vshrl.u32 v31, $0x7;
	v17 =	vld [tilespmem:s22+$0x10]  }
0x27a: {  	v27 =	vshll.u32 v24, v1;
	v22 =	vshrl.u32 v22, $0x7;
	v25 =	vshll.u32 v25, v1;
	v21 =	vld [tilespmem:s22+$0xFFFFFFC0]  }
0x27b: {  	v27 =	vbroadcast v27, $0x0;
	v24 =	vor.u32 v0, v26;
	v26 =	vshll.u32 v22, v1;
	v20 =	vld [tilespmem:s22+$0x0]  }
0x27c: {  	s9 =	sadd.s32 $0x200, s9;
	v28 =	vshll.u32 v29, v1;
	v26 =	vbroadcast v26, $0x0;
	v25 =	vbroadcast v25, $0x0;
	s22 =	sadd.s32 $0x100, s22;
	v22 =	vld [tilespmem:s21+$0xFFFFFFD0];
	[tilespmem:v33+s4+$0x0] =	vst.idx.msk $0xffff, v30  }
0x27d: {  	_ =	sdelay $0x2  }
0x27e: {  	v27 =	vor.u32 v2, v27  }
0x27f: {  	v28 =	vbroadcast v28, $0x0;
	[tilespmem:v23+s4+$0x0] =	vst.idx.msk $0xffff, v19;
	v19 =	vld [tilespmem:s21+$0x20];
	v23 =	vor.u32 v0, v26  }
0x280: {  	[tilespmem:v18+s4+$0x0] =	vst.idx.msk $0xffff, v21;
	v18 =	vld [tilespmem:s21+$0xFFFFFFF0];
	v21 =	vor.u32 v2, v25  }
0x281: {  	v63 =	vor.u32 v2, v28;
	[tilespmem:v24+s4+$0x0] =	vst.idx.msk $0xffff, v20;
	v20 =	vld [tilespmem:s21+$0x30]  }
0x282: {  	[tilespmem:v16+s4+$0x0] =	vst.idx.msk $0xffff, v22  }
0x283: {  	[tilespmem:v27+s4+$0x0] =	vst.idx.msk $0xffff, v17  }
0x284: {  	[tilespmem:v23+s4+$0x0] =	vst.idx.msk $0xffff, v19  }
0x285: {  	[tilespmem:v21+s4+$0x0] =	vst.idx.msk $0xffff, v18  }
0x286: {  	[tilespmem:v63+s4+$0x0] =	vst.idx.msk $0xffff, v20  }
0x287: {  	v18 =	vld [tilespmem:s7+$0xFFFFFFB0]  }
0x288: {  	v21 =	vor.u32 v3, v11;
	v16 =	vld [tilespmem:s7+$0xFFFFFFE0]  }
0x289: {  	v17 =	vor.u32 v3, v10;
	v20 =	vld [tilespmem:s7+$0xFFFFFF90]  }
0x28a: {  	s8 =	simm.s32 $0x0;
	v13 =	vor.u32 v3, v13;
	v12 =	vbroadcast v12, $0x0;
	v22 =	vbroadcast v14, $0x0;
	v19 =	vld [tilespmem:s7+$0xFFFFFFD0]  }
0x28b: {  	v9 =	vshll.u32 v9, v1;
	s9 =	simm.s32 $0x3A0;
	s22 =	simm.s32 $0x4970;
	s21 =	simm.s32 $0x5070;
	v14 =	vbroadcast v15, $0x0;
	v10 =	vor.u32 v4, v10;
	v11 =	vld [tilespmem:s7+$0xFFFFFFA0]  }
.LBB2_45:
0x28c: {  	s10 =	sadd.s32 $0xFFFFFE60, s9;
	s23 =	sadd.s32 $0xFFFFFEE0, s9;
	s24 =	sadd.s32 $0xFFFFFF00, s9;
	v15 =	vmov s9;
	v22 =	vor.u32 v4, v22;
	v9 =	vbroadcast v9, $0x0  }
0x28d: {  	s25 =	sadd.s32 $0xFFFFFFE0, s9;
	v23 =	vmov s10;
	v24 =	vmov s23;
	s10 =	sadd.s32 $0xFFFFFF60, s9;
	s23 =	sadd.s32 $0xFFFFFF80, s9;
	[tilespmem:v21+s4+$0x0] =	vst.idx.msk $0xffff, v18;
	v18 =	vld [tilespmem:s7+$0xFFFFFFF0];
	v14 =	vor.u32 v3, v14  }
0x28e: {  	s8 =	sadd.s32 $0x8, s8;
	v12 =	vor.u32 v4, v12;
	v21 =	vmov s10;
	v25 =	vmov s23;
	[tilespmem:v17+s4+$0x0] =	vst.idx.msk $0xffff, v20;
	v20 =	vld [tilespmem:s7+$0xFFFFFFC0]  }
0x28f: {  	p2 =	slt.u32 s8, $0x38;
	v17 =	vshrl.u32 v23, $0x7;
	v23 =	vshrl.u32 v24, $0x7;
	v24 =	vmov s24;
	[tilespmem:v13+s4+$0x0] =	vst.idx.msk $0xffff, v19  }
0x290: {  	v15 =	vshrl.u32 v15, $0x7;
	v13 =	vshll.u32 v17, v1;
	v17 =	vshrl.u32 v21, $0x7;
	[tilespmem:v10+s4+$0x0] =	vst.idx.msk $0xffff, v11  }
0x291: {  	v10 =	vbroadcast v13, $0x0;
	v11 =	vshll.u32 v23, v1;
	v13 =	vmov s25;
	[tilespmem:v22+s4+$0x0] =	vst.idx.msk $0xffff, v16;
	v23 =	vld [tilespmem:s7+$0x0];
	s7 =	smov.u32 s22  }
0x292: {  	v26 =	vor.u32 v4, v9;
	v11 =	vbroadcast v11, $0x0;
	v16 =	vshll.u32 v17, v1;
	[tilespmem:v14+s4+$0x0] =	vst.idx.msk $0xffff, v18  }
.Ltmp25:
0x293: {  	v9 =	vshrl.u32 v25, $0x7;
	v17 =	vor.u32 v3, v10;
	v10 =	vor.u32 v4, v10;
	v18 =	vld [tilespmem:s22+$0xFFFFFFB0];
	[tilespmem:v12+s4+$0x0] =	vst.idx.msk $0xffff, v20;
	(pc) =	sbr.rel @p2 .LBB2_45-.Ltmp25, $4  }
0x294: {  	v21 =	vor.u32 v3, v11;
	v11 =	vshrl.u32 v24, $0x7;
	v12 =	vbroadcast v16, $0x0;
	v16 =	vld [tilespmem:s22+$0xFFFFFFE0]  }
0x295: {  	v9 =	vshll.u32 v9, v1;
	v14 =	vshll.u32 v11, v1;
	v11 =	vshrl.u32 v13, $0x7;
	v20 =	vld [tilespmem:s22+$0xFFFFFF90]  }
0x296: {  	s23 =	simm.s32 $0x1A0;
	v22 =	vbroadcast v9, $0x0;
	v13 =	vor.u32 v3, v12;
	v9 =	vshll.u32 v11, v1;
	v19 =	vld [tilespmem:s22+$0xFFFFFFD0]  }
0x297: {  	s9 =	sadd.s32 $0x200, s9;
	v12 =	vbroadcast v14, $0x0;
	v14 =	vbroadcast v9, $0x0;
	v9 =	vshll.u32 v15, v1;
	s22 =	sadd.s32 $0x100, s22;
	v11 =	vld [tilespmem:s7+$0xFFFFFFA0];
	[tilespmem:v26+s4+$0x0] =	vst.idx.msk $0xffff, v23  }
0x298: {  	_ =	sdelay $0x2  }
0x299: {  	v15 =	vor.u32 v4, v22  }
0x29a: {  	v9 =	vbroadcast v9, $0x0;
	[tilespmem:v21+s4+$0x0] =	vst.idx.msk $0xffff, v18;
	v18 =	vld [tilespmem:s7+$0xFFFFFFF0];
	v14 =	vor.u32 v3, v14  }
0x29b: {  	s9 =	simm.s32 $0x100;
	v12 =	vor.u32 v4, v12;
	[tilespmem:v17+s4+$0x0] =	vst.idx.msk $0xffff, v20;
	v17 =	vld [tilespmem:s7+$0xFFFFFFC0]  }
0x29c: {  	s22 =	simm.s32 $0x0;
	s8 =	simm.s32 $0x80;
	v20 =	vmov s9;
	[tilespmem:v13+s4+$0x0] =	vst.idx.msk $0xffff, v19;
	v13 =	vld [tilespmem:s7+$0x0];
	v19 =	vor.u32 v4, v9  }
0x29d: {  	v9 =	vmov s23;
	s23 =	simm.s32 $0x120;
	[tilespmem:v10+s4+$0x0] =	vst.idx.msk $0xffff, v11;
	v10 =	vmov s22;
	v11 =	vmov s8  }
0x29e: {  	s25 =	simm.s32 $0x180;
	v9 =	vshrl.u32 v9, $0x7;
	[tilespmem:v15+s4+$0x0] =	vst.idx.msk $0xffff, v16;
	v15 =	vmov s23;
	v10 =	vshrl.u32 v10, $0x7  }
0x29f: {  	s24 =	simm.s32 $0xA0;
	v11 =	vshrl.u32 v11, $0x7;
	v16 =	vshrl.u32 v20, $0x7;
	v20 =	vmov s25;
	[tilespmem:v14+s4+$0x0] =	vst.idx.msk $0xffff, v18  }
0x2a0: {  	v28 =	vshll.u32 v9, v1;
	v14 =	vmov s24;
	v11 =	vshll.u32 v11, v1;
	[tilespmem:v12+s4+$0x0] =	vst.idx.msk $0xffff, v17  }
0x2a1: {  	v10 =	vshll.u32 v10, v1;
	v15 =	vshrl.u32 v15, $0x7;
	v11 =	vbroadcast v11, $0x0;
	[tilespmem:v19+s4+$0x0] =	vst.idx.msk $0xffff, v13  }
0x2a2: {  	v10 =	vbroadcast v10, $0x0;
	v12 =	vshll.u32 v16, v1;
	v14 =	vshrl.u32 v14, $0x7;
	v19 =	vld [tilespmem:s21+$0xFFFFFFB0]  }
0x2a3: {  	v13 =	vbroadcast v12, $0x0;
	v12 =	vshll.u32 v14, v1;
	v23 =	vor.u32 v5, v11;
	v17 =	vld [tilespmem:s21+$0xFFFFFFE0]  }
0x2a4: {  	v14 =	vshll.u32 v15, v1;
	v15 =	vshrl.u32 v20, $0x7;
	v18 =	vor.u32 v5, v10;
	v21 =	vld [tilespmem:s21+$0xFFFFFF90]  }
0x2a5: {  	s9 =	simm.s32 $0x3A0;
	v20 =	vld [tilespmem:s21+$0xFFFFFFD0];
	v27 =	vbroadcast v14, $0x0;
	v15 =	vshll.u32 v15, v1;
	v24 =	vor.u32 v5, v13  }
0x2a6: {  	s7 =	simm.s32 $0x5870;
	s8 =	simm.s32 $0x0;
	s22 =	simm.s32 $0x5170;
	v16 =	vor.u32 v6, v10;
	v22 =	vld [tilespmem:s21+$0xFFFFFFA0];
	v25 =	vbroadcast v12, $0x0;
	v26 =	vbroadcast v15, $0x0  }
.LBB2_47:
0x2a7: {  	s10 =	sadd.s32 $0xFFFFFE60, s9;
	s23 =	sadd.s32 $0xFFFFFEE0, s9;
	s24 =	sadd.s32 $0xFFFFFF00, s9;
	v29 =	vmov s9;
	v27 =	vor.u32 v6, v27;
	v28 =	vbroadcast v28, $0x0  }
0x2a8: {  	s25 =	sadd.s32 $0xFFFFFFE0, s9;
	v30 =	vmov s10;
	v31 =	vmov s23;
	s10 =	sadd.s32 $0xFFFFFF60, s9;
	s23 =	sadd.s32 $0xFFFFFF80, s9;
	[tilespmem:v23+s4+$0x0] =	vst.idx.msk $0xffff, v19;
	v19 =	vld [tilespmem:s21+$0xFFFFFFF0];
	v23 =	vor.u32 v5, v26  }
0x2a9: {  	s8 =	sadd.s32 $0x8, s8;
	v25 =	vor.u32 v6, v25;
	v26 =	vmov s10;
	v32 =	vmov s23;
	[tilespmem:v18+s4+$0x0] =	vst.idx.msk $0xffff, v21;
	v21 =	vld [tilespmem:s21+$0xFFFFFFC0]  }
0x2aa: {  	p2 =	slt.u32 s8, $0x38;
	v18 =	vshrl.u32 v30, $0x7;
	v30 =	vshrl.u32 v31, $0x7;
	v31 =	vmov s24;
	[tilespmem:v24+s4+$0x0] =	vst.idx.msk $0xffff, v20  }
0x2ab: {  	v29 =	vshrl.u32 v29, $0x7;
	v18 =	vshll.u32 v18, v1;
	v20 =	vshrl.u32 v26, $0x7;
	[tilespmem:v16+s4+$0x0] =	vst.idx.msk $0xffff, v22  }
0x2ac: {  	v16 =	vbroadcast v18, $0x0;
	v18 =	vshll.u32 v30, v1;
	v22 =	vmov s25;
	[tilespmem:v27+s4+$0x0] =	vst.idx.msk $0xffff, v17;
	v30 =	vld [tilespmem:s21+$0x0];
	s21 =	smov.u32 s22  }
0x2ad: {  	v33 =	vor.u32 v6, v28;
	v20 =	vshll.u32 v20, v1;
	v17 =	vbroadcast v18, $0x0;
	[tilespmem:v23+s4+$0x0] =	vst.idx.msk $0xffff, v19  }
.Ltmp26:
0x2ae: {  	v24 =	vshrl.u32 v32, $0x7;
	v18 =	vor.u32 v5, v16;
	v16 =	vor.u32 v6, v16;
	v19 =	vld [tilespmem:s22+$0xFFFFFFB0];
	[tilespmem:v25+s4+$0x0] =	vst.idx.msk $0xffff, v21;
	(pc) =	sbr.rel @p2 .LBB2_47-.Ltmp26, $4  }
0x2af: {  	v26 =	vbroadcast v20, $0x0;
	v23 =	vor.u32 v5, v17;
	v25 =	vshrl.u32 v31, $0x7;
	v17 =	vld [tilespmem:s22+$0xFFFFFFE0]  }
0x2b0: {  	v27 =	vshll.u32 v24, v1;
	v22 =	vshrl.u32 v22, $0x7;
	v25 =	vshll.u32 v25, v1;
	v21 =	vld [tilespmem:s22+$0xFFFFFF90]  }
0x2b1: {  	v27 =	vbroadcast v27, $0x0;
	v24 =	vor.u32 v5, v26;
	v26 =	vshll.u32 v22, v1;
	v20 =	vld [tilespmem:s22+$0xFFFFFFD0]  }
0x2b2: {  	s9 =	sadd.s32 $0x200, s9;
	v28 =	vshll.u32 v29, v1;
	v26 =	vbroadcast v26, $0x0;
	v25 =	vbroadcast v25, $0x0;
	s22 =	sadd.s32 $0x100, s22;
	v22 =	vld [tilespmem:s21+$0xFFFFFFA0];
	[tilespmem:v33+s4+$0x0] =	vst.idx.msk $0xffff, v30  }
0x2b3: {  	_ =	sdelay $0x2  }
0x2b4: {  	v27 =	vor.u32 v6, v27  }
0x2b5: {  	v28 =	vbroadcast v28, $0x0;
	[tilespmem:v23+s4+$0x0] =	vst.idx.msk $0xffff, v19;
	v19 =	vld [tilespmem:s21+$0xFFFFFFF0];
	v23 =	vor.u32 v5, v26  }
0x2b6: {  	[tilespmem:v18+s4+$0x0] =	vst.idx.msk $0xffff, v21;
	v18 =	vld [tilespmem:s21+$0xFFFFFFC0];
	v21 =	vor.u32 v6, v25  }
0x2b7: {  	v63 =	vor.u32 v6, v28;
	[tilespmem:v24+s4+$0x0] =	vst.idx.msk $0xffff, v20;
	v20 =	vld [tilespmem:s21+$0x0]  }
0x2b8: {  	[tilespmem:v16+s4+$0x0] =	vst.idx.msk $0xffff, v22  }
0x2b9: {  	[tilespmem:v27+s4+$0x0] =	vst.idx.msk $0xffff, v17  }
0x2ba: {  	[tilespmem:v23+s4+$0x0] =	vst.idx.msk $0xffff, v19  }
0x2bb: {  	[tilespmem:v21+s4+$0x0] =	vst.idx.msk $0xffff, v18  }
0x2bc: {  	[tilespmem:v63+s4+$0x0] =	vst.idx.msk $0xffff, v20  }
0x2bd: {  	v18 =	vld [tilespmem:s7+$0xFFFFFFB0]  }
0x2be: {  	v21 =	vor.u32 v7, v11;
	v16 =	vld [tilespmem:s7+$0xFFFFFFE0]  }
0x2bf: {  	v17 =	vor.u32 v7, v10;
	v20 =	vld [tilespmem:s7+$0xFFFFFF90]  }
0x2c0: {  	s8 =	simm.s32 $0x0;
	v13 =	vor.u32 v7, v13;
	v12 =	vbroadcast v12, $0x0;
	v22 =	vbroadcast v14, $0x0;
	v19 =	vld [tilespmem:s7+$0xFFFFFFD0]  }
0x2c1: {  	v9 =	vshll.u32 v9, v1;
	s9 =	simm.s32 $0x3A0;
	s22 =	simm.s32 $0x5970;
	s21 =	simm.s32 $0x40F0;
	v14 =	vbroadcast v15, $0x0;
	v10 =	vor.u32 v8, v10;
	v11 =	vld [tilespmem:s7+$0xFFFFFFA0]  }
.LBB2_49:
0x2c2: {  	s10 =	sadd.s32 $0xFFFFFE60, s9;
	s23 =	sadd.s32 $0xFFFFFEE0, s9;
	s24 =	sadd.s32 $0xFFFFFF00, s9;
	v15 =	vmov s9;
	v22 =	vor.u32 v8, v22;
	v9 =	vbroadcast v9, $0x0  }
0x2c3: {  	s25 =	sadd.s32 $0xFFFFFFE0, s9;
	v23 =	vmov s10;
	v24 =	vmov s23;
	s10 =	sadd.s32 $0xFFFFFF60, s9;
	s23 =	sadd.s32 $0xFFFFFF80, s9;
	[tilespmem:v21+s4+$0x0] =	vst.idx.msk $0xffff, v18;
	v18 =	vld [tilespmem:s7+$0xFFFFFFF0];
	v14 =	vor.u32 v7, v14  }
0x2c4: {  	s8 =	sadd.s32 $0x8, s8;
	v12 =	vor.u32 v8, v12;
	v21 =	vmov s10;
	v25 =	vmov s23;
	[tilespmem:v17+s4+$0x0] =	vst.idx.msk $0xffff, v20;
	v20 =	vld [tilespmem:s7+$0xFFFFFFC0]  }
0x2c5: {  	p2 =	slt.u32 s8, $0x38;
	v17 =	vshrl.u32 v23, $0x7;
	v23 =	vshrl.u32 v24, $0x7;
	v24 =	vmov s24;
	[tilespmem:v13+s4+$0x0] =	vst.idx.msk $0xffff, v19  }
0x2c6: {  	v15 =	vshrl.u32 v15, $0x7;
	v13 =	vshll.u32 v17, v1;
	v17 =	vshrl.u32 v21, $0x7;
	[tilespmem:v10+s4+$0x0] =	vst.idx.msk $0xffff, v11  }
0x2c7: {  	v10 =	vbroadcast v13, $0x0;
	v11 =	vshll.u32 v23, v1;
	v13 =	vmov s25;
	[tilespmem:v22+s4+$0x0] =	vst.idx.msk $0xffff, v16;
	v23 =	vld [tilespmem:s7+$0x0];
	s7 =	smov.u32 s22  }
0x2c8: {  	v26 =	vor.u32 v8, v9;
	v11 =	vbroadcast v11, $0x0;
	v16 =	vshll.u32 v17, v1;
	[tilespmem:v14+s4+$0x0] =	vst.idx.msk $0xffff, v18  }
.Ltmp27:
0x2c9: {  	v9 =	vshrl.u32 v25, $0x7;
	v17 =	vor.u32 v7, v10;
	v10 =	vor.u32 v8, v10;
	v18 =	vld [tilespmem:s22+$0xFFFFFFB0];
	[tilespmem:v12+s4+$0x0] =	vst.idx.msk $0xffff, v20;
	(pc) =	sbr.rel @p2 .LBB2_49-.Ltmp27, $4  }
0x2ca: {  	v21 =	vor.u32 v7, v11;
	v11 =	vshrl.u32 v24, $0x7;
	v12 =	vbroadcast v16, $0x0;
	v16 =	vld [tilespmem:s22+$0xFFFFFFE0]  }
0x2cb: {  	v9 =	vshll.u32 v9, v1;
	v14 =	vshll.u32 v11, v1;
	v11 =	vshrl.u32 v13, $0x7;
	v20 =	vld [tilespmem:s22+$0xFFFFFF90]  }
0x2cc: {  	s23 =	simm.s32 $0x1A0;
	v22 =	vbroadcast v9, $0x0;
	v13 =	vor.u32 v7, v12;
	v9 =	vshll.u32 v11, v1;
	v19 =	vld [tilespmem:s22+$0xFFFFFFD0]  }
0x2cd: {  	s9 =	sadd.s32 $0x200, s9;
	v12 =	vbroadcast v14, $0x0;
	v14 =	vbroadcast v9, $0x0;
	v9 =	vshll.u32 v15, v1;
	s22 =	sadd.s32 $0x100, s22;
	v11 =	vld [tilespmem:s7+$0xFFFFFFA0];
	[tilespmem:v26+s4+$0x0] =	vst.idx.msk $0xffff, v23  }
0x2ce: {  	_ =	sdelay $0x2  }
0x2cf: {  	v15 =	vor.u32 v8, v22  }
0x2d0: {  	[tilespmem:v21+s4+$0x0] =	vst.idx.msk $0xffff, v18  }
0x2d1: {  	v9 =	vbroadcast v9, $0x0;
	v18 =	vld [tilespmem:s7+$0xFFFFFFF0];
	s9 =	simm.s32 $0x180;
	v14 =	vor.u32 v7, v14;
	[tilespmem:v17+s4+$0x0] =	vst.idx.msk $0xffff, v20  }
0x2d2: {  	s8 =	simm.s32 $0x0;
	v12 =	vor.u32 v8, v12;
	v21 =	vmov s9;
	v17 =	vld [tilespmem:s7+$0xFFFFFFC0];
	[tilespmem:v13+s4+$0x0] =	vst.idx.msk $0xffff, v19;
	v19 =	vmov s23  }
0x2d3: {  	s22 =	simm.s32 $0x80;
	v9 =	vor.u32 v8, v9;
	v20 =	vmov s8;
	v13 =	vld [tilespmem:s7+$0x0];
	s23 =	simm.s32 $0xA0;
	[tilespmem:v10+s4+$0x0] =	vst.idx.msk $0xffff, v11;
	v10 =	vshrl.u32 v19, $0x7  }
0x2d4: {  	s24 =	simm.s32 $0x100;
	s25 =	simm.s32 $0x120;
	v11 =	vmov s22;
	v19 =	vmov s23;
	[tilespmem:v15+s4+$0x0] =	vst.idx.msk $0xffff, v16;
	v15 =	vshrl.u32 v21, $0x7  }
0x2d5: {  	v16 =	vmov s24;
	v21 =	vmov s25;
	v11 =	vshrl.u32 v11, $0x7  }
0x2d6: {  	v10 =	vshll.u32 v10, v1;
	[tilespmem:v14+s4+$0x0] =	vst.idx.msk $0xffff, v18;
	v14 =	vshll.u32 v15, v1;
	v15 =	vshrl.u32 v20, $0x7  }
0x2d7: {  	v16 =	vshrl.u32 v16, $0x7;
	v11 =	vshll.u32 v11, v1;
	[tilespmem:v12+s4+$0x0] =	vst.idx.msk $0xffff, v17;
	v12 =	vadd.s32 $0x80, v14  }
0x2d8: {  	v14 =	vshrl.u32 v19, $0x7;
	v18 =	vadd.s32 $0x80, v11;
	[tilespmem:v9+s4+$0x0] =	vst.idx.msk $0xffff, v13;
	v9 =	vbroadcast v12, $0x0  }
0x2d9: {  	v12 =	vshll.u32 v15, v1;
	v13 =	vshrl.u32 v21, $0x7;
	v14 =	vshll.u32 v14, v1;
	v21 =	vld [tilespmem:s21+$0xFFFFFFF0]  }
0x2da: {  	v15 =	vshll.u32 v16, v1;
	v12 =	vadd.s32 $0x80, v12;
	v17 =	vld [tilespmem:s21+$0xFFFFFFA0];
	v13 =	vshll.u32 v13, v1  }
0x2db: {  	v16 =	vld [tilespmem:s21+$0xFFFFFFB0];
	v14 =	vadd.s32 $0x80, v14;
	v19 =	vadd.s32 $0x80, v15;
	v22 =	vor.u32 v0, v9  }
0x2dc: {  	v20 =	vld [tilespmem:s21+$0xFFFFFFC0];
	v15 =	vbroadcast v18, $0x0;
	v11 =	vbroadcast v12, $0x0;
	v24 =	vadd.s32 $0x80, v13  }
0x2dd: {  	v18 =	vld [tilespmem:s21+$0xFFFFFFD0];
	v12 =	vadd.s32 $0x80, v10;
	v10 =	vbroadcast v14, $0x0;
	v13 =	vbroadcast v19, $0x0  }
0x2de: {  	v28 =	vld [tilespmem:s21+$0xFFFFFF90];
	v14 =	vbroadcast v24, $0x0;
	v25 =	vor.u32 v0, v15;
	v29 =	vbroadcast v12, $0x0  }
0x2df: {  	v19 =	vld [tilespmem:s21+$0xFFFFFFE0];
	v23 =	vor.u32 v0, v11;
	v27 =	vor.u32 v2, v11;
	v26 =	vor.u32 v2, v10  }
0x2e0: {  	s9 =	simm.s32 $0x3A0;
	s8 =	simm.s32 $0x0;
	s7 =	simm.s32 $0x48F0;
	v24 =	vor.u32 v0, v13;
	[tilespmem:v22+s4+$0x0] =	vst.idx.msk $0xffff, v21;
	v21 =	vld [tilespmem:s21+$0x0];
	v22 =	vor.u32 v2, v14  }
.LBB2_51:
0x2e1: {  	s10 =	sadd.s32 $0xFFFFFE60, s9;
	s22 =	sadd.s32 $0xFFFFFFE0, s9;
	v30 =	vmov s9;
	s8 =	sadd.s32 $0x8, s8;
	v29 =	vor.u32 v2, v29  }
0x2e2: {  	s23 =	sadd.s32 $0xFFFFFF00, s9;
	v31 =	vmov s10;
	s10 =	sadd.s32 $0xFFFFFEE0, s9;
	v32 =	vmov s22;
	v30 =	vshrl.u32 v30, $0x7;
	p2 =	slt.u32 s8, $0x38  }
0x2e3: {  	v34 =	vmov s23;
	s22 =	sadd.s32 $0xFFFFFF80, s9;
	v33 =	vmov s10;
	s10 =	sadd.s32 $0xFFFFFF60, s9;
	v32 =	vshrl.u32 v32, $0x7  }
0x2e4: {  	v36 =	vmov s22;
	v35 =	vmov s10;
	v32 =	vshll.u32 v32, v1;
	[tilespmem:v27+s4+$0x0] =	vst.idx.msk $0xffff, v17  }
0x2e5: {  	v17 =	vshrl.u32 v31, $0x7;
	v27 =	vshrl.u32 v33, $0x7;
	v31 =	vadd.s32 $0x80, v32;
	[tilespmem:v23+s4+$0x0] =	vst.idx.msk $0xffff, v28  }
0x2e6: {  	v23 =	vshrl.u32 v34, $0x7;
	v28 =	vshrl.u32 v35, $0x7;
	v31 =	vbroadcast v31, $0x0;
	[tilespmem:v25+s4+$0x0] =	vst.idx.msk $0xffff, v16  }
0x2e7: {  	s21 =	sadd.s32 $0x100, s21;
	v16 =	vshll.u32 v17, v1;
	v25 =	vshll.u32 v27, v1;
	v27 =	vshrl.u32 v36, $0x7;
	[tilespmem:v26+s4+$0x0] =	vst.idx.msk $0xffff, v20  }
0x2e8: {  	v20 =	vshll.u32 v23, v1;
	v23 =	vshll.u32 v28, v1;
	v26 =	vld [tilespmem:s21+$0xFFFFFFF0];
	v28 =	vor.u32 v0, v31  }
0x2e9: {  	v30 =	vshll.u32 v30, v1;
	v27 =	vshll.u32 v27, v1;
	v31 =	vadd.s32 $0x80, v16;
	v17 =	vld [tilespmem:s21+$0xFFFFFFA0];
	[tilespmem:v24+s4+$0x0] =	vst.idx.msk $0xffff, v18  }
0x2ea: {  	v18 =	vadd.s32 $0x80, v25;
	v24 =	vadd.s32 $0x80, v20;
	v25 =	vadd.s32 $0x80, v23;
	v16 =	vld [tilespmem:s21+$0xFFFFFFB0];
	[tilespmem:v22+s4+$0x0] =	vst.idx.msk $0xffff, v19  }
.Ltmp28:
0x2eb: {  	v30 =	vadd.s32 $0x80, v30;
	v27 =	vadd.s32 $0x80, v27;
	v22 =	vbroadcast v31, $0x0;
	v20 =	vld [tilespmem:s21+$0xFFFFFFC0];
	[tilespmem:v29+s4+$0x0] =	vst.idx.msk $0xffff, v21;
	(pc) =	sbr.rel @p2 .LBB2_51-.Ltmp28, $4  }
0x2ec: {  	v24 =	vbroadcast v24, $0x0;
	v21 =	vbroadcast v18, $0x0;
	v18 =	vld [tilespmem:s21+$0xFFFFFFD0]  }
0x2ed: {  	v32 =	vbroadcast v27, $0x0;
	v31 =	vbroadcast v25, $0x0;
	v23 =	vor.u32 v0, v22;
	v19 =	vld [tilespmem:s21+$0xFFFFFFE0];
	[tilespmem:v28+s4+$0x0] =	vst.idx.msk $0xffff, v26  }
0x2ee: {  	v29 =	vbroadcast v30, $0x0;
	v27 =	vor.u32 v2, v22;
	v25 =	vor.u32 v0, v21;
	v21 =	vld [tilespmem:s21+$0x0]  }
0x2ef: {  	s9 =	sadd.s32 $0x200, s9;
	v22 =	vor.u32 v2, v32;
	v26 =	vor.u32 v2, v24;
	v24 =	vor.u32 v0, v31;
	v28 =	vld [tilespmem:s21+$0xFFFFFF90]  }
0x2f0: {  	_ =	sdelay $0x3  }
0x2f1: {  	[tilespmem:v27+s4+$0x0] =	vst.idx.msk $0xffff, v17  }
0x2f2: {  	v17 =	vor.u32 v2, v29;
	[tilespmem:v25+s4+$0x0] =	vst.idx.msk $0xffff, v16  }
0x2f3: {  	[tilespmem:v26+s4+$0x0] =	vst.idx.msk $0xffff, v20  }
0x2f4: {  	[tilespmem:v24+s4+$0x0] =	vst.idx.msk $0xffff, v18  }
0x2f5: {  	[tilespmem:v22+s4+$0x0] =	vst.idx.msk $0xffff, v19  }
0x2f6: {  	[tilespmem:v23+s4+$0x0] =	vst.idx.msk $0xffff, v28  }
0x2f7: {  	[tilespmem:v17+s4+$0x0] =	vst.idx.msk $0xffff, v21  }
0x2f8: {  	v21 =	vld [tilespmem:s7+$0xFFFFFFF0]  }
0x2f9: {  	v22 =	vor.u32 v3, v9;
	v19 =	vld [tilespmem:s7+$0xFFFFFFA0]  }
0x2fa: {  	v18 =	vld [tilespmem:s7+$0xFFFFFFB0]  }
0x2fb: {  	v17 =	vld [tilespmem:s7+$0xFFFFFFC0]  }
0x2fc: {  	v16 =	vld [tilespmem:s7+$0xFFFFFFD0]  }
0x2fd: {  	v20 =	vor.u32 v3, v11;
	v9 =	vld [tilespmem:s7+$0xFFFFFFE0]  }
0x2fe: {  	v15 =	vor.u32 v3, v15;
	v24 =	vbroadcast v12, $0x0;
	v23 =	vld [tilespmem:s7+$0xFFFFFF90];
	[tilespmem:v22+s4+$0x0] =	vst.idx.msk $0xffff, v21;
	v22 =	vor.u32 v4, v11  }
0x2ff: {  	s8 =	simm.s32 $0x0;
	s21 =	simm.s32 $0x50F0;
	s9 =	simm.s32 $0x3A0;
	v12 =	vor.u32 v3, v13;
	v11 =	vld [tilespmem:s7+$0x0];
	v21 =	vor.u32 v4, v10;
	v10 =	vor.u32 v4, v14  }
.LBB2_53:
0x300: {  	s10 =	sadd.s32 $0xFFFFFE60, s9;
	s22 =	sadd.s32 $0xFFFFFFE0, s9;
	v13 =	vmov s9;
	s8 =	sadd.s32 $0x8, s8;
	v14 =	vor.u32 v4, v24  }
0x301: {  	s23 =	sadd.s32 $0xFFFFFF00, s9;
	v24 =	vmov s10;
	s10 =	sadd.s32 $0xFFFFFEE0, s9;
	v25 =	vmov s22;
	v13 =	vshrl.u32 v13, $0x7;
	p2 =	slt.u32 s8, $0x38  }
0x302: {  	v27 =	vmov s23;
	s22 =	sadd.s32 $0xFFFFFF80, s9;
	v26 =	vmov s10;
	s10 =	sadd.s32 $0xFFFFFF60, s9;
	v25 =	vshrl.u32 v25, $0x7  }
0x303: {  	v29 =	vmov s22;
	v28 =	vmov s10;
	v25 =	vshll.u32 v25, v1;
	[tilespmem:v22+s4+$0x0] =	vst.idx.msk $0xffff, v19  }
0x304: {  	v19 =	vshrl.u32 v24, $0x7;
	v22 =	vshrl.u32 v26, $0x7;
	v24 =	vadd.s32 $0x80, v25;
	[tilespmem:v20+s4+$0x0] =	vst.idx.msk $0xffff, v23  }
0x305: {  	v20 =	vshrl.u32 v27, $0x7;
	v23 =	vshrl.u32 v28, $0x7;
	v24 =	vbroadcast v24, $0x0;
	[tilespmem:v15+s4+$0x0] =	vst.idx.msk $0xffff, v18  }
0x306: {  	s7 =	sadd.s32 $0x100, s7;
	v22 =	vshll.u32 v22, v1;
	v15 =	vshll.u32 v19, v1;
	v18 =	vshrl.u32 v29, $0x7;
	[tilespmem:v21+s4+$0x0] =	vst.idx.msk $0xffff, v17  }
0x307: {  	v17 =	vshll.u32 v20, v1;
	v20 =	vshll.u32 v23, v1;
	v21 =	vld [tilespmem:s7+$0xFFFFFFF0];
	v23 =	vor.u32 v3, v24  }
0x308: {  	v13 =	vshll.u32 v13, v1;
	v15 =	vadd.s32 $0x80, v15;
	v24 =	vshll.u32 v18, v1;
	v19 =	vld [tilespmem:s7+$0xFFFFFFA0];
	[tilespmem:v12+s4+$0x0] =	vst.idx.msk $0xffff, v16  }
0x309: {  	v12 =	vadd.s32 $0x80, v22;
	v16 =	vadd.s32 $0x80, v17;
	v22 =	vadd.s32 $0x80, v20;
	v18 =	vld [tilespmem:s7+$0xFFFFFFB0];
	[tilespmem:v10+s4+$0x0] =	vst.idx.msk $0xffff, v9  }
.Ltmp29:
0x30a: {  	v13 =	vadd.s32 $0x80, v13;
	v10 =	vbroadcast v15, $0x0;
	v15 =	vadd.s32 $0x80, v24;
	v17 =	vld [tilespmem:s7+$0xFFFFFFC0];
	[tilespmem:v14+s4+$0x0] =	vst.idx.msk $0xffff, v11;
	(pc) =	sbr.rel @p2 .LBB2_53-.Ltmp29, $4  }
0x30b: {  	v11 =	vbroadcast v12, $0x0;
	v12 =	vbroadcast v16, $0x0;
	v16 =	vld [tilespmem:s7+$0xFFFFFFD0]  }
0x30c: {  	s22 =	simm.s32 $0x1A0;
	v14 =	vbroadcast v22, $0x0;
	v25 =	vbroadcast v15, $0x0;
	v20 =	vor.u32 v3, v10;
	v9 =	vld [tilespmem:s7+$0xFFFFFFE0];
	[tilespmem:v23+s4+$0x0] =	vst.idx.msk $0xffff, v21  }
0x30d: {  	v24 =	vbroadcast v13, $0x0;
	v22 =	vor.u32 v4, v10;
	v15 =	vor.u32 v3, v11;
	v11 =	vld [tilespmem:s7+$0x0]  }
0x30e: {  	s9 =	sadd.s32 $0x200, s9;
	v21 =	vor.u32 v4, v12;
	v12 =	vor.u32 v3, v14;
	v10 =	vor.u32 v4, v25;
	v23 =	vld [tilespmem:s7+$0xFFFFFF90]  }
0x30f: {  	_ =	sdelay $0x3  }
0x310: {  	[tilespmem:v22+s4+$0x0] =	vst.idx.msk $0xffff, v19  }
0x311: {  	[tilespmem:v15+s4+$0x0] =	vst.idx.msk $0xffff, v18  }
0x312: {  	v13 =	vor.u32 v4, v24;
	s7 =	simm.s32 $0x0;
	v14 =	vmov s22;
	s23 =	simm.s32 $0x80;
	[tilespmem:v21+s4+$0x0] =	vst.idx.msk $0xffff, v17  }
0x313: {  	s9 =	simm.s32 $0xA0;
	s25 =	simm.s32 $0x120;
	v19 =	vmov s7;
	v14 =	vshrl.u32 v14, $0x7;
	v15 =	vmov s23;
	[tilespmem:v12+s4+$0x0] =	vst.idx.msk $0xffff, v16  }
0x314: {  	s8 =	simm.s32 $0x180;
	v18 =	vmov s9;
	v21 =	vmov s25;
	v16 =	vshrl.u32 v19, $0x7;
	[tilespmem:v10+s4+$0x0] =	vst.idx.msk $0xffff, v9  }
0x315: {  	v15 =	vshrl.u32 v15, $0x7;
	v10 =	vshrl.u32 v18, $0x7;
	[tilespmem:v20+s4+$0x0] =	vst.idx.msk $0xffff, v23;
	v20 =	vmov s8  }
0x316: {  	s24 =	simm.s32 $0x100;
	v14 =	vshll.u32 v14, v1;
	v10 =	vshll.u32 v10, v1;
	v17 =	vshrl.u32 v20, $0x7  }
0x317: {  	v10 =	vadd.s32 $0x80, v10;
	v20 =	vmov s24;
	v12 =	vshll.u32 v17, v1  }
0x318: {  	[tilespmem:v13+s4+$0x0] =	vst.idx.msk $0xffff, v11;
	v11 =	vshll.u32 v16, v1;
	v13 =	vshll.u32 v15, v1;
	v9 =	vadd.s32 $0x80, v12  }
0x319: {  	v15 =	vshrl.u32 v21, $0x7;
	v10 =	vbroadcast v10, $0x0;
	v21 =	vld [tilespmem:s21+$0xFFFFFFF0];
	v9 =	vbroadcast v9, $0x0  }
0x31a: {  	v11 =	vadd.s32 $0x80, v11;
	v17 =	vld [tilespmem:s21+$0xFFFFFFA0];
	v15 =	vshll.u32 v15, v1;
	v13 =	vadd.s32 $0x80, v13  }
0x31b: {  	v16 =	vld [tilespmem:s21+$0xFFFFFFB0];
	v12 =	vshrl.u32 v20, $0x7;
	v11 =	vbroadcast v11, $0x0;
	v22 =	vor.u32 v5, v9  }
0x31c: {  	v18 =	vld [tilespmem:s21+$0xFFFFFFD0];
	v24 =	vadd.s32 $0x80, v15;
	v15 =	vbroadcast v13, $0x0;
	v12 =	vshll.u32 v12, v1  }
0x31d: {  	v28 =	vld [tilespmem:s21+$0xFFFFFF90];
	v26 =	vor.u32 v6, v10;
	v19 =	vadd.s32 $0x80, v12;
	v12 =	vadd.s32 $0x80, v14  }
0x31e: {  	v20 =	vld [tilespmem:s21+$0xFFFFFFC0];
	v23 =	vor.u32 v5, v11;
	v14 =	vbroadcast v24, $0x0;
	v13 =	vbroadcast v19, $0x0  }
0x31f: {  	v27 =	vor.u32 v6, v11;
	v25 =	vor.u32 v5, v15;
	v19 =	vld [tilespmem:s21+$0xFFFFFFE0];
	v29 =	vbroadcast v12, $0x0  }
0x320: {  	s7 =	simm.s32 $0x58F0;
	s9 =	simm.s32 $0x3A0;
	s8 =	simm.s32 $0x0;
	v24 =	vor.u32 v5, v13;
	[tilespmem:v22+s4+$0x0] =	vst.idx.msk $0xffff, v21;
	v21 =	vld [tilespmem:s21+$0x0];
	v22 =	vor.u32 v6, v14  }
.LBB2_55:
0x321: {  	s10 =	sadd.s32 $0xFFFFFE60, s9;
	s22 =	sadd.s32 $0xFFFFFFE0, s9;
	v30 =	vmov s9;
	s8 =	sadd.s32 $0x8, s8;
	v29 =	vor.u32 v6, v29  }
0x322: {  	s23 =	sadd.s32 $0xFFFFFF00, s9;
	v31 =	vmov s10;
	s10 =	sadd.s32 $0xFFFFFEE0, s9;
	v32 =	vmov s22;
	v30 =	vshrl.u32 v30, $0x7;
	p2 =	slt.u32 s8, $0x38  }
0x323: {  	v34 =	vmov s23;
	s22 =	sadd.s32 $0xFFFFFF80, s9;
	v33 =	vmov s10;
	s10 =	sadd.s32 $0xFFFFFF60, s9;
	v32 =	vshrl.u32 v32, $0x7  }
0x324: {  	v36 =	vmov s22;
	v35 =	vmov s10;
	v32 =	vshll.u32 v32, v1;
	[tilespmem:v27+s4+$0x0] =	vst.idx.msk $0xffff, v17  }
0x325: {  	v17 =	vshrl.u32 v31, $0x7;
	v27 =	vshrl.u32 v33, $0x7;
	v31 =	vadd.s32 $0x80, v32;
	[tilespmem:v23+s4+$0x0] =	vst.idx.msk $0xffff, v28  }
0x326: {  	v23 =	vshrl.u32 v34, $0x7;
	v28 =	vshrl.u32 v35, $0x7;
	v31 =	vbroadcast v31, $0x0;
	[tilespmem:v25+s4+$0x0] =	vst.idx.msk $0xffff, v16  }
0x327: {  	s21 =	sadd.s32 $0x100, s21;
	v16 =	vshll.u32 v17, v1;
	v25 =	vshll.u32 v27, v1;
	v27 =	vshrl.u32 v36, $0x7;
	[tilespmem:v26+s4+$0x0] =	vst.idx.msk $0xffff, v20  }
0x328: {  	v20 =	vshll.u32 v23, v1;
	v23 =	vshll.u32 v28, v1;
	v26 =	vld [tilespmem:s21+$0xFFFFFFF0];
	v28 =	vor.u32 v5, v31  }
0x329: {  	v30 =	vshll.u32 v30, v1;
	v27 =	vshll.u32 v27, v1;
	v31 =	vadd.s32 $0x80, v16;
	v17 =	vld [tilespmem:s21+$0xFFFFFFA0];
	[tilespmem:v24+s4+$0x0] =	vst.idx.msk $0xffff, v18  }
0x32a: {  	v18 =	vadd.s32 $0x80, v25;
	v24 =	vadd.s32 $0x80, v20;
	v25 =	vadd.s32 $0x80, v23;
	v16 =	vld [tilespmem:s21+$0xFFFFFFB0];
	[tilespmem:v22+s4+$0x0] =	vst.idx.msk $0xffff, v19  }
.Ltmp30:
0x32b: {  	v30 =	vadd.s32 $0x80, v30;
	v27 =	vadd.s32 $0x80, v27;
	v22 =	vbroadcast v31, $0x0;
	v20 =	vld [tilespmem:s21+$0xFFFFFFC0];
	[tilespmem:v29+s4+$0x0] =	vst.idx.msk $0xffff, v21;
	(pc) =	sbr.rel @p2 .LBB2_55-.Ltmp30, $4  }
0x32c: {  	v24 =	vbroadcast v24, $0x0;
	v21 =	vbroadcast v18, $0x0;
	v18 =	vld [tilespmem:s21+$0xFFFFFFD0]  }
0x32d: {  	v32 =	vbroadcast v27, $0x0;
	v31 =	vbroadcast v25, $0x0;
	v23 =	vor.u32 v5, v22;
	v19 =	vld [tilespmem:s21+$0xFFFFFFE0];
	[tilespmem:v28+s4+$0x0] =	vst.idx.msk $0xffff, v26  }
0x32e: {  	v29 =	vbroadcast v30, $0x0;
	v27 =	vor.u32 v6, v22;
	v25 =	vor.u32 v5, v21;
	v21 =	vld [tilespmem:s21+$0x0]  }
0x32f: {  	s9 =	sadd.s32 $0x200, s9;
	v22 =	vor.u32 v6, v32;
	v26 =	vor.u32 v6, v24;
	v24 =	vor.u32 v5, v31;
	v28 =	vld [tilespmem:s21+$0xFFFFFF90]  }
0x330: {  	_ =	sdelay $0x3  }
0x331: {  	[tilespmem:v27+s4+$0x0] =	vst.idx.msk $0xffff, v17  }
0x332: {  	v17 =	vor.u32 v6, v29;
	[tilespmem:v25+s4+$0x0] =	vst.idx.msk $0xffff, v16  }
0x333: {  	[tilespmem:v26+s4+$0x0] =	vst.idx.msk $0xffff, v20  }
0x334: {  	[tilespmem:v24+s4+$0x0] =	vst.idx.msk $0xffff, v18  }
0x335: {  	[tilespmem:v22+s4+$0x0] =	vst.idx.msk $0xffff, v19  }
0x336: {  	[tilespmem:v23+s4+$0x0] =	vst.idx.msk $0xffff, v28  }
0x337: {  	[tilespmem:v17+s4+$0x0] =	vst.idx.msk $0xffff, v21  }
0x338: {  	v21 =	vld [tilespmem:s7+$0xFFFFFFF0]  }
0x339: {  	v22 =	vor.u32 v7, v9;
	v19 =	vld [tilespmem:s7+$0xFFFFFFA0]  }
0x33a: {  	v17 =	vld [tilespmem:s7+$0xFFFFFFB0]  }
0x33b: {  	v18 =	vld [tilespmem:s7+$0xFFFFFFC0]  }
0x33c: {  	v16 =	vld [tilespmem:s7+$0xFFFFFFD0]  }
0x33d: {  	v20 =	vor.u32 v7, v11;
	v9 =	vld [tilespmem:s7+$0xFFFFFFE0]  }
0x33e: {  	v15 =	vor.u32 v7, v15;
	v24 =	vbroadcast v12, $0x0;
	v23 =	vld [tilespmem:s7+$0xFFFFFF90];
	[tilespmem:v22+s4+$0x0] =	vst.idx.msk $0xffff, v21;
	v22 =	vor.u32 v8, v11  }
0x33f: {  	s8 =	simm.s32 $0x0;
	s9 =	simm.s32 $0x3A0;
	v12 =	vor.u32 v7, v13;
	v11 =	vld [tilespmem:s7+$0x0];
	v21 =	vor.u32 v8, v10;
	v10 =	vor.u32 v8, v14  }
.LBB2_57:
0x340: {  	s10 =	sadd.s32 $0xFFFFFE60, s9;
	s21 =	sadd.s32 $0xFFFFFFE0, s9;
	v13 =	vmov s9;
	s8 =	sadd.s32 $0x8, s8;
	v14 =	vor.u32 v8, v24  }
0x341: {  	s22 =	sadd.s32 $0xFFFFFF00, s9;
	v24 =	vmov s10;
	s10 =	sadd.s32 $0xFFFFFEE0, s9;
	v25 =	vmov s21;
	v13 =	vshrl.u32 v13, $0x7;
	p2 =	slt.u32 s8, $0x38  }
0x342: {  	v27 =	vmov s22;
	s21 =	sadd.s32 $0xFFFFFF80, s9;
	v26 =	vmov s10;
	s10 =	sadd.s32 $0xFFFFFF60, s9;
	v25 =	vshrl.u32 v25, $0x7  }
0x343: {  	v29 =	vmov s21;
	v28 =	vmov s10;
	v25 =	vshll.u32 v25, v1;
	[tilespmem:v22+s4+$0x0] =	vst.idx.msk $0xffff, v19  }
0x344: {  	v19 =	vshrl.u32 v24, $0x7;
	v22 =	vshrl.u32 v26, $0x7;
	v24 =	vadd.s32 $0x80, v25;
	[tilespmem:v20+s4+$0x0] =	vst.idx.msk $0xffff, v23  }
0x345: {  	v20 =	vshrl.u32 v27, $0x7;
	v23 =	vshrl.u32 v28, $0x7;
	v24 =	vbroadcast v24, $0x0;
	[tilespmem:v15+s4+$0x0] =	vst.idx.msk $0xffff, v17  }
0x346: {  	s7 =	sadd.s32 $0x100, s7;
	v22 =	vshll.u32 v22, v1;
	v15 =	vshll.u32 v19, v1;
	v17 =	vshrl.u32 v29, $0x7;
	[tilespmem:v21+s4+$0x0] =	vst.idx.msk $0xffff, v18  }
0x347: {  	v18 =	vshll.u32 v20, v1;
	v20 =	vshll.u32 v23, v1;
	v21 =	vld [tilespmem:s7+$0xFFFFFFF0];
	v23 =	vor.u32 v7, v24  }
0x348: {  	v13 =	vshll.u32 v13, v1;
	v15 =	vadd.s32 $0x80, v15;
	v24 =	vshll.u32 v17, v1;
	v19 =	vld [tilespmem:s7+$0xFFFFFFA0];
	[tilespmem:v12+s4+$0x0] =	vst.idx.msk $0xffff, v16  }
0x349: {  	v12 =	vadd.s32 $0x80, v22;
	v16 =	vadd.s32 $0x80, v18;
	v22 =	vadd.s32 $0x80, v20;
	v17 =	vld [tilespmem:s7+$0xFFFFFFB0];
	[tilespmem:v10+s4+$0x0] =	vst.idx.msk $0xffff, v9  }
.Ltmp31:
0x34a: {  	v13 =	vadd.s32 $0x80, v13;
	v10 =	vbroadcast v15, $0x0;
	v15 =	vadd.s32 $0x80, v24;
	v18 =	vld [tilespmem:s7+$0xFFFFFFC0];
	[tilespmem:v14+s4+$0x0] =	vst.idx.msk $0xffff, v11;
	(pc) =	sbr.rel @p2 .LBB2_57-.Ltmp31, $4  }
0x34b: {  	v11 =	vbroadcast v12, $0x0;
	v12 =	vbroadcast v16, $0x0;
	v16 =	vld [tilespmem:s7+$0xFFFFFFD0]  }
0x34c: {  	v14 =	vbroadcast v22, $0x0;
	v25 =	vbroadcast v15, $0x0;
	v20 =	vor.u32 v7, v10;
	v9 =	vld [tilespmem:s7+$0xFFFFFFE0];
	[tilespmem:v23+s4+$0x0] =	vst.idx.msk $0xffff, v21  }
0x34d: {  	v24 =	vbroadcast v13, $0x0;
	v22 =	vor.u32 v8, v10;
	v15 =	vor.u32 v7, v11;
	v11 =	vld [tilespmem:s7+$0x0]  }
0x34e: {  	s9 =	sadd.s32 $0x200, s9;
	v21 =	vor.u32 v8, v12;
	v12 =	vor.u32 v7, v14;
	v10 =	vor.u32 v8, v25;
	v23 =	vld [tilespmem:s7+$0xFFFFFF90]  }
0x34f: {  	_ =	sdelay $0x3  }
0x350: {  	[tilespmem:v22+s4+$0x0] =	vst.idx.msk $0xffff, v19  }
0x351: {  	v13 =	vor.u32 v8, v24;
	[tilespmem:v15+s4+$0x0] =	vst.idx.msk $0xffff, v17  }
0x352: {  	[tilespmem:v21+s4+$0x0] =	vst.idx.msk $0xffff, v18  }
.Ltmp32:
0x353: {  	[tilespmem:v12+s4+$0x0] =	vst.idx.msk $0xffff, v16;
	(pc) =	sbr.rel @p1 .LBB2_60-.Ltmp32, $4  }
0x354: {  	[tilespmem:v10+s4+$0x0] =	vst.idx.msk $0xffff, v9  }
0x355: {  	s7 =	sadd.s32 s20, s14;
	[tilespmem:v20+s4+$0x0] =	vst.idx.msk $0xffff, v23  }
0x356: {  	s7 =	sadd.s32 s19, s7;
	[tilespmem:v13+s4+$0x0] =	vst.idx.msk $0xffff, v11  }
0x357: {  	[hbm4b:s7+s30] =	stream.strided.scatter [tilespmem:s4], [sflag:$0x7], $0x2000, s31, s30, $0x38;
	[tilespmem:$0x10000] =	vst v63  }
.Ltmp33:
0x358: {  	(pc) =	sbr.rel .LBB2_61-.Ltmp33, $4  }
0x359: {  	_ = 	snop  }
0x35a: {  	_ =	swait.ge [sflag:s5], $0x2000  }
0x35b: {  	[sflag:s5] =	ssyncset.done $0x0  }
0x35c: {  	[sflag:s5] =	ssyncadd.s32 $0xFFFFE000  }
.LBB2_60:
0x35d: {  	s7 =	rddreg [dreg:$0x9]  }
0x35e: {  	s7 =	sadd.s32 s7, s18  }
0x35f: {  	s7 =	sshll.u32 s7, $0xA  }
0x360: {  	s8 =	simm.s32 $0x4000;
	s7 =	sadd.s32 s7, s12  }
0x361: {  	[tilespmem:s8], [sflag:$0x3] =	stream.strided.gather [hbm4b:s7+s30], $0x800, s31, s30, $0x38;
	[tilespmem:$0x10000] =	vst v63  }
0x362: {  	s9 =	simm.s32 $0x4800;
	s22 =	sadd.s32 $0x1000, s7  }
0x363: {  	[tilespmem:s9], [sflag:$0x3] =	stream.strided.gather [hbm4b:s22+s30], $0x800, s31, s30, $0x38;
	[tilespmem:$0x10000] =	vst v63  }
0x364: {  	s24 =	simm.s32 $0x5000;
	s23 =	sadd.s32 $0x2000, s7  }
0x365: {  	[tilespmem:s24], [sflag:$0x3] =	stream.strided.gather [hbm4b:s23+s30], $0x800, s31, s30, $0x38;
	[tilespmem:$0x10000] =	vst v63  }
.Ltmp34:
0x366: {  	s25 =	simm.s32 $0x5800;
	s7 =	sadd.s32 $0x3000, s7;
	(pc) =	sbr.rel @p0 .LBB2_62-.Ltmp34, $4  }
0x367: {  	[tilespmem:s25], [sflag:$0x3] =	stream.strided.gather [hbm4b:s7+s30], $0x800, s31, s30, $0x38;
	[tilespmem:$0x10000] =	vst v63  }
0x368: {  	_ =	swait.ge [sflag:s5], $0x2000  }
0x369: {  	[sflag:s5] =	ssyncset.done $0x0  }
0x36a: {  	[sflag:s5] =	ssyncadd.s32 $0xFFFFE000  }
.LBB2_61:
0x36b: {  	_ =	swait.ge [sflag:s6], $0x2000  }
0x36c: {  	[sflag:s6] =	ssyncset.done $0x0  }
0x36d: {  	[sflag:s6] =	ssyncadd.s32 $0xFFFFE000  }
.LBB2_62:
0x36e: {  	s7 =	simm.s32 $0x1A0  }
0x36f: {  	s8 =	simm.s32 $0x0;
	s9 =	simm.s32 $0x80;
	s22 =	simm.s32 $0x100;
	v9 =	vmov s7  }
0x370: {  	s23 =	simm.s32 $0x120;
	s24 =	simm.s32 $0xA0;
	s25 =	simm.s32 $0x180;
	v10 =	vmov s8;
	v11 =	vmov s9;
	v12 =	vmov s22  }
0x371: {  	v13 =	vmov s23;
	v14 =	vmov s24;
	v15 =	vmov s25  }
0x372: {  	v10 =	vshrl.u32 v10, $0x7;
	v11 =	vshrl.u32 v11, $0x7;
	v12 =	vshrl.u32 v12, $0x7  }
0x373: {  	v9 =	vshrl.u32 v9, $0x7;
	v20 =	vshrl.u32 v13, $0x7;
	v11 =	vshll.u32 v11, v1  }
0x374: {  	s21 =	simm.s32 $0x6040;
	v14 =	vshrl.u32 v14, $0x7;
	v10 =	vshll.u32 v10, v1;
	v11 =	vbroadcast v11, $0x0  }
0x375: {  	v19 =	vld [tilespmem:s21+$0xFFFFFFE0];
	v15 =	vshrl.u32 v15, $0x7;
	v12 =	vshll.u32 v12, v1;
	v10 =	vbroadcast v10, $0x0  }
0x376: {  	v17 =	vld [tilespmem:s21+$0x10];
	v15 =	vshll.u32 v15, v1;
	v13 =	vbroadcast v12, $0x0;
	v23 =	vor.u32 v0, v11  }
0x377: {  	v21 =	vld [tilespmem:s21+$0xFFFFFFC0];
	v12 =	vshll.u32 v14, v1;
	v14 =	vshll.u32 v20, v1;
	v18 =	vor.u32 v0, v10  }
0x378: {  	s8 =	simm.s32 $0x0;
	v28 =	vshll.u32 v9, v1;
	v20 =	vld [tilespmem:s21+$0x0];
	v27 =	vbroadcast v14, $0x0;
	v24 =	vor.u32 v0, v13  }
0x379: {  	v22 =	vld [tilespmem:s21+$0xFFFFFFD0];
	s9 =	simm.s32 $0x3A0;
	s22 =	simm.s32 $0x6140;
	s7 =	simm.s32 $0x6870;
	v26 =	vbroadcast v15, $0x0;
	v25 =	vbroadcast v12, $0x0;
	v16 =	vor.u32 v2, v10  }
.LBB2_63:
0x37a: {  	s10 =	sadd.s32 $0xFFFFFE60, s9;
	s23 =	sadd.s32 $0xFFFFFEE0, s9;
	s24 =	sadd.s32 $0xFFFFFF00, s9;
	v29 =	vmov s9;
	v27 =	vor.u32 v2, v27;
	v28 =	vbroadcast v28, $0x0  }
0x37b: {  	s25 =	sadd.s32 $0xFFFFFFE0, s9;
	v30 =	vmov s10;
	v31 =	vmov s23;
	s10 =	sadd.s32 $0xFFFFFF60, s9;
	s23 =	sadd.s32 $0xFFFFFF80, s9;
	[tilespmem:v23+s16+$0x0] =	vst.idx.msk $0xffff, v19;
	v19 =	vld [tilespmem:s21+$0x20];
	v23 =	vor.u32 v0, v26  }
0x37c: {  	s8 =	sadd.s32 $0x8, s8;
	v25 =	vor.u32 v2, v25;
	v26 =	vmov s10;
	v32 =	vmov s23;
	[tilespmem:v18+s16+$0x0] =	vst.idx.msk $0xffff, v21;
	v21 =	vld [tilespmem:s21+$0xFFFFFFF0]  }
0x37d: {  	p0 =	slt.u32 s8, $0x38;
	v18 =	vshrl.u32 v30, $0x7;
	v30 =	vshrl.u32 v31, $0x7;
	v31 =	vmov s24;
	[tilespmem:v24+s16+$0x0] =	vst.idx.msk $0xffff, v20  }
0x37e: {  	v29 =	vshrl.u32 v29, $0x7;
	v18 =	vshll.u32 v18, v1;
	v20 =	vshrl.u32 v26, $0x7;
	[tilespmem:v16+s16+$0x0] =	vst.idx.msk $0xffff, v22  }
0x37f: {  	v16 =	vbroadcast v18, $0x0;
	v18 =	vshll.u32 v30, v1;
	v22 =	vmov s25;
	[tilespmem:v27+s16+$0x0] =	vst.idx.msk $0xffff, v17;
	v30 =	vld [tilespmem:s21+$0x30];
	s21 =	smov.u32 s22  }
0x380: {  	v33 =	vor.u32 v2, v28;
	v20 =	vshll.u32 v20, v1;
	v17 =	vbroadcast v18, $0x0;
	[tilespmem:v23+s16+$0x0] =	vst.idx.msk $0xffff, v19  }
.Ltmp35:
0x381: {  	v24 =	vshrl.u32 v32, $0x7;
	v18 =	vor.u32 v0, v16;
	v16 =	vor.u32 v2, v16;
	v19 =	vld [tilespmem:s22+$0xFFFFFFE0];
	[tilespmem:v25+s16+$0x0] =	vst.idx.msk $0xffff, v21;
	(pc) =	sbr.rel @p0 .LBB2_63-.Ltmp35, $4  }
0x382: {  	v26 =	vbroadcast v20, $0x0;
	v23 =	vor.u32 v0, v17;
	v25 =	vshrl.u32 v31, $0x7;
	v17 =	vld [tilespmem:s22+$0x10]  }
0x383: {  	v27 =	vshll.u32 v24, v1;
	v22 =	vshrl.u32 v22, $0x7;
	v25 =	vshll.u32 v25, v1;
	v21 =	vld [tilespmem:s22+$0xFFFFFFC0]  }
0x384: {  	v27 =	vbroadcast v27, $0x0;
	v24 =	vor.u32 v0, v26;
	v26 =	vshll.u32 v22, v1;
	v20 =	vld [tilespmem:s22+$0x0]  }
0x385: {  	s9 =	sadd.s32 $0x200, s9;
	v28 =	vshll.u32 v29, v1;
	v26 =	vbroadcast v26, $0x0;
	v25 =	vbroadcast v25, $0x0;
	s22 =	sadd.s32 $0x100, s22;
	v22 =	vld [tilespmem:s21+$0xFFFFFFD0];
	[tilespmem:v33+s16+$0x0] =	vst.idx.msk $0xffff, v30  }
0x386: {  	_ =	sdelay $0x2  }
0x387: {  	v27 =	vor.u32 v2, v27  }
0x388: {  	v28 =	vbroadcast v28, $0x0;
	[tilespmem:v23+s16+$0x0] =	vst.idx.msk $0xffff, v19;
	v19 =	vld [tilespmem:s21+$0x20];
	v23 =	vor.u32 v0, v26  }
0x389: {  	[tilespmem:v18+s16+$0x0] =	vst.idx.msk $0xffff, v21;
	v18 =	vld [tilespmem:s21+$0xFFFFFFF0];
	v21 =	vor.u32 v2, v25  }
0x38a: {  	v63 =	vor.u32 v2, v28;
	[tilespmem:v24+s16+$0x0] =	vst.idx.msk $0xffff, v20;
	v20 =	vld [tilespmem:s21+$0x30]  }
0x38b: {  	[tilespmem:v16+s16+$0x0] =	vst.idx.msk $0xffff, v22  }
0x38c: {  	[tilespmem:v27+s16+$0x0] =	vst.idx.msk $0xffff, v17  }
0x38d: {  	[tilespmem:v23+s16+$0x0] =	vst.idx.msk $0xffff, v19  }
0x38e: {  	[tilespmem:v21+s16+$0x0] =	vst.idx.msk $0xffff, v18  }
0x38f: {  	[tilespmem:v63+s16+$0x0] =	vst.idx.msk $0xffff, v20  }
0x390: {  	v18 =	vld [tilespmem:s7+$0xFFFFFFB0]  }
0x391: {  	v21 =	vor.u32 v3, v11;
	v16 =	vld [tilespmem:s7+$0xFFFFFFE0]  }
0x392: {  	v17 =	vor.u32 v3, v10;
	v20 =	vld [tilespmem:s7+$0xFFFFFF90]  }
0x393: {  	s8 =	simm.s32 $0x0;
	v13 =	vor.u32 v3, v13;
	v12 =	vbroadcast v12, $0x0;
	v22 =	vbroadcast v14, $0x0;
	v19 =	vld [tilespmem:s7+$0xFFFFFFD0]  }
0x394: {  	v9 =	vshll.u32 v9, v1;
	s9 =	simm.s32 $0x3A0;
	s22 =	simm.s32 $0x6970;
	s21 =	simm.s32 $0x7070;
	v14 =	vbroadcast v15, $0x0;
	v10 =	vor.u32 v4, v10;
	v11 =	vld [tilespmem:s7+$0xFFFFFFA0]  }
.LBB2_65:
0x395: {  	s10 =	sadd.s32 $0xFFFFFE60, s9;
	s23 =	sadd.s32 $0xFFFFFEE0, s9;
	s24 =	sadd.s32 $0xFFFFFF00, s9;
	v15 =	vmov s9;
	v22 =	vor.u32 v4, v22;
	v9 =	vbroadcast v9, $0x0  }
0x396: {  	s25 =	sadd.s32 $0xFFFFFFE0, s9;
	v23 =	vmov s10;
	v24 =	vmov s23;
	s10 =	sadd.s32 $0xFFFFFF60, s9;
	s23 =	sadd.s32 $0xFFFFFF80, s9;
	[tilespmem:v21+s16+$0x0] =	vst.idx.msk $0xffff, v18;
	v18 =	vld [tilespmem:s7+$0xFFFFFFF0];
	v14 =	vor.u32 v3, v14  }
0x397: {  	s8 =	sadd.s32 $0x8, s8;
	v12 =	vor.u32 v4, v12;
	v21 =	vmov s10;
	v25 =	vmov s23;
	[tilespmem:v17+s16+$0x0] =	vst.idx.msk $0xffff, v20;
	v20 =	vld [tilespmem:s7+$0xFFFFFFC0]  }
0x398: {  	p0 =	slt.u32 s8, $0x38;
	v17 =	vshrl.u32 v23, $0x7;
	v23 =	vshrl.u32 v24, $0x7;
	v24 =	vmov s24;
	[tilespmem:v13+s16+$0x0] =	vst.idx.msk $0xffff, v19  }
0x399: {  	v15 =	vshrl.u32 v15, $0x7;
	v13 =	vshll.u32 v17, v1;
	v17 =	vshrl.u32 v21, $0x7;
	[tilespmem:v10+s16+$0x0] =	vst.idx.msk $0xffff, v11  }
0x39a: {  	v10 =	vbroadcast v13, $0x0;
	v11 =	vshll.u32 v23, v1;
	v13 =	vmov s25;
	[tilespmem:v22+s16+$0x0] =	vst.idx.msk $0xffff, v16;
	v23 =	vld [tilespmem:s7+$0x0];
	s7 =	smov.u32 s22  }
0x39b: {  	v26 =	vor.u32 v4, v9;
	v11 =	vbroadcast v11, $0x0;
	v16 =	vshll.u32 v17, v1;
	[tilespmem:v14+s16+$0x0] =	vst.idx.msk $0xffff, v18  }
.Ltmp36:
0x39c: {  	v9 =	vshrl.u32 v25, $0x7;
	v17 =	vor.u32 v3, v10;
	v10 =	vor.u32 v4, v10;
	v18 =	vld [tilespmem:s22+$0xFFFFFFB0];
	[tilespmem:v12+s16+$0x0] =	vst.idx.msk $0xffff, v20;
	(pc) =	sbr.rel @p0 .LBB2_65-.Ltmp36, $4  }
0x39d: {  	v21 =	vor.u32 v3, v11;
	v11 =	vshrl.u32 v24, $0x7;
	v12 =	vbroadcast v16, $0x0;
	v16 =	vld [tilespmem:s22+$0xFFFFFFE0]  }
0x39e: {  	v9 =	vshll.u32 v9, v1;
	v14 =	vshll.u32 v11, v1;
	v11 =	vshrl.u32 v13, $0x7;
	v20 =	vld [tilespmem:s22+$0xFFFFFF90]  }
0x39f: {  	s23 =	simm.s32 $0x1A0;
	v22 =	vbroadcast v9, $0x0;
	v13 =	vor.u32 v3, v12;
	v9 =	vshll.u32 v11, v1;
	v19 =	vld [tilespmem:s22+$0xFFFFFFD0]  }
0x3a0: {  	s9 =	sadd.s32 $0x200, s9;
	v12 =	vbroadcast v14, $0x0;
	v14 =	vbroadcast v9, $0x0;
	v9 =	vshll.u32 v15, v1;
	s22 =	sadd.s32 $0x100, s22;
	v11 =	vld [tilespmem:s7+$0xFFFFFFA0];
	[tilespmem:v26+s16+$0x0] =	vst.idx.msk $0xffff, v23  }
0x3a1: {  	_ =	sdelay $0x2  }
0x3a2: {  	v15 =	vor.u32 v4, v22  }
0x3a3: {  	v9 =	vbroadcast v9, $0x0;
	[tilespmem:v21+s16+$0x0] =	vst.idx.msk $0xffff, v18;
	v18 =	vld [tilespmem:s7+$0xFFFFFFF0];
	v14 =	vor.u32 v3, v14  }
0x3a4: {  	s9 =	simm.s32 $0x100;
	v12 =	vor.u32 v4, v12;
	[tilespmem:v17+s16+$0x0] =	vst.idx.msk $0xffff, v20;
	v17 =	vld [tilespmem:s7+$0xFFFFFFC0]  }
0x3a5: {  	s22 =	simm.s32 $0x0;
	s8 =	simm.s32 $0x80;
	v20 =	vmov s9;
	[tilespmem:v13+s16+$0x0] =	vst.idx.msk $0xffff, v19;
	v13 =	vld [tilespmem:s7+$0x0];
	v19 =	vor.u32 v4, v9  }
0x3a6: {  	v9 =	vmov s23;
	s23 =	simm.s32 $0x120;
	[tilespmem:v10+s16+$0x0] =	vst.idx.msk $0xffff, v11;
	v10 =	vmov s22;
	v11 =	vmov s8  }
0x3a7: {  	s25 =	simm.s32 $0x180;
	v9 =	vshrl.u32 v9, $0x7;
	[tilespmem:v15+s16+$0x0] =	vst.idx.msk $0xffff, v16;
	v15 =	vmov s23;
	v10 =	vshrl.u32 v10, $0x7  }
0x3a8: {  	s24 =	simm.s32 $0xA0;
	v11 =	vshrl.u32 v11, $0x7;
	v16 =	vshrl.u32 v20, $0x7;
	v20 =	vmov s25;
	[tilespmem:v14+s16+$0x0] =	vst.idx.msk $0xffff, v18  }
0x3a9: {  	v28 =	vshll.u32 v9, v1;
	v14 =	vmov s24;
	v11 =	vshll.u32 v11, v1;
	[tilespmem:v12+s16+$0x0] =	vst.idx.msk $0xffff, v17  }
0x3aa: {  	v10 =	vshll.u32 v10, v1;
	v15 =	vshrl.u32 v15, $0x7;
	v11 =	vbroadcast v11, $0x0;
	[tilespmem:v19+s16+$0x0] =	vst.idx.msk $0xffff, v13  }
0x3ab: {  	v10 =	vbroadcast v10, $0x0;
	v12 =	vshll.u32 v16, v1;
	v14 =	vshrl.u32 v14, $0x7;
	v19 =	vld [tilespmem:s21+$0xFFFFFFB0]  }
0x3ac: {  	v13 =	vbroadcast v12, $0x0;
	v12 =	vshll.u32 v14, v1;
	v23 =	vor.u32 v5, v11;
	v17 =	vld [tilespmem:s21+$0xFFFFFFE0]  }
0x3ad: {  	v14 =	vshll.u32 v15, v1;
	v15 =	vshrl.u32 v20, $0x7;
	v18 =	vor.u32 v5, v10;
	v21 =	vld [tilespmem:s21+$0xFFFFFF90]  }
0x3ae: {  	s9 =	simm.s32 $0x3A0;
	v20 =	vld [tilespmem:s21+$0xFFFFFFD0];
	v27 =	vbroadcast v14, $0x0;
	v15 =	vshll.u32 v15, v1;
	v24 =	vor.u32 v5, v13  }
0x3af: {  	s7 =	simm.s32 $0x7870;
	s8 =	simm.s32 $0x0;
	s22 =	simm.s32 $0x7170;
	v16 =	vor.u32 v6, v10;
	v22 =	vld [tilespmem:s21+$0xFFFFFFA0];
	v25 =	vbroadcast v12, $0x0;
	v26 =	vbroadcast v15, $0x0  }
.LBB2_67:
0x3b0: {  	s10 =	sadd.s32 $0xFFFFFE60, s9;
	s23 =	sadd.s32 $0xFFFFFEE0, s9;
	s24 =	sadd.s32 $0xFFFFFF00, s9;
	v29 =	vmov s9;
	v27 =	vor.u32 v6, v27;
	v28 =	vbroadcast v28, $0x0  }
0x3b1: {  	s25 =	sadd.s32 $0xFFFFFFE0, s9;
	v30 =	vmov s10;
	v31 =	vmov s23;
	s10 =	sadd.s32 $0xFFFFFF60, s9;
	s23 =	sadd.s32 $0xFFFFFF80, s9;
	[tilespmem:v23+s16+$0x0] =	vst.idx.msk $0xffff, v19;
	v19 =	vld [tilespmem:s21+$0xFFFFFFF0];
	v23 =	vor.u32 v5, v26  }
0x3b2: {  	s8 =	sadd.s32 $0x8, s8;
	v25 =	vor.u32 v6, v25;
	v26 =	vmov s10;
	v32 =	vmov s23;
	[tilespmem:v18+s16+$0x0] =	vst.idx.msk $0xffff, v21;
	v21 =	vld [tilespmem:s21+$0xFFFFFFC0]  }
0x3b3: {  	p0 =	slt.u32 s8, $0x38;
	v18 =	vshrl.u32 v30, $0x7;
	v30 =	vshrl.u32 v31, $0x7;
	v31 =	vmov s24;
	[tilespmem:v24+s16+$0x0] =	vst.idx.msk $0xffff, v20  }
0x3b4: {  	v29 =	vshrl.u32 v29, $0x7;
	v18 =	vshll.u32 v18, v1;
	v20 =	vshrl.u32 v26, $0x7;
	[tilespmem:v16+s16+$0x0] =	vst.idx.msk $0xffff, v22  }
0x3b5: {  	v16 =	vbroadcast v18, $0x0;
	v18 =	vshll.u32 v30, v1;
	v22 =	vmov s25;
	[tilespmem:v27+s16+$0x0] =	vst.idx.msk $0xffff, v17;
	v30 =	vld [tilespmem:s21+$0x0];
	s21 =	smov.u32 s22  }
0x3b6: {  	v33 =	vor.u32 v6, v28;
	v20 =	vshll.u32 v20, v1;
	v17 =	vbroadcast v18, $0x0;
	[tilespmem:v23+s16+$0x0] =	vst.idx.msk $0xffff, v19  }
.Ltmp37:
0x3b7: {  	v24 =	vshrl.u32 v32, $0x7;
	v18 =	vor.u32 v5, v16;
	v16 =	vor.u32 v6, v16;
	v19 =	vld [tilespmem:s22+$0xFFFFFFB0];
	[tilespmem:v25+s16+$0x0] =	vst.idx.msk $0xffff, v21;
	(pc) =	sbr.rel @p0 .LBB2_67-.Ltmp37, $4  }
0x3b8: {  	v26 =	vbroadcast v20, $0x0;
	v23 =	vor.u32 v5, v17;
	v25 =	vshrl.u32 v31, $0x7;
	v17 =	vld [tilespmem:s22+$0xFFFFFFE0]  }
0x3b9: {  	v27 =	vshll.u32 v24, v1;
	v22 =	vshrl.u32 v22, $0x7;
	v25 =	vshll.u32 v25, v1;
	v21 =	vld [tilespmem:s22+$0xFFFFFF90]  }
0x3ba: {  	v27 =	vbroadcast v27, $0x0;
	v24 =	vor.u32 v5, v26;
	v26 =	vshll.u32 v22, v1;
	v20 =	vld [tilespmem:s22+$0xFFFFFFD0]  }
0x3bb: {  	s9 =	sadd.s32 $0x200, s9;
	v28 =	vshll.u32 v29, v1;
	v26 =	vbroadcast v26, $0x0;
	v25 =	vbroadcast v25, $0x0;
	s22 =	sadd.s32 $0x100, s22;
	v22 =	vld [tilespmem:s21+$0xFFFFFFA0];
	[tilespmem:v33+s16+$0x0] =	vst.idx.msk $0xffff, v30  }
0x3bc: {  	_ =	sdelay $0x2  }
0x3bd: {  	v27 =	vor.u32 v6, v27  }
0x3be: {  	v28 =	vbroadcast v28, $0x0;
	[tilespmem:v23+s16+$0x0] =	vst.idx.msk $0xffff, v19;
	v19 =	vld [tilespmem:s21+$0xFFFFFFF0];
	v23 =	vor.u32 v5, v26  }
0x3bf: {  	[tilespmem:v18+s16+$0x0] =	vst.idx.msk $0xffff, v21;
	v18 =	vld [tilespmem:s21+$0xFFFFFFC0];
	v21 =	vor.u32 v6, v25  }
0x3c0: {  	v63 =	vor.u32 v6, v28;
	[tilespmem:v24+s16+$0x0] =	vst.idx.msk $0xffff, v20;
	v20 =	vld [tilespmem:s21+$0x0]  }
0x3c1: {  	[tilespmem:v16+s16+$0x0] =	vst.idx.msk $0xffff, v22  }
0x3c2: {  	[tilespmem:v27+s16+$0x0] =	vst.idx.msk $0xffff, v17  }
0x3c3: {  	[tilespmem:v23+s16+$0x0] =	vst.idx.msk $0xffff, v19  }
0x3c4: {  	[tilespmem:v21+s16+$0x0] =	vst.idx.msk $0xffff, v18  }
0x3c5: {  	[tilespmem:v63+s16+$0x0] =	vst.idx.msk $0xffff, v20  }
0x3c6: {  	v18 =	vld [tilespmem:s7+$0xFFFFFFB0]  }
0x3c7: {  	v21 =	vor.u32 v7, v11;
	v16 =	vld [tilespmem:s7+$0xFFFFFFE0]  }
0x3c8: {  	v17 =	vor.u32 v7, v10;
	v20 =	vld [tilespmem:s7+$0xFFFFFF90]  }
0x3c9: {  	s8 =	simm.s32 $0x0;
	v13 =	vor.u32 v7, v13;
	v12 =	vbroadcast v12, $0x0;
	v22 =	vbroadcast v14, $0x0;
	v19 =	vld [tilespmem:s7+$0xFFFFFFD0]  }
0x3ca: {  	v9 =	vshll.u32 v9, v1;
	s9 =	simm.s32 $0x3A0;
	s22 =	simm.s32 $0x7970;
	s21 =	simm.s32 $0x60F0;
	v14 =	vbroadcast v15, $0x0;
	v10 =	vor.u32 v8, v10;
	v11 =	vld [tilespmem:s7+$0xFFFFFFA0]  }
.LBB2_69:
0x3cb: {  	s10 =	sadd.s32 $0xFFFFFE60, s9;
	s23 =	sadd.s32 $0xFFFFFEE0, s9;
	s24 =	sadd.s32 $0xFFFFFF00, s9;
	v15 =	vmov s9;
	v22 =	vor.u32 v8, v22;
	v9 =	vbroadcast v9, $0x0  }
0x3cc: {  	s25 =	sadd.s32 $0xFFFFFFE0, s9;
	v23 =	vmov s10;
	v24 =	vmov s23;
	s10 =	sadd.s32 $0xFFFFFF60, s9;
	s23 =	sadd.s32 $0xFFFFFF80, s9;
	[tilespmem:v21+s16+$0x0] =	vst.idx.msk $0xffff, v18;
	v18 =	vld [tilespmem:s7+$0xFFFFFFF0];
	v14 =	vor.u32 v7, v14  }
0x3cd: {  	s8 =	sadd.s32 $0x8, s8;
	v12 =	vor.u32 v8, v12;
	v21 =	vmov s10;
	v25 =	vmov s23;
	[tilespmem:v17+s16+$0x0] =	vst.idx.msk $0xffff, v20;
	v20 =	vld [tilespmem:s7+$0xFFFFFFC0]  }
0x3ce: {  	p0 =	slt.u32 s8, $0x38;
	v17 =	vshrl.u32 v23, $0x7;
	v23 =	vshrl.u32 v24, $0x7;
	v24 =	vmov s24;
	[tilespmem:v13+s16+$0x0] =	vst.idx.msk $0xffff, v19  }
0x3cf: {  	v15 =	vshrl.u32 v15, $0x7;
	v13 =	vshll.u32 v17, v1;
	v17 =	vshrl.u32 v21, $0x7;
	[tilespmem:v10+s16+$0x0] =	vst.idx.msk $0xffff, v11  }
0x3d0: {  	v10 =	vbroadcast v13, $0x0;
	v11 =	vshll.u32 v23, v1;
	v13 =	vmov s25;
	[tilespmem:v22+s16+$0x0] =	vst.idx.msk $0xffff, v16;
	v23 =	vld [tilespmem:s7+$0x0];
	s7 =	smov.u32 s22  }
0x3d1: {  	v26 =	vor.u32 v8, v9;
	v11 =	vbroadcast v11, $0x0;
	v16 =	vshll.u32 v17, v1;
	[tilespmem:v14+s16+$0x0] =	vst.idx.msk $0xffff, v18  }
.Ltmp38:
0x3d2: {  	v9 =	vshrl.u32 v25, $0x7;
	v17 =	vor.u32 v7, v10;
	v10 =	vor.u32 v8, v10;
	v18 =	vld [tilespmem:s22+$0xFFFFFFB0];
	[tilespmem:v12+s16+$0x0] =	vst.idx.msk $0xffff, v20;
	(pc) =	sbr.rel @p0 .LBB2_69-.Ltmp38, $4  }
0x3d3: {  	v21 =	vor.u32 v7, v11;
	v11 =	vshrl.u32 v24, $0x7;
	v12 =	vbroadcast v16, $0x0;
	v16 =	vld [tilespmem:s22+$0xFFFFFFE0]  }
0x3d4: {  	v9 =	vshll.u32 v9, v1;
	v14 =	vshll.u32 v11, v1;
	v11 =	vshrl.u32 v13, $0x7;
	v20 =	vld [tilespmem:s22+$0xFFFFFF90]  }
0x3d5: {  	s23 =	simm.s32 $0x1A0;
	v22 =	vbroadcast v9, $0x0;
	v13 =	vor.u32 v7, v12;
	v9 =	vshll.u32 v11, v1;
	v19 =	vld [tilespmem:s22+$0xFFFFFFD0]  }
0x3d6: {  	s9 =	sadd.s32 $0x200, s9;
	v12 =	vbroadcast v14, $0x0;
	v14 =	vbroadcast v9, $0x0;
	v9 =	vshll.u32 v15, v1;
	s22 =	sadd.s32 $0x100, s22;
	v11 =	vld [tilespmem:s7+$0xFFFFFFA0];
	[tilespmem:v26+s16+$0x0] =	vst.idx.msk $0xffff, v23  }
0x3d7: {  	_ =	sdelay $0x2  }
0x3d8: {  	v15 =	vor.u32 v8, v22  }
0x3d9: {  	[tilespmem:v21+s16+$0x0] =	vst.idx.msk $0xffff, v18  }
0x3da: {  	v9 =	vbroadcast v9, $0x0;
	v18 =	vld [tilespmem:s7+$0xFFFFFFF0];
	s9 =	simm.s32 $0x180;
	v14 =	vor.u32 v7, v14;
	[tilespmem:v17+s16+$0x0] =	vst.idx.msk $0xffff, v20  }
0x3db: {  	s8 =	simm.s32 $0x0;
	v12 =	vor.u32 v8, v12;
	v21 =	vmov s9;
	v17 =	vld [tilespmem:s7+$0xFFFFFFC0];
	[tilespmem:v13+s16+$0x0] =	vst.idx.msk $0xffff, v19;
	v19 =	vmov s23  }
0x3dc: {  	s22 =	simm.s32 $0x80;
	v9 =	vor.u32 v8, v9;
	v20 =	vmov s8;
	v13 =	vld [tilespmem:s7+$0x0];
	s23 =	simm.s32 $0xA0;
	[tilespmem:v10+s16+$0x0] =	vst.idx.msk $0xffff, v11;
	v10 =	vshrl.u32 v19, $0x7  }
0x3dd: {  	s24 =	simm.s32 $0x100;
	s25 =	simm.s32 $0x120;
	v11 =	vmov s22;
	v19 =	vmov s23;
	[tilespmem:v15+s16+$0x0] =	vst.idx.msk $0xffff, v16;
	v15 =	vshrl.u32 v21, $0x7  }
0x3de: {  	v16 =	vmov s24;
	v21 =	vmov s25;
	v11 =	vshrl.u32 v11, $0x7  }
0x3df: {  	v10 =	vshll.u32 v10, v1;
	[tilespmem:v14+s16+$0x0] =	vst.idx.msk $0xffff, v18;
	v14 =	vshll.u32 v15, v1;
	v15 =	vshrl.u32 v20, $0x7  }
0x3e0: {  	v16 =	vshrl.u32 v16, $0x7;
	v11 =	vshll.u32 v11, v1;
	[tilespmem:v12+s16+$0x0] =	vst.idx.msk $0xffff, v17;
	v12 =	vadd.s32 $0x80, v14  }
0x3e1: {  	v14 =	vshrl.u32 v19, $0x7;
	v18 =	vadd.s32 $0x80, v11;
	[tilespmem:v9+s16+$0x0] =	vst.idx.msk $0xffff, v13;
	v9 =	vbroadcast v12, $0x0  }
0x3e2: {  	v12 =	vshll.u32 v15, v1;
	v13 =	vshrl.u32 v21, $0x7;
	v14 =	vshll.u32 v14, v1;
	v21 =	vld [tilespmem:s21+$0xFFFFFFF0]  }
0x3e3: {  	v15 =	vshll.u32 v16, v1;
	v12 =	vadd.s32 $0x80, v12;
	v17 =	vld [tilespmem:s21+$0xFFFFFFA0];
	v13 =	vshll.u32 v13, v1  }
0x3e4: {  	v16 =	vld [tilespmem:s21+$0xFFFFFFB0];
	v14 =	vadd.s32 $0x80, v14;
	v19 =	vadd.s32 $0x80, v15;
	v22 =	vor.u32 v0, v9  }
0x3e5: {  	v20 =	vld [tilespmem:s21+$0xFFFFFFC0];
	v15 =	vbroadcast v18, $0x0;
	v11 =	vbroadcast v12, $0x0;
	v24 =	vadd.s32 $0x80, v13  }
0x3e6: {  	v18 =	vld [tilespmem:s21+$0xFFFFFFD0];
	v12 =	vadd.s32 $0x80, v10;
	v10 =	vbroadcast v14, $0x0;
	v13 =	vbroadcast v19, $0x0  }
0x3e7: {  	v28 =	vld [tilespmem:s21+$0xFFFFFF90];
	v14 =	vbroadcast v24, $0x0;
	v25 =	vor.u32 v0, v15;
	v29 =	vbroadcast v12, $0x0  }
0x3e8: {  	v19 =	vld [tilespmem:s21+$0xFFFFFFE0];
	v23 =	vor.u32 v0, v11;
	v27 =	vor.u32 v2, v11;
	v26 =	vor.u32 v2, v10  }
0x3e9: {  	s9 =	simm.s32 $0x3A0;
	s8 =	simm.s32 $0x0;
	s7 =	simm.s32 $0x68F0;
	v24 =	vor.u32 v0, v13;
	[tilespmem:v22+s16+$0x0] =	vst.idx.msk $0xffff, v21;
	v21 =	vld [tilespmem:s21+$0x0];
	v22 =	vor.u32 v2, v14  }
.LBB2_71:
0x3ea: {  	s10 =	sadd.s32 $0xFFFFFE60, s9;
	s22 =	sadd.s32 $0xFFFFFFE0, s9;
	v30 =	vmov s9;
	s8 =	sadd.s32 $0x8, s8;
	v29 =	vor.u32 v2, v29  }
0x3eb: {  	s23 =	sadd.s32 $0xFFFFFF00, s9;
	v31 =	vmov s10;
	s10 =	sadd.s32 $0xFFFFFEE0, s9;
	v32 =	vmov s22;
	v30 =	vshrl.u32 v30, $0x7;
	p0 =	slt.u32 s8, $0x38  }
0x3ec: {  	v34 =	vmov s23;
	s22 =	sadd.s32 $0xFFFFFF80, s9;
	v33 =	vmov s10;
	s10 =	sadd.s32 $0xFFFFFF60, s9;
	v32 =	vshrl.u32 v32, $0x7  }
0x3ed: {  	v36 =	vmov s22;
	v35 =	vmov s10;
	v32 =	vshll.u32 v32, v1;
	[tilespmem:v27+s16+$0x0] =	vst.idx.msk $0xffff, v17  }
0x3ee: {  	v17 =	vshrl.u32 v31, $0x7;
	v27 =	vshrl.u32 v33, $0x7;
	v31 =	vadd.s32 $0x80, v32;
	[tilespmem:v23+s16+$0x0] =	vst.idx.msk $0xffff, v28  }
0x3ef: {  	v23 =	vshrl.u32 v34, $0x7;
	v28 =	vshrl.u32 v35, $0x7;
	v31 =	vbroadcast v31, $0x0;
	[tilespmem:v25+s16+$0x0] =	vst.idx.msk $0xffff, v16  }
0x3f0: {  	s21 =	sadd.s32 $0x100, s21;
	v16 =	vshll.u32 v17, v1;
	v25 =	vshll.u32 v27, v1;
	v27 =	vshrl.u32 v36, $0x7;
	[tilespmem:v26+s16+$0x0] =	vst.idx.msk $0xffff, v20  }
0x3f1: {  	v20 =	vshll.u32 v23, v1;
	v23 =	vshll.u32 v28, v1;
	v26 =	vld [tilespmem:s21+$0xFFFFFFF0];
	v28 =	vor.u32 v0, v31  }
0x3f2: {  	v30 =	vshll.u32 v30, v1;
	v27 =	vshll.u32 v27, v1;
	v31 =	vadd.s32 $0x80, v16;
	v17 =	vld [tilespmem:s21+$0xFFFFFFA0];
	[tilespmem:v24+s16+$0x0] =	vst.idx.msk $0xffff, v18  }
0x3f3: {  	v18 =	vadd.s32 $0x80, v25;
	v24 =	vadd.s32 $0x80, v20;
	v25 =	vadd.s32 $0x80, v23;
	v16 =	vld [tilespmem:s21+$0xFFFFFFB0];
	[tilespmem:v22+s16+$0x0] =	vst.idx.msk $0xffff, v19  }
.Ltmp39:
0x3f4: {  	v30 =	vadd.s32 $0x80, v30;
	v27 =	vadd.s32 $0x80, v27;
	v22 =	vbroadcast v31, $0x0;
	v20 =	vld [tilespmem:s21+$0xFFFFFFC0];
	[tilespmem:v29+s16+$0x0] =	vst.idx.msk $0xffff, v21;
	(pc) =	sbr.rel @p0 .LBB2_71-.Ltmp39, $4  }
0x3f5: {  	v24 =	vbroadcast v24, $0x0;
	v21 =	vbroadcast v18, $0x0;
	v18 =	vld [tilespmem:s21+$0xFFFFFFD0]  }
0x3f6: {  	v32 =	vbroadcast v27, $0x0;
	v31 =	vbroadcast v25, $0x0;
	v23 =	vor.u32 v0, v22;
	v19 =	vld [tilespmem:s21+$0xFFFFFFE0];
	[tilespmem:v28+s16+$0x0] =	vst.idx.msk $0xffff, v26  }
0x3f7: {  	v29 =	vbroadcast v30, $0x0;
	v27 =	vor.u32 v2, v22;
	v25 =	vor.u32 v0, v21;
	v21 =	vld [tilespmem:s21+$0x0]  }
0x3f8: {  	s9 =	sadd.s32 $0x200, s9;
	v22 =	vor.u32 v2, v32;
	v26 =	vor.u32 v2, v24;
	v24 =	vor.u32 v0, v31;
	v28 =	vld [tilespmem:s21+$0xFFFFFF90]  }
0x3f9: {  	_ =	sdelay $0x3  }
0x3fa: {  	[tilespmem:v27+s16+$0x0] =	vst.idx.msk $0xffff, v17  }
0x3fb: {  	v17 =	vor.u32 v2, v29;
	[tilespmem:v25+s16+$0x0] =	vst.idx.msk $0xffff, v16  }
0x3fc: {  	[tilespmem:v26+s16+$0x0] =	vst.idx.msk $0xffff, v20  }
0x3fd: {  	[tilespmem:v24+s16+$0x0] =	vst.idx.msk $0xffff, v18  }
0x3fe: {  	[tilespmem:v22+s16+$0x0] =	vst.idx.msk $0xffff, v19  }
0x3ff: {  	[tilespmem:v23+s16+$0x0] =	vst.idx.msk $0xffff, v28  }
0x400: {  	[tilespmem:v17+s16+$0x0] =	vst.idx.msk $0xffff, v21  }
0x401: {  	v21 =	vld [tilespmem:s7+$0xFFFFFFF0]  }
0x402: {  	v22 =	vor.u32 v3, v9;
	v19 =	vld [tilespmem:s7+$0xFFFFFFA0]  }
0x403: {  	v18 =	vld [tilespmem:s7+$0xFFFFFFB0]  }
0x404: {  	v17 =	vld [tilespmem:s7+$0xFFFFFFC0]  }
0x405: {  	v16 =	vld [tilespmem:s7+$0xFFFFFFD0]  }
0x406: {  	v20 =	vor.u32 v3, v11;
	v9 =	vld [tilespmem:s7+$0xFFFFFFE0]  }
0x407: {  	v15 =	vor.u32 v3, v15;
	v24 =	vbroadcast v12, $0x0;
	v23 =	vld [tilespmem:s7+$0xFFFFFF90];
	[tilespmem:v22+s16+$0x0] =	vst.idx.msk $0xffff, v21;
	v22 =	vor.u32 v4, v11  }
0x408: {  	s8 =	simm.s32 $0x0;
	s21 =	simm.s32 $0x70F0;
	s9 =	simm.s32 $0x3A0;
	v12 =	vor.u32 v3, v13;
	v11 =	vld [tilespmem:s7+$0x0];
	v21 =	vor.u32 v4, v10;
	v10 =	vor.u32 v4, v14  }
.LBB2_73:
0x409: {  	s10 =	sadd.s32 $0xFFFFFE60, s9;
	s22 =	sadd.s32 $0xFFFFFFE0, s9;
	v13 =	vmov s9;
	s8 =	sadd.s32 $0x8, s8;
	v14 =	vor.u32 v4, v24  }
0x40a: {  	s23 =	sadd.s32 $0xFFFFFF00, s9;
	v24 =	vmov s10;
	s10 =	sadd.s32 $0xFFFFFEE0, s9;
	v25 =	vmov s22;
	v13 =	vshrl.u32 v13, $0x7;
	p0 =	slt.u32 s8, $0x38  }
0x40b: {  	v27 =	vmov s23;
	s22 =	sadd.s32 $0xFFFFFF80, s9;
	v26 =	vmov s10;
	s10 =	sadd.s32 $0xFFFFFF60, s9;
	v25 =	vshrl.u32 v25, $0x7  }
0x40c: {  	v29 =	vmov s22;
	v28 =	vmov s10;
	v25 =	vshll.u32 v25, v1;
	[tilespmem:v22+s16+$0x0] =	vst.idx.msk $0xffff, v19  }
0x40d: {  	v19 =	vshrl.u32 v24, $0x7;
	v22 =	vshrl.u32 v26, $0x7;
	v24 =	vadd.s32 $0x80, v25;
	[tilespmem:v20+s16+$0x0] =	vst.idx.msk $0xffff, v23  }
0x40e: {  	v20 =	vshrl.u32 v27, $0x7;
	v23 =	vshrl.u32 v28, $0x7;
	v24 =	vbroadcast v24, $0x0;
	[tilespmem:v15+s16+$0x0] =	vst.idx.msk $0xffff, v18  }
0x40f: {  	s7 =	sadd.s32 $0x100, s7;
	v22 =	vshll.u32 v22, v1;
	v15 =	vshll.u32 v19, v1;
	v18 =	vshrl.u32 v29, $0x7;
	[tilespmem:v21+s16+$0x0] =	vst.idx.msk $0xffff, v17  }
0x410: {  	v17 =	vshll.u32 v20, v1;
	v20 =	vshll.u32 v23, v1;
	v21 =	vld [tilespmem:s7+$0xFFFFFFF0];
	v23 =	vor.u32 v3, v24  }
0x411: {  	v13 =	vshll.u32 v13, v1;
	v15 =	vadd.s32 $0x80, v15;
	v24 =	vshll.u32 v18, v1;
	v19 =	vld [tilespmem:s7+$0xFFFFFFA0];
	[tilespmem:v12+s16+$0x0] =	vst.idx.msk $0xffff, v16  }
0x412: {  	v12 =	vadd.s32 $0x80, v22;
	v16 =	vadd.s32 $0x80, v17;
	v22 =	vadd.s32 $0x80, v20;
	v18 =	vld [tilespmem:s7+$0xFFFFFFB0];
	[tilespmem:v10+s16+$0x0] =	vst.idx.msk $0xffff, v9  }
.Ltmp40:
0x413: {  	v13 =	vadd.s32 $0x80, v13;
	v10 =	vbroadcast v15, $0x0;
	v15 =	vadd.s32 $0x80, v24;
	v17 =	vld [tilespmem:s7+$0xFFFFFFC0];
	[tilespmem:v14+s16+$0x0] =	vst.idx.msk $0xffff, v11;
	(pc) =	sbr.rel @p0 .LBB2_73-.Ltmp40, $4  }
0x414: {  	v11 =	vbroadcast v12, $0x0;
	v12 =	vbroadcast v16, $0x0;
	v16 =	vld [tilespmem:s7+$0xFFFFFFD0]  }
0x415: {  	s22 =	simm.s32 $0x1A0;
	v14 =	vbroadcast v22, $0x0;
	v25 =	vbroadcast v15, $0x0;
	v20 =	vor.u32 v3, v10;
	v9 =	vld [tilespmem:s7+$0xFFFFFFE0];
	[tilespmem:v23+s16+$0x0] =	vst.idx.msk $0xffff, v21  }
0x416: {  	v24 =	vbroadcast v13, $0x0;
	v22 =	vor.u32 v4, v10;
	v15 =	vor.u32 v3, v11;
	v11 =	vld [tilespmem:s7+$0x0]  }
0x417: {  	s9 =	sadd.s32 $0x200, s9;
	v21 =	vor.u32 v4, v12;
	v12 =	vor.u32 v3, v14;
	v10 =	vor.u32 v4, v25;
	v23 =	vld [tilespmem:s7+$0xFFFFFF90]  }
0x418: {  	_ =	sdelay $0x3  }
0x419: {  	[tilespmem:v22+s16+$0x0] =	vst.idx.msk $0xffff, v19  }
0x41a: {  	[tilespmem:v15+s16+$0x0] =	vst.idx.msk $0xffff, v18  }
0x41b: {  	v13 =	vor.u32 v4, v24;
	s7 =	simm.s32 $0x0;
	v14 =	vmov s22;
	s23 =	simm.s32 $0x80;
	[tilespmem:v21+s16+$0x0] =	vst.idx.msk $0xffff, v17  }
0x41c: {  	s9 =	simm.s32 $0xA0;
	s25 =	simm.s32 $0x120;
	v19 =	vmov s7;
	v14 =	vshrl.u32 v14, $0x7;
	v15 =	vmov s23;
	[tilespmem:v12+s16+$0x0] =	vst.idx.msk $0xffff, v16  }
0x41d: {  	s8 =	simm.s32 $0x180;
	v18 =	vmov s9;
	v21 =	vmov s25;
	v16 =	vshrl.u32 v19, $0x7;
	[tilespmem:v10+s16+$0x0] =	vst.idx.msk $0xffff, v9  }
0x41e: {  	v15 =	vshrl.u32 v15, $0x7;
	v10 =	vshrl.u32 v18, $0x7;
	[tilespmem:v20+s16+$0x0] =	vst.idx.msk $0xffff, v23;
	v20 =	vmov s8  }
0x41f: {  	s24 =	simm.s32 $0x100;
	v14 =	vshll.u32 v14, v1;
	v10 =	vshll.u32 v10, v1;
	v17 =	vshrl.u32 v20, $0x7  }
0x420: {  	v10 =	vadd.s32 $0x80, v10;
	v20 =	vmov s24;
	v12 =	vshll.u32 v17, v1  }
0x421: {  	[tilespmem:v13+s16+$0x0] =	vst.idx.msk $0xffff, v11;
	v11 =	vshll.u32 v16, v1;
	v13 =	vshll.u32 v15, v1;
	v9 =	vadd.s32 $0x80, v12  }
0x422: {  	v15 =	vshrl.u32 v21, $0x7;
	v10 =	vbroadcast v10, $0x0;
	v21 =	vld [tilespmem:s21+$0xFFFFFFF0];
	v9 =	vbroadcast v9, $0x0  }
0x423: {  	v11 =	vadd.s32 $0x80, v11;
	v17 =	vld [tilespmem:s21+$0xFFFFFFA0];
	v15 =	vshll.u32 v15, v1;
	v13 =	vadd.s32 $0x80, v13  }
0x424: {  	v16 =	vld [tilespmem:s21+$0xFFFFFFB0];
	v12 =	vshrl.u32 v20, $0x7;
	v11 =	vbroadcast v11, $0x0;
	v22 =	vor.u32 v5, v9  }
0x425: {  	v18 =	vld [tilespmem:s21+$0xFFFFFFD0];
	v24 =	vadd.s32 $0x80, v15;
	v15 =	vbroadcast v13, $0x0;
	v12 =	vshll.u32 v12, v1  }
0x426: {  	v28 =	vld [tilespmem:s21+$0xFFFFFF90];
	v26 =	vor.u32 v6, v10;
	v19 =	vadd.s32 $0x80, v12;
	v12 =	vadd.s32 $0x80, v14  }
0x427: {  	v20 =	vld [tilespmem:s21+$0xFFFFFFC0];
	v23 =	vor.u32 v5, v11;
	v14 =	vbroadcast v24, $0x0;
	v13 =	vbroadcast v19, $0x0  }
0x428: {  	v27 =	vor.u32 v6, v11;
	v25 =	vor.u32 v5, v15;
	v19 =	vld [tilespmem:s21+$0xFFFFFFE0];
	v29 =	vbroadcast v12, $0x0  }
0x429: {  	s7 =	simm.s32 $0x78F0;
	s9 =	simm.s32 $0x3A0;
	s8 =	simm.s32 $0x0;
	v24 =	vor.u32 v5, v13;
	[tilespmem:v22+s16+$0x0] =	vst.idx.msk $0xffff, v21;
	v21 =	vld [tilespmem:s21+$0x0];
	v22 =	vor.u32 v6, v14  }
.LBB2_75:
0x42a: {  	s10 =	sadd.s32 $0xFFFFFE60, s9;
	s22 =	sadd.s32 $0xFFFFFFE0, s9;
	v30 =	vmov s9;
	s8 =	sadd.s32 $0x8, s8;
	v29 =	vor.u32 v6, v29  }
0x42b: {  	s23 =	sadd.s32 $0xFFFFFF00, s9;
	v31 =	vmov s10;
	s10 =	sadd.s32 $0xFFFFFEE0, s9;
	v32 =	vmov s22;
	v30 =	vshrl.u32 v30, $0x7;
	p0 =	slt.u32 s8, $0x38  }
0x42c: {  	v34 =	vmov s23;
	s22 =	sadd.s32 $0xFFFFFF80, s9;
	v33 =	vmov s10;
	s10 =	sadd.s32 $0xFFFFFF60, s9;
	v32 =	vshrl.u32 v32, $0x7  }
0x42d: {  	v36 =	vmov s22;
	v35 =	vmov s10;
	v32 =	vshll.u32 v32, v1;
	[tilespmem:v27+s16+$0x0] =	vst.idx.msk $0xffff, v17  }
0x42e: {  	v17 =	vshrl.u32 v31, $0x7;
	v27 =	vshrl.u32 v33, $0x7;
	v31 =	vadd.s32 $0x80, v32;
	[tilespmem:v23+s16+$0x0] =	vst.idx.msk $0xffff, v28  }
0x42f: {  	v23 =	vshrl.u32 v34, $0x7;
	v28 =	vshrl.u32 v35, $0x7;
	v31 =	vbroadcast v31, $0x0;
	[tilespmem:v25+s16+$0x0] =	vst.idx.msk $0xffff, v16  }
0x430: {  	s21 =	sadd.s32 $0x100, s21;
	v16 =	vshll.u32 v17, v1;
	v25 =	vshll.u32 v27, v1;
	v27 =	vshrl.u32 v36, $0x7;
	[tilespmem:v26+s16+$0x0] =	vst.idx.msk $0xffff, v20  }
0x431: {  	v20 =	vshll.u32 v23, v1;
	v23 =	vshll.u32 v28, v1;
	v26 =	vld [tilespmem:s21+$0xFFFFFFF0];
	v28 =	vor.u32 v5, v31  }
0x432: {  	v30 =	vshll.u32 v30, v1;
	v27 =	vshll.u32 v27, v1;
	v31 =	vadd.s32 $0x80, v16;
	v17 =	vld [tilespmem:s21+$0xFFFFFFA0];
	[tilespmem:v24+s16+$0x0] =	vst.idx.msk $0xffff, v18  }
0x433: {  	v18 =	vadd.s32 $0x80, v25;
	v24 =	vadd.s32 $0x80, v20;
	v25 =	vadd.s32 $0x80, v23;
	v16 =	vld [tilespmem:s21+$0xFFFFFFB0];
	[tilespmem:v22+s16+$0x0] =	vst.idx.msk $0xffff, v19  }
.Ltmp41:
0x434: {  	v30 =	vadd.s32 $0x80, v30;
	v27 =	vadd.s32 $0x80, v27;
	v22 =	vbroadcast v31, $0x0;
	v20 =	vld [tilespmem:s21+$0xFFFFFFC0];
	[tilespmem:v29+s16+$0x0] =	vst.idx.msk $0xffff, v21;
	(pc) =	sbr.rel @p0 .LBB2_75-.Ltmp41, $4  }
0x435: {  	v24 =	vbroadcast v24, $0x0;
	v21 =	vbroadcast v18, $0x0;
	v18 =	vld [tilespmem:s21+$0xFFFFFFD0]  }
0x436: {  	v32 =	vbroadcast v27, $0x0;
	v31 =	vbroadcast v25, $0x0;
	v23 =	vor.u32 v5, v22;
	v19 =	vld [tilespmem:s21+$0xFFFFFFE0];
	[tilespmem:v28+s16+$0x0] =	vst.idx.msk $0xffff, v26  }
0x437: {  	v29 =	vbroadcast v30, $0x0;
	v27 =	vor.u32 v6, v22;
	v25 =	vor.u32 v5, v21;
	v21 =	vld [tilespmem:s21+$0x0]  }
0x438: {  	s9 =	sadd.s32 $0x200, s9;
	v22 =	vor.u32 v6, v32;
	v26 =	vor.u32 v6, v24;
	v24 =	vor.u32 v5, v31;
	v28 =	vld [tilespmem:s21+$0xFFFFFF90]  }
0x439: {  	_ =	sdelay $0x3  }
0x43a: {  	[tilespmem:v27+s16+$0x0] =	vst.idx.msk $0xffff, v17  }
0x43b: {  	v17 =	vor.u32 v6, v29;
	[tilespmem:v25+s16+$0x0] =	vst.idx.msk $0xffff, v16  }
0x43c: {  	[tilespmem:v26+s16+$0x0] =	vst.idx.msk $0xffff, v20  }
0x43d: {  	[tilespmem:v24+s16+$0x0] =	vst.idx.msk $0xffff, v18  }
0x43e: {  	[tilespmem:v22+s16+$0x0] =	vst.idx.msk $0xffff, v19  }
0x43f: {  	[tilespmem:v23+s16+$0x0] =	vst.idx.msk $0xffff, v28  }
0x440: {  	[tilespmem:v17+s16+$0x0] =	vst.idx.msk $0xffff, v21  }
0x441: {  	v21 =	vld [tilespmem:s7+$0xFFFFFFF0]  }
0x442: {  	v22 =	vor.u32 v7, v9;
	v19 =	vld [tilespmem:s7+$0xFFFFFFA0]  }
0x443: {  	v17 =	vld [tilespmem:s7+$0xFFFFFFB0]  }
0x444: {  	v18 =	vld [tilespmem:s7+$0xFFFFFFC0]  }
0x445: {  	v16 =	vld [tilespmem:s7+$0xFFFFFFD0]  }
0x446: {  	v20 =	vor.u32 v7, v11;
	v9 =	vld [tilespmem:s7+$0xFFFFFFE0]  }
0x447: {  	v15 =	vor.u32 v7, v15;
	v24 =	vbroadcast v12, $0x0;
	v23 =	vld [tilespmem:s7+$0xFFFFFF90];
	[tilespmem:v22+s16+$0x0] =	vst.idx.msk $0xffff, v21;
	v22 =	vor.u32 v8, v11  }
0x448: {  	s8 =	simm.s32 $0x0;
	s9 =	simm.s32 $0x3A0;
	v12 =	vor.u32 v7, v13;
	v11 =	vld [tilespmem:s7+$0x0];
	v21 =	vor.u32 v8, v10;
	v10 =	vor.u32 v8, v14  }
.LBB2_77:
0x449: {  	s10 =	sadd.s32 $0xFFFFFE60, s9;
	s21 =	sadd.s32 $0xFFFFFFE0, s9;
	v13 =	vmov s9;
	s8 =	sadd.s32 $0x8, s8;
	v14 =	vor.u32 v8, v24  }
0x44a: {  	s22 =	sadd.s32 $0xFFFFFF00, s9;
	v24 =	vmov s10;
	s10 =	sadd.s32 $0xFFFFFEE0, s9;
	v25 =	vmov s21;
	v13 =	vshrl.u32 v13, $0x7;
	p0 =	slt.u32 s8, $0x38  }
0x44b: {  	v27 =	vmov s22;
	s21 =	sadd.s32 $0xFFFFFF80, s9;
	v26 =	vmov s10;
	s10 =	sadd.s32 $0xFFFFFF60, s9;
	v25 =	vshrl.u32 v25, $0x7  }
0x44c: {  	v29 =	vmov s21;
	v28 =	vmov s10;
	v25 =	vshll.u32 v25, v1;
	[tilespmem:v22+s16+$0x0] =	vst.idx.msk $0xffff, v19  }
0x44d: {  	v19 =	vshrl.u32 v24, $0x7;
	v22 =	vshrl.u32 v26, $0x7;
	v24 =	vadd.s32 $0x80, v25;
	[tilespmem:v20+s16+$0x0] =	vst.idx.msk $0xffff, v23  }
0x44e: {  	v20 =	vshrl.u32 v27, $0x7;
	v23 =	vshrl.u32 v28, $0x7;
	v24 =	vbroadcast v24, $0x0;
	[tilespmem:v15+s16+$0x0] =	vst.idx.msk $0xffff, v17  }
0x44f: {  	s7 =	sadd.s32 $0x100, s7;
	v22 =	vshll.u32 v22, v1;
	v15 =	vshll.u32 v19, v1;
	v17 =	vshrl.u32 v29, $0x7;
	[tilespmem:v21+s16+$0x0] =	vst.idx.msk $0xffff, v18  }
0x450: {  	v18 =	vshll.u32 v20, v1;
	v20 =	vshll.u32 v23, v1;
	v21 =	vld [tilespmem:s7+$0xFFFFFFF0];
	v23 =	vor.u32 v7, v24  }
0x451: {  	v13 =	vshll.u32 v13, v1;
	v15 =	vadd.s32 $0x80, v15;
	v24 =	vshll.u32 v17, v1;
	v19 =	vld [tilespmem:s7+$0xFFFFFFA0];
	[tilespmem:v12+s16+$0x0] =	vst.idx.msk $0xffff, v16  }
0x452: {  	v12 =	vadd.s32 $0x80, v22;
	v16 =	vadd.s32 $0x80, v18;
	v22 =	vadd.s32 $0x80, v20;
	v17 =	vld [tilespmem:s7+$0xFFFFFFB0];
	[tilespmem:v10+s16+$0x0] =	vst.idx.msk $0xffff, v9  }
.Ltmp42:
0x453: {  	v13 =	vadd.s32 $0x80, v13;
	v10 =	vbroadcast v15, $0x0;
	v15 =	vadd.s32 $0x80, v24;
	v18 =	vld [tilespmem:s7+$0xFFFFFFC0];
	[tilespmem:v14+s16+$0x0] =	vst.idx.msk $0xffff, v11;
	(pc) =	sbr.rel @p0 .LBB2_77-.Ltmp42, $4  }
0x454: {  	v11 =	vbroadcast v12, $0x0;
	v12 =	vbroadcast v16, $0x0;
	v16 =	vld [tilespmem:s7+$0xFFFFFFD0]  }
0x455: {  	v14 =	vbroadcast v22, $0x0;
	v25 =	vbroadcast v15, $0x0;
	v20 =	vor.u32 v7, v10;
	v9 =	vld [tilespmem:s7+$0xFFFFFFE0];
	[tilespmem:v23+s16+$0x0] =	vst.idx.msk $0xffff, v21  }
0x456: {  	v24 =	vbroadcast v13, $0x0;
	v22 =	vor.u32 v8, v10;
	v15 =	vor.u32 v7, v11;
	v11 =	vld [tilespmem:s7+$0x0]  }
0x457: {  	s9 =	sadd.s32 $0x200, s9;
	v21 =	vor.u32 v8, v12;
	v12 =	vor.u32 v7, v14;
	v10 =	vor.u32 v8, v25;
	v23 =	vld [tilespmem:s7+$0xFFFFFF90]  }
0x458: {  	_ =	sdelay $0x3  }
0x459: {  	[tilespmem:v22+s16+$0x0] =	vst.idx.msk $0xffff, v19  }
0x45a: {  	v13 =	vor.u32 v8, v24;
	[tilespmem:v15+s16+$0x0] =	vst.idx.msk $0xffff, v17  }
0x45b: {  	[tilespmem:v21+s16+$0x0] =	vst.idx.msk $0xffff, v18;
	p0 =	seq.s32 s17, $0x1F  }
.Ltmp43:
0x45c: {  	[tilespmem:v12+s16+$0x0] =	vst.idx.msk $0xffff, v16;
	(pc) =	sbr.rel @p0 .LBB2_80-.Ltmp43, $4  }
0x45d: {  	[tilespmem:v10+s16+$0x0] =	vst.idx.msk $0xffff, v9  }
0x45e: {  	s7 =	sadd.s32 s20, s15;
	[tilespmem:v20+s16+$0x0] =	vst.idx.msk $0xffff, v23  }
0x45f: {  	s7 =	sadd.s32 s19, s7;
	[tilespmem:v13+s16+$0x0] =	vst.idx.msk $0xffff, v11  }
0x460: {  	[hbm4b:s7+s30] =	stream.strided.scatter [tilespmem:s16], [sflag:$0x8], $0x2000, s31, s30, $0x38;
	[tilespmem:$0x10000] =	vst v63  }
0x461: {  	s7 =	rddreg [dreg:$0xa]  }
0x462: {  	s7 =	sadd.s32 s7, s18  }
0x463: {  	s7 =	sshll.u32 s7, $0xA  }
0x464: {  	s8 =	simm.s32 $0x6000;
	s7 =	sadd.s32 s7, s12  }
0x465: {  	[tilespmem:s8], [sflag:$0x4] =	stream.strided.gather [hbm4b:s7+s30], $0x800, s31, s30, $0x38;
	[tilespmem:$0x10000] =	vst v63  }
0x466: {  	s9 =	simm.s32 $0x6800;
	s22 =	sadd.s32 $0x1000, s7  }
0x467: {  	[tilespmem:s9], [sflag:$0x4] =	stream.strided.gather [hbm4b:s22+s30], $0x800, s31, s30, $0x38;
	[tilespmem:$0x10000] =	vst v63  }
.Ltmp44:
0x468: {  	_ = 	snop;
	(pc) =	sbr.rel .LBB2_2-.Ltmp44, $4  }
0x469: {  	s24 =	simm.s32 $0x7000;
	s23 =	sadd.s32 $0x2000, s7  }
0x46a: {  	[tilespmem:s24], [sflag:$0x4] =	stream.strided.gather [hbm4b:s23+s30], $0x800, s31, s30, $0x38;
	[tilespmem:$0x10000] =	vst v63  }
0x46b: {  	s25 =	simm.s32 $0x7800;
	s17 =	sadd.s32 $0x1, s17;
	s7 =	sadd.s32 $0x3000, s7  }
0x46c: {  	[tilespmem:s25], [sflag:$0x4] =	stream.strided.gather [hbm4b:s7+s30], $0x800, s31, s30, $0x38;
	[tilespmem:$0x10000] =	vst v63  }
.LBB2_81:
0x46d: {  	_ =	sfence.sel $0x180000  }
0x46e: {  	[bflag:$0x0] =	sbarrier.arrive $0xFFFF  }
0x46f: {  	_ =	strace $0x90000047  }
0x470: {  	s0 =	stileid.u32;
	[bflag:$0x2] =	sbarrier.arrive $0xFFFF  }
0x471: {  	p0 =	sne.s32 s0, $0x0;
	s0 =	rddreg [dreg:$0x2]  }
0x472: {  	s0 =	sadd.s32 @!p0 $0x100000, s0  }
0x473: {  	[sflag:s0] =	ssyncadd.tile.s32 @!p0 $0x1;
	_ =	shalt  }
.Lfunc_end2:
_tile_overlayer_lowered:
.L_overlay_start_2:
0x474: {  	(tag) =	ssettag $0x2  }
0x475: {  	s0 =	rddreg [dreg:$0x0];
	s2 =	stileid.u32  }
0x476: {  	s1 =	rddreg [dreg:$0x1];
	p0 =	sne.s32 s2, $0x0  }
0x477: {  	s3 =	rddreg [dreg:$0x2];
	[bflag:$0x3] =	sbarrier.arrive $0xFFFF;
	s2 =	simm.s32 @!p0 $0x1C09  }
0x478: {  	[timem:s3], [sflag:s2] =	dma.local @!p0 [hbm:s0], s1  }
0x479: {  	s0 =	simm.s32 @!p0 $0x9  }
0x47a: {  	_ =	swait.ge @!p0 [sflag:s0], s1  }
0x47b: {  	s1 =	ssub.s32 @!p0 $0x0, s1;
	[sflag:s0] =	ssyncset.done @!p0 $0x0  }
0x47c: {  	[sflag:s0] =	ssyncadd.s32 @!p0 s1  }
0x47d: {  	[bflag:$0x3] =	sbarrier.arrive $0xFFFF  }
0x47e: {  	_ =	shalt  }

</sc_bundles>
